<compile_context>
chip_gen: v7x
topology: tpu7x:2x2x1
jax: 0.10.2.dev20260603
libtpu: 0.0.44.dev20260713+nightly
codegen_flags: <defaults>
</compile_context>

<pallas_src>
import functools

import jax
import jax.numpy as jnp
from jax import lax
from jax.experimental import pallas as pl
from jax.experimental.pallas import tpu as pltpu
from jax.experimental.pallas import tpu_sc as plsc

B, L, D = 1, 2048, 768
E, K, H = 8, 2, 1536
N = B * L
TILE = 256
T = 24
R = T * TILE
NW = 32
TOK_W = N // NW
CT = 32


def _gate_kernel(x_ref, scale_ref, bias_ref, gw_ref,
                 xn_ref, p1_ref, p2_ref, g1_ref, g2_ref, te_ref, bal_ref):
    x = x_ref[...]
    mu = jnp.mean(x, axis=1, keepdims=True)
    var = jnp.mean((x - mu) ** 2, axis=1, keepdims=True)
    xn = (x - mu) / jnp.sqrt(var + 1e-5) * scale_ref[...] + bias_ref[...]
    xn_ref[...] = xn
    logits = lax.dot_general(gw_ref[...], xn, (((1,), (1,)), ((), ())),
                             preferred_element_type=jnp.float32)
    iota_e = lax.broadcasted_iota(jnp.int32, (E, N), 0)
    m1 = jnp.max(logits, axis=0, keepdims=True)
    i1 = jnp.min(jnp.where(logits == m1, iota_e, E), axis=0, keepdims=True)
    masked = jnp.where(iota_e == i1, -jnp.inf, logits)
    m2 = jnp.max(masked, axis=0, keepdims=True)
    i2 = jnp.min(jnp.where(masked == m2, iota_e, E), axis=0, keepdims=True)
    e2 = jnp.exp(m2 - m1)
    denom = 1.0 + e2
    g1 = 1.0 / denom
    g2 = e2 / denom
    g1_ref[...] = g1
    g2_ref[...] = g2
    onehot1 = (iota_e == i1).astype(jnp.float32)
    onehot2 = (iota_e == i2).astype(jnp.float32)
    gates = onehot1 * g1 + onehot2 * g2
    load = jnp.mean(gates, axis=1, keepdims=True)
    bal_ref[...] = jnp.mean((load - 1.0 / E) ** 2).reshape(1, 1)

    lt = (lax.broadcasted_iota(jnp.int32, (N, N), 0)
          < lax.broadcasted_iota(jnp.int32, (N, N), 1)).astype(jnp.float32)
    rank1 = lax.dot_general(onehot1, lt, (((1,), (0,)), ((), ())),
                            preferred_element_type=jnp.float32)
    rank2 = lax.dot_general(onehot2, lt, (((1,), (0,)), ((), ())),
                            preferred_element_type=jnp.float32)
    cnt1 = jnp.sum(onehot1, axis=1, keepdims=True)
    cnt2 = jnp.sum(onehot2, axis=1, keepdims=True)
    tiles = jnp.floor((cnt1 + cnt2 + float(TILE - 1)) * (1.0 / TILE))
    lte = (lax.broadcasted_iota(jnp.int32, (E, E), 1)
           < lax.broadcasted_iota(jnp.int32, (E, E), 0)).astype(jnp.float32)
    tile_off = lax.dot_general(lte, tiles, (((1,), (0,)), ((), ())),
                               preferred_element_type=jnp.float32)
    row_off = tile_off * float(TILE)
    pos1 = jnp.sum(onehot1 * (row_off + rank1), axis=0, keepdims=True)
    pos2 = jnp.sum(onehot2 * (row_off + cnt1 + rank2), axis=0, keepdims=True)
    p1_ref[...] = pos1.astype(jnp.int32)
    p2_ref[...] = pos2.astype(jnp.int32)
    tile_end = tile_off + tiles
    iota_t = lax.broadcasted_iota(jnp.int32, (E, T), 1).astype(jnp.float32)
    te = jnp.sum((iota_t >= tile_end).astype(jnp.float32), axis=0,
                 keepdims=True)
    te_ref[...] = jnp.minimum(te, float(E - 1)).astype(jnp.int32)


def _expert_kernel(te_ref, xs_ref, w1_ref, b1_ref, w2_ref, b2_ref, oe_ref):
    xs = xs_ref[...]
    h = lax.dot_general(xs, w1_ref[0], (((1,), (1,)), ((), ())),
                        preferred_element_type=jnp.float32) + b1_ref[0]
    h = 0.5 * h * (1.0 + lax.erf(h * 0.7071067811865476))
    oe_ref[...] = lax.dot_general(h, w2_ref[0], (((1,), (1,)), ((), ())),
                                  preferred_element_type=jnp.float32) + b2_ref[0]


_sc_mesh = plsc.VectorSubcoreMesh(core_axis_name="c", subcore_axis_name="s")


@functools.partial(
    pl.kernel,
    mesh=_sc_mesh,
    out_type=jax.ShapeDtypeStruct((R, D), jnp.float32),
    scratch_types=[
        pltpu.VMEM((TOK_W, D), jnp.float32),
        pltpu.VMEM((TOK_W,), jnp.int32),
        pltpu.VMEM((TOK_W,), jnp.int32),
        pltpu.SemaphoreType.DMA,
        pltpu.SemaphoreType.DMA,
    ],
)
def _dispatch(xn_hbm, p1_hbm, p2_hbm, xs_hbm,
              xrow_v, p1_v, p2_v, sem1, sem2):
    wid = lax.axis_index("s") * 2 + lax.axis_index("c")
    base = wid * TOK_W
    pltpu.sync_copy(p1_hbm.at[pl.ds(base, TOK_W)], p1_v)
    pltpu.sync_copy(p2_hbm.at[pl.ds(base, TOK_W)], p2_v)
    pltpu.sync_copy(xn_hbm.at[pl.ds(base, TOK_W)], xrow_v)
    c1 = pltpu.async_copy(xrow_v, xs_hbm.at[p1_v], sem1)
    c2 = pltpu.async_copy(xrow_v, xs_hbm.at[p2_v], sem2)
    c1.wait()
    c2.wait()


@functools.partial(
    pl.kernel,
    mesh=_sc_mesh,
    out_type=jax.ShapeDtypeStruct((N, D), jnp.float32),
    scratch_types=[
        pltpu.VMEM((CT, D), jnp.float32),
        pltpu.VMEM((CT, D), jnp.float32),
        pltpu.VMEM((CT, D), jnp.float32),
        pltpu.VMEM((CT,), jnp.int32),
        pltpu.VMEM((CT,), jnp.int32),
        pltpu.VMEM((CT, 16), jnp.float32),
        pltpu.VMEM((CT, 16), jnp.float32),
        pltpu.SemaphoreType.DMA,
        pltpu.SemaphoreType.DMA,
    ],
)
def _combine(x_hbm, oe_hbm, p1_hbm, p2_hbm, g1r_hbm, g2r_hbm, out_hbm,
             acc_v, o1_v, o2_v, p1_v, p2_v, g1r_v, g2r_v, sem1, sem2):
    wid = lax.axis_index("s") * 2 + lax.axis_index("c")
    for c in range(TOK_W // CT):
        base = wid * TOK_W + c * CT
        pltpu.sync_copy(p1_hbm.at[pl.ds(base, CT)], p1_v)
        pltpu.sync_copy(p2_hbm.at[pl.ds(base, CT)], p2_v)
        pltpu.sync_copy(x_hbm.at[pl.ds(base, CT)], acc_v)
        pltpu.sync_copy(g1r_hbm.at[pl.ds(base, CT)], g1r_v)
        pltpu.sync_copy(g2r_hbm.at[pl.ds(base, CT)], g2r_v)
        c1 = pltpu.async_copy(oe_hbm.at[p1_v], o1_v, sem1)
        c2 = pltpu.async_copy(oe_hbm.at[p2_v], o2_v, sem2)
        c1.wait()
        c2.wait()

        def body(i, _):
            gv1 = g1r_v[i, pl.ds(0, 16)]
            gv2 = g2r_v[i, pl.ds(0, 16)]
            for k in range(D // 16):
                sl = pl.ds(k * 16, 16)
                acc_v[i, sl] = (acc_v[i, sl] + gv1 * o1_v[i, sl]
                                + gv2 * o2_v[i, sl])
            return 0

        lax.fori_loop(0, CT, body, 0)
        pltpu.sync_copy(acc_v, out_hbm.at[pl.ds(base, CT)])


def kernel(x, norm_scale, norm_bias, gate_w, W1, B1, W2, B2):
    xf = x.reshape(N, D)
    xn, p1, p2, g1, g2, te, bal = pl.pallas_call(
        _gate_kernel,
        out_shape=[
            jax.ShapeDtypeStruct((N, D), jnp.float32),
            jax.ShapeDtypeStruct((1, N), jnp.int32),
            jax.ShapeDtypeStruct((1, N), jnp.int32),
            jax.ShapeDtypeStruct((1, N), jnp.float32),
            jax.ShapeDtypeStruct((1, N), jnp.float32),
            jax.ShapeDtypeStruct((1, T), jnp.int32),
            jax.ShapeDtypeStruct((1, 1), jnp.float32),
        ],
    )(xf, norm_scale.reshape(1, D), norm_bias.reshape(1, D), gate_w)

    p1f = p1.reshape(N)
    p2f = p2.reshape(N)
    xs = _dispatch(xn, p1f, p2f)

    grid_spec = pltpu.PrefetchScalarGridSpec(
        num_scalar_prefetch=1,
        grid=(T,),
        in_specs=[
            pl.BlockSpec((TILE, D), lambda t, te: (t, 0)),
            pl.BlockSpec((1, H, D), lambda t, te: (te[t], 0, 0)),
            pl.BlockSpec((1, 1, H), lambda t, te: (te[t], 0, 0)),
            pl.BlockSpec((1, D, H), lambda t, te: (te[t], 0, 0)),
            pl.BlockSpec((1, 1, D), lambda t, te: (te[t], 0, 0)),
        ],
        out_specs=pl.BlockSpec((TILE, D), lambda t, te: (t, 0)),
    )
    oe = pl.pallas_call(
        _expert_kernel,
        grid_spec=grid_spec,
        out_shape=jax.ShapeDtypeStruct((R, D), jnp.float32),
    )(te.reshape(T), xs, W1, B1.reshape(E, 1, H), W2, B2.reshape(E, 1, D))

    g1r = jnp.broadcast_to(g1.reshape(N, 1), (N, 16))
    g2r = jnp.broadcast_to(g2.reshape(N, 1), (N, 16))
    out = _combine(xf, oe, p1f, p2f, g1r, g2r)
    return out.reshape(B, L, D), bal.reshape(())

# --- scband reference (transcript-rebuilt; emitter-appended) ---
"""Pipeline reference for scband-mixture-of-experts-11836929868214 (READ-ONLY COPY).

The authoritative reference and input builder live on the scoring server;
editing this copy changes nothing except your own understanding.
"""

import jax, jax.numpy as jnp
import numpy as np

B, L, D = 1, 2048, 768
E, K, H = 8, 2, 1536


def setup_inputs(seed: int = 0) -> dict:
    key = jax.random.key(seed)
    ks = jax.random.split(key, 8)
    x = jax.random.normal(ks[0], (B, L, D), dtype=jnp.float32)
    norm_scale = jnp.ones((D,), dtype=jnp.float32)
    norm_bias = jnp.zeros((D,), dtype=jnp.float32)
    gate_w = jax.random.normal(ks[1], (E, D), dtype=jnp.float32) * 0.02
    W1 = jax.random.normal(ks[2], (E, H, D), dtype=jnp.float32) * 0.02
    B1 = jnp.zeros((E, H), dtype=jnp.float32)
    W2 = jax.random.normal(ks[3], (E, D, H), dtype=jnp.float32) * 0.02
    B2 = jnp.zeros((E, D), dtype=jnp.float32)
    return {"x": x, "norm_scale": norm_scale, "norm_bias": norm_bias,
            "gate_w": gate_w, "W1": W1, "B1": B1, "W2": W2, "B2": B2}


def _layernorm(x, scale, bias, eps=1e-5):
    mu = jnp.mean(x, axis=-1, keepdims=True)
    var = jnp.var(x, axis=-1, keepdims=True)
    return (x - mu) / jnp.sqrt(var + eps) * scale + bias


def reference(x, norm_scale, norm_bias, gate_w, W1, B1, W2, B2):
    Bb, Ll, Dd = x.shape
    residual = x
    x_flat = _layernorm(x, norm_scale, norm_bias).reshape(-1, Dd)
    N = x_flat.shape[0]
    # gating (eval mode: no noise)
    logits = x_flat @ gate_w.T  # (N, E)
    top_v, top_i = jax.lax.top_k(logits, K)
    top_g = jax.nn.softmax(top_v, axis=-1)
    gates = jnp.zeros_like(logits).at[jnp.arange(N)[:, None], top_i].set(top_g)
    # experts: dense compute weighted by sparse gates (math-equivalent to masked dispatch)
    output = jnp.zeros_like(x_flat)
    for e in range(E):
        h = jax.nn.gelu(x_flat @ W1[e].T + B1[e], approximate=False)
        oe = h @ W2[e].T + B2[e]
        output = output + gates[:, e:e + 1] * oe
    expert_load = gates.mean(axis=0)
    target = jnp.full_like(expert_load, 1.0 / E)
    bal_loss = jnp.mean((expert_load - target) ** 2)
    out = output.reshape(Bb, Ll, Dd) + residual
    return out, bal_loss

if __name__ == "__main__":
    import jax
    _d = setup_inputs()
    print(jax.jit(kernel)(*tuple(_d.values())))

</pallas_src>

<mosaic_0001>
#map = affine_map<(d0, d1) -> (0, 0)>
#map1 = affine_map<(d0, d1) -> (0)>
module attributes {stable_mosaic.version = 14 : i64} {
  func.func @_combine(%arg0: i32, %arg1: i32, %arg2: memref<2048x768xf32, #tpu.memory_space<hbm>>, %arg3: memref<6144x768xf32, #tpu.memory_space<hbm>>, %arg4: memref<2048xi32, #tpu.memory_space<hbm>>, %arg5: memref<2048xi32, #tpu.memory_space<hbm>>, %arg6: memref<2048x16xf32, #tpu.memory_space<hbm>>, %arg7: memref<2048x16xf32, #tpu.memory_space<hbm>>, %arg8: memref<2048x768xf32, #tpu.memory_space<hbm>>, %arg9: memref<32x768xf32, #tpu.memory_space<vmem>>, %arg10: memref<32x768xf32, #tpu.memory_space<vmem>>, %arg11: memref<32x768xf32, #tpu.memory_space<vmem>>, %arg12: memref<32xi32, #tpu.memory_space<vmem>>, %arg13: memref<32xi32, #tpu.memory_space<vmem>>, %arg14: memref<32x16xf32, #tpu.memory_space<vmem>>, %arg15: memref<32x16xf32, #tpu.memory_space<vmem>>, %arg16: memref<!tpu.dma_semaphore, #tpu.memory_space<semaphore_mem>>, %arg17: memref<!tpu.dma_semaphore, #tpu.memory_space<semaphore_mem>>) attributes {dimension_semantics = [#tpu.dimension_semantics<core_parallel>, #tpu.dimension_semantics<subcore_parallel>], iteration_bounds = array<i64: 2, 16>, scalar_prefetch = 0 : i64, scratch_operands = 9 : i64, tpu.core_type = #tpu.core_type<sc_vector_subcore>, window_params = [{transform_indices = #map}, {transform_indices = #map}, {transform_indices = #map1}, {transform_indices = #map1}, {transform_indices = #map}, {transform_indices = #map}, {transform_indices = #map}]} {
    %mul3A = arith.constant 2 : i32
    %mul3A_0 = arith.muli %arg1, %mul3A : i32
    %add3A = arith.addi %mul3A_0, %arg0 : i32
    %mul3A_1 = arith.constant 64 : i32
    %mul3A_2 = arith.muli %add3A, %mul3A_1 : i32
    %add3A_3 = arith.constant 0 : i32
    %add3A_4 = arith.addi %mul3A_2, %add3A_3 : i32
    "tpu.region"() ({
      %run_scoped3A = tpu.sem_alloc : memref<!tpu.dma_semaphore, #tpu.memory_space<semaphore_mem>>
      %dma_start3A_44 = tpu.memref_slice %arg4[%add3A_4] : memref<2048xi32, #tpu.memory_space<hbm>> -> memref<32xi32, #tpu.memory_space<hbm>>
      %dma_start3A_45 = tpu.memref_slice %arg4[%add3A_4] : memref<2048xi32, #tpu.memory_space<hbm>> -> memref<32xi32, #tpu.memory_space<hbm>>
      tpu.enqueue_dma source(%dma_start3A_45 : memref<32xi32, #tpu.memory_space<hbm>>) target(%arg12 : memref<32xi32, #tpu.memory_space<vmem>>) target_semaphore(%run_scoped3A : memref<!tpu.dma_semaphore, #tpu.memory_space<semaphore_mem>>)
      %dma_wait3A_46 = tpu.memref_slice %arg4[%add3A_4] : memref<2048xi32, #tpu.memory_space<hbm>> -> memref<32xi32, #tpu.memory_space<hbm>>
      %dma_wait3A_47 = tpu.memref_slice %arg4[%add3A_4] : memref<2048xi32, #tpu.memory_space<hbm>> -> memref<32xi32, #tpu.memory_space<hbm>>
      tpu.wait_dma2 semaphore(%run_scoped3A : memref<!tpu.dma_semaphore, #tpu.memory_space<semaphore_mem>>) src(%dma_wait3A_47 : memref<32xi32, #tpu.memory_space<hbm>>) dst(%arg12 : memref<32xi32, #tpu.memory_space<vmem>>)
      tpu.yield
    }) : () -> ()
    "tpu.region"() ({
      %run_scoped3A = tpu.sem_alloc : memref<!tpu.dma_semaphore, #tpu.memory_space<semaphore_mem>>
      %dma_start3A_44 = tpu.memref_slice %arg5[%add3A_4] : memref<2048xi32, #tpu.memory_space<hbm>> -> memref<32xi32, #tpu.memory_space<hbm>>
      %dma_start3A_45 = tpu.memref_slice %arg5[%add3A_4] : memref<2048xi32, #tpu.memory_space<hbm>> -> memref<32xi32, #tpu.memory_space<hbm>>
      tpu.enqueue_dma source(%dma_start3A_45 : memref<32xi32, #tpu.memory_space<hbm>>) target(%arg13 : memref<32xi32, #tpu.memory_space<vmem>>) target_semaphore(%run_scoped3A : memref<!tpu.dma_semaphore, #tpu.memory_space<semaphore_mem>>)
      %dma_wait3A_46 = tpu.memref_slice %arg5[%add3A_4] : memref<2048xi32, #tpu.memory_space<hbm>> -> memref<32xi32, #tpu.memory_space<hbm>>
      %dma_wait3A_47 = tpu.memref_slice %arg5[%add3A_4] : memref<2048xi32, #tpu.memory_space<hbm>> -> memref<32xi32, #tpu.memory_space<hbm>>
      tpu.wait_dma2 semaphore(%run_scoped3A : memref<!tpu.dma_semaphore, #tpu.memory_space<semaphore_mem>>) src(%dma_wait3A_47 : memref<32xi32, #tpu.memory_space<hbm>>) dst(%arg13 : memref<32xi32, #tpu.memory_space<vmem>>)
      tpu.yield
    }) : () -> ()
    "tpu.region"() ({
      %run_scoped3A = tpu.sem_alloc : memref<!tpu.dma_semaphore, #tpu.memory_space<semaphore_mem>>
      %dma_start3A_44 = arith.constant 0 : i32
      %dma_start3A_45 = tpu.memref_slice %arg2[%add3A_4, %dma_start3A_44] : memref<2048x768xf32, #tpu.memory_space<hbm>> -> memref<32x768xf32, #tpu.memory_space<hbm>>
      %dma_start3A_46 = arith.constant 0 : i32
      %dma_start3A_47 = tpu.memref_slice %arg2[%add3A_4, %dma_start3A_46] : memref<2048x768xf32, #tpu.memory_space<hbm>> -> memref<32x768xf32, #tpu.memory_space<hbm>>
      tpu.enqueue_dma source(%dma_start3A_47 : memref<32x768xf32, #tpu.memory_space<hbm>>) target(%arg9 : memref<32x768xf32, #tpu.memory_space<vmem>>) target_semaphore(%run_scoped3A : memref<!tpu.dma_semaphore, #tpu.memory_space<semaphore_mem>>)
      %dma_wait3A_48 = arith.constant 0 : i32
      %dma_wait3A_49 = tpu.memref_slice %arg2[%add3A_4, %dma_wait3A_48] : memref<2048x768xf32, #tpu.memory_space<hbm>> -> memref<32x768xf32, #tpu.memory_space<hbm>>
      %dma_wait3A_50 = arith.constant 0 : i32
      %dma_wait3A_51 = tpu.memref_slice %arg2[%add3A_4, %dma_wait3A_50] : memref<2048x768xf32, #tpu.memory_space<hbm>> -> memref<32x768xf32, #tpu.memory_space<hbm>>
      tpu.wait_dma2 semaphore(%run_scoped3A : memref<!tpu.dma_semaphore, #tpu.memory_space<semaphore_mem>>) src(%dma_wait3A_51 : memref<32x768xf32, #tpu.memory_space<hbm>>) dst(%arg9 : memref<32x768xf32, #tpu.memory_space<vmem>>)
      tpu.yield
    }) : () -> ()
    "tpu.region"() ({
      %run_scoped3A = tpu.sem_alloc : memref<!tpu.dma_semaphore, #tpu.memory_space<semaphore_mem>>
      %dma_start3A_44 = arith.constant 0 : i32
      %dma_start3A_45 = tpu.memref_slice %arg6[%add3A_4, %dma_start3A_44] : memref<2048x16xf32, #tpu.memory_space<hbm>> -> memref<32x16xf32, #tpu.memory_space<hbm>>
      %dma_start3A_46 = arith.constant 0 : i32
      %dma_start3A_47 = tpu.memref_slice %arg6[%add3A_4, %dma_start3A_46] : memref<2048x16xf32, #tpu.memory_space<hbm>> -> memref<32x16xf32, #tpu.memory_space<hbm>>
      tpu.enqueue_dma source(%dma_start3A_47 : memref<32x16xf32, #tpu.memory_space<hbm>>) target(%arg14 : memref<32x16xf32, #tpu.memory_space<vmem>>) target_semaphore(%run_scoped3A : memref<!tpu.dma_semaphore, #tpu.memory_space<semaphore_mem>>)
      %dma_wait3A_48 = arith.constant 0 : i32
      %dma_wait3A_49 = tpu.memref_slice %arg6[%add3A_4, %dma_wait3A_48] : memref<2048x16xf32, #tpu.memory_space<hbm>> -> memref<32x16xf32, #tpu.memory_space<hbm>>
      %dma_wait3A_50 = arith.constant 0 : i32
      %dma_wait3A_51 = tpu.memref_slice %arg6[%add3A_4, %dma_wait3A_50] : memref<2048x16xf32, #tpu.memory_space<hbm>> -> memref<32x16xf32, #tpu.memory_space<hbm>>
      tpu.wait_dma2 semaphore(%run_scoped3A : memref<!tpu.dma_semaphore, #tpu.memory_space<semaphore_mem>>) src(%dma_wait3A_51 : memref<32x16xf32, #tpu.memory_space<hbm>>) dst(%arg14 : memref<32x16xf32, #tpu.memory_space<vmem>>)
      tpu.yield
    }) : () -> ()
    "tpu.region"() ({
      %run_scoped3A = tpu.sem_alloc : memref<!tpu.dma_semaphore, #tpu.memory_space<semaphore_mem>>
      %dma_start3A_44 = arith.constant 0 : i32
      %dma_start3A_45 = tpu.memref_slice %arg7[%add3A_4, %dma_start3A_44] : memref<2048x16xf32, #tpu.memory_space<hbm>> -> memref<32x16xf32, #tpu.memory_space<hbm>>
      %dma_start3A_46 = arith.constant 0 : i32
      %dma_start3A_47 = tpu.memref_slice %arg7[%add3A_4, %dma_start3A_46] : memref<2048x16xf32, #tpu.memory_space<hbm>> -> memref<32x16xf32, #tpu.memory_space<hbm>>
      tpu.enqueue_dma source(%dma_start3A_47 : memref<32x16xf32, #tpu.memory_space<hbm>>) target(%arg15 : memref<32x16xf32, #tpu.memory_space<vmem>>) target_semaphore(%run_scoped3A : memref<!tpu.dma_semaphore, #tpu.memory_space<semaphore_mem>>)
      %dma_wait3A_48 = arith.constant 0 : i32
      %dma_wait3A_49 = tpu.memref_slice %arg7[%add3A_4, %dma_wait3A_48] : memref<2048x16xf32, #tpu.memory_space<hbm>> -> memref<32x16xf32, #tpu.memory_space<hbm>>
      %dma_wait3A_50 = arith.constant 0 : i32
      %dma_wait3A_51 = tpu.memref_slice %arg7[%add3A_4, %dma_wait3A_50] : memref<2048x16xf32, #tpu.memory_space<hbm>> -> memref<32x16xf32, #tpu.memory_space<hbm>>
      tpu.wait_dma2 semaphore(%run_scoped3A : memref<!tpu.dma_semaphore, #tpu.memory_space<semaphore_mem>>) src(%dma_wait3A_51 : memref<32x16xf32, #tpu.memory_space<hbm>>) dst(%arg15 : memref<32x16xf32, #tpu.memory_space<vmem>>)
      tpu.yield
    }) : () -> ()
    %dma_start3A = arith.constant 0 : i32
    %dma_start3A_5 = arith.constant 0 : i32
    %dma_start3A_6 = tpu.memref_slice %arg3[%dma_start3A, %dma_start3A_5] : memref<6144x768xf32, #tpu.memory_space<hbm>> -> memref<6144x768xf32, #tpu.memory_space<hbm>>
    tpu.enqueue_indirect_dma source(%dma_start3A_6 : memref<6144x768xf32, #tpu.memory_space<hbm>>) target(%arg10 : memref<32x768xf32, #tpu.memory_space<vmem>>) offsets(%arg12 : memref<32xi32, #tpu.memory_space<vmem>>) semaphore(%arg16 : memref<!tpu.dma_semaphore, #tpu.memory_space<semaphore_mem>>)
    %dma_start3A_7 = arith.constant 0 : i32
    %dma_start3A_8 = arith.constant 0 : i32
    %dma_start3A_9 = tpu.memref_slice %arg3[%dma_start3A_7, %dma_start3A_8] : memref<6144x768xf32, #tpu.memory_space<hbm>> -> memref<6144x768xf32, #tpu.memory_space<hbm>>
    tpu.enqueue_indirect_dma source(%dma_start3A_9 : memref<6144x768xf32, #tpu.memory_space<hbm>>) target(%arg11 : memref<32x768xf32, #tpu.memory_space<vmem>>) offsets(%arg13 : memref<32xi32, #tpu.memory_space<vmem>>) semaphore(%arg17 : memref<!tpu.dma_semaphore, #tpu.memory_space<semaphore_mem>>)
    %dma_wait3A = arith.constant 0 : i32
    %dma_wait3A_10 = arith.constant 0 : i32
    %dma_wait3A_11 = tpu.memref_slice %arg3[%dma_wait3A, %dma_wait3A_10] : memref<6144x768xf32, #tpu.memory_space<hbm>> -> memref<6144x768xf32, #tpu.memory_space<hbm>>
    tpu.wait_indirect_dma semaphore(%arg16 : memref<!tpu.dma_semaphore, #tpu.memory_space<semaphore_mem>>) src(%dma_wait3A_11 : memref<6144x768xf32, #tpu.memory_space<hbm>>) dst(%arg10 : memref<32x768xf32, #tpu.memory_space<vmem>>)
    %dma_wait3A_12 = arith.constant 0 : i32
    %dma_wait3A_13 = arith.constant 0 : i32
    %dma_wait3A_14 = tpu.memref_slice %arg3[%dma_wait3A_12, %dma_wait3A_13] : memref<6144x768xf32, #tpu.memory_space<hbm>> -> memref<6144x768xf32, #tpu.memory_space<hbm>>
    tpu.wait_indirect_dma semaphore(%arg17 : memref<!tpu.dma_semaphore, #tpu.memory_space<semaphore_mem>>) src(%dma_wait3A_14 : memref<6144x768xf32, #tpu.memory_space<hbm>>) dst(%arg11 : memref<32x768xf32, #tpu.memory_space<vmem>>)
    %scan3A = arith.constant 0 : i32
    %scan3A_15 = arith.constant 0 : i32
    %scan3A_16 = arith.constant 32 : i32
    %scan3A_17 = arith.addi %scan3A_15, %scan3A_16 : i32
    %scan3A_18 = arith.constant 1 : i32
    %scan3A_19 = scf.for %scan3A_44 = %scan3A_15 to %scan3A_17 step %scan3A_18 iter_args(%scan3A_45 = %scan3A) -> (i32)  : i32 {
      %get3A = arith.index_cast %scan3A_44 : i32 to index
      %get3A_46 = arith.constant 0 : index
      %get3A_47 = tpu.vector_load %arg14[%get3A, %get3A_46] {strides = array<i32>} : memref<32x16xf32, #tpu.memory_space<vmem>>, vector<1x16xf32>,
      %get3A_48 = vector.shape_cast %get3A_47 : vector<1x16xf32> to vector<16xf32>
      %get3A_49 = arith.index_cast %scan3A_44 : i32 to index
      %get3A_50 = arith.constant 0 : index
      %get3A_51 = tpu.vector_load %arg15[%get3A_49, %get3A_50] {strides = array<i32>} : memref<32x16xf32, #tpu.memory_space<vmem>>, vector<1x16xf32>,
      %get3A_52 = vector.shape_cast %get3A_51 : vector<1x16xf32> to vector<16xf32>
      %get3A_53 = arith.index_cast %scan3A_44 : i32 to index
      %get3A_54 = arith.constant 0 : index
      %get3A_55 = tpu.vector_load %arg9[%get3A_53, %get3A_54] {strides = array<i32>} : memref<32x768xf32, #tpu.memory_space<vmem>>, vector<1x16xf32>,
      %get3A_56 = vector.shape_cast %get3A_55 : vector<1x16xf32> to vector<16xf32>
      %get3A_57 = arith.index_cast %scan3A_44 : i32 to index
      %get3A_58 = arith.constant 0 : index
      %get3A_59 = tpu.vector_load %arg10[%get3A_57, %get3A_58] {strides = array<i32>} : memref<32x768xf32, #tpu.memory_space<vmem>>, vector<1x16xf32>,
      %get3A_60 = vector.shape_cast %get3A_59 : vector<1x16xf32> to vector<16xf32>
      %mul3A_61 = arith.mulf %get3A_48, %get3A_60 : vector<16xf32>
      %add3A_62 = arith.addf %get3A_56, %mul3A_61 : vector<16xf32>
      %get3A_63 = arith.index_cast %scan3A_44 : i32 to index
      %get3A_64 = arith.constant 0 : index
      %get3A_65 = tpu.vector_load %arg11[%get3A_63, %get3A_64] {strides = array<i32>} : memref<32x768xf32, #tpu.memory_space<vmem>>, vector<1x16xf32>,
      %get3A_66 = vector.shape_cast %get3A_65 : vector<1x16xf32> to vector<16xf32>
      %mul3A_67 = arith.mulf %get3A_52, %get3A_66 : vector<16xf32>
      %add3A_68 = arith.addf %add3A_62, %mul3A_67 : vector<16xf32>
      %swap3A = arith.index_cast %scan3A_44 : i32 to index
      %swap3A_69 = arith.constant 0 : index
      %swap3A_70 = tpu.vector_load %arg9[%swap3A, %swap3A_69] {strides = array<i32>} : memref<32x768xf32, #tpu.memory_space<vmem>>, vector<1x16xf32>,
      %swap3A_71 = vector.shape_cast %swap3A_70 : vector<1x16xf32> to vector<16xf32>
      %swap3A_72 = vector.shape_cast %add3A_68 : vector<16xf32> to vector<1x16xf32>
      tpu.vector_store %arg9[%swap3A, %swap3A_69], %swap3A_72 {strides = array<i32>} : memref<32x768xf32, #tpu.memory_space<vmem>>, vector<1x16xf32>,
      %get3A_73 = arith.index_cast %scan3A_44 : i32 to index
      %get3A_74 = arith.constant 16 : index
      %get3A_75 = tpu.vector_load %arg9[%get3A_73, %get3A_74] {strides = array<i32>} : memref<32x768xf32, #tpu.memory_space<vmem>>, vector<1x16xf32>,
      %get3A_76 = vector.shape_cast %get3A_75 : vector<1x16xf32> to vector<16xf32>
      %get3A_77 = arith.index_cast %scan3A_44 : i32 to index
      %get3A_78 = arith.constant 16 : index
      %get3A_79 = tpu.vector_load %arg10[%get3A_77, %get3A_78] {strides = array<i32>} : memref<32x768xf32, #tpu.memory_space<vmem>>, vector<1x16xf32>,
      %get3A_80 = vector.shape_cast %get3A_79 : vector<1x16xf32> to vector<16xf32>
      %mul3A_81 = arith.mulf %get3A_48, %get3A_80 : vector<16xf32>
      %add3A_82 = arith.addf %get3A_76, %mul3A_81 : vector<16xf32>
      %get3A_83 = arith.index_cast %scan3A_44 : i32 to index
      %get3A_84 = arith.constant 16 : index
      %get3A_85 = tpu.vector_load %arg11[%get3A_83, %get3A_84] {strides = array<i32>} : memref<32x768xf32, #tpu.memory_space<vmem>>, vector<1x16xf32>,
      %get3A_86 = vector.shape_cast %get3A_85 : vector<1x16xf32> to vector<16xf32>
      %mul3A_87 = arith.mulf %get3A_52, %get3A_86 : vector<16xf32>
      %add3A_88 = arith.addf %add3A_82, %mul3A_87 : vector<16xf32>
      %swap3A_89 = arith.index_cast %scan3A_44 : i32 to index
      %swap3A_90 = arith.constant 16 : index
      %swap3A_91 = tpu.vector_load %arg9[%swap3A_89, %swap3A_90] {strides = array<i32>} : memref<32x768xf32, #tpu.memory_space<vmem>>, vector<1x16xf32>,
      %swap3A_92 = vector.shape_cast %swap3A_91 : vector<1x16xf32> to vector<16xf32>
      %swap3A_93 = vector.shape_cast %add3A_88 : vector<16xf32> to vector<1x16xf32>
      tpu.vector_store %arg9[%swap3A_89, %swap3A_90], %swap3A_93 {strides = array<i32>} : memref<32x768xf32, #tpu.memory_space<vmem>>, vector<1x16xf32>,
      %get3A_94 = arith.index_cast %scan3A_44 : i32 to index
      %get3A_95 = arith.constant 32 : index
      %get3A_96 = tpu.vector_load %arg9[%get3A_94, %get3A_95] {strides = array<i32>} : memref<32x768xf32, #tpu.memory_space<vmem>>, vector<1x16xf32>,
      %get3A_97 = vector.shape_cast %get3A_96 : vector<1x16xf32> to vector<16xf32>
      %get3A_98 = arith.index_cast %scan3A_44 : i32 to index
      %get3A_99 = arith.constant 32 : index
      %get3A_100 = tpu.vector_load %arg10[%get3A_98, %get3A_99] {strides = array<i32>} : memref<32x768xf32, #tpu.memory_space<vmem>>, vector<1x16xf32>,
      %get3A_101 = vector.shape_cast %get3A_100 : vector<1x16xf32> to vector<16xf32>
      %mul3A_102 = arith.mulf %get3A_48, %get3A_101 : vector<16xf32>
      %add3A_103 = arith.addf %get3A_97, %mul3A_102 : vector<16xf32>
      %get3A_104 = arith.index_cast %scan3A_44 : i32 to index
      %get3A_105 = arith.constant 32 : index
      %get3A_106 = tpu.vector_load %arg11[%get3A_104, %get3A_105] {strides = array<i32>} : memref<32x768xf32, #tpu.memory_space<vmem>>, vector<1x16xf32>,
      %get3A_107 = vector.shape_cast %get3A_106 : vector<1x16xf32> to vector<16xf32>
      %mul3A_108 = arith.mulf %get3A_52, %get3A_107 : vector<16xf32>
      %add3A_109 = arith.addf %add3A_103, %mul3A_108 : vector<16xf32>
      %swap3A_110 = arith.index_cast %scan3A_44 : i32 to index
      %swap3A_111 = arith.constant 32 : index
      %swap3A_112 = tpu.vector_load %arg9[%swap3A_110, %swap3A_111] {strides = array<i32>} : memref<32x768xf32, #tpu.memory_space<vmem>>, vector<1x16xf32>,
      %swap3A_113 = vector.shape_cast %swap3A_112 : vector<1x16xf32> to vector<16xf32>
      %swap3A_114 = vector.shape_cast %add3A_109 : vector<16xf32> to vector<1x16xf32>
      tpu.vector_store %arg9[%swap3A_110, %swap3A_111], %swap3A_114 {strides = array<i32>} : memref<32x768xf32, #tpu.memory_space<vmem>>, vector<1x16xf32>,
      %get3A_115 = arith.index_cast %scan3A_44 : i32 to index
      %get3A_116 = arith.constant 48 : index
      %get3A_117 = tpu.vector_load %arg9[%get3A_115, %get3A_116] {strides = array<i32>} : memref<32x768xf32, #tpu.memory_space<vmem>>, vector<1x16xf32>,
      %get3A_118 = vector.shape_cast %get3A_117 : vector<1x16xf32> to vector<16xf32>
      %get3A_119 = arith.index_cast %scan3A_44 : i32 to index
      %get3A_120 = arith.constant 48 : index
      %get3A_121 = tpu.vector_load %arg10[%get3A_119, %get3A_120] {strides = array<i32>} : memref<32x768xf32, #tpu.memory_space<vmem>>, vector<1x16xf32>,
      %get3A_122 = vector.shape_cast %get3A_121 : vector<1x16xf32> to vector<16xf32>
      %mul3A_123 = arith.mulf %get3A_48, %get3A_122 : vector<16xf32>
      %add3A_124 = arith.addf %get3A_118, %mul3A_123 : vector<16xf32>
      %get3A_125 = arith.index_cast %scan3A_44 : i32 to index
      %get3A_126 = arith.constant 48 : index
      %get3A_127 = tpu.vector_load %arg11[%get3A_125, %get3A_126] {strides = array<i32>} : memref<32x768xf32, #tpu.memory_space<vmem>>, vector<1x16xf32>,
      %get3A_128 = vector.shape_cast %get3A_127 : vector<1x16xf32> to vector<16xf32>
      %mul3A_129 = arith.mulf %get3A_52, %get3A_128 : vector<16xf32>
      %add3A_130 = arith.addf %add3A_124, %mul3A_129 : vector<16xf32>
      %swap3A_131 = arith.index_cast %scan3A_44 : i32 to index
      %swap3A_132 = arith.constant 48 : index
      %swap3A_133 = tpu.vector_load %arg9[%swap3A_131, %swap3A_132] {strides = array<i32>} : memref<32x768xf32, #tpu.memory_space<vmem>>, vector<1x16xf32>,
      %swap3A_134 = vector.shape_cast %swap3A_133 : vector<1x16xf32> to vector<16xf32>
      %swap3A_135 = vector.shape_cast %add3A_130 : vector<16xf32> to vector<1x16xf32>
      tpu.vector_store %arg9[%swap3A_131, %swap3A_132], %swap3A_135 {strides = array<i32>} : memref<32x768xf32, #tpu.memory_space<vmem>>, vector<1x16xf32>,
      %get3A_136 = arith.index_cast %scan3A_44 : i32 to index
      %get3A_137 = arith.constant 64 : index
      %get3A_138 = tpu.vector_load %arg9[%get3A_136, %get3A_137] {strides = array<i32>} : memref<32x768xf32, #tpu.memory_space<vmem>>, vector<1x16xf32>,
      %get3A_139 = vector.shape_cast %get3A_138 : vector<1x16xf32> to vector<16xf32>
      %get3A_140 = arith.index_cast %scan3A_44 : i32 to index
      %get3A_141 = arith.constant 64 : index
      %get3A_142 = tpu.vector_load %arg10[%get3A_140, %get3A_141] {strides = array<i32>} : memref<32x768xf32, #tpu.memory_space<vmem>>, vector<1x16xf32>,
      %get3A_143 = vector.shape_cast %get3A_142 : vector<1x16xf32> to vector<16xf32>
      %mul3A_144 = arith.mulf %get3A_48, %get3A_143 : vector<16xf32>
      %add3A_145 = arith.addf %get3A_139, %mul3A_144 : vector<16xf32>
      %get3A_146 = arith.index_cast %scan3A_44 : i32 to index
      %get3A_147 = arith.constant 64 : index
      %get3A_148 = tpu.vector_load %arg11[%get3A_146, %get3A_147] {strides = array<i32>} : memref<32x768xf32, #tpu.memory_space<vmem>>, vector<1x16xf32>,
      %get3A_149 = vector.shape_cast %get3A_148 : vector<1x16xf32> to vector<16xf32>
      %mul3A_150 = arith.mulf %get3A_52, %get3A_149 : vector<16xf32>
      %add3A_151 = arith.addf %add3A_145, %mul3A_150 : vector<16xf32>
      %swap3A_152 = arith.index_cast %scan3A_44 : i32 to index
      %swap3A_153 = arith.constant 64 : index
      %swap3A_154 = tpu.vector_load %arg9[%swap3A_152, %swap3A_153] {strides = array<i32>} : memref<32x768xf32, #tpu.memory_space<vmem>>, vector<1x16xf32>,
      %swap3A_155 = vector.shape_cast %swap3A_154 : vector<1x16xf32> to vector<16xf32>
      %swap3A_156 = vector.shape_cast %add3A_151 : vector<16xf32> to vector<1x16xf32>
      tpu.vector_store %arg9[%swap3A_152, %swap3A_153], %swap3A_156 {strides = array<i32>} : memref<32x768xf32, #tpu.memory_space<vmem>>, vector<1x16xf32>,
      %get3A_157 = arith.index_cast %scan3A_44 : i32 to index
      %get3A_158 = arith.constant 80 : index
      %get3A_159 = tpu.vector_load %arg9[%get3A_157, %get3A_158] {strides = array<i32>} : memref<32x768xf32, #tpu.memory_space<vmem>>, vector<1x16xf32>,
      %get3A_160 = vector.shape_cast %get3A_159 : vector<1x16xf32> to vector<16xf32>
      %get3A_161 = arith.index_cast %scan3A_44 : i32 to index
      %get3A_162 = arith.constant 80 : index
      %get3A_163 = tpu.vector_load %arg10[%get3A_161, %get3A_162] {strides = array<i32>} : memref<32x768xf32, #tpu.memory_space<vmem>>, vector<1x16xf32>,
      %get3A_164 = vector.shape_cast %get3A_163 : vector<1x16xf32> to vector<16xf32>
      %mul3A_165 = arith.mulf %get3A_48, %get3A_164 : vector<16xf32>
      %add3A_166 = arith.addf %get3A_160, %mul3A_165 : vector<16xf32>
      %get3A_167 = arith.index_cast %scan3A_44 : i32 to index
      %get3A_168 = arith.constant 80 : index
      %get3A_169 = tpu.vector_load %arg11[%get3A_167, %get3A_168] {strides = array<i32>} : memref<32x768xf32, #tpu.memory_space<vmem>>, vector<1x16xf32>,
      %get3A_170 = vector.shape_cast %get3A_169 : vector<1x16xf32> to vector<16xf32>
      %mul3A_171 = arith.mulf %get3A_52, %get3A_170 : vector<16xf32>
      %add3A_172 = arith.addf %add3A_166, %mul3A_171 : vector<16xf32>
      %swap3A_173 = arith.index_cast %scan3A_44 : i32 to index
      %swap3A_174 = arith.constant 80 : index
      %swap3A_175 = tpu.vector_load %arg9[%swap3A_173, %swap3A_174] {strides = array<i32>} : memref<32x768xf32, #tpu.memory_space<vmem>>, vector<1x16xf32>,
      %swap3A_176 = vector.shape_cast %swap3A_175 : vector<1x16xf32> to vector<16xf32>
      %swap3A_177 = vector.shape_cast %add3A_172 : vector<16xf32> to vector<1x16xf32>
      tpu.vector_store %arg9[%swap3A_173, %swap3A_174], %swap3A_177 {strides = array<i32>} : memref<32x768xf32, #tpu.memory_space<vmem>>, vector<1x16xf32>,
      %get3A_178 = arith.index_cast %scan3A_44 : i32 to index
      %get3A_179 = arith.constant 96 : index
      %get3A_180 = tpu.vector_load %arg9[%get3A_178, %get3A_179] {strides = array<i32>} : memref<32x768xf32, #tpu.memory_space<vmem>>, vector<1x16xf32>,
      %get3A_181 = vector.shape_cast %get3A_180 : vector<1x16xf32> to vector<16xf32>
      %get3A_182 = arith.index_cast %scan3A_44 : i32 to index
      %get3A_183 = arith.constant 96 : index
      %get3A_184 = tpu.vector_load %arg10[%get3A_182, %get3A_183] {strides = array<i32>} : memref<32x768xf32, #tpu.memory_space<vmem>>, vector<1x16xf32>,
      %get3A_185 = vector.shape_cast %get3A_184 : vector<1x16xf32> to vector<16xf32>
      %mul3A_186 = arith.mulf %get3A_48, %get3A_185 : vector<16xf32>
      %add3A_187 = arith.addf %get3A_181, %mul3A_186 : vector<16xf32>
      %get3A_188 = arith.index_cast %scan3A_44 : i32 to index
      %get3A_189 = arith.constant 96 : index
      %get3A_190 = tpu.vector_load %arg11[%get3A_188, %get3A_189] {strides = array<i32>} : memref<32x768xf32, #tpu.memory_space<vmem>>, vector<1x16xf32>,
      %get3A_191 = vector.shape_cast %get3A_190 : vector<1x16xf32> to vector<16xf32>
      %mul3A_192 = arith.mulf %get3A_52, %get3A_191 : vector<16xf32>
      %add3A_193 = arith.addf %add3A_187, %mul3A_192 : vector<16xf32>
      %swap3A_194 = arith.index_cast %scan3A_44 : i32 to index
      %swap3A_195 = arith.constant 96 : index
      %swap3A_196 = tpu.vector_load %arg9[%swap3A_194, %swap3A_195] {strides = array<i32>} : memref<32x768xf32, #tpu.memory_space<vmem>>, vector<1x16xf32>,
      %swap3A_197 = vector.shape_cast %swap3A_196 : vector<1x16xf32> to vector<16xf32>
      %swap3A_198 = vector.shape_cast %add3A_193 : vector<16xf32> to vector<1x16xf32>
      tpu.vector_store %arg9[%swap3A_194, %swap3A_195], %swap3A_198 {strides = array<i32>} : memref<32x768xf32, #tpu.memory_space<vmem>>, vector<1x16xf32>,
      %get3A_199 = arith.index_cast %scan3A_44 : i32 to index
      %get3A_200 = arith.constant 112 : index
      %get3A_201 = tpu.vector_load %arg9[%get3A_199, %get3A_200] {strides = array<i32>} : memref<32x768xf32, #tpu.memory_space<vmem>>, vector<1x16xf32>,
      %get3A_202 = vector.shape_cast %get3A_201 : vector<1x16xf32> to vector<16xf32>
      %get3A_203 = arith.index_cast %scan3A_44 : i32 to index
      %get3A_204 = arith.constant 112 : index
      %get3A_205 = tpu.vector_load %arg10[%get3A_203, %get3A_204] {strides = array<i32>} : memref<32x768xf32, #tpu.memory_space<vmem>>, vector<1x16xf32>,
      %get3A_206 = vector.shape_cast %get3A_205 : vector<1x16xf32> to vector<16xf32>
      %mul3A_207 = arith.mulf %get3A_48, %get3A_206 : vector<16xf32>
      %add3A_208 = arith.addf %get3A_202, %mul3A_207 : vector<16xf32>
      %get3A_209 = arith.index_cast %scan3A_44 : i32 to index
      %get3A_210 = arith.constant 112 : index
      %get3A_211 = tpu.vector_load %arg11[%get3A_209, %get3A_210] {strides = array<i32>} : memref<32x768xf32, #tpu.memory_space<vmem>>, vector<1x16xf32>,
      %get3A_212 = vector.shape_cast %get3A_211 : vector<1x16xf32> to vector<16xf32>
      %mul3A_213 = arith.mulf %get3A_52, %get3A_212 : vector<16xf32>
      %add3A_214 = arith.addf %add3A_208, %mul3A_213 : vector<16xf32>
      %swap3A_215 = arith.index_cast %scan3A_44 : i32 to index
      %swap3A_216 = arith.constant 112 : index
      %swap3A_217 = tpu.vector_load %arg9[%swap3A_215, %swap3A_216] {strides = array<i32>} : memref<32x768xf32, #tpu.memory_space<vmem>>, vector<1x16xf32>,
      %swap3A_218 = vector.shape_cast %swap3A_217 : vector<1x16xf32> to vector<16xf32>
      %swap3A_219 = vector.shape_cast %add3A_214 : vector<16xf32> to vector<1x16xf32>
      tpu.vector_store %arg9[%swap3A_215, %swap3A_216], %swap3A_219 {strides = array<i32>} : memref<32x768xf32, #tpu.memory_space<vmem>>, vector<1x16xf32>,
      %get3A_220 = arith.index_cast %scan3A_44 : i32 to index
      %get3A_221 = arith.constant 128 : index
      %get3A_222 = tpu.vector_load %arg9[%get3A_220, %get3A_221] {strides = array<i32>} : memref<32x768xf32, #tpu.memory_space<vmem>>, vector<1x16xf32>,
      %get3A_223 = vector.shape_cast %get3A_222 : vector<1x16xf32> to vector<16xf32>
      %get3A_224 = arith.index_cast %scan3A_44 : i32 to index
      %get3A_225 = arith.constant 128 : index
      %get3A_226 = tpu.vector_load %arg10[%get3A_224, %get3A_225] {strides = array<i32>} : memref<32x768xf32, #tpu.memory_space<vmem>>, vector<1x16xf32>,
      %get3A_227 = vector.shape_cast %get3A_226 : vector<1x16xf32> to vector<16xf32>
      %mul3A_228 = arith.mulf %get3A_48, %get3A_227 : vector<16xf32>
      %add3A_229 = arith.addf %get3A_223, %mul3A_228 : vector<16xf32>
      %get3A_230 = arith.index_cast %scan3A_44 : i32 to index
      %get3A_231 = arith.constant 128 : index
      %get3A_232 = tpu.vector_load %arg11[%get3A_230, %get3A_231] {strides = array<i32>} : memref<32x768xf32, #tpu.memory_space<vmem>>, vector<1x16xf32>,
      %get3A_233 = vector.shape_cast %get3A_232 : vector<1x16xf32> to vector<16xf32>
      %mul3A_234 = arith.mulf %get3A_52, %get3A_233 : vector<16xf32>
      %add3A_235 = arith.addf %add3A_229, %mul3A_234 : vector<16xf32>
      %swap3A_236 = arith.index_cast %scan3A_44 : i32 to index
      %swap3A_237 = arith.constant 128 : index
      %swap3A_238 = tpu.vector_load %arg9[%swap3A_236, %swap3A_237] {strides = array<i32>} : memref<32x768xf32, #tpu.memory_space<vmem>>, vector<1x16xf32>,
      %swap3A_239 = vector.shape_cast %swap3A_238 : vector<1x16xf32> to vector<16xf32>
      %swap3A_240 = vector.shape_cast %add3A_235 : vector<16xf32> to vector<1x16xf32>
      tpu.vector_store %arg9[%swap3A_236, %swap3A_237], %swap3A_240 {strides = array<i32>} : memref<32x768xf32, #tpu.memory_space<vmem>>, vector<1x16xf32>,
      %get3A_241 = arith.index_cast %scan3A_44 : i32 to index
      %get3A_242 = arith.constant 144 : index
      %get3A_243 = tpu.vector_load %arg9[%get3A_241, %get3A_242] {strides = array<i32>} : memref<32x768xf32, #tpu.memory_space<vmem>>, vector<1x16xf32>,
      %get3A_244 = vector.shape_cast %get3A_243 : vector<1x16xf32> to vector<16xf32>
      %get3A_245 = arith.index_cast %scan3A_44 : i32 to index
      %get3A_246 = arith.constant 144 : index
      %get3A_247 = tpu.vector_load %arg10[%get3A_245, %get3A_246] {strides = array<i32>} : memref<32x768xf32, #tpu.memory_space<vmem>>, vector<1x16xf32>,
      %get3A_248 = vector.shape_cast %get3A_247 : vector<1x16xf32> to vector<16xf32>
      %mul3A_249 = arith.mulf %get3A_48, %get3A_248 : vector<16xf32>
      %add3A_250 = arith.addf %get3A_244, %mul3A_249 : vector<16xf32>
      %get3A_251 = arith.index_cast %scan3A_44 : i32 to index
      %get3A_252 = arith.constant 144 : index
      %get3A_253 = tpu.vector_load %arg11[%get3A_251, %get3A_252] {strides = array<i32>} : memref<32x768xf32, #tpu.memory_space<vmem>>, vector<1x16xf32>,
      %get3A_254 = vector.shape_cast %get3A_253 : vector<1x16xf32> to vector<16xf32>
      %mul3A_255 = arith.mulf %get3A_52, %get3A_254 : vector<16xf32>
      %add3A_256 = arith.addf %add3A_250, %mul3A_255 : vector<16xf32>
      %swap3A_257 = arith.index_cast %scan3A_44 : i32 to index
      %swap3A_258 = arith.constant 144 : index
      %swap3A_259 = tpu.vector_load %arg9[%swap3A_257, %swap3A_258] {strides = array<i32>} : memref<32x768xf32, #tpu.memory_space<vmem>>, vector<1x16xf32>,
      %swap3A_260 = vector.shape_cast %swap3A_259 : vector<1x16xf32> to vector<16xf32>
      %swap3A_261 = vector.shape_cast %add3A_256 : vector<16xf32> to vector<1x16xf32>
      tpu.vector_store %arg9[%swap3A_257, %swap3A_258], %swap3A_261 {strides = array<i32>} : memref<32x768xf32, #tpu.memory_space<vmem>>, vector<1x16xf32>,
      %get3A_262 = arith.index_cast %scan3A_44 : i32 to index
      %get3A_263 = arith.constant 160 : index
      %get3A_264 = tpu.vector_load %arg9[%get3A_262, %get3A_263] {strides = array<i32>} : memref<32x768xf32, #tpu.memory_space<vmem>>, vector<1x16xf32>,
      %get3A_265 = vector.shape_cast %get3A_264 : vector<1x16xf32> to vector<16xf32>
      %get3A_266 = arith.index_cast %scan3A_44 : i32 to index
      %get3A_267 = arith.constant 160 : index
      %get3A_268 = tpu.vector_load %arg10[%get3A_266, %get3A_267] {strides = array<i32>} : memref<32x768xf32, #tpu.memory_space<vmem>>, vector<1x16xf32>,
      %get3A_269 = vector.shape_cast %get3A_268 : vector<1x16xf32> to vector<16xf32>
      %mul3A_270 = arith.mulf %get3A_48, %get3A_269 : vector<16xf32>
      %add3A_271 = arith.addf %get3A_265, %mul3A_270 : vector<16xf32>
      %get3A_272 = arith.index_cast %scan3A_44 : i32 to index
      %get3A_273 = arith.constant 160 : index
      %get3A_274 = tpu.vector_load %arg11[%get3A_272, %get3A_273] {strides = array<i32>} : memref<32x768xf32, #tpu.memory_space<vmem>>, vector<1x16xf32>,
      %get3A_275 = vector.shape_cast %get3A_274 : vector<1x16xf32> to vector<16xf32>
      %mul3A_276 = arith.mulf %get3A_52, %get3A_275 : vector<16xf32>
      %add3A_277 = arith.addf %add3A_271, %mul3A_276 : vector<16xf32>
      %swap3A_278 = arith.index_cast %scan3A_44 : i32 to index
      %swap3A_279 = arith.constant 160 : index
      %swap3A_280 = tpu.vector_load %arg9[%swap3A_278, %swap3A_279] {strides = array<i32>} : memref<32x768xf32, #tpu.memory_space<vmem>>, vector<1x16xf32>,
      %swap3A_281 = vector.shape_cast %swap3A_280 : vector<1x16xf32> to vector<16xf32>
      %swap3A_282 = vector.shape_cast %add3A_277 : vector<16xf32> to vector<1x16xf32>
      tpu.vector_store %arg9[%swap3A_278, %swap3A_279], %swap3A_282 {strides = array<i32>} : memref<32x768xf32, #tpu.memory_space<vmem>>, vector<1x16xf32>,
      %get3A_283 = arith.index_cast %scan3A_44 : i32 to index
      %get3A_284 = arith.constant 176 : index
      %get3A_285 = tpu.vector_load %arg9[%get3A_283, %get3A_284] {strides = array<i32>} : memref<32x768xf32, #tpu.memory_space<vmem>>, vector<1x16xf32>,
      %get3A_286 = vector.shape_cast %get3A_285 : vector<1x16xf32> to vector<16xf32>
      %get3A_287 = arith.index_cast %scan3A_44 : i32 to index
      %get3A_288 = arith.constant 176 : index
      %get3A_289 = tpu.vector_load %arg10[%get3A_287, %get3A_288] {strides = array<i32>} : memref<32x768xf32, #tpu.memory_space<vmem>>, vector<1x16xf32>,
      %get3A_290 = vector.shape_cast %get3A_289 : vector<1x16xf32> to vector<16xf32>
      %mul3A_291 = arith.mulf %get3A_48, %get3A_290 : vector<16xf32>
      %add3A_292 = arith.addf %get3A_286, %mul3A_291 : vector<16xf32>
      %get3A_293 = arith.index_cast %scan3A_44 : i32 to index
      %get3A_294 = arith.constant 176 : index
      %get3A_295 = tpu.vector_load %arg11[%get3A_293, %get3A_294] {strides = array<i32>} : memref<32x768xf32, #tpu.memory_space<vmem>>, vector<1x16xf32>,
      %get3A_296 = vector.shape_cast %get3A_295 : vector<1x16xf32> to vector<16xf32>
      %mul3A_297 = arith.mulf %get3A_52, %get3A_296 : vector<16xf32>
      %add3A_298 = arith.addf %add3A_292, %mul3A_297 : vector<16xf32>
      %swap3A_299 = arith.index_cast %scan3A_44 : i32 to index
      %swap3A_300 = arith.constant 176 : index
      %swap3A_301 = tpu.vector_load %arg9[%swap3A_299, %swap3A_300] {strides = array<i32>} : memref<32x768xf32, #tpu.memory_space<vmem>>, vector<1x16xf32>,
      %swap3A_302 = vector.shape_cast %swap3A_301 : vector<1x16xf32> to vector<16xf32>
      %swap3A_303 = vector.shape_cast %add3A_298 : vector<16xf32> to vector<1x16xf32>
      tpu.vector_store %arg9[%swap3A_299, %swap3A_300], %swap3A_303 {strides = array<i32>} : memref<32x768xf32, #tpu.memory_space<vmem>>, vector<1x16xf32>,
      %get3A_304 = arith.index_cast %scan3A_44 : i32 to index
      %get3A_305 = arith.constant 192 : index
      %get3A_306 = tpu.vector_load %arg9[%get3A_304, %get3A_305] {strides = array<i32>} : memref<32x768xf32, #tpu.memory_space<vmem>>, vector<1x16xf32>,
      %get3A_307 = vector.shape_cast %get3A_306 : vector<1x16xf32> to vector<16xf32>
      %get3A_308 = arith.index_cast %scan3A_44 : i32 to index
      %get3A_309 = arith.constant 192 : index
      %get3A_310 = tpu.vector_load %arg10[%get3A_308, %get3A_309] {strides = array<i32>} : memref<32x768xf32, #tpu.memory_space<vmem>>, vector<1x16xf32>,
      %get3A_311 = vector.shape_cast %get3A_310 : vector<1x16xf32> to vector<16xf32>
      %mul3A_312 = arith.mulf %get3A_48, %get3A_311 : vector<16xf32>
      %add3A_313 = arith.addf %get3A_307, %mul3A_312 : vector<16xf32>
      %get3A_314 = arith.index_cast %scan3A_44 : i32 to index
      %get3A_315 = arith.constant 192 : index
      %get3A_316 = tpu.vector_load %arg11[%get3A_314, %get3A_315] {strides = array<i32>} : memref<32x768xf32, #tpu.memory_space<vmem>>, vector<1x16xf32>,
      %get3A_317 = vector.shape_cast %get3A_316 : vector<1x16xf32> to vector<16xf32>
      %mul3A_318 = arith.mulf %get3A_52, %get3A_317 : vector<16xf32>
      %add3A_319 = arith.addf %add3A_313, %mul3A_318 : vector<16xf32>
      %swap3A_320 = arith.index_cast %scan3A_44 : i32 to index
      %swap3A_321 = arith.constant 192 : index
      %swap3A_322 = tpu.vector_load %arg9[%swap3A_320, %swap3A_321] {strides = array<i32>} : memref<32x768xf32, #tpu.memory_space<vmem>>, vector<1x16xf32>,
      %swap3A_323 = vector.shape_cast %swap3A_322 : vector<1x16xf32> to vector<16xf32>
      %swap3A_324 = vector.shape_cast %add3A_319 : vector<16xf32> to vector<1x16xf32>
      tpu.vector_store %arg9[%swap3A_320, %swap3A_321], %swap3A_324 {strides = array<i32>} : memref<32x768xf32, #tpu.memory_space<vmem>>, vector<1x16xf32>,
      %get3A_325 = arith.index_cast %scan3A_44 : i32 to index
      %get3A_326 = arith.constant 208 : index
      %get3A_327 = tpu.vector_load %arg9[%get3A_325, %get3A_326] {strides = array<i32>} : memref<32x768xf32, #tpu.memory_space<vmem>>, vector<1x16xf32>,
      %get3A_328 = vector.shape_cast %get3A_327 : vector<1x16xf32> to vector<16xf32>
      %get3A_329 = arith.index_cast %scan3A_44 : i32 to index
      %get3A_330 = arith.constant 208 : index
      %get3A_331 = tpu.vector_load %arg10[%get3A_329, %get3A_330] {strides = array<i32>} : memref<32x768xf32, #tpu.memory_space<vmem>>, vector<1x16xf32>,
      %get3A_332 = vector.shape_cast %get3A_331 : vector<1x16xf32> to vector<16xf32>
      %mul3A_333 = arith.mulf %get3A_48, %get3A_332 : vector<16xf32>
      %add3A_334 = arith.addf %get3A_328, %mul3A_333 : vector<16xf32>
      %get3A_335 = arith.index_cast %scan3A_44 : i32 to index
      %get3A_336 = arith.constant 208 : index
      %get3A_337 = tpu.vector_load %arg11[%get3A_335, %get3A_336] {strides = array<i32>} : memref<32x768xf32, #tpu.memory_space<vmem>>, vector<1x16xf32>,
      %get3A_338 = vector.shape_cast %get3A_337 : vector<1x16xf32> to vector<16xf32>
      %mul3A_339 = arith.mulf %get3A_52, %get3A_338 : vector<16xf32>
      %add3A_340 = arith.addf %add3A_334, %mul3A_339 : vector<16xf32>
      %swap3A_341 = arith.index_cast %scan3A_44 : i32 to index
      %swap3A_342 = arith.constant 208 : index
      %swap3A_343 = tpu.vector_load %arg9[%swap3A_341, %swap3A_342] {strides = array<i32>} : memref<32x768xf32, #tpu.memory_space<vmem>>, vector<1x16xf32>,
      %swap3A_344 = vector.shape_cast %swap3A_343 : vector<1x16xf32> to vector<16xf32>
      %swap3A_345 = vector.shape_cast %add3A_340 : vector<16xf32> to vector<1x16xf32>
      tpu.vector_store %arg9[%swap3A_341, %swap3A_342], %swap3A_345 {strides = array<i32>} : memref<32x768xf32, #tpu.memory_space<vmem>>, vector<1x16xf32>,
      %get3A_346 = arith.index_cast %scan3A_44 : i32 to index
      %get3A_347 = arith.constant 224 : index
      %get3A_348 = tpu.vector_load %arg9[%get3A_346, %get3A_347] {strides = array<i32>} : memref<32x768xf32, #tpu.memory_space<vmem>>, vector<1x16xf32>,
      %get3A_349 = vector.shape_cast %get3A_348 : vector<1x16xf32> to vector<16xf32>
      %get3A_350 = arith.index_cast %scan3A_44 : i32 to index
      %get3A_351 = arith.constant 224 : index
      %get3A_352 = tpu.vector_load %arg10[%get3A_350, %get3A_351] {strides = array<i32>} : memref<32x768xf32, #tpu.memory_space<vmem>>, vector<1x16xf32>,
      %get3A_353 = vector.shape_cast %get3A_352 : vector<1x16xf32> to vector<16xf32>
      %mul3A_354 = arith.mulf %get3A_48, %get3A_353 : vector<16xf32>
      %add3A_355 = arith.addf %get3A_349, %mul3A_354 : vector<16xf32>
      %get3A_356 = arith.index_cast %scan3A_44 : i32 to index
      %get3A_357 = arith.constant 224 : index
      %get3A_358 = tpu.vector_load %arg11[%get3A_356, %get3A_357] {strides = array<i32>} : memref<32x768xf32, #tpu.memory_space<vmem>>, vector<1x16xf32>,
      %get3A_359 = vector.shape_cast %get3A_358 : vector<1x16xf32> to vector<16xf32>
      %mul3A_360 = arith.mulf %get3A_52, %get3A_359 : vector<16xf32>
      %add3A_361 = arith.addf %add3A_355, %mul3A_360 : vector<16xf32>
      %swap3A_362 = arith.index_cast %scan3A_44 : i32 to index
      %swap3A_363 = arith.constant 224 : index
      %swap3A_364 = tpu.vector_load %arg9[%swap3A_362, %swap3A_363] {strides = array<i32>} : memref<32x768xf32, #tpu.memory_space<vmem>>, vector<1x16xf32>,
      %swap3A_365 = vector.shape_cast %swap3A_364 : vector<1x16xf32> to vector<16xf32>
      %swap3A_366 = vector.shape_cast %add3A_361 : vector<16xf32> to vector<1x16xf32>
      tpu.vector_store %arg9[%swap3A_362, %swap3A_363], %swap3A_366 {strides = array<i32>} : memref<32x768xf32, #tpu.memory_space<vmem>>, vector<1x16xf32>,
      %get3A_367 = arith.index_cast %scan3A_44 : i32 to index
      %get3A_368 = arith.constant 240 : index
      %get3A_369 = tpu.vector_load %arg9[%get3A_367, %get3A_368] {strides = array<i32>} : memref<32x768xf32, #tpu.memory_space<vmem>>, vector<1x16xf32>,
      %get3A_370 = vector.shape_cast %get3A_369 : vector<1x16xf32> to vector<16xf32>
      %get3A_371 = arith.index_cast %scan3A_44 : i32 to index
      %get3A_372 = arith.constant 240 : index
      %get3A_373 = tpu.vector_load %arg10[%get3A_371, %get3A_372] {strides = array<i32>} : memref<32x768xf32, #tpu.memory_space<vmem>>, vector<1x16xf32>,
      %get3A_374 = vector.shape_cast %get3A_373 : vector<1x16xf32> to vector<16xf32>
      %mul3A_375 = arith.mulf %get3A_48, %get3A_374 : vector<16xf32>
      %add3A_376 = arith.addf %get3A_370, %mul3A_375 : vector<16xf32>
      %get3A_377 = arith.index_cast %scan3A_44 : i32 to index
      %get3A_378 = arith.constant 240 : index
      %get3A_379 = tpu.vector_load %arg11[%get3A_377, %get3A_378] {strides = array<i32>} : memref<32x768xf32, #tpu.memory_space<vmem>>, vector<1x16xf32>,
      %get3A_380 = vector.shape_cast %get3A_379 : vector<1x16xf32> to vector<16xf32>
      %mul3A_381 = arith.mulf %get3A_52, %get3A_380 : vector<16xf32>
      %add3A_382 = arith.addf %add3A_376, %mul3A_381 : vector<16xf32>
      %swap3A_383 = arith.index_cast %scan3A_44 : i32 to index
      %swap3A_384 = arith.constant 240 : index
      %swap3A_385 = tpu.vector_load %arg9[%swap3A_383, %swap3A_384] {strides = array<i32>} : memref<32x768xf32, #tpu.memory_space<vmem>>, vector<1x16xf32>,
      %swap3A_386 = vector.shape_cast %swap3A_385 : vector<1x16xf32> to vector<16xf32>
      %swap3A_387 = vector.shape_cast %add3A_382 : vector<16xf32> to vector<1x16xf32>
      tpu.vector_store %arg9[%swap3A_383, %swap3A_384], %swap3A_387 {strides = array<i32>} : memref<32x768xf32, #tpu.memory_space<vmem>>, vector<1x16xf32>,
      %get3A_388 = arith.index_cast %scan3A_44 : i32 to index
      %get3A_389 = arith.constant 256 : index
      %get3A_390 = tpu.vector_load %arg9[%get3A_388, %get3A_389] {strides = array<i32>} : memref<32x768xf32, #tpu.memory_space<vmem>>, vector<1x16xf32>,
      %get3A_391 = vector.shape_cast %get3A_390 : vector<1x16xf32> to vector<16xf32>
      %get3A_392 = arith.index_cast %scan3A_44 : i32 to index
      %get3A_393 = arith.constant 256 : index
      %get3A_394 = tpu.vector_load %arg10[%get3A_392, %get3A_393] {strides = array<i32>} : memref<32x768xf32, #tpu.memory_space<vmem>>, vector<1x16xf32>,
      %get3A_395 = vector.shape_cast %get3A_394 : vector<1x16xf32> to vector<16xf32>
      %mul3A_396 = arith.mulf %get3A_48, %get3A_395 : vector<16xf32>
      %add3A_397 = arith.addf %get3A_391, %mul3A_396 : vector<16xf32>
      %get3A_398 = arith.index_cast %scan3A_44 : i32 to index
      %get3A_399 = arith.constant 256 : index
      %get3A_400 = tpu.vector_load %arg11[%get3A_398, %get3A_399] {strides = array<i32>} : memref<32x768xf32, #tpu.memory_space<vmem>>, vector<1x16xf32>,
      %get3A_401 = vector.shape_cast %get3A_400 : vector<1x16xf32> to vector<16xf32>
      %mul3A_402 = arith.mulf %get3A_52, %get3A_401 : vector<16xf32>
      %add3A_403 = arith.addf %add3A_397, %mul3A_402 : vector<16xf32>
      %swap3A_404 = arith.index_cast %scan3A_44 : i32 to index
      %swap3A_405 = arith.constant 256 : index
      %swap3A_406 = tpu.vector_load %arg9[%swap3A_404, %swap3A_405] {strides = array<i32>} : memref<32x768xf32, #tpu.memory_space<vmem>>, vector<1x16xf32>,
      %swap3A_407 = vector.shape_cast %swap3A_406 : vector<1x16xf32> to vector<16xf32>
      %swap3A_408 = vector.shape_cast %add3A_403 : vector<16xf32> to vector<1x16xf32>
      tpu.vector_store %arg9[%swap3A_404, %swap3A_405], %swap3A_408 {strides = array<i32>} : memref<32x768xf32, #tpu.memory_space<vmem>>, vector<1x16xf32>,
      %get3A_409 = arith.index_cast %scan3A_44 : i32 to index
      %get3A_410 = arith.constant 272 : index
      %get3A_411 = tpu.vector_load %arg9[%get3A_409, %get3A_410] {strides = array<i32>} : memref<32x768xf32, #tpu.memory_space<vmem>>, vector<1x16xf32>,
      %get3A_412 = vector.shape_cast %get3A_411 : vector<1x16xf32> to vector<16xf32>
      %get3A_413 = arith.index_cast %scan3A_44 : i32 to index
      %get3A_414 = arith.constant 272 : index
      %get3A_415 = tpu.vector_load %arg10[%get3A_413, %get3A_414] {strides = array<i32>} : memref<32x768xf32, #tpu.memory_space<vmem>>, vector<1x16xf32>,
      %get3A_416 = vector.shape_cast %get3A_415 : vector<1x16xf32> to vector<16xf32>
      %mul3A_417 = arith.mulf %get3A_48, %get3A_416 : vector<16xf32>
      %add3A_418 = arith.addf %get3A_412, %mul3A_417 : vector<16xf32>
      %get3A_419 = arith.index_cast %scan3A_44 : i32 to index
      %get3A_420 = arith.constant 272 : index
      %get3A_421 = tpu.vector_load %arg11[%get3A_419, %get3A_420] {strides = array<i32>} : memref<32x768xf32, #tpu.memory_space<vmem>>, vector<1x16xf32>,
      %get3A_422 = vector.shape_cast %get3A_421 : vector<1x16xf32> to vector<16xf32>
      %mul3A_423 = arith.mulf %get3A_52, %get3A_422 : vector<16xf32>
      %add3A_424 = arith.addf %add3A_418, %mul3A_423 : vector<16xf32>
      %swap3A_425 = arith.index_cast %scan3A_44 : i32 to index
      %swap3A_426 = arith.constant 272 : index
      %swap3A_427 = tpu.vector_load %arg9[%swap3A_425, %swap3A_426] {strides = array<i32>} : memref<32x768xf32, #tpu.memory_space<vmem>>, vector<1x16xf32>,
      %swap3A_428 = vector.shape_cast %swap3A_427 : vector<1x16xf32> to vector<16xf32>
      %swap3A_429 = vector.shape_cast %add3A_424 : vector<16xf32> to vector<1x16xf32>
      tpu.vector_store %arg9[%swap3A_425, %swap3A_426], %swap3A_429 {strides = array<i32>} : memref<32x768xf32, #tpu.memory_space<vmem>>, vector<1x16xf32>,
      %get3A_430 = arith.index_cast %scan3A_44 : i32 to index
      %get3A_431 = arith.constant 288 : index
      %get3A_432 = tpu.vector_load %arg9[%get3A_430, %get3A_431] {strides = array<i32>} : memref<32x768xf32, #tpu.memory_space<vmem>>, vector<1x16xf32>,
      %get3A_433 = vector.shape_cast %get3A_432 : vector<1x16xf32> to vector<16xf32>
      %get3A_434 = arith.index_cast %scan3A_44 : i32 to index
      %get3A_435 = arith.constant 288 : index
      %get3A_436 = tpu.vector_load %arg10[%get3A_434, %get3A_435] {strides = array<i32>} : memref<32x768xf32, #tpu.memory_space<vmem>>, vector<1x16xf32>,
      %get3A_437 = vector.shape_cast %get3A_436 : vector<1x16xf32> to vector<16xf32>
      %mul3A_438 = arith.mulf %get3A_48, %get3A_437 : vector<16xf32>
      %add3A_439 = arith.addf %get3A_433, %mul3A_438 : vector<16xf32>
      %get3A_440 = arith.index_cast %scan3A_44 : i32 to index
      %get3A_441 = arith.constant 288 : index
      %get3A_442 = tpu.vector_load %arg11[%get3A_440, %get3A_441] {strides = array<i32>} : memref<32x768xf32, #tpu.memory_space<vmem>>, vector<1x16xf32>,
      %get3A_443 = vector.shape_cast %get3A_442 : vector<1x16xf32> to vector<16xf32>
      %mul3A_444 = arith.mulf %get3A_52, %get3A_443 : vector<16xf32>
      %add3A_445 = arith.addf %add3A_439, %mul3A_444 : vector<16xf32>
      %swap3A_446 = arith.index_cast %scan3A_44 : i32 to index
      %swap3A_447 = arith.constant 288 : index
      %swap3A_448 = tpu.vector_load %arg9[%swap3A_446, %swap3A_447] {strides = array<i32>} : memref<32x768xf32, #tpu.memory_space<vmem>>, vector<1x16xf32>,
      %swap3A_449 = vector.shape_cast %swap3A_448 : vector<1x16xf32> to vector<16xf32>
      %swap3A_450 = vector.shape_cast %add3A_445 : vector<16xf32> to vector<1x16xf32>
      tpu.vector_store %arg9[%swap3A_446, %swap3A_447], %swap3A_450 {strides = array<i32>} : memref<32x768xf32, #tpu.memory_space<vmem>>, vector<1x16xf32>,
      %get3A_451 = arith.index_cast %scan3A_44 : i32 to index
      %get3A_452 = arith.constant 304 : index
      %get3A_453 = tpu.vector_load %arg9[%get3A_451, %get3A_452] {strides = array<i32>} : memref<32x768xf32, #tpu.memory_space<vmem>>, vector<1x16xf32>,
      %get3A_454 = vector.shape_cast %get3A_453 : vector<1x16xf32> to vector<16xf32>
      %get3A_455 = arith.index_cast %scan3A_44 : i32 to index
      %get3A_456 = arith.constant 304 : index
      %get3A_457 = tpu.vector_load %arg10[%get3A_455, %get3A_456] {strides = array<i32>} : memref<32x768xf32, #tpu.memory_space<vmem>>, vector<1x16xf32>,
      %get3A_458 = vector.shape_cast %get3A_457 : vector<1x16xf32> to vector<16xf32>
      %mul3A_459 = arith.mulf %get3A_48, %get3A_458 : vector<16xf32>
      %add3A_460 = arith.addf %get3A_454, %mul3A_459 : vector<16xf32>
      %get3A_461 = arith.index_cast %scan3A_44 : i32 to index
      %get3A_462 = arith.constant 304 : index
      %get3A_463 = tpu.vector_load %arg11[%get3A_461, %get3A_462] {strides = array<i32>} : memref<32x768xf32, #tpu.memory_space<vmem>>, vector<1x16xf32>,
      %get3A_464 = vector.shape_cast %get3A_463 : vector<1x16xf32> to vector<16xf32>
      %mul3A_465 = arith.mulf %get3A_52, %get3A_464 : vector<16xf32>
      %add3A_466 = arith.addf %add3A_460, %mul3A_465 : vector<16xf32>
      %swap3A_467 = arith.index_cast %scan3A_44 : i32 to index
      %swap3A_468 = arith.constant 304 : index
      %swap3A_469 = tpu.vector_load %arg9[%swap3A_467, %swap3A_468] {strides = array<i32>} : memref<32x768xf32, #tpu.memory_space<vmem>>, vector<1x16xf32>,
      %swap3A_470 = vector.shape_cast %swap3A_469 : vector<1x16xf32> to vector<16xf32>
      %swap3A_471 = vector.shape_cast %add3A_466 : vector<16xf32> to vector<1x16xf32>
      tpu.vector_store %arg9[%swap3A_467, %swap3A_468], %swap3A_471 {strides = array<i32>} : memref<32x768xf32, #tpu.memory_space<vmem>>, vector<1x16xf32>,
      %get3A_472 = arith.index_cast %scan3A_44 : i32 to index
      %get3A_473 = arith.constant 320 : index
      %get3A_474 = tpu.vector_load %arg9[%get3A_472, %get3A_473] {strides = array<i32>} : memref<32x768xf32, #tpu.memory_space<vmem>>, vector<1x16xf32>,
      %get3A_475 = vector.shape_cast %get3A_474 : vector<1x16xf32> to vector<16xf32>
      %get3A_476 = arith.index_cast %scan3A_44 : i32 to index
      %get3A_477 = arith.constant 320 : index
      %get3A_478 = tpu.vector_load %arg10[%get3A_476, %get3A_477] {strides = array<i32>} : memref<32x768xf32, #tpu.memory_space<vmem>>, vector<1x16xf32>,
      %get3A_479 = vector.shape_cast %get3A_478 : vector<1x16xf32> to vector<16xf32>
      %mul3A_480 = arith.mulf %get3A_48, %get3A_479 : vector<16xf32>
      %add3A_481 = arith.addf %get3A_475, %mul3A_480 : vector<16xf32>
      %get3A_482 = arith.index_cast %scan3A_44 : i32 to index
      %get3A_483 = arith.constant 320 : index
      %get3A_484 = tpu.vector_load %arg11[%get3A_482, %get3A_483] {strides = array<i32>} : memref<32x768xf32, #tpu.memory_space<vmem>>, vector<1x16xf32>,
      %get3A_485 = vector.shape_cast %get3A_484 : vector<1x16xf32> to vector<16xf32>
      %mul3A_486 = arith.mulf %get3A_52, %get3A_485 : vector<16xf32>
      %add3A_487 = arith.addf %add3A_481, %mul3A_486 : vector<16xf32>
      %swap3A_488 = arith.index_cast %scan3A_44 : i32 to index
      %swap3A_489 = arith.constant 320 : index
      %swap3A_490 = tpu.vector_load %arg9[%swap3A_488, %swap3A_489] {strides = array<i32>} : memref<32x768xf32, #tpu.memory_space<vmem>>, vector<1x16xf32>,
      %swap3A_491 = vector.shape_cast %swap3A_490 : vector<1x16xf32> to vector<16xf32>
      %swap3A_492 = vector.shape_cast %add3A_487 : vector<16xf32> to vector<1x16xf32>
      tpu.vector_store %arg9[%swap3A_488, %swap3A_489], %swap3A_492 {strides = array<i32>} : memref<32x768xf32, #tpu.memory_space<vmem>>, vector<1x16xf32>,
      %get3A_493 = arith.index_cast %scan3A_44 : i32 to index
      %get3A_494 = arith.constant 336 : index
      %get3A_495 = tpu.vector_load %arg9[%get3A_493, %get3A_494] {strides = array<i32>} : memref<32x768xf32, #tpu.memory_space<vmem>>, vector<1x16xf32>,
      %get3A_496 = vector.shape_cast %get3A_495 : vector<1x16xf32> to vector<16xf32>
      %get3A_497 = arith.index_cast %scan3A_44 : i32 to index
      %get3A_498 = arith.constant 336 : index
      %get3A_499 = tpu.vector_load %arg10[%get3A_497, %get3A_498] {strides = array<i32>} : memref<32x768xf32, #tpu.memory_space<vmem>>, vector<1x16xf32>,
      %get3A_500 = vector.shape_cast %get3A_499 : vector<1x16xf32> to vector<16xf32>
      %mul3A_501 = arith.mulf %get3A_48, %get3A_500 : vector<16xf32>
      %add3A_502 = arith.addf %get3A_496, %mul3A_501 : vector<16xf32>
      %get3A_503 = arith.index_cast %scan3A_44 : i32 to index
      %get3A_504 = arith.constant 336 : index
      %get3A_505 = tpu.vector_load %arg11[%get3A_503, %get3A_504] {strides = array<i32>} : memref<32x768xf32, #tpu.memory_space<vmem>>, vector<1x16xf32>,
      %get3A_506 = vector.shape_cast %get3A_505 : vector<1x16xf32> to vector<16xf32>
      %mul3A_507 = arith.mulf %get3A_52, %get3A_506 : vector<16xf32>
      %add3A_508 = arith.addf %add3A_502, %mul3A_507 : vector<16xf32>
      %swap3A_509 = arith.index_cast %scan3A_44 : i32 to index
      %swap3A_510 = arith.constant 336 : index
      %swap3A_511 = tpu.vector_load %arg9[%swap3A_509, %swap3A_510] {strides = array<i32>} : memref<32x768xf32, #tpu.memory_space<vmem>>, vector<1x16xf32>,
      %swap3A_512 = vector.shape_cast %swap3A_511 : vector<1x16xf32> to vector<16xf32>
      %swap3A_513 = vector.shape_cast %add3A_508 : vector<16xf32> to vector<1x16xf32>
      tpu.vector_store %arg9[%swap3A_509, %swap3A_510], %swap3A_513 {strides = array<i32>} : memref<32x768xf32, #tpu.memory_space<vmem>>, vector<1x16xf32>,
      %get3A_514 = arith.index_cast %scan3A_44 : i32 to index
      %get3A_515 = arith.constant 352 : index
      %get3A_516 = tpu.vector_load %arg9[%get3A_514, %get3A_515] {strides = array<i32>} : memref<32x768xf32, #tpu.memory_space<vmem>>, vector<1x16xf32>,
      %get3A_517 = vector.shape_cast %get3A_516 : vector<1x16xf32> to vector<16xf32>
      %get3A_518 = arith.index_cast %scan3A_44 : i32 to index
      %get3A_519 = arith.constant 352 : index
      %get3A_520 = tpu.vector_load %arg10[%get3A_518, %get3A_519] {strides = array<i32>} : memref<32x768xf32, #tpu.memory_space<vmem>>, vector<1x16xf32>,
      %get3A_521 = vector.shape_cast %get3A_520 : vector<1x16xf32> to vector<16xf32>
      %mul3A_522 = arith.mulf %get3A_48, %get3A_521 : vector<16xf32>
      %add3A_523 = arith.addf %get3A_517, %mul3A_522 : vector<16xf32>
      %get3A_524 = arith.index_cast %scan3A_44 : i32 to index
      %get3A_525 = arith.constant 352 : index
      %get3A_526 = tpu.vector_load %arg11[%get3A_524, %get3A_525] {strides = array<i32>} : memref<32x768xf32, #tpu.memory_space<vmem>>, vector<1x16xf32>,
      %get3A_527 = vector.shape_cast %get3A_526 : vector<1x16xf32> to vector<16xf32>
      %mul3A_528 = arith.mulf %get3A_52, %get3A_527 : vector<16xf32>
      %add3A_529 = arith.addf %add3A_523, %mul3A_528 : vector<16xf32>
      %swap3A_530 = arith.index_cast %scan3A_44 : i32 to index
      %swap3A_531 = arith.constant 352 : index
      %swap3A_532 = tpu.vector_load %arg9[%swap3A_530, %swap3A_531] {strides = array<i32>} : memref<32x768xf32, #tpu.memory_space<vmem>>, vector<1x16xf32>,
      %swap3A_533 = vector.shape_cast %swap3A_532 : vector<1x16xf32> to vector<16xf32>
      %swap3A_534 = vector.shape_cast %add3A_529 : vector<16xf32> to vector<1x16xf32>
      tpu.vector_store %arg9[%swap3A_530, %swap3A_531], %swap3A_534 {strides = array<i32>} : memref<32x768xf32, #tpu.memory_space<vmem>>, vector<1x16xf32>,
      %get3A_535 = arith.index_cast %scan3A_44 : i32 to index
      %get3A_536 = arith.constant 368 : index
      %get3A_537 = tpu.vector_load %arg9[%get3A_535, %get3A_536] {strides = array<i32>} : memref<32x768xf32, #tpu.memory_space<vmem>>, vector<1x16xf32>,
      %get3A_538 = vector.shape_cast %get3A_537 : vector<1x16xf32> to vector<16xf32>
      %get3A_539 = arith.index_cast %scan3A_44 : i32 to index
      %get3A_540 = arith.constant 368 : index
      %get3A_541 = tpu.vector_load %arg10[%get3A_539, %get3A_540] {strides = array<i32>} : memref<32x768xf32, #tpu.memory_space<vmem>>, vector<1x16xf32>,
      %get3A_542 = vector.shape_cast %get3A_541 : vector<1x16xf32> to vector<16xf32>
      %mul3A_543 = arith.mulf %get3A_48, %get3A_542 : vector<16xf32>
      %add3A_544 = arith.addf %get3A_538, %mul3A_543 : vector<16xf32>
      %get3A_545 = arith.index_cast %scan3A_44 : i32 to index
      %get3A_546 = arith.constant 368 : index
      %get3A_547 = tpu.vector_load %arg11[%get3A_545, %get3A_546] {strides = array<i32>} : memref<32x768xf32, #tpu.memory_space<vmem>>, vector<1x16xf32>,
      %get3A_548 = vector.shape_cast %get3A_547 : vector<1x16xf32> to vector<16xf32>
      %mul3A_549 = arith.mulf %get3A_52, %get3A_548 : vector<16xf32>
      %add3A_550 = arith.addf %add3A_544, %mul3A_549 : vector<16xf32>
      %swap3A_551 = arith.index_cast %scan3A_44 : i32 to index
      %swap3A_552 = arith.constant 368 : index
      %swap3A_553 = tpu.vector_load %arg9[%swap3A_551, %swap3A_552] {strides = array<i32>} : memref<32x768xf32, #tpu.memory_space<vmem>>, vector<1x16xf32>,
      %swap3A_554 = vector.shape_cast %swap3A_553 : vector<1x16xf32> to vector<16xf32>
      %swap3A_555 = vector.shape_cast %add3A_550 : vector<16xf32> to vector<1x16xf32>
      tpu.vector_store %arg9[%swap3A_551, %swap3A_552], %swap3A_555 {strides = array<i32>} : memref<32x768xf32, #tpu.memory_space<vmem>>, vector<1x16xf32>,
      %get3A_556 = arith.index_cast %scan3A_44 : i32 to index
      %get3A_557 = arith.constant 384 : index
      %get3A_558 = tpu.vector_load %arg9[%get3A_556, %get3A_557] {strides = array<i32>} : memref<32x768xf32, #tpu.memory_space<vmem>>, vector<1x16xf32>,
      %get3A_559 = vector.shape_cast %get3A_558 : vector<1x16xf32> to vector<16xf32>
      %get3A_560 = arith.index_cast %scan3A_44 : i32 to index
      %get3A_561 = arith.constant 384 : index
      %get3A_562 = tpu.vector_load %arg10[%get3A_560, %get3A_561] {strides = array<i32>} : memref<32x768xf32, #tpu.memory_space<vmem>>, vector<1x16xf32>,
      %get3A_563 = vector.shape_cast %get3A_562 : vector<1x16xf32> to vector<16xf32>
      %mul3A_564 = arith.mulf %get3A_48, %get3A_563 : vector<16xf32>
      %add3A_565 = arith.addf %get3A_559, %mul3A_564 : vector<16xf32>
      %get3A_566 = arith.index_cast %scan3A_44 : i32 to index
      %get3A_567 = arith.constant 384 : index
      %get3A_568 = tpu.vector_load %arg11[%get3A_566, %get3A_567] {strides = array<i32>} : memref<32x768xf32, #tpu.memory_space<vmem>>, vector<1x16xf32>,
      %get3A_569 = vector.shape_cast %get3A_568 : vector<1x16xf32> to vector<16xf32>
      %mul3A_570 = arith.mulf %get3A_52, %get3A_569 : vector<16xf32>
      %add3A_571 = arith.addf %add3A_565, %mul3A_570 : vector<16xf32>
      %swap3A_572 = arith.index_cast %scan3A_44 : i32 to index
      %swap3A_573 = arith.constant 384 : index
      %swap3A_574 = tpu.vector_load %arg9[%swap3A_572, %swap3A_573] {strides = array<i32>} : memref<32x768xf32, #tpu.memory_space<vmem>>, vector<1x16xf32>,
      %swap3A_575 = vector.shape_cast %swap3A_574 : vector<1x16xf32> to vector<16xf32>
      %swap3A_576 = vector.shape_cast %add3A_571 : vector<16xf32> to vector<1x16xf32>
      tpu.vector_store %arg9[%swap3A_572, %swap3A_573], %swap3A_576 {strides = array<i32>} : memref<32x768xf32, #tpu.memory_space<vmem>>, vector<1x16xf32>,
      %get3A_577 = arith.index_cast %scan3A_44 : i32 to index
      %get3A_578 = arith.constant 400 : index
      %get3A_579 = tpu.vector_load %arg9[%get3A_577, %get3A_578] {strides = array<i32>} : memref<32x768xf32, #tpu.memory_space<vmem>>, vector<1x16xf32>,
      %get3A_580 = vector.shape_cast %get3A_579 : vector<1x16xf32> to vector<16xf32>
      %get3A_581 = arith.index_cast %scan3A_44 : i32 to index
      %get3A_582 = arith.constant 400 : index
      %get3A_583 = tpu.vector_load %arg10[%get3A_581, %get3A_582] {strides = array<i32>} : memref<32x768xf32, #tpu.memory_space<vmem>>, vector<1x16xf32>,
      %get3A_584 = vector.shape_cast %get3A_583 : vector<1x16xf32> to vector<16xf32>
      %mul3A_585 = arith.mulf %get3A_48, %get3A_584 : vector<16xf32>
      %add3A_586 = arith.addf %get3A_580, %mul3A_585 : vector<16xf32>
      %get3A_587 = arith.index_cast %scan3A_44 : i32 to index
      %get3A_588 = arith.constant 400 : index
      %get3A_589 = tpu.vector_load %arg11[%get3A_587, %get3A_588] {strides = array<i32>} : memref<32x768xf32, #tpu.memory_space<vmem>>, vector<1x16xf32>,
      %get3A_590 = vector.shape_cast %get3A_589 : vector<1x16xf32> to vector<16xf32>
      %mul3A_591 = arith.mulf %get3A_52, %get3A_590 : vector<16xf32>
      %add3A_592 = arith.addf %add3A_586, %mul3A_591 : vector<16xf32>
      %swap3A_593 = arith.index_cast %scan3A_44 : i32 to index
      %swap3A_594 = arith.constant 400 : index
      %swap3A_595 = tpu.vector_load %arg9[%swap3A_593, %swap3A_594] {strides = array<i32>} : memref<32x768xf32, #tpu.memory_space<vmem>>, vector<1x16xf32>,
      %swap3A_596 = vector.shape_cast %swap3A_595 : vector<1x16xf32> to vector<16xf32>
      %swap3A_597 = vector.shape_cast %add3A_592 : vector<16xf32> to vector<1x16xf32>
      tpu.vector_store %arg9[%swap3A_593, %swap3A_594], %swap3A_597 {strides = array<i32>} : memref<32x768xf32, #tpu.memory_space<vmem>>, vector<1x16xf32>,
      %get3A_598 = arith.index_cast %scan3A_44 : i32 to index
      %get3A_599 = arith.constant 416 : index
      %get3A_600 = tpu.vector_load %arg9[%get3A_598, %get3A_599] {strides = array<i32>} : memref<32x768xf32, #tpu.memory_space<vmem>>, vector<1x16xf32>,
      %get3A_601 = vector.shape_cast %get3A_600 : vector<1x16xf32> to vector<16xf32>
      %get3A_602 = arith.index_cast %scan3A_44 : i32 to index
      %get3A_603 = arith.constant 416 : index
      %get3A_604 = tpu.vector_load %arg10[%get3A_602, %get3A_603] {strides = array<i32>} : memref<32x768xf32, #tpu.memory_space<vmem>>, vector<1x16xf32>,
      %get3A_605 = vector.shape_cast %get3A_604 : vector<1x16xf32> to vector<16xf32>
      %mul3A_606 = arith.mulf %get3A_48, %get3A_605 : vector<16xf32>
      %add3A_607 = arith.addf %get3A_601, %mul3A_606 : vector<16xf32>
      %get3A_608 = arith.index_cast %scan3A_44 : i32 to index
      %get3A_609 = arith.constant 416 : index
      %get3A_610 = tpu.vector_load %arg11[%get3A_608, %get3A_609] {strides = array<i32>} : memref<32x768xf32, #tpu.memory_space<vmem>>, vector<1x16xf32>,
      %get3A_611 = vector.shape_cast %get3A_610 : vector<1x16xf32> to vector<16xf32>
      %mul3A_612 = arith.mulf %get3A_52, %get3A_611 : vector<16xf32>
      %add3A_613 = arith.addf %add3A_607, %mul3A_612 : vector<16xf32>
      %swap3A_614 = arith.index_cast %scan3A_44 : i32 to index
      %swap3A_615 = arith.constant 416 : index
      %swap3A_616 = tpu.vector_load %arg9[%swap3A_614, %swap3A_615] {strides = array<i32>} : memref<32x768xf32, #tpu.memory_space<vmem>>, vector<1x16xf32>,
      %swap3A_617 = vector.shape_cast %swap3A_616 : vector<1x16xf32> to vector<16xf32>
      %swap3A_618 = vector.shape_cast %add3A_613 : vector<16xf32> to vector<1x16xf32>
      tpu.vector_store %arg9[%swap3A_614, %swap3A_615], %swap3A_618 {strides = array<i32>} : memref<32x768xf32, #tpu.memory_space<vmem>>, vector<1x16xf32>,
      %get3A_619 = arith.index_cast %scan3A_44 : i32 to index
      %get3A_620 = arith.constant 432 : index
      %get3A_621 = tpu.vector_load %arg9[%get3A_619, %get3A_620] {strides = array<i32>} : memref<32x768xf32, #tpu.memory_space<vmem>>, vector<1x16xf32>,
      %get3A_622 = vector.shape_cast %get3A_621 : vector<1x16xf32> to vector<16xf32>
      %get3A_623 = arith.index_cast %scan3A_44 : i32 to index
      %get3A_624 = arith.constant 432 : index
      %get3A_625 = tpu.vector_load %arg10[%get3A_623, %get3A_624] {strides = array<i32>} : memref<32x768xf32, #tpu.memory_space<vmem>>, vector<1x16xf32>,
      %get3A_626 = vector.shape_cast %get3A_625 : vector<1x16xf32> to vector<16xf32>
      %mul3A_627 = arith.mulf %get3A_48, %get3A_626 : vector<16xf32>
      %add3A_628 = arith.addf %get3A_622, %mul3A_627 : vector<16xf32>
      %get3A_629 = arith.index_cast %scan3A_44 : i32 to index
      %get3A_630 = arith.constant 432 : index
      %get3A_631 = tpu.vector_load %arg11[%get3A_629, %get3A_630] {strides = array<i32>} : memref<32x768xf32, #tpu.memory_space<vmem>>, vector<1x16xf32>,
      %get3A_632 = vector.shape_cast %get3A_631 : vector<1x16xf32> to vector<16xf32>
      %mul3A_633 = arith.mulf %get3A_52, %get3A_632 : vector<16xf32>
      %add3A_634 = arith.addf %add3A_628, %mul3A_633 : vector<16xf32>
      %swap3A_635 = arith.index_cast %scan3A_44 : i32 to index
      %swap3A_636 = arith.constant 432 : index
      %swap3A_637 = tpu.vector_load %arg9[%swap3A_635, %swap3A_636] {strides = array<i32>} : memref<32x768xf32, #tpu.memory_space<vmem>>, vector<1x16xf32>,
      %swap3A_638 = vector.shape_cast %swap3A_637 : vector<1x16xf32> to vector<16xf32>
      %swap3A_639 = vector.shape_cast %add3A_634 : vector<16xf32> to vector<1x16xf32>
      tpu.vector_store %arg9[%swap3A_635, %swap3A_636], %swap3A_639 {strides = array<i32>} : memref<32x768xf32, #tpu.memory_space<vmem>>, vector<1x16xf32>,
      %get3A_640 = arith.index_cast %scan3A_44 : i32 to index
      %get3A_641 = arith.constant 448 : index
      %get3A_642 = tpu.vector_load %arg9[%get3A_640, %get3A_641] {strides = array<i32>} : memref<32x768xf32, #tpu.memory_space<vmem>>, vector<1x16xf32>,
      %get3A_643 = vector.shape_cast %get3A_642 : vector<1x16xf32> to vector<16xf32>
      %get3A_644 = arith.index_cast %scan3A_44 : i32 to index
      %get3A_645 = arith.constant 448 : index
      %get3A_646 = tpu.vector_load %arg10[%get3A_644, %get3A_645] {strides = array<i32>} : memref<32x768xf32, #tpu.memory_space<vmem>>, vector<1x16xf32>,
      %get3A_647 = vector.shape_cast %get3A_646 : vector<1x16xf32> to vector<16xf32>
      %mul3A_648 = arith.mulf %get3A_48, %get3A_647 : vector<16xf32>
      %add3A_649 = arith.addf %get3A_643, %mul3A_648 : vector<16xf32>
      %get3A_650 = arith.index_cast %scan3A_44 : i32 to index
      %get3A_651 = arith.constant 448 : index
      %get3A_652 = tpu.vector_load %arg11[%get3A_650, %get3A_651] {strides = array<i32>} : memref<32x768xf32, #tpu.memory_space<vmem>>, vector<1x16xf32>,
      %get3A_653 = vector.shape_cast %get3A_652 : vector<1x16xf32> to vector<16xf32>
      %mul3A_654 = arith.mulf %get3A_52, %get3A_653 : vector<16xf32>
      %add3A_655 = arith.addf %add3A_649, %mul3A_654 : vector<16xf32>
      %swap3A_656 = arith.index_cast %scan3A_44 : i32 to index
      %swap3A_657 = arith.constant 448 : index
      %swap3A_658 = tpu.vector_load %arg9[%swap3A_656, %swap3A_657] {strides = array<i32>} : memref<32x768xf32, #tpu.memory_space<vmem>>, vector<1x16xf32>,
      %swap3A_659 = vector.shape_cast %swap3A_658 : vector<1x16xf32> to vector<16xf32>
      %swap3A_660 = vector.shape_cast %add3A_655 : vector<16xf32> to vector<1x16xf32>
      tpu.vector_store %arg9[%swap3A_656, %swap3A_657], %swap3A_660 {strides = array<i32>} : memref<32x768xf32, #tpu.memory_space<vmem>>, vector<1x16xf32>,
      %get3A_661 = arith.index_cast %scan3A_44 : i32 to index
      %get3A_662 = arith.constant 464 : index
      %get3A_663 = tpu.vector_load %arg9[%get3A_661, %get3A_662] {strides = array<i32>} : memref<32x768xf32, #tpu.memory_space<vmem>>, vector<1x16xf32>,
      %get3A_664 = vector.shape_cast %get3A_663 : vector<1x16xf32> to vector<16xf32>
      %get3A_665 = arith.index_cast %scan3A_44 : i32 to index
      %get3A_666 = arith.constant 464 : index
      %get3A_667 = tpu.vector_load %arg10[%get3A_665, %get3A_666] {strides = array<i32>} : memref<32x768xf32, #tpu.memory_space<vmem>>, vector<1x16xf32>,
      %get3A_668 = vector.shape_cast %get3A_667 : vector<1x16xf32> to vector<16xf32>
      %mul3A_669 = arith.mulf %get3A_48, %get3A_668 : vector<16xf32>
      %add3A_670 = arith.addf %get3A_664, %mul3A_669 : vector<16xf32>
      %get3A_671 = arith.index_cast %scan3A_44 : i32 to index
      %get3A_672 = arith.constant 464 : index
      %get3A_673 = tpu.vector_load %arg11[%get3A_671, %get3A_672] {strides = array<i32>} : memref<32x768xf32, #tpu.memory_space<vmem>>, vector<1x16xf32>,
      %get3A_674 = vector.shape_cast %get3A_673 : vector<1x16xf32> to vector<16xf32>
      %mul3A_675 = arith.mulf %get3A_52, %get3A_674 : vector<16xf32>
      %add3A_676 = arith.addf %add3A_670, %mul3A_675 : vector<16xf32>
      %swap3A_677 = arith.index_cast %scan3A_44 : i32 to index
      %swap3A_678 = arith.constant 464 : index
      %swap3A_679 = tpu.vector_load %arg9[%swap3A_677, %swap3A_678] {strides = array<i32>} : memref<32x768xf32, #tpu.memory_space<vmem>>, vector<1x16xf32>,
      %swap3A_680 = vector.shape_cast %swap3A_679 : vector<1x16xf32> to vector<16xf32>
      %swap3A_681 = vector.shape_cast %add3A_676 : vector<16xf32> to vector<1x16xf32>
      tpu.vector_store %arg9[%swap3A_677, %swap3A_678], %swap3A_681 {strides = array<i32>} : memref<32x768xf32, #tpu.memory_space<vmem>>, vector<1x16xf32>,
      %get3A_682 = arith.index_cast %scan3A_44 : i32 to index
      %get3A_683 = arith.constant 480 : index
      %get3A_684 = tpu.vector_load %arg9[%get3A_682, %get3A_683] {strides = array<i32>} : memref<32x768xf32, #tpu.memory_space<vmem>>, vector<1x16xf32>,
      %get3A_685 = vector.shape_cast %get3A_684 : vector<1x16xf32> to vector<16xf32>
      %get3A_686 = arith.index_cast %scan3A_44 : i32 to index
      %get3A_687 = arith.constant 480 : index
      %get3A_688 = tpu.vector_load %arg10[%get3A_686, %get3A_687] {strides = array<i32>} : memref<32x768xf32, #tpu.memory_space<vmem>>, vector<1x16xf32>,
      %get3A_689 = vector.shape_cast %get3A_688 : vector<1x16xf32> to vector<16xf32>
      %mul3A_690 = arith.mulf %get3A_48, %get3A_689 : vector<16xf32>
      %add3A_691 = arith.addf %get3A_685, %mul3A_690 : vector<16xf32>
      %get3A_692 = arith.index_cast %scan3A_44 : i32 to index
      %get3A_693 = arith.constant 480 : index
      %get3A_694 = tpu.vector_load %arg11[%get3A_692, %get3A_693] {strides = array<i32>} : memref<32x768xf32, #tpu.memory_space<vmem>>, vector<1x16xf32>,
      %get3A_695 = vector.shape_cast %get3A_694 : vector<1x16xf32> to vector<16xf32>
      %mul3A_696 = arith.mulf %get3A_52, %get3A_695 : vector<16xf32>
      %add3A_697 = arith.addf %add3A_691, %mul3A_696 : vector<16xf32>
      %swap3A_698 = arith.index_cast %scan3A_44 : i32 to index
      %swap3A_699 = arith.constant 480 : index
      %swap3A_700 = tpu.vector_load %arg9[%swap3A_698, %swap3A_699] {strides = array<i32>} : memref<32x768xf32, #tpu.memory_space<vmem>>, vector<1x16xf32>,
      %swap3A_701 = vector.shape_cast %swap3A_700 : vector<1x16xf32> to vector<16xf32>
      %swap3A_702 = vector.shape_cast %add3A_697 : vector<16xf32> to vector<1x16xf32>
      tpu.vector_store %arg9[%swap3A_698, %swap3A_699], %swap3A_702 {strides = array<i32>} : memref<32x768xf32, #tpu.memory_space<vmem>>, vector<1x16xf32>,
      %get3A_703 = arith.index_cast %scan3A_44 : i32 to index
      %get3A_704 = arith.constant 496 : index
      %get3A_705 = tpu.vector_load %arg9[%get3A_703, %get3A_704] {strides = array<i32>} : memref<32x768xf32, #tpu.memory_space<vmem>>, vector<1x16xf32>,
      %get3A_706 = vector.shape_cast %get3A_705 : vector<1x16xf32> to vector<16xf32>
      %get3A_707 = arith.index_cast %scan3A_44 : i32 to index
      %get3A_708 = arith.constant 496 : index
      %get3A_709 = tpu.vector_load %arg10[%get3A_707, %get3A_708] {strides = array<i32>} : memref<32x768xf32, #tpu.memory_space<vmem>>, vector<1x16xf32>,
      %get3A_710 = vector.shape_cast %get3A_709 : vector<1x16xf32> to vector<16xf32>
      %mul3A_711 = arith.mulf %get3A_48, %get3A_710 : vector<16xf32>
      %add3A_712 = arith.addf %get3A_706, %mul3A_711 : vector<16xf32>
      %get3A_713 = arith.index_cast %scan3A_44 : i32 to index
      %get3A_714 = arith.constant 496 : index
      %get3A_715 = tpu.vector_load %arg11[%get3A_713, %get3A_714] {strides = array<i32>} : memref<32x768xf32, #tpu.memory_space<vmem>>, vector<1x16xf32>,
      %get3A_716 = vector.shape_cast %get3A_715 : vector<1x16xf32> to vector<16xf32>
      %mul3A_717 = arith.mulf %get3A_52, %get3A_716 : vector<16xf32>
      %add3A_718 = arith.addf %add3A_712, %mul3A_717 : vector<16xf32>
      %swap3A_719 = arith.index_cast %scan3A_44 : i32 to index
      %swap3A_720 = arith.constant 496 : index
      %swap3A_721 = tpu.vector_load %arg9[%swap3A_719, %swap3A_720] {strides = array<i32>} : memref<32x768xf32, #tpu.memory_space<vmem>>, vector<1x16xf32>,
      %swap3A_722 = vector.shape_cast %swap3A_721 : vector<1x16xf32> to vector<16xf32>
      %swap3A_723 = vector.shape_cast %add3A_718 : vector<16xf32> to vector<1x16xf32>
      tpu.vector_store %arg9[%swap3A_719, %swap3A_720], %swap3A_723 {strides = array<i32>} : memref<32x768xf32, #tpu.memory_space<vmem>>, vector<1x16xf32>,
      %get3A_724 = arith.index_cast %scan3A_44 : i32 to index
      %get3A_725 = arith.constant 512 : index
      %get3A_726 = tpu.vector_load %arg9[%get3A_724, %get3A_725] {strides = array<i32>} : memref<32x768xf32, #tpu.memory_space<vmem>>, vector<1x16xf32>,
      %get3A_727 = vector.shape_cast %get3A_726 : vector<1x16xf32> to vector<16xf32>
      %get3A_728 = arith.index_cast %scan3A_44 : i32 to index
      %get3A_729 = arith.constant 512 : index
      %get3A_730 = tpu.vector_load %arg10[%get3A_728, %get3A_729] {strides = array<i32>} : memref<32x768xf32, #tpu.memory_space<vmem>>, vector<1x16xf32>,
      %get3A_731 = vector.shape_cast %get3A_730 : vector<1x16xf32> to vector<16xf32>
      %mul3A_732 = arith.mulf %get3A_48, %get3A_731 : vector<16xf32>
      %add3A_733 = arith.addf %get3A_727, %mul3A_732 : vector<16xf32>
      %get3A_734 = arith.index_cast %scan3A_44 : i32 to index
      %get3A_735 = arith.constant 512 : index
      %get3A_736 = tpu.vector_load %arg11[%get3A_734, %get3A_735] {strides = array<i32>} : memref<32x768xf32, #tpu.memory_space<vmem>>, vector<1x16xf32>,
      %get3A_737 = vector.shape_cast %get3A_736 : vector<1x16xf32> to vector<16xf32>
      %mul3A_738 = arith.mulf %get3A_52, %get3A_737 : vector<16xf32>
      %add3A_739 = arith.addf %add3A_733, %mul3A_738 : vector<16xf32>
      %swap3A_740 = arith.index_cast %scan3A_44 : i32 to index
      %swap3A_741 = arith.constant 512 : index
      %swap3A_742 = tpu.vector_load %arg9[%swap3A_740, %swap3A_741] {strides = array<i32>} : memref<32x768xf32, #tpu.memory_space<vmem>>, vector<1x16xf32>,
      %swap3A_743 = vector.shape_cast %swap3A_742 : vector<1x16xf32> to vector<16xf32>
      %swap3A_744 = vector.shape_cast %add3A_739 : vector<16xf32> to vector<1x16xf32>
      tpu.vector_store %arg9[%swap3A_740, %swap3A_741], %swap3A_744 {strides = array<i32>} : memref<32x768xf32, #tpu.memory_space<vmem>>, vector<1x16xf32>,
      %get3A_745 = arith.index_cast %scan3A_44 : i32 to index
      %get3A_746 = arith.constant 528 : index
      %get3A_747 = tpu.vector_load %arg9[%get3A_745, %get3A_746] {strides = array<i32>} : memref<32x768xf32, #tpu.memory_space<vmem>>, vector<1x16xf32>,
      %get3A_748 = vector.shape_cast %get3A_747 : vector<1x16xf32> to vector<16xf32>
      %get3A_749 = arith.index_cast %scan3A_44 : i32 to index
      %get3A_750 = arith.constant 528 : index
      %get3A_751 = tpu.vector_load %arg10[%get3A_749, %get3A_750] {strides = array<i32>} : memref<32x768xf32, #tpu.memory_space<vmem>>, vector<1x16xf32>,
      %get3A_752 = vector.shape_cast %get3A_751 : vector<1x16xf32> to vector<16xf32>
      %mul3A_753 = arith.mulf %get3A_48, %get3A_752 : vector<16xf32>
      %add3A_754 = arith.addf %get3A_748, %mul3A_753 : vector<16xf32>
      %get3A_755 = arith.index_cast %scan3A_44 : i32 to index
      %get3A_756 = arith.constant 528 : index
      %get3A_757 = tpu.vector_load %arg11[%get3A_755, %get3A_756] {strides = array<i32>} : memref<32x768xf32, #tpu.memory_space<vmem>>, vector<1x16xf32>,
      %get3A_758 = vector.shape_cast %get3A_757 : vector<1x16xf32> to vector<16xf32>
      %mul3A_759 = arith.mulf %get3A_52, %get3A_758 : vector<16xf32>
      %add3A_760 = arith.addf %add3A_754, %mul3A_759 : vector<16xf32>
      %swap3A_761 = arith.index_cast %scan3A_44 : i32 to index
      %swap3A_762 = arith.constant 528 : index
      %swap3A_763 = tpu.vector_load %arg9[%swap3A_761, %swap3A_762] {strides = array<i32>} : memref<32x768xf32, #tpu.memory_space<vmem>>, vector<1x16xf32>,
      %swap3A_764 = vector.shape_cast %swap3A_763 : vector<1x16xf32> to vector<16xf32>
      %swap3A_765 = vector.shape_cast %add3A_760 : vector<16xf32> to vector<1x16xf32>
      tpu.vector_store %arg9[%swap3A_761, %swap3A_762], %swap3A_765 {strides = array<i32>} : memref<32x768xf32, #tpu.memory_space<vmem>>, vector<1x16xf32>,
      %get3A_766 = arith.index_cast %scan3A_44 : i32 to index
      %get3A_767 = arith.constant 544 : index
      %get3A_768 = tpu.vector_load %arg9[%get3A_766, %get3A_767] {strides = array<i32>} : memref<32x768xf32, #tpu.memory_space<vmem>>, vector<1x16xf32>,
      %get3A_769 = vector.shape_cast %get3A_768 : vector<1x16xf32> to vector<16xf32>
      %get3A_770 = arith.index_cast %scan3A_44 : i32 to index
      %get3A_771 = arith.constant 544 : index
      %get3A_772 = tpu.vector_load %arg10[%get3A_770, %get3A_771] {strides = array<i32>} : memref<32x768xf32, #tpu.memory_space<vmem>>, vector<1x16xf32>,
      %get3A_773 = vector.shape_cast %get3A_772 : vector<1x16xf32> to vector<16xf32>
      %mul3A_774 = arith.mulf %get3A_48, %get3A_773 : vector<16xf32>
      %add3A_775 = arith.addf %get3A_769, %mul3A_774 : vector<16xf32>
      %get3A_776 = arith.index_cast %scan3A_44 : i32 to index
      %get3A_777 = arith.constant 544 : index
      %get3A_778 = tpu.vector_load %arg11[%get3A_776, %get3A_777] {strides = array<i32>} : memref<32x768xf32, #tpu.memory_space<vmem>>, vector<1x16xf32>,
      %get3A_779 = vector.shape_cast %get3A_778 : vector<1x16xf32> to vector<16xf32>
      %mul3A_780 = arith.mulf %get3A_52, %get3A_779 : vector<16xf32>
      %add3A_781 = arith.addf %add3A_775, %mul3A_780 : vector<16xf32>
      %swap3A_782 = arith.index_cast %scan3A_44 : i32 to index
      %swap3A_783 = arith.constant 544 : index
      %swap3A_784 = tpu.vector_load %arg9[%swap3A_782, %swap3A_783] {strides = array<i32>} : memref<32x768xf32, #tpu.memory_space<vmem>>, vector<1x16xf32>,
      %swap3A_785 = vector.shape_cast %swap3A_784 : vector<1x16xf32> to vector<16xf32>
      %swap3A_786 = vector.shape_cast %add3A_781 : vector<16xf32> to vector<1x16xf32>
      tpu.vector_store %arg9[%swap3A_782, %swap3A_783], %swap3A_786 {strides = array<i32>} : memref<32x768xf32, #tpu.memory_space<vmem>>, vector<1x16xf32>,
      %get3A_787 = arith.index_cast %scan3A_44 : i32 to index
      %get3A_788 = arith.constant 560 : index
      %get3A_789 = tpu.vector_load %arg9[%get3A_787, %get3A_788] {strides = array<i32>} : memref<32x768xf32, #tpu.memory_space<vmem>>, vector<1x16xf32>,
      %get3A_790 = vector.shape_cast %get3A_789 : vector<1x16xf32> to vector<16xf32>
      %get3A_791 = arith.index_cast %scan3A_44 : i32 to index
      %get3A_792 = arith.constant 560 : index
      %get3A_793 = tpu.vector_load %arg10[%get3A_791, %get3A_792] {strides = array<i32>} : memref<32x768xf32, #tpu.memory_space<vmem>>, vector<1x16xf32>,
      %get3A_794 = vector.shape_cast %get3A_793 : vector<1x16xf32> to vector<16xf32>
      %mul3A_795 = arith.mulf %get3A_48, %get3A_794 : vector<16xf32>
      %add3A_796 = arith.addf %get3A_790, %mul3A_795 : vector<16xf32>
      %get3A_797 = arith.index_cast %scan3A_44 : i32 to index
      %get3A_798 = arith.constant 560 : index
      %get3A_799 = tpu.vector_load %arg11[%get3A_797, %get3A_798] {strides = array<i32>} : memref<32x768xf32, #tpu.memory_space<vmem>>, vector<1x16xf32>,
      %get3A_800 = vector.shape_cast %get3A_799 : vector<1x16xf32> to vector<16xf32>
      %mul3A_801 = arith.mulf %get3A_52, %get3A_800 : vector<16xf32>
      %add3A_802 = arith.addf %add3A_796, %mul3A_801 : vector<16xf32>
      %swap3A_803 = arith.index_cast %scan3A_44 : i32 to index
      %swap3A_804 = arith.constant 560 : index
      %swap3A_805 = tpu.vector_load %arg9[%swap3A_803, %swap3A_804] {strides = array<i32>} : memref<32x768xf32, #tpu.memory_space<vmem>>, vector<1x16xf32>,
      %swap3A_806 = vector.shape_cast %swap3A_805 : vector<1x16xf32> to vector<16xf32>
      %swap3A_807 = vector.shape_cast %add3A_802 : vector<16xf32> to vector<1x16xf32>
      tpu.vector_store %arg9[%swap3A_803, %swap3A_804], %swap3A_807 {strides = array<i32>} : memref<32x768xf32, #tpu.memory_space<vmem>>, vector<1x16xf32>,
      %get3A_808 = arith.index_cast %scan3A_44 : i32 to index
      %get3A_809 = arith.constant 576 : index
      %get3A_810 = tpu.vector_load %arg9[%get3A_808, %get3A_809] {strides = array<i32>} : memref<32x768xf32, #tpu.memory_space<vmem>>, vector<1x16xf32>,
      %get3A_811 = vector.shape_cast %get3A_810 : vector<1x16xf32> to vector<16xf32>
      %get3A_812 = arith.index_cast %scan3A_44 : i32 to index
      %get3A_813 = arith.constant 576 : index
      %get3A_814 = tpu.vector_load %arg10[%get3A_812, %get3A_813] {strides = array<i32>} : memref<32x768xf32, #tpu.memory_space<vmem>>, vector<1x16xf32>,
      %get3A_815 = vector.shape_cast %get3A_814 : vector<1x16xf32> to vector<16xf32>
      %mul3A_816 = arith.mulf %get3A_48, %get3A_815 : vector<16xf32>
      %add3A_817 = arith.addf %get3A_811, %mul3A_816 : vector<16xf32>
      %get3A_818 = arith.index_cast %scan3A_44 : i32 to index
      %get3A_819 = arith.constant 576 : index
      %get3A_820 = tpu.vector_load %arg11[%get3A_818, %get3A_819] {strides = array<i32>} : memref<32x768xf32, #tpu.memory_space<vmem>>, vector<1x16xf32>,
      %get3A_821 = vector.shape_cast %get3A_820 : vector<1x16xf32> to vector<16xf32>
      %mul3A_822 = arith.mulf %get3A_52, %get3A_821 : vector<16xf32>
      %add3A_823 = arith.addf %add3A_817, %mul3A_822 : vector<16xf32>
      %swap3A_824 = arith.index_cast %scan3A_44 : i32 to index
      %swap3A_825 = arith.constant 576 : index
      %swap3A_826 = tpu.vector_load %arg9[%swap3A_824, %swap3A_825] {strides = array<i32>} : memref<32x768xf32, #tpu.memory_space<vmem>>, vector<1x16xf32>,
      %swap3A_827 = vector.shape_cast %swap3A_826 : vector<1x16xf32> to vector<16xf32>
      %swap3A_828 = vector.shape_cast %add3A_823 : vector<16xf32> to vector<1x16xf32>
      tpu.vector_store %arg9[%swap3A_824, %swap3A_825], %swap3A_828 {strides = array<i32>} : memref<32x768xf32, #tpu.memory_space<vmem>>, vector<1x16xf32>,
      %get3A_829 = arith.index_cast %scan3A_44 : i32 to index
      %get3A_830 = arith.constant 592 : index
      %get3A_831 = tpu.vector_load %arg9[%get3A_829, %get3A_830] {strides = array<i32>} : memref<32x768xf32, #tpu.memory_space<vmem>>, vector<1x16xf32>,
      %get3A_832 = vector.shape_cast %get3A_831 : vector<1x16xf32> to vector<16xf32>
      %get3A_833 = arith.index_cast %scan3A_44 : i32 to index
      %get3A_834 = arith.constant 592 : index
      %get3A_835 = tpu.vector_load %arg10[%get3A_833, %get3A_834] {strides = array<i32>} : memref<32x768xf32, #tpu.memory_space<vmem>>, vector<1x16xf32>,
      %get3A_836 = vector.shape_cast %get3A_835 : vector<1x16xf32> to vector<16xf32>
      %mul3A_837 = arith.mulf %get3A_48, %get3A_836 : vector<16xf32>
      %add3A_838 = arith.addf %get3A_832, %mul3A_837 : vector<16xf32>
      %get3A_839 = arith.index_cast %scan3A_44 : i32 to index
      %get3A_840 = arith.constant 592 : index
      %get3A_841 = tpu.vector_load %arg11[%get3A_839, %get3A_840] {strides = array<i32>} : memref<32x768xf32, #tpu.memory_space<vmem>>, vector<1x16xf32>,
      %get3A_842 = vector.shape_cast %get3A_841 : vector<1x16xf32> to vector<16xf32>
      %mul3A_843 = arith.mulf %get3A_52, %get3A_842 : vector<16xf32>
      %add3A_844 = arith.addf %add3A_838, %mul3A_843 : vector<16xf32>
      %swap3A_845 = arith.index_cast %scan3A_44 : i32 to index
      %swap3A_846 = arith.constant 592 : index
      %swap3A_847 = tpu.vector_load %arg9[%swap3A_845, %swap3A_846] {strides = array<i32>} : memref<32x768xf32, #tpu.memory_space<vmem>>, vector<1x16xf32>,
      %swap3A_848 = vector.shape_cast %swap3A_847 : vector<1x16xf32> to vector<16xf32>
      %swap3A_849 = vector.shape_cast %add3A_844 : vector<16xf32> to vector<1x16xf32>
      tpu.vector_store %arg9[%swap3A_845, %swap3A_846], %swap3A_849 {strides = array<i32>} : memref<32x768xf32, #tpu.memory_space<vmem>>, vector<1x16xf32>,
      %get3A_850 = arith.index_cast %scan3A_44 : i32 to index
      %get3A_851 = arith.constant 608 : index
      %get3A_852 = tpu.vector_load %arg9[%get3A_850, %get3A_851] {strides = array<i32>} : memref<32x768xf32, #tpu.memory_space<vmem>>, vector<1x16xf32>,
      %get3A_853 = vector.shape_cast %get3A_852 : vector<1x16xf32> to vector<16xf32>
      %get3A_854 = arith.index_cast %scan3A_44 : i32 to index
      %get3A_855 = arith.constant 608 : index
      %get3A_856 = tpu.vector_load %arg10[%get3A_854, %get3A_855] {strides = array<i32>} : memref<32x768xf32, #tpu.memory_space<vmem>>, vector<1x16xf32>,
      %get3A_857 = vector.shape_cast %get3A_856 : vector<1x16xf32> to vector<16xf32>
      %mul3A_858 = arith.mulf %get3A_48, %get3A_857 : vector<16xf32>
      %add3A_859 = arith.addf %get3A_853, %mul3A_858 : vector<16xf32>
      %get3A_860 = arith.index_cast %scan3A_44 : i32 to index
      %get3A_861 = arith.constant 608 : index
      %get3A_862 = tpu.vector_load %arg11[%get3A_860, %get3A_861] {strides = array<i32>} : memref<32x768xf32, #tpu.memory_space<vmem>>, vector<1x16xf32>,
      %get3A_863 = vector.shape_cast %get3A_862 : vector<1x16xf32> to vector<16xf32>
      %mul3A_864 = arith.mulf %get3A_52, %get3A_863 : vector<16xf32>
      %add3A_865 = arith.addf %add3A_859, %mul3A_864 : vector<16xf32>
      %swap3A_866 = arith.index_cast %scan3A_44 : i32 to index
      %swap3A_867 = arith.constant 608 : index
      %swap3A_868 = tpu.vector_load %arg9[%swap3A_866, %swap3A_867] {strides = array<i32>} : memref<32x768xf32, #tpu.memory_space<vmem>>, vector<1x16xf32>,
      %swap3A_869 = vector.shape_cast %swap3A_868 : vector<1x16xf32> to vector<16xf32>
      %swap3A_870 = vector.shape_cast %add3A_865 : vector<16xf32> to vector<1x16xf32>
      tpu.vector_store %arg9[%swap3A_866, %swap3A_867], %swap3A_870 {strides = array<i32>} : memref<32x768xf32, #tpu.memory_space<vmem>>, vector<1x16xf32>,
      %get3A_871 = arith.index_cast %scan3A_44 : i32 to index
      %get3A_872 = arith.constant 624 : index
      %get3A_873 = tpu.vector_load %arg9[%get3A_871, %get3A_872] {strides = array<i32>} : memref<32x768xf32, #tpu.memory_space<vmem>>, vector<1x16xf32>,
      %get3A_874 = vector.shape_cast %get3A_873 : vector<1x16xf32> to vector<16xf32>
      %get3A_875 = arith.index_cast %scan3A_44 : i32 to index
      %get3A_876 = arith.constant 624 : index
      %get3A_877 = tpu.vector_load %arg10[%get3A_875, %get3A_876] {strides = array<i32>} : memref<32x768xf32, #tpu.memory_space<vmem>>, vector<1x16xf32>,
      %get3A_878 = vector.shape_cast %get3A_877 : vector<1x16xf32> to vector<16xf32>
      %mul3A_879 = arith.mulf %get3A_48, %get3A_878 : vector<16xf32>
      %add3A_880 = arith.addf %get3A_874, %mul3A_879 : vector<16xf32>
      %get3A_881 = arith.index_cast %scan3A_44 : i32 to index
      %get3A_882 = arith.constant 624 : index
      %get3A_883 = tpu.vector_load %arg11[%get3A_881, %get3A_882] {strides = array<i32>} : memref<32x768xf32, #tpu.memory_space<vmem>>, vector<1x16xf32>,
      %get3A_884 = vector.shape_cast %get3A_883 : vector<1x16xf32> to vector<16xf32>
      %mul3A_885 = arith.mulf %get3A_52, %get3A_884 : vector<16xf32>
      %add3A_886 = arith.addf %add3A_880, %mul3A_885 : vector<16xf32>
      %swap3A_887 = arith.index_cast %scan3A_44 : i32 to index
      %swap3A_888 = arith.constant 624 : index
      %swap3A_889 = tpu.vector_load %arg9[%swap3A_887, %swap3A_888] {strides = array<i32>} : memref<32x768xf32, #tpu.memory_space<vmem>>, vector<1x16xf32>,
      %swap3A_890 = vector.shape_cast %swap3A_889 : vector<1x16xf32> to vector<16xf32>
      %swap3A_891 = vector.shape_cast %add3A_886 : vector<16xf32> to vector<1x16xf32>
      tpu.vector_store %arg9[%swap3A_887, %swap3A_888], %swap3A_891 {strides = array<i32>} : memref<32x768xf32, #tpu.memory_space<vmem>>, vector<1x16xf32>,
      %get3A_892 = arith.index_cast %scan3A_44 : i32 to index
      %get3A_893 = arith.constant 640 : index
      %get3A_894 = tpu.vector_load %arg9[%get3A_892, %get3A_893] {strides = array<i32>} : memref<32x768xf32, #tpu.memory_space<vmem>>, vector<1x16xf32>,
      %get3A_895 = vector.shape_cast %get3A_894 : vector<1x16xf32> to vector<16xf32>
      %get3A_896 = arith.index_cast %scan3A_44 : i32 to index
      %get3A_897 = arith.constant 640 : index
      %get3A_898 = tpu.vector_load %arg10[%get3A_896, %get3A_897] {strides = array<i32>} : memref<32x768xf32, #tpu.memory_space<vmem>>, vector<1x16xf32>,
      %get3A_899 = vector.shape_cast %get3A_898 : vector<1x16xf32> to vector<16xf32>
      %mul3A_900 = arith.mulf %get3A_48, %get3A_899 : vector<16xf32>
      %add3A_901 = arith.addf %get3A_895, %mul3A_900 : vector<16xf32>
      %get3A_902 = arith.index_cast %scan3A_44 : i32 to index
      %get3A_903 = arith.constant 640 : index
      %get3A_904 = tpu.vector_load %arg11[%get3A_902, %get3A_903] {strides = array<i32>} : memref<32x768xf32, #tpu.memory_space<vmem>>, vector<1x16xf32>,
      %get3A_905 = vector.shape_cast %get3A_904 : vector<1x16xf32> to vector<16xf32>
      %mul3A_906 = arith.mulf %get3A_52, %get3A_905 : vector<16xf32>
      %add3A_907 = arith.addf %add3A_901, %mul3A_906 : vector<16xf32>
      %swap3A_908 = arith.index_cast %scan3A_44 : i32 to index
      %swap3A_909 = arith.constant 640 : index
      %swap3A_910 = tpu.vector_load %arg9[%swap3A_908, %swap3A_909] {strides = array<i32>} : memref<32x768xf32, #tpu.memory_space<vmem>>, vector<1x16xf32>,
      %swap3A_911 = vector.shape_cast %swap3A_910 : vector<1x16xf32> to vector<16xf32>
      %swap3A_912 = vector.shape_cast %add3A_907 : vector<16xf32> to vector<1x16xf32>
      tpu.vector_store %arg9[%swap3A_908, %swap3A_909], %swap3A_912 {strides = array<i32>} : memref<32x768xf32, #tpu.memory_space<vmem>>, vector<1x16xf32>,
      %get3A_913 = arith.index_cast %scan3A_44 : i32 to index
      %get3A_914 = arith.constant 656 : index
      %get3A_915 = tpu.vector_load %arg9[%get3A_913, %get3A_914] {strides = array<i32>} : memref<32x768xf32, #tpu.memory_space<vmem>>, vector<1x16xf32>,
      %get3A_916 = vector.shape_cast %get3A_915 : vector<1x16xf32> to vector<16xf32>
      %get3A_917 = arith.index_cast %scan3A_44 : i32 to index
      %get3A_918 = arith.constant 656 : index
      %get3A_919 = tpu.vector_load %arg10[%get3A_917, %get3A_918] {strides = array<i32>} : memref<32x768xf32, #tpu.memory_space<vmem>>, vector<1x16xf32>,
      %get3A_920 = vector.shape_cast %get3A_919 : vector<1x16xf32> to vector<16xf32>
      %mul3A_921 = arith.mulf %get3A_48, %get3A_920 : vector<16xf32>
      %add3A_922 = arith.addf %get3A_916, %mul3A_921 : vector<16xf32>
      %get3A_923 = arith.index_cast %scan3A_44 : i32 to index
      %get3A_924 = arith.constant 656 : index
      %get3A_925 = tpu.vector_load %arg11[%get3A_923, %get3A_924] {strides = array<i32>} : memref<32x768xf32, #tpu.memory_space<vmem>>, vector<1x16xf32>,
      %get3A_926 = vector.shape_cast %get3A_925 : vector<1x16xf32> to vector<16xf32>
      %mul3A_927 = arith.mulf %get3A_52, %get3A_926 : vector<16xf32>
      %add3A_928 = arith.addf %add3A_922, %mul3A_927 : vector<16xf32>
      %swap3A_929 = arith.index_cast %scan3A_44 : i32 to index
      %swap3A_930 = arith.constant 656 : index
      %swap3A_931 = tpu.vector_load %arg9[%swap3A_929, %swap3A_930] {strides = array<i32>} : memref<32x768xf32, #tpu.memory_space<vmem>>, vector<1x16xf32>,
      %swap3A_932 = vector.shape_cast %swap3A_931 : vector<1x16xf32> to vector<16xf32>
      %swap3A_933 = vector.shape_cast %add3A_928 : vector<16xf32> to vector<1x16xf32>
      tpu.vector_store %arg9[%swap3A_929, %swap3A_930], %swap3A_933 {strides = array<i32>} : memref<32x768xf32, #tpu.memory_space<vmem>>, vector<1x16xf32>,
      %get3A_934 = arith.index_cast %scan3A_44 : i32 to index
      %get3A_935 = arith.constant 672 : index
      %get3A_936 = tpu.vector_load %arg9[%get3A_934, %get3A_935] {strides = array<i32>} : memref<32x768xf32, #tpu.memory_space<vmem>>, vector<1x16xf32>,
      %get3A_937 = vector.shape_cast %get3A_936 : vector<1x16xf32> to vector<16xf32>
      %get3A_938 = arith.index_cast %scan3A_44 : i32 to index
      %get3A_939 = arith.constant 672 : index
      %get3A_940 = tpu.vector_load %arg10[%get3A_938, %get3A_939] {strides = array<i32>} : memref<32x768xf32, #tpu.memory_space<vmem>>, vector<1x16xf32>,
      %get3A_941 = vector.shape_cast %get3A_940 : vector<1x16xf32> to vector<16xf32>
      %mul3A_942 = arith.mulf %get3A_48, %get3A_941 : vector<16xf32>
      %add3A_943 = arith.addf %get3A_937, %mul3A_942 : vector<16xf32>
      %get3A_944 = arith.index_cast %scan3A_44 : i32 to index
      %get3A_945 = arith.constant 672 : index
      %get3A_946 = tpu.vector_load %arg11[%get3A_944, %get3A_945] {strides = array<i32>} : memref<32x768xf32, #tpu.memory_space<vmem>>, vector<1x16xf32>,
      %get3A_947 = vector.shape_cast %get3A_946 : vector<1x16xf32> to vector<16xf32>
      %mul3A_948 = arith.mulf %get3A_52, %get3A_947 : vector<16xf32>
      %add3A_949 = arith.addf %add3A_943, %mul3A_948 : vector<16xf32>
      %swap3A_950 = arith.index_cast %scan3A_44 : i32 to index
      %swap3A_951 = arith.constant 672 : index
      %swap3A_952 = tpu.vector_load %arg9[%swap3A_950, %swap3A_951] {strides = array<i32>} : memref<32x768xf32, #tpu.memory_space<vmem>>, vector<1x16xf32>,
      %swap3A_953 = vector.shape_cast %swap3A_952 : vector<1x16xf32> to vector<16xf32>
      %swap3A_954 = vector.shape_cast %add3A_949 : vector<16xf32> to vector<1x16xf32>
      tpu.vector_store %arg9[%swap3A_950, %swap3A_951], %swap3A_954 {strides = array<i32>} : memref<32x768xf32, #tpu.memory_space<vmem>>, vector<1x16xf32>,
      %get3A_955 = arith.index_cast %scan3A_44 : i32 to index
      %get3A_956 = arith.constant 688 : index
      %get3A_957 = tpu.vector_load %arg9[%get3A_955, %get3A_956] {strides = array<i32>} : memref<32x768xf32, #tpu.memory_space<vmem>>, vector<1x16xf32>,
      %get3A_958 = vector.shape_cast %get3A_957 : vector<1x16xf32> to vector<16xf32>
      %get3A_959 = arith.index_cast %scan3A_44 : i32 to index
      %get3A_960 = arith.constant 688 : index
      %get3A_961 = tpu.vector_load %arg10[%get3A_959, %get3A_960] {strides = array<i32>} : memref<32x768xf32, #tpu.memory_space<vmem>>, vector<1x16xf32>,
      %get3A_962 = vector.shape_cast %get3A_961 : vector<1x16xf32> to vector<16xf32>
      %mul3A_963 = arith.mulf %get3A_48, %get3A_962 : vector<16xf32>
      %add3A_964 = arith.addf %get3A_958, %mul3A_963 : vector<16xf32>
      %get3A_965 = arith.index_cast %scan3A_44 : i32 to index
      %get3A_966 = arith.constant 688 : index
      %get3A_967 = tpu.vector_load %arg11[%get3A_965, %get3A_966] {strides = array<i32>} : memref<32x768xf32, #tpu.memory_space<vmem>>, vector<1x16xf32>,
      %get3A_968 = vector.shape_cast %get3A_967 : vector<1x16xf32> to vector<16xf32>
      %mul3A_969 = arith.mulf %get3A_52, %get3A_968 : vector<16xf32>
      %add3A_970 = arith.addf %add3A_964, %mul3A_969 : vector<16xf32>
      %swap3A_971 = arith.index_cast %scan3A_44 : i32 to index
      %swap3A_972 = arith.constant 688 : index
      %swap3A_973 = tpu.vector_load %arg9[%swap3A_971, %swap3A_972] {strides = array<i32>} : memref<32x768xf32, #tpu.memory_space<vmem>>, vector<1x16xf32>,
      %swap3A_974 = vector.shape_cast %swap3A_973 : vector<1x16xf32> to vector<16xf32>
      %swap3A_975 = vector.shape_cast %add3A_970 : vector<16xf32> to vector<1x16xf32>
      tpu.vector_store %arg9[%swap3A_971, %swap3A_972], %swap3A_975 {strides = array<i32>} : memref<32x768xf32, #tpu.memory_space<vmem>>, vector<1x16xf32>,
      %get3A_976 = arith.index_cast %scan3A_44 : i32 to index
      %get3A_977 = arith.constant 704 : index
      %get3A_978 = tpu.vector_load %arg9[%get3A_976, %get3A_977] {strides = array<i32>} : memref<32x768xf32, #tpu.memory_space<vmem>>, vector<1x16xf32>,
      %get3A_979 = vector.shape_cast %get3A_978 : vector<1x16xf32> to vector<16xf32>
      %get3A_980 = arith.index_cast %scan3A_44 : i32 to index
      %get3A_981 = arith.constant 704 : index
      %get3A_982 = tpu.vector_load %arg10[%get3A_980, %get3A_981] {strides = array<i32>} : memref<32x768xf32, #tpu.memory_space<vmem>>, vector<1x16xf32>,
      %get3A_983 = vector.shape_cast %get3A_982 : vector<1x16xf32> to vector<16xf32>
      %mul3A_984 = arith.mulf %get3A_48, %get3A_983 : vector<16xf32>
      %add3A_985 = arith.addf %get3A_979, %mul3A_984 : vector<16xf32>
      %get3A_986 = arith.index_cast %scan3A_44 : i32 to index
      %get3A_987 = arith.constant 704 : index
      %get3A_988 = tpu.vector_load %arg11[%get3A_986, %get3A_987] {strides = array<i32>} : memref<32x768xf32, #tpu.memory_space<vmem>>, vector<1x16xf32>,
      %get3A_989 = vector.shape_cast %get3A_988 : vector<1x16xf32> to vector<16xf32>
      %mul3A_990 = arith.mulf %get3A_52, %get3A_989 : vector<16xf32>
      %add3A_991 = arith.addf %add3A_985, %mul3A_990 : vector<16xf32>
      %swap3A_992 = arith.index_cast %scan3A_44 : i32 to index
      %swap3A_993 = arith.constant 704 : index
      %swap3A_994 = tpu.vector_load %arg9[%swap3A_992, %swap3A_993] {strides = array<i32>} : memref<32x768xf32, #tpu.memory_space<vmem>>, vector<1x16xf32>,
      %swap3A_995 = vector.shape_cast %swap3A_994 : vector<1x16xf32> to vector<16xf32>
      %swap3A_996 = vector.shape_cast %add3A_991 : vector<16xf32> to vector<1x16xf32>
      tpu.vector_store %arg9[%swap3A_992, %swap3A_993], %swap3A_996 {strides = array<i32>} : memref<32x768xf32, #tpu.memory_space<vmem>>, vector<1x16xf32>,
      %get3A_997 = arith.index_cast %scan3A_44 : i32 to index
      %get3A_998 = arith.constant 720 : index
      %get3A_999 = tpu.vector_load %arg9[%get3A_997, %get3A_998] {strides = array<i32>} : memref<32x768xf32, #tpu.memory_space<vmem>>, vector<1x16xf32>,
      %get3A_1000 = vector.shape_cast %get3A_999 : vector<1x16xf32> to vector<16xf32>
      %get3A_1001 = arith.index_cast %scan3A_44 : i32 to index
      %get3A_1002 = arith.constant 720 : index
      %get3A_1003 = tpu.vector_load %arg10[%get3A_1001, %get3A_1002] {strides = array<i32>} : memref<32x768xf32, #tpu.memory_space<vmem>>, vector<1x16xf32>,
      %get3A_1004 = vector.shape_cast %get3A_1003 : vector<1x16xf32> to vector<16xf32>
      %mul3A_1005 = arith.mulf %get3A_48, %get3A_1004 : vector<16xf32>
      %add3A_1006 = arith.addf %get3A_1000, %mul3A_1005 : vector<16xf32>
      %get3A_1007 = arith.index_cast %scan3A_44 : i32 to index
      %get3A_1008 = arith.constant 720 : index
      %get3A_1009 = tpu.vector_load %arg11[%get3A_1007, %get3A_1008] {strides = array<i32>} : memref<32x768xf32, #tpu.memory_space<vmem>>, vector<1x16xf32>,
      %get3A_1010 = vector.shape_cast %get3A_1009 : vector<1x16xf32> to vector<16xf32>
      %mul3A_1011 = arith.mulf %get3A_52, %get3A_1010 : vector<16xf32>
      %add3A_1012 = arith.addf %add3A_1006, %mul3A_1011 : vector<16xf32>
      %swap3A_1013 = arith.index_cast %scan3A_44 : i32 to index
      %swap3A_1014 = arith.constant 720 : index
      %swap3A_1015 = tpu.vector_load %arg9[%swap3A_1013, %swap3A_1014] {strides = array<i32>} : memref<32x768xf32, #tpu.memory_space<vmem>>, vector<1x16xf32>,
      %swap3A_1016 = vector.shape_cast %swap3A_1015 : vector<1x16xf32> to vector<16xf32>
      %swap3A_1017 = vector.shape_cast %add3A_1012 : vector<16xf32> to vector<1x16xf32>
      tpu.vector_store %arg9[%swap3A_1013, %swap3A_1014], %swap3A_1017 {strides = array<i32>} : memref<32x768xf32, #tpu.memory_space<vmem>>, vector<1x16xf32>,
      %get3A_1018 = arith.index_cast %scan3A_44 : i32 to index
      %get3A_1019 = arith.constant 736 : index
      %get3A_1020 = tpu.vector_load %arg9[%get3A_1018, %get3A_1019] {strides = array<i32>} : memref<32x768xf32, #tpu.memory_space<vmem>>, vector<1x16xf32>,
      %get3A_1021 = vector.shape_cast %get3A_1020 : vector<1x16xf32> to vector<16xf32>
      %get3A_1022 = arith.index_cast %scan3A_44 : i32 to index
      %get3A_1023 = arith.constant 736 : index
      %get3A_1024 = tpu.vector_load %arg10[%get3A_1022, %get3A_1023] {strides = array<i32>} : memref<32x768xf32, #tpu.memory_space<vmem>>, vector<1x16xf32>,
      %get3A_1025 = vector.shape_cast %get3A_1024 : vector<1x16xf32> to vector<16xf32>
      %mul3A_1026 = arith.mulf %get3A_48, %get3A_1025 : vector<16xf32>
      %add3A_1027 = arith.addf %get3A_1021, %mul3A_1026 : vector<16xf32>
      %get3A_1028 = arith.index_cast %scan3A_44 : i32 to index
      %get3A_1029 = arith.constant 736 : index
      %get3A_1030 = tpu.vector_load %arg11[%get3A_1028, %get3A_1029] {strides = array<i32>} : memref<32x768xf32, #tpu.memory_space<vmem>>, vector<1x16xf32>,
      %get3A_1031 = vector.shape_cast %get3A_1030 : vector<1x16xf32> to vector<16xf32>
      %mul3A_1032 = arith.mulf %get3A_52, %get3A_1031 : vector<16xf32>
      %add3A_1033 = arith.addf %add3A_1027, %mul3A_1032 : vector<16xf32>
      %swap3A_1034 = arith.index_cast %scan3A_44 : i32 to index
      %swap3A_1035 = arith.constant 736 : index
      %swap3A_1036 = tpu.vector_load %arg9[%swap3A_1034, %swap3A_1035] {strides = array<i32>} : memref<32x768xf32, #tpu.memory_space<vmem>>, vector<1x16xf32>,
      %swap3A_1037 = vector.shape_cast %swap3A_1036 : vector<1x16xf32> to vector<16xf32>
      %swap3A_1038 = vector.shape_cast %add3A_1033 : vector<16xf32> to vector<1x16xf32>
      tpu.vector_store %arg9[%swap3A_1034, %swap3A_1035], %swap3A_1038 {strides = array<i32>} : memref<32x768xf32, #tpu.memory_space<vmem>>, vector<1x16xf32>,
      %get3A_1039 = arith.index_cast %scan3A_44 : i32 to index
      %get3A_1040 = arith.constant 752 : index
      %get3A_1041 = tpu.vector_load %arg9[%get3A_1039, %get3A_1040] {strides = array<i32>} : memref<32x768xf32, #tpu.memory_space<vmem>>, vector<1x16xf32>,
      %get3A_1042 = vector.shape_cast %get3A_1041 : vector<1x16xf32> to vector<16xf32>
      %get3A_1043 = arith.index_cast %scan3A_44 : i32 to index
      %get3A_1044 = arith.constant 752 : index
      %get3A_1045 = tpu.vector_load %arg10[%get3A_1043, %get3A_1044] {strides = array<i32>} : memref<32x768xf32, #tpu.memory_space<vmem>>, vector<1x16xf32>,
      %get3A_1046 = vector.shape_cast %get3A_1045 : vector<1x16xf32> to vector<16xf32>
      %mul3A_1047 = arith.mulf %get3A_48, %get3A_1046 : vector<16xf32>
      %add3A_1048 = arith.addf %get3A_1042, %mul3A_1047 : vector<16xf32>
      %get3A_1049 = arith.index_cast %scan3A_44 : i32 to index
      %get3A_1050 = arith.constant 752 : index
      %get3A_1051 = tpu.vector_load %arg11[%get3A_1049, %get3A_1050] {strides = array<i32>} : memref<32x768xf32, #tpu.memory_space<vmem>>, vector<1x16xf32>,
      %get3A_1052 = vector.shape_cast %get3A_1051 : vector<1x16xf32> to vector<16xf32>
      %mul3A_1053 = arith.mulf %get3A_52, %get3A_1052 : vector<16xf32>
      %add3A_1054 = arith.addf %add3A_1048, %mul3A_1053 : vector<16xf32>
      %swap3A_1055 = arith.index_cast %scan3A_44 : i32 to index
      %swap3A_1056 = arith.constant 752 : index
      %swap3A_1057 = tpu.vector_load %arg9[%swap3A_1055, %swap3A_1056] {strides = array<i32>} : memref<32x768xf32, #tpu.memory_space<vmem>>, vector<1x16xf32>,
      %swap3A_1058 = vector.shape_cast %swap3A_1057 : vector<1x16xf32> to vector<16xf32>
      %swap3A_1059 = vector.shape_cast %add3A_1054 : vector<16xf32> to vector<1x16xf32>
      tpu.vector_store %arg9[%swap3A_1055, %swap3A_1056], %swap3A_1059 {strides = array<i32>} : memref<32x768xf32, #tpu.memory_space<vmem>>, vector<1x16xf32>,
      %scan3A_1060 = arith.constant 0 : i32
      scf.yield %scan3A_1060 : i32
    }
    %scan3A_20 = arith.constant 32 : i32
    "tpu.region"() ({
      %run_scoped3A = tpu.sem_alloc : memref<!tpu.dma_semaphore, #tpu.memory_space<semaphore_mem>>
      %dma_start3A_44 = arith.constant 0 : i32
      %dma_start3A_45 = tpu.memref_slice %arg8[%add3A_4, %dma_start3A_44] : memref<2048x768xf32, #tpu.memory_space<hbm>> -> memref<32x768xf32, #tpu.memory_space<hbm>>
      %dma_start3A_46 = arith.constant 0 : i32
      %dma_start3A_47 = tpu.memref_slice %arg8[%add3A_4, %dma_start3A_46] : memref<2048x768xf32, #tpu.memory_space<hbm>> -> memref<32x768xf32, #tpu.memory_space<hbm>>
      tpu.enqueue_dma source(%arg9 : memref<32x768xf32, #tpu.memory_space<vmem>>) target(%dma_start3A_47 : memref<32x768xf32, #tpu.memory_space<hbm>>) target_semaphore(%run_scoped3A : memref<!tpu.dma_semaphore, #tpu.memory_space<semaphore_mem>>)
      %dma_wait3A_48 = arith.constant 0 : i32
      %dma_wait3A_49 = tpu.memref_slice %arg8[%add3A_4, %dma_wait3A_48] : memref<2048x768xf32, #tpu.memory_space<hbm>> -> memref<32x768xf32, #tpu.memory_space<hbm>>
      %dma_wait3A_50 = arith.constant 0 : i32
      %dma_wait3A_51 = tpu.memref_slice %arg8[%add3A_4, %dma_wait3A_50] : memref<2048x768xf32, #tpu.memory_space<hbm>> -> memref<32x768xf32, #tpu.memory_space<hbm>>
      tpu.wait_dma2 semaphore(%run_scoped3A : memref<!tpu.dma_semaphore, #tpu.memory_space<semaphore_mem>>) src(%arg9 : memref<32x768xf32, #tpu.memory_space<vmem>>) dst(%dma_wait3A_51 : memref<32x768xf32, #tpu.memory_space<hbm>>)
      tpu.yield
    }) : () -> ()
    %mul3A_21 = arith.constant 64 : i32
    %mul3A_22 = arith.muli %add3A, %mul3A_21 : i32
    %add3A_23 = arith.constant 32 : i32
    %add3A_24 = arith.addi %mul3A_22, %add3A_23 : i32
    "tpu.region"() ({
      %run_scoped3A = tpu.sem_alloc : memref<!tpu.dma_semaphore, #tpu.memory_space<semaphore_mem>>
      %dma_start3A_44 = tpu.memref_slice %arg4[%add3A_24] : memref<2048xi32, #tpu.memory_space<hbm>> -> memref<32xi32, #tpu.memory_space<hbm>>
      %dma_start3A_45 = tpu.memref_slice %arg4[%add3A_24] : memref<2048xi32, #tpu.memory_space<hbm>> -> memref<32xi32, #tpu.memory_space<hbm>>
      tpu.enqueue_dma source(%dma_start3A_45 : memref<32xi32, #tpu.memory_space<hbm>>) target(%arg12 : memref<32xi32, #tpu.memory_space<vmem>>) target_semaphore(%run_scoped3A : memref<!tpu.dma_semaphore, #tpu.memory_space<semaphore_mem>>)
      %dma_wait3A_46 = tpu.memref_slice %arg4[%add3A_24] : memref<2048xi32, #tpu.memory_space<hbm>> -> memref<32xi32, #tpu.memory_space<hbm>>
      %dma_wait3A_47 = tpu.memref_slice %arg4[%add3A_24] : memref<2048xi32, #tpu.memory_space<hbm>> -> memref<32xi32, #tpu.memory_space<hbm>>
      tpu.wait_dma2 semaphore(%run_scoped3A : memref<!tpu.dma_semaphore, #tpu.memory_space<semaphore_mem>>) src(%dma_wait3A_47 : memref<32xi32, #tpu.memory_space<hbm>>) dst(%arg12 : memref<32xi32, #tpu.memory_space<vmem>>)
      tpu.yield
    }) : () -> ()
    "tpu.region"() ({
      %run_scoped3A = tpu.sem_alloc : memref<!tpu.dma_semaphore, #tpu.memory_space<semaphore_mem>>
      %dma_start3A_44 = tpu.memref_slice %arg5[%add3A_24] : memref<2048xi32, #tpu.memory_space<hbm>> -> memref<32xi32, #tpu.memory_space<hbm>>
      %dma_start3A_45 = tpu.memref_slice %arg5[%add3A_24] : memref<2048xi32, #tpu.memory_space<hbm>> -> memref<32xi32, #tpu.memory_space<hbm>>
      tpu.enqueue_dma source(%dma_start3A_45 : memref<32xi32, #tpu.memory_space<hbm>>) target(%arg13 : memref<32xi32, #tpu.memory_space<vmem>>) target_semaphore(%run_scoped3A : memref<!tpu.dma_semaphore, #tpu.memory_space<semaphore_mem>>)
      %dma_wait3A_46 = tpu.memref_slice %arg5[%add3A_24] : memref<2048xi32, #tpu.memory_space<hbm>> -> memref<32xi32, #tpu.memory_space<hbm>>
      %dma_wait3A_47 = tpu.memref_slice %arg5[%add3A_24] : memref<2048xi32, #tpu.memory_space<hbm>> -> memref<32xi32, #tpu.memory_space<hbm>>
      tpu.wait_dma2 semaphore(%run_scoped3A : memref<!tpu.dma_semaphore, #tpu.memory_space<semaphore_mem>>) src(%dma_wait3A_47 : memref<32xi32, #tpu.memory_space<hbm>>) dst(%arg13 : memref<32xi32, #tpu.memory_space<vmem>>)
      tpu.yield
    }) : () -> ()
    "tpu.region"() ({
      %run_scoped3A = tpu.sem_alloc : memref<!tpu.dma_semaphore, #tpu.memory_space<semaphore_mem>>
      %dma_start3A_44 = arith.constant 0 : i32
      %dma_start3A_45 = tpu.memref_slice %arg2[%add3A_24, %dma_start3A_44] : memref<2048x768xf32, #tpu.memory_space<hbm>> -> memref<32x768xf32, #tpu.memory_space<hbm>>
      %dma_start3A_46 = arith.constant 0 : i32
      %dma_start3A_47 = tpu.memref_slice %arg2[%add3A_24, %dma_start3A_46] : memref<2048x768xf32, #tpu.memory_space<hbm>> -> memref<32x768xf32, #tpu.memory_space<hbm>>
      tpu.enqueue_dma source(%dma_start3A_47 : memref<32x768xf32, #tpu.memory_space<hbm>>) target(%arg9 : memref<32x768xf32, #tpu.memory_space<vmem>>) target_semaphore(%run_scoped3A : memref<!tpu.dma_semaphore, #tpu.memory_space<semaphore_mem>>)
      %dma_wait3A_48 = arith.constant 0 : i32
      %dma_wait3A_49 = tpu.memref_slice %arg2[%add3A_24, %dma_wait3A_48] : memref<2048x768xf32, #tpu.memory_space<hbm>> -> memref<32x768xf32, #tpu.memory_space<hbm>>
      %dma_wait3A_50 = arith.constant 0 : i32
      %dma_wait3A_51 = tpu.memref_slice %arg2[%add3A_24, %dma_wait3A_50] : memref<2048x768xf32, #tpu.memory_space<hbm>> -> memref<32x768xf32, #tpu.memory_space<hbm>>
      tpu.wait_dma2 semaphore(%run_scoped3A : memref<!tpu.dma_semaphore, #tpu.memory_space<semaphore_mem>>) src(%dma_wait3A_51 : memref<32x768xf32, #tpu.memory_space<hbm>>) dst(%arg9 : memref<32x768xf32, #tpu.memory_space<vmem>>)
      tpu.yield
    }) : () -> ()
    "tpu.region"() ({
      %run_scoped3A = tpu.sem_alloc : memref<!tpu.dma_semaphore, #tpu.memory_space<semaphore_mem>>
      %dma_start3A_44 = arith.constant 0 : i32
      %dma_start3A_45 = tpu.memref_slice %arg6[%add3A_24, %dma_start3A_44] : memref<2048x16xf32, #tpu.memory_space<hbm>> -> memref<32x16xf32, #tpu.memory_space<hbm>>
      %dma_start3A_46 = arith.constant 0 : i32
      %dma_start3A_47 = tpu.memref_slice %arg6[%add3A_24, %dma_start3A_46] : memref<2048x16xf32, #tpu.memory_space<hbm>> -> memref<32x16xf32, #tpu.memory_space<hbm>>
      tpu.enqueue_dma source(%dma_start3A_47 : memref<32x16xf32, #tpu.memory_space<hbm>>) target(%arg14 : memref<32x16xf32, #tpu.memory_space<vmem>>) target_semaphore(%run_scoped3A : memref<!tpu.dma_semaphore, #tpu.memory_space<semaphore_mem>>)
      %dma_wait3A_48 = arith.constant 0 : i32
      %dma_wait3A_49 = tpu.memref_slice %arg6[%add3A_24, %dma_wait3A_48] : memref<2048x16xf32, #tpu.memory_space<hbm>> -> memref<32x16xf32, #tpu.memory_space<hbm>>
      %dma_wait3A_50 = arith.constant 0 : i32
      %dma_wait3A_51 = tpu.memref_slice %arg6[%add3A_24, %dma_wait3A_50] : memref<2048x16xf32, #tpu.memory_space<hbm>> -> memref<32x16xf32, #tpu.memory_space<hbm>>
      tpu.wait_dma2 semaphore(%run_scoped3A : memref<!tpu.dma_semaphore, #tpu.memory_space<semaphore_mem>>) src(%dma_wait3A_51 : memref<32x16xf32, #tpu.memory_space<hbm>>) dst(%arg14 : memref<32x16xf32, #tpu.memory_space<vmem>>)
      tpu.yield
    }) : () -> ()
    "tpu.region"() ({
      %run_scoped3A = tpu.sem_alloc : memref<!tpu.dma_semaphore, #tpu.memory_space<semaphore_mem>>
      %dma_start3A_44 = arith.constant 0 : i32
      %dma_start3A_45 = tpu.memref_slice %arg7[%add3A_24, %dma_start3A_44] : memref<2048x16xf32, #tpu.memory_space<hbm>> -> memref<32x16xf32, #tpu.memory_space<hbm>>
      %dma_start3A_46 = arith.constant 0 : i32
      %dma_start3A_47 = tpu.memref_slice %arg7[%add3A_24, %dma_start3A_46] : memref<2048x16xf32, #tpu.memory_space<hbm>> -> memref<32x16xf32, #tpu.memory_space<hbm>>
      tpu.enqueue_dma source(%dma_start3A_47 : memref<32x16xf32, #tpu.memory_space<hbm>>) target(%arg15 : memref<32x16xf32, #tpu.memory_space<vmem>>) target_semaphore(%run_scoped3A : memref<!tpu.dma_semaphore, #tpu.memory_space<semaphore_mem>>)
      %dma_wait3A_48 = arith.constant 0 : i32
      %dma_wait3A_49 = tpu.memref_slice %arg7[%add3A_24, %dma_wait3A_48] : memref<2048x16xf32, #tpu.memory_space<hbm>> -> memref<32x16xf32, #tpu.memory_space<hbm>>
      %dma_wait3A_50 = arith.constant 0 : i32
      %dma_wait3A_51 = tpu.memref_slice %arg7[%add3A_24, %dma_wait3A_50] : memref<2048x16xf32, #tpu.memory_space<hbm>> -> memref<32x16xf32, #tpu.memory_space<hbm>>
      tpu.wait_dma2 semaphore(%run_scoped3A : memref<!tpu.dma_semaphore, #tpu.memory_space<semaphore_mem>>) src(%dma_wait3A_51 : memref<32x16xf32, #tpu.memory_space<hbm>>) dst(%arg15 : memref<32x16xf32, #tpu.memory_space<vmem>>)
      tpu.yield
    }) : () -> ()
    %dma_start3A_25 = arith.constant 0 : i32
    %dma_start3A_26 = arith.constant 0 : i32
    %dma_start3A_27 = tpu.memref_slice %arg3[%dma_start3A_25, %dma_start3A_26] : memref<6144x768xf32, #tpu.memory_space<hbm>> -> memref<6144x768xf32, #tpu.memory_space<hbm>>
    tpu.enqueue_indirect_dma source(%dma_start3A_27 : memref<6144x768xf32, #tpu.memory_space<hbm>>) target(%arg10 : memref<32x768xf32, #tpu.memory_space<vmem>>) offsets(%arg12 : memref<32xi32, #tpu.memory_space<vmem>>) semaphore(%arg16 : memref<!tpu.dma_semaphore, #tpu.memory_space<semaphore_mem>>)
    %dma_start3A_28 = arith.constant 0 : i32
    %dma_start3A_29 = arith.constant 0 : i32
    %dma_start3A_30 = tpu.memref_slice %arg3[%dma_start3A_28, %dma_start3A_29] : memref<6144x768xf32, #tpu.memory_space<hbm>> -> memref<6144x768xf32, #tpu.memory_space<hbm>>
    tpu.enqueue_indirect_dma source(%dma_start3A_30 : memref<6144x768xf32, #tpu.memory_space<hbm>>) target(%arg11 : memref<32x768xf32, #tpu.memory_space<vmem>>) offsets(%arg13 : memref<32xi32, #tpu.memory_space<vmem>>) semaphore(%arg17 : memref<!tpu.dma_semaphore, #tpu.memory_space<semaphore_mem>>)
    %dma_wait3A_31 = arith.constant 0 : i32
    %dma_wait3A_32 = arith.constant 0 : i32
    %dma_wait3A_33 = tpu.memref_slice %arg3[%dma_wait3A_31, %dma_wait3A_32] : memref<6144x768xf32, #tpu.memory_space<hbm>> -> memref<6144x768xf32, #tpu.memory_space<hbm>>
    tpu.wait_indirect_dma semaphore(%arg16 : memref<!tpu.dma_semaphore, #tpu.memory_space<semaphore_mem>>) src(%dma_wait3A_33 : memref<6144x768xf32, #tpu.memory_space<hbm>>) dst(%arg10 : memref<32x768xf32, #tpu.memory_space<vmem>>)
    %dma_wait3A_34 = arith.constant 0 : i32
    %dma_wait3A_35 = arith.constant 0 : i32
    %dma_wait3A_36 = tpu.memref_slice %arg3[%dma_wait3A_34, %dma_wait3A_35] : memref<6144x768xf32, #tpu.memory_space<hbm>> -> memref<6144x768xf32, #tpu.memory_space<hbm>>
    tpu.wait_indirect_dma semaphore(%arg17 : memref<!tpu.dma_semaphore, #tpu.memory_space<semaphore_mem>>) src(%dma_wait3A_36 : memref<6144x768xf32, #tpu.memory_space<hbm>>) dst(%arg11 : memref<32x768xf32, #tpu.memory_space<vmem>>)
    %scan3A_37 = arith.constant 0 : i32
    %scan3A_38 = arith.constant 0 : i32
    %scan3A_39 = arith.constant 32 : i32
    %scan3A_40 = arith.addi %scan3A_38, %scan3A_39 : i32
    %scan3A_41 = arith.constant 1 : i32
    %scan3A_42 = scf.for %scan3A_44 = %scan3A_38 to %scan3A_40 step %scan3A_41 iter_args(%scan3A_45 = %scan3A_37) -> (i32)  : i32 {
      %get3A = arith.index_cast %scan3A_44 : i32 to index
      %get3A_46 = arith.constant 0 : index
      %get3A_47 = tpu.vector_load %arg14[%get3A, %get3A_46] {strides = array<i32>} : memref<32x16xf32, #tpu.memory_space<vmem>>, vector<1x16xf32>,
      %get3A_48 = vector.shape_cast %get3A_47 : vector<1x16xf32> to vector<16xf32>
      %get3A_49 = arith.index_cast %scan3A_44 : i32 to index
      %get3A_50 = arith.constant 0 : index
      %get3A_51 = tpu.vector_load %arg15[%get3A_49, %get3A_50] {strides = array<i32>} : memref<32x16xf32, #tpu.memory_space<vmem>>, vector<1x16xf32>,
      %get3A_52 = vector.shape_cast %get3A_51 : vector<1x16xf32> to vector<16xf32>
      %get3A_53 = arith.index_cast %scan3A_44 : i32 to index
      %get3A_54 = arith.constant 0 : index
      %get3A_55 = tpu.vector_load %arg9[%get3A_53, %get3A_54] {strides = array<i32>} : memref<32x768xf32, #tpu.memory_space<vmem>>, vector<1x16xf32>,
      %get3A_56 = vector.shape_cast %get3A_55 : vector<1x16xf32> to vector<16xf32>
      %get3A_57 = arith.index_cast %scan3A_44 : i32 to index
      %get3A_58 = arith.constant 0 : index
      %get3A_59 = tpu.vector_load %arg10[%get3A_57, %get3A_58] {strides = array<i32>} : memref<32x768xf32, #tpu.memory_space<vmem>>, vector<1x16xf32>,
      %get3A_60 = vector.shape_cast %get3A_59 : vector<1x16xf32> to vector<16xf32>
      %mul3A_61 = arith.mulf %get3A_48, %get3A_60 : vector<16xf32>
      %add3A_62 = arith.addf %get3A_56, %mul3A_61 : vector<16xf32>
      %get3A_63 = arith.index_cast %scan3A_44 : i32 to index
      %get3A_64 = arith.constant 0 : index
      %get3A_65 = tpu.vector_load %arg11[%get3A_63, %get3A_64] {strides = array<i32>} : memref<32x768xf32, #tpu.memory_space<vmem>>, vector<1x16xf32>,
      %get3A_66 = vector.shape_cast %get3A_65 : vector<1x16xf32> to vector<16xf32>
      %mul3A_67 = arith.mulf %get3A_52, %get3A_66 : vector<16xf32>
      %add3A_68 = arith.addf %add3A_62, %mul3A_67 : vector<16xf32>
      %swap3A = arith.index_cast %scan3A_44 : i32 to index
      %swap3A_69 = arith.constant 0 : index
      %swap3A_70 = tpu.vector_load %arg9[%swap3A, %swap3A_69] {strides = array<i32>} : memref<32x768xf32, #tpu.memory_space<vmem>>, vector<1x16xf32>,
      %swap3A_71 = vector.shape_cast %swap3A_70 : vector<1x16xf32> to vector<16xf32>
      %swap3A_72 = vector.shape_cast %add3A_68 : vector<16xf32> to vector<1x16xf32>
      tpu.vector_store %arg9[%swap3A, %swap3A_69], %swap3A_72 {strides = array<i32>} : memref<32x768xf32, #tpu.memory_space<vmem>>, vector<1x16xf32>,
      %get3A_73 = arith.index_cast %scan3A_44 : i32 to index
      %get3A_74 = arith.constant 16 : index
      %get3A_75 = tpu.vector_load %arg9[%get3A_73, %get3A_74] {strides = array<i32>} : memref<32x768xf32, #tpu.memory_space<vmem>>, vector<1x16xf32>,
      %get3A_76 = vector.shape_cast %get3A_75 : vector<1x16xf32> to vector<16xf32>
      %get3A_77 = arith.index_cast %scan3A_44 : i32 to index
      %get3A_78 = arith.constant 16 : index
      %get3A_79 = tpu.vector_load %arg10[%get3A_77, %get3A_78] {strides = array<i32>} : memref<32x768xf32, #tpu.memory_space<vmem>>, vector<1x16xf32>,
      %get3A_80 = vector.shape_cast %get3A_79 : vector<1x16xf32> to vector<16xf32>
      %mul3A_81 = arith.mulf %get3A_48, %get3A_80 : vector<16xf32>
      %add3A_82 = arith.addf %get3A_76, %mul3A_81 : vector<16xf32>
      %get3A_83 = arith.index_cast %scan3A_44 : i32 to index
      %get3A_84 = arith.constant 16 : index
      %get3A_85 = tpu.vector_load %arg11[%get3A_83, %get3A_84] {strides = array<i32>} : memref<32x768xf32, #tpu.memory_space<vmem>>, vector<1x16xf32>,
      %get3A_86 = vector.shape_cast %get3A_85 : vector<1x16xf32> to vector<16xf32>
      %mul3A_87 = arith.mulf %get3A_52, %get3A_86 : vector<16xf32>
      %add3A_88 = arith.addf %add3A_82, %mul3A_87 : vector<16xf32>
      %swap3A_89 = arith.index_cast %scan3A_44 : i32 to index
      %swap3A_90 = arith.constant 16 : index
      %swap3A_91 = tpu.vector_load %arg9[%swap3A_89, %swap3A_90] {strides = array<i32>} : memref<32x768xf32, #tpu.memory_space<vmem>>, vector<1x16xf32>,
      %swap3A_92 = vector.shape_cast %swap3A_91 : vector<1x16xf32> to vector<16xf32>
      %swap3A_93 = vector.shape_cast %add3A_88 : vector<16xf32> to vector<1x16xf32>
      tpu.vector_store %arg9[%swap3A_89, %swap3A_90], %swap3A_93 {strides = array<i32>} : memref<32x768xf32, #tpu.memory_space<vmem>>, vector<1x16xf32>,
      %get3A_94 = arith.index_cast %scan3A_44 : i32 to index
      %get3A_95 = arith.constant 32 : index
      %get3A_96 = tpu.vector_load %arg9[%get3A_94, %get3A_95] {strides = array<i32>} : memref<32x768xf32, #tpu.memory_space<vmem>>, vector<1x16xf32>,
      %get3A_97 = vector.shape_cast %get3A_96 : vector<1x16xf32> to vector<16xf32>
      %get3A_98 = arith.index_cast %scan3A_44 : i32 to index
      %get3A_99 = arith.constant 32 : index
      %get3A_100 = tpu.vector_load %arg10[%get3A_98, %get3A_99] {strides = array<i32>} : memref<32x768xf32, #tpu.memory_space<vmem>>, vector<1x16xf32>,
      %get3A_101 = vector.shape_cast %get3A_100 : vector<1x16xf32> to vector<16xf32>
      %mul3A_102 = arith.mulf %get3A_48, %get3A_101 : vector<16xf32>
      %add3A_103 = arith.addf %get3A_97, %mul3A_102 : vector<16xf32>
      %get3A_104 = arith.index_cast %scan3A_44 : i32 to index
      %get3A_105 = arith.constant 32 : index
      %get3A_106 = tpu.vector_load %arg11[%get3A_104, %get3A_105] {strides = array<i32>} : memref<32x768xf32, #tpu.memory_space<vmem>>, vector<1x16xf32>,
      %get3A_107 = vector.shape_cast %get3A_106 : vector<1x16xf32> to vector<16xf32>
      %mul3A_108 = arith.mulf %get3A_52, %get3A_107 : vector<16xf32>
      %add3A_109 = arith.addf %add3A_103, %mul3A_108 : vector<16xf32>
      %swap3A_110 = arith.index_cast %scan3A_44 : i32 to index
      %swap3A_111 = arith.constant 32 : index
      %swap3A_112 = tpu.vector_load %arg9[%swap3A_110, %swap3A_111] {strides = array<i32>} : memref<32x768xf32, #tpu.memory_space<vmem>>, vector<1x16xf32>,
      %swap3A_113 = vector.shape_cast %swap3A_112 : vector<1x16xf32> to vector<16xf32>
      %swap3A_114 = vector.shape_cast %add3A_109 : vector<16xf32> to vector<1x16xf32>
      tpu.vector_store %arg9[%swap3A_110, %swap3A_111], %swap3A_114 {strides = array<i32>} : memref<32x768xf32, #tpu.memory_space<vmem>>, vector<1x16xf32>,
      %get3A_115 = arith.index_cast %scan3A_44 : i32 to index
      %get3A_116 = arith.constant 48 : index
      %get3A_117 = tpu.vector_load %arg9[%get3A_115, %get3A_116] {strides = array<i32>} : memref<32x768xf32, #tpu.memory_space<vmem>>, vector<1x16xf32>,
      %get3A_118 = vector.shape_cast %get3A_117 : vector<1x16xf32> to vector<16xf32>
      %get3A_119 = arith.index_cast %scan3A_44 : i32 to index
      %get3A_120 = arith.constant 48 : index
      %get3A_121 = tpu.vector_load %arg10[%get3A_119, %get3A_120] {strides = array<i32>} : memref<32x768xf32, #tpu.memory_space<vmem>>, vector<1x16xf32>,
      %get3A_122 = vector.shape_cast %get3A_121 : vector<1x16xf32> to vector<16xf32>
      %mul3A_123 = arith.mulf %get3A_48, %get3A_122 : vector<16xf32>
      %add3A_124 = arith.addf %get3A_118, %mul3A_123 : vector<16xf32>
      %get3A_125 = arith.index_cast %scan3A_44 : i32 to index
      %get3A_126 = arith.constant 48 : index
      %get3A_127 = tpu.vector_load %arg11[%get3A_125, %get3A_126] {strides = array<i32>} : memref<32x768xf32, #tpu.memory_space<vmem>>, vector<1x16xf32>,
      %get3A_128 = vector.shape_cast %get3A_127 : vector<1x16xf32> to vector<16xf32>
      %mul3A_129 = arith.mulf %get3A_52, %get3A_128 : vector<16xf32>
      %add3A_130 = arith.addf %add3A_124, %mul3A_129 : vector<16xf32>
      %swap3A_131 = arith.index_cast %scan3A_44 : i32 to index
      %swap3A_132 = arith.constant 48 : index
      %swap3A_133 = tpu.vector_load %arg9[%swap3A_131, %swap3A_132] {strides = array<i32>} : memref<32x768xf32, #tpu.memory_space<vmem>>, vector<1x16xf32>,
      %swap3A_134 = vector.shape_cast %swap3A_133 : vector<1x16xf32> to vector<16xf32>
      %swap3A_135 = vector.shape_cast %add3A_130 : vector<16xf32> to vector<1x16xf32>
      tpu.vector_store %arg9[%swap3A_131, %swap3A_132], %swap3A_135 {strides = array<i32>} : memref<32x768xf32, #tpu.memory_space<vmem>>, vector<1x16xf32>,
      %get3A_136 = arith.index_cast %scan3A_44 : i32 to index
      %get3A_137 = arith.constant 64 : index
      %get3A_138 = tpu.vector_load %arg9[%get3A_136, %get3A_137] {strides = array<i32>} : memref<32x768xf32, #tpu.memory_space<vmem>>, vector<1x16xf32>,
      %get3A_139 = vector.shape_cast %get3A_138 : vector<1x16xf32> to vector<16xf32>
      %get3A_140 = arith.index_cast %scan3A_44 : i32 to index
      %get3A_141 = arith.constant 64 : index
      %get3A_142 = tpu.vector_load %arg10[%get3A_140, %get3A_141] {strides = array<i32>} : memref<32x768xf32, #tpu.memory_space<vmem>>, vector<1x16xf32>,
      %get3A_143 = vector.shape_cast %get3A_142 : vector<1x16xf32> to vector<16xf32>
      %mul3A_144 = arith.mulf %get3A_48, %get3A_143 : vector<16xf32>
      %add3A_145 = arith.addf %get3A_139, %mul3A_144 : vector<16xf32>
      %get3A_146 = arith.index_cast %scan3A_44 : i32 to index
      %get3A_147 = arith.constant 64 : index
      %get3A_148 = tpu.vector_load %arg11[%get3A_146, %get3A_147] {strides = array<i32>} : memref<32x768xf32, #tpu.memory_space<vmem>>, vector<1x16xf32>,
      %get3A_149 = vector.shape_cast %get3A_148 : vector<1x16xf32> to vector<16xf32>
      %mul3A_150 = arith.mulf %get3A_52, %get3A_149 : vector<16xf32>
      %add3A_151 = arith.addf %add3A_145, %mul3A_150 : vector<16xf32>
      %swap3A_152 = arith.index_cast %scan3A_44 : i32 to index
      %swap3A_153 = arith.constant 64 : index
      %swap3A_154 = tpu.vector_load %arg9[%swap3A_152, %swap3A_153] {strides = array<i32>} : memref<32x768xf32, #tpu.memory_space<vmem>>, vector<1x16xf32>,
      %swap3A_155 = vector.shape_cast %swap3A_154 : vector<1x16xf32> to vector<16xf32>
      %swap3A_156 = vector.shape_cast %add3A_151 : vector<16xf32> to vector<1x16xf32>
      tpu.vector_store %arg9[%swap3A_152, %swap3A_153], %swap3A_156 {strides = array<i32>} : memref<32x768xf32, #tpu.memory_space<vmem>>, vector<1x16xf32>,
      %get3A_157 = arith.index_cast %scan3A_44 : i32 to index
      %get3A_158 = arith.constant 80 : index
      %get3A_159 = tpu.vector_load %arg9[%get3A_157, %get3A_158] {strides = array<i32>} : memref<32x768xf32, #tpu.memory_space<vmem>>, vector<1x16xf32>,
      %get3A_160 = vector.shape_cast %get3A_159 : vector<1x16xf32> to vector<16xf32>
      %get3A_161 = arith.index_cast %scan3A_44 : i32 to index
      %get3A_162 = arith.constant 80 : index
      %get3A_163 = tpu.vector_load %arg10[%get3A_161, %get3A_162] {strides = array<i32>} : memref<32x768xf32, #tpu.memory_space<vmem>>, vector<1x16xf32>,
      %get3A_164 = vector.shape_cast %get3A_163 : vector<1x16xf32> to vector<16xf32>
      %mul3A_165 = arith.mulf %get3A_48, %get3A_164 : vector<16xf32>
      %add3A_166 = arith.addf %get3A_160, %mul3A_165 : vector<16xf32>
      %get3A_167 = arith.index_cast %scan3A_44 : i32 to index
      %get3A_168 = arith.constant 80 : index
      %get3A_169 = tpu.vector_load %arg11[%get3A_167, %get3A_168] {strides = array<i32>} : memref<32x768xf32, #tpu.memory_space<vmem>>, vector<1x16xf32>,
      %get3A_170 = vector.shape_cast %get3A_169 : vector<1x16xf32> to vector<16xf32>
      %mul3A_171 = arith.mulf %get3A_52, %get3A_170 : vector<16xf32>
      %add3A_172 = arith.addf %add3A_166, %mul3A_171 : vector<16xf32>
      %swap3A_173 = arith.index_cast %scan3A_44 : i32 to index
      %swap3A_174 = arith.constant 80 : index
      %swap3A_175 = tpu.vector_load %arg9[%swap3A_173, %swap3A_174] {strides = array<i32>} : memref<32x768xf32, #tpu.memory_space<vmem>>, vector<1x16xf32>,
      %swap3A_176 = vector.shape_cast %swap3A_175 : vector<1x16xf32> to vector<16xf32>
      %swap3A_177 = vector.shape_cast %add3A_172 : vector<16xf32> to vector<1x16xf32>
      tpu.vector_store %arg9[%swap3A_173, %swap3A_174], %swap3A_177 {strides = array<i32>} : memref<32x768xf32, #tpu.memory_space<vmem>>, vector<1x16xf32>,
      %get3A_178 = arith.index_cast %scan3A_44 : i32 to index
      %get3A_179 = arith.constant 96 : index
      %get3A_180 = tpu.vector_load %arg9[%get3A_178, %get3A_179] {strides = array<i32>} : memref<32x768xf32, #tpu.memory_space<vmem>>, vector<1x16xf32>,
      %get3A_181 = vector.shape_cast %get3A_180 : vector<1x16xf32> to vector<16xf32>
      %get3A_182 = arith.index_cast %scan3A_44 : i32 to index
      %get3A_183 = arith.constant 96 : index
      %get3A_184 = tpu.vector_load %arg10[%get3A_182, %get3A_183] {strides = array<i32>} : memref<32x768xf32, #tpu.memory_space<vmem>>, vector<1x16xf32>,
      %get3A_185 = vector.shape_cast %get3A_184 : vector<1x16xf32> to vector<16xf32>
      %mul3A_186 = arith.mulf %get3A_48, %get3A_185 : vector<16xf32>
      %add3A_187 = arith.addf %get3A_181, %mul3A_186 : vector<16xf32>
      %get3A_188 = arith.index_cast %scan3A_44 : i32 to index
      %get3A_189 = arith.constant 96 : index
      %get3A_190 = tpu.vector_load %arg11[%get3A_188, %get3A_189] {strides = array<i32>} : memref<32x768xf32, #tpu.memory_space<vmem>>, vector<1x16xf32>,
      %get3A_191 = vector.shape_cast %get3A_190 : vector<1x16xf32> to vector<16xf32>
      %mul3A_192 = arith.mulf %get3A_52, %get3A_191 : vector<16xf32>
      %add3A_193 = arith.addf %add3A_187, %mul3A_192 : vector<16xf32>
      %swap3A_194 = arith.index_cast %scan3A_44 : i32 to index
      %swap3A_195 = arith.constant 96 : index
      %swap3A_196 = tpu.vector_load %arg9[%swap3A_194, %swap3A_195] {strides = array<i32>} : memref<32x768xf32, #tpu.memory_space<vmem>>, vector<1x16xf32>,
      %swap3A_197 = vector.shape_cast %swap3A_196 : vector<1x16xf32> to vector<16xf32>
      %swap3A_198 = vector.shape_cast %add3A_193 : vector<16xf32> to vector<1x16xf32>
      tpu.vector_store %arg9[%swap3A_194, %swap3A_195], %swap3A_198 {strides = array<i32>} : memref<32x768xf32, #tpu.memory_space<vmem>>, vector<1x16xf32>,
      %get3A_199 = arith.index_cast %scan3A_44 : i32 to index
      %get3A_200 = arith.constant 112 : index
      %get3A_201 = tpu.vector_load %arg9[%get3A_199, %get3A_200] {strides = array<i32>} : memref<32x768xf32, #tpu.memory_space<vmem>>, vector<1x16xf32>,
      %get3A_202 = vector.shape_cast %get3A_201 : vector<1x16xf32> to vector<16xf32>
      %get3A_203 = arith.index_cast %scan3A_44 : i32 to index
      %get3A_204 = arith.constant 112 : index
      %get3A_205 = tpu.vector_load %arg10[%get3A_203, %get3A_204] {strides = array<i32>} : memref<32x768xf32, #tpu.memory_space<vmem>>, vector<1x16xf32>,
      %get3A_206 = vector.shape_cast %get3A_205 : vector<1x16xf32> to vector<16xf32>
      %mul3A_207 = arith.mulf %get3A_48, %get3A_206 : vector<16xf32>
      %add3A_208 = arith.addf %get3A_202, %mul3A_207 : vector<16xf32>
      %get3A_209 = arith.index_cast %scan3A_44 : i32 to index
      %get3A_210 = arith.constant 112 : index
      %get3A_211 = tpu.vector_load %arg11[%get3A_209, %get3A_210] {strides = array<i32>} : memref<32x768xf32, #tpu.memory_space<vmem>>, vector<1x16xf32>,
      %get3A_212 = vector.shape_cast %get3A_211 : vector<1x16xf32> to vector<16xf32>
      %mul3A_213 = arith.mulf %get3A_52, %get3A_212 : vector<16xf32>
      %add3A_214 = arith.addf %add3A_208, %mul3A_213 : vector<16xf32>
      %swap3A_215 = arith.index_cast %scan3A_44 : i32 to index
      %swap3A_216 = arith.constant 112 : index
      %swap3A_217 = tpu.vector_load %arg9[%swap3A_215, %swap3A_216] {strides = array<i32>} : memref<32x768xf32, #tpu.memory_space<vmem>>, vector<1x16xf32>,
      %swap3A_218 = vector.shape_cast %swap3A_217 : vector<1x16xf32> to vector<16xf32>
      %swap3A_219 = vector.shape_cast %add3A_214 : vector<16xf32> to vector<1x16xf32>
      tpu.vector_store %arg9[%swap3A_215, %swap3A_216], %swap3A_219 {strides = array<i32>} : memref<32x768xf32, #tpu.memory_space<vmem>>, vector<1x16xf32>,
      %get3A_220 = arith.index_cast %scan3A_44 : i32 to index
      %get3A_221 = arith.constant 128 : index
      %get3A_222 = tpu.vector_load %arg9[%get3A_220, %get3A_221] {strides = array<i32>} : memref<32x768xf32, #tpu.memory_space<vmem>>, vector<1x16xf32>,
      %get3A_223 = vector.shape_cast %get3A_222 : vector<1x16xf32> to vector<16xf32>
      %get3A_224 = arith.index_cast %scan3A_44 : i32 to index
      %get3A_225 = arith.constant 128 : index
      %get3A_226 = tpu.vector_load %arg10[%get3A_224, %get3A_225] {strides = array<i32>} : memref<32x768xf32, #tpu.memory_space<vmem>>, vector<1x16xf32>,
      %get3A_227 = vector.shape_cast %get3A_226 : vector<1x16xf32> to vector<16xf32>
      %mul3A_228 = arith.mulf %get3A_48, %get3A_227 : vector<16xf32>
      %add3A_229 = arith.addf %get3A_223, %mul3A_228 : vector<16xf32>
      %get3A_230 = arith.index_cast %scan3A_44 : i32 to index
      %get3A_231 = arith.constant 128 : index
      %get3A_232 = tpu.vector_load %arg11[%get3A_230, %get3A_231] {strides = array<i32>} : memref<32x768xf32, #tpu.memory_space<vmem>>, vector<1x16xf32>,
      %get3A_233 = vector.shape_cast %get3A_232 : vector<1x16xf32> to vector<16xf32>
      %mul3A_234 = arith.mulf %get3A_52, %get3A_233 : vector<16xf32>
      %add3A_235 = arith.addf %add3A_229, %mul3A_234 : vector<16xf32>
      %swap3A_236 = arith.index_cast %scan3A_44 : i32 to index
      %swap3A_237 = arith.constant 128 : index
      %swap3A_238 = tpu.vector_load %arg9[%swap3A_236, %swap3A_237] {strides = array<i32>} : memref<32x768xf32, #tpu.memory_space<vmem>>, vector<1x16xf32>,
      %swap3A_239 = vector.shape_cast %swap3A_238 : vector<1x16xf32> to vector<16xf32>
      %swap3A_240 = vector.shape_cast %add3A_235 : vector<16xf32> to vector<1x16xf32>
      tpu.vector_store %arg9[%swap3A_236, %swap3A_237], %swap3A_240 {strides = array<i32>} : memref<32x768xf32, #tpu.memory_space<vmem>>, vector<1x16xf32>,
      %get3A_241 = arith.index_cast %scan3A_44 : i32 to index
      %get3A_242 = arith.constant 144 : index
      %get3A_243 = tpu.vector_load %arg9[%get3A_241, %get3A_242] {strides = array<i32>} : memref<32x768xf32, #tpu.memory_space<vmem>>, vector<1x16xf32>,
      %get3A_244 = vector.shape_cast %get3A_243 : vector<1x16xf32> to vector<16xf32>
      %get3A_245 = arith.index_cast %scan3A_44 : i32 to index
      %get3A_246 = arith.constant 144 : index
      %get3A_247 = tpu.vector_load %arg10[%get3A_245, %get3A_246] {strides = array<i32>} : memref<32x768xf32, #tpu.memory_space<vmem>>, vector<1x16xf32>,
      %get3A_248 = vector.shape_cast %get3A_247 : vector<1x16xf32> to vector<16xf32>
      %mul3A_249 = arith.mulf %get3A_48, %get3A_248 : vector<16xf32>
      %add3A_250 = arith.addf %get3A_244, %mul3A_249 : vector<16xf32>
      %get3A_251 = arith.index_cast %scan3A_44 : i32 to index
      %get3A_252 = arith.constant 144 : index
      %get3A_253 = tpu.vector_load %arg11[%get3A_251, %get3A_252] {strides = array<i32>} : memref<32x768xf32, #tpu.memory_space<vmem>>, vector<1x16xf32>,
      %get3A_254 = vector.shape_cast %get3A_253 : vector<1x16xf32> to vector<16xf32>
      %mul3A_255 = arith.mulf %get3A_52, %get3A_254 : vector<16xf32>
      %add3A_256 = arith.addf %add3A_250, %mul3A_255 : vector<16xf32>
      %swap3A_257 = arith.index_cast %scan3A_44 : i32 to index
      %swap3A_258 = arith.constant 144 : index
      %swap3A_259 = tpu.vector_load %arg9[%swap3A_257, %swap3A_258] {strides = array<i32>} : memref<32x768xf32, #tpu.memory_space<vmem>>, vector<1x16xf32>,
      %swap3A_260 = vector.shape_cast %swap3A_259 : vector<1x16xf32> to vector<16xf32>
      %swap3A_261 = vector.shape_cast %add3A_256 : vector<16xf32> to vector<1x16xf32>
      tpu.vector_store %arg9[%swap3A_257, %swap3A_258], %swap3A_261 {strides = array<i32>} : memref<32x768xf32, #tpu.memory_space<vmem>>, vector<1x16xf32>,
      %get3A_262 = arith.index_cast %scan3A_44 : i32 to index
      %get3A_263 = arith.constant 160 : index
      %get3A_264 = tpu.vector_load %arg9[%get3A_262, %get3A_263] {strides = array<i32>} : memref<32x768xf32, #tpu.memory_space<vmem>>, vector<1x16xf32>,
      %get3A_265 = vector.shape_cast %get3A_264 : vector<1x16xf32> to vector<16xf32>
      %get3A_266 = arith.index_cast %scan3A_44 : i32 to index
      %get3A_267 = arith.constant 160 : index
      %get3A_268 = tpu.vector_load %arg10[%get3A_266, %get3A_267] {strides = array<i32>} : memref<32x768xf32, #tpu.memory_space<vmem>>, vector<1x16xf32>,
      %get3A_269 = vector.shape_cast %get3A_268 : vector<1x16xf32> to vector<16xf32>
      %mul3A_270 = arith.mulf %get3A_48, %get3A_269 : vector<16xf32>
      %add3A_271 = arith.addf %get3A_265, %mul3A_270 : vector<16xf32>
      %get3A_272 = arith.index_cast %scan3A_44 : i32 to index
      %get3A_273 = arith.constant 160 : index
      %get3A_274 = tpu.vector_load %arg11[%get3A_272, %get3A_273] {strides = array<i32>} : memref<32x768xf32, #tpu.memory_space<vmem>>, vector<1x16xf32>,
      %get3A_275 = vector.shape_cast %get3A_274 : vector<1x16xf32> to vector<16xf32>
      %mul3A_276 = arith.mulf %get3A_52, %get3A_275 : vector<16xf32>
      %add3A_277 = arith.addf %add3A_271, %mul3A_276 : vector<16xf32>
      %swap3A_278 = arith.index_cast %scan3A_44 : i32 to index
      %swap3A_279 = arith.constant 160 : index
      %swap3A_280 = tpu.vector_load %arg9[%swap3A_278, %swap3A_279] {strides = array<i32>} : memref<32x768xf32, #tpu.memory_space<vmem>>, vector<1x16xf32>,
      %swap3A_281 = vector.shape_cast %swap3A_280 : vector<1x16xf32> to vector<16xf32>
      %swap3A_282 = vector.shape_cast %add3A_277 : vector<16xf32> to vector<1x16xf32>
      tpu.vector_store %arg9[%swap3A_278, %swap3A_279], %swap3A_282 {strides = array<i32>} : memref<32x768xf32, #tpu.memory_space<vmem>>, vector<1x16xf32>,
      %get3A_283 = arith.index_cast %scan3A_44 : i32 to index
      %get3A_284 = arith.constant 176 : index
      %get3A_285 = tpu.vector_load %arg9[%get3A_283, %get3A_284] {strides = array<i32>} : memref<32x768xf32, #tpu.memory_space<vmem>>, vector<1x16xf32>,
      %get3A_286 = vector.shape_cast %get3A_285 : vector<1x16xf32> to vector<16xf32>
      %get3A_287 = arith.index_cast %scan3A_44 : i32 to index
      %get3A_288 = arith.constant 176 : index
      %get3A_289 = tpu.vector_load %arg10[%get3A_287, %get3A_288] {strides = array<i32>} : memref<32x768xf32, #tpu.memory_space<vmem>>, vector<1x16xf32>,
      %get3A_290 = vector.shape_cast %get3A_289 : vector<1x16xf32> to vector<16xf32>
      %mul3A_291 = arith.mulf %get3A_48, %get3A_290 : vector<16xf32>
      %add3A_292 = arith.addf %get3A_286, %mul3A_291 : vector<16xf32>
      %get3A_293 = arith.index_cast %scan3A_44 : i32 to index
      %get3A_294 = arith.constant 176 : index
      %get3A_295 = tpu.vector_load %arg11[%get3A_293, %get3A_294] {strides = array<i32>} : memref<32x768xf32, #tpu.memory_space<vmem>>, vector<1x16xf32>,
      %get3A_296 = vector.shape_cast %get3A_295 : vector<1x16xf32> to vector<16xf32>
      %mul3A_297 = arith.mulf %get3A_52, %get3A_296 : vector<16xf32>
      %add3A_298 = arith.addf %add3A_292, %mul3A_297 : vector<16xf32>
      %swap3A_299 = arith.index_cast %scan3A_44 : i32 to index
      %swap3A_300 = arith.constant 176 : index
      %swap3A_301 = tpu.vector_load %arg9[%swap3A_299, %swap3A_300] {strides = array<i32>} : memref<32x768xf32, #tpu.memory_space<vmem>>, vector<1x16xf32>,
      %swap3A_302 = vector.shape_cast %swap3A_301 : vector<1x16xf32> to vector<16xf32>
      %swap3A_303 = vector.shape_cast %add3A_298 : vector<16xf32> to vector<1x16xf32>
      tpu.vector_store %arg9[%swap3A_299, %swap3A_300], %swap3A_303 {strides = array<i32>} : memref<32x768xf32, #tpu.memory_space<vmem>>, vector<1x16xf32>,
      %get3A_304 = arith.index_cast %scan3A_44 : i32 to index
      %get3A_305 = arith.constant 192 : index
      %get3A_306 = tpu.vector_load %arg9[%get3A_304, %get3A_305] {strides = array<i32>} : memref<32x768xf32, #tpu.memory_space<vmem>>, vector<1x16xf32>,
      %get3A_307 = vector.shape_cast %get3A_306 : vector<1x16xf32> to vector<16xf32>
      %get3A_308 = arith.index_cast %scan3A_44 : i32 to index
      %get3A_309 = arith.constant 192 : index
      %get3A_310 = tpu.vector_load %arg10[%get3A_308, %get3A_309] {strides = array<i32>} : memref<32x768xf32, #tpu.memory_space<vmem>>, vector<1x16xf32>,
      %get3A_311 = vector.shape_cast %get3A_310 : vector<1x16xf32> to vector<16xf32>
      %mul3A_312 = arith.mulf %get3A_48, %get3A_311 : vector<16xf32>
      %add3A_313 = arith.addf %get3A_307, %mul3A_312 : vector<16xf32>
      %get3A_314 = arith.index_cast %scan3A_44 : i32 to index
      %get3A_315 = arith.constant 192 : index
      %get3A_316 = tpu.vector_load %arg11[%get3A_314, %get3A_315] {strides = array<i32>} : memref<32x768xf32, #tpu.memory_space<vmem>>, vector<1x16xf32>,
      %get3A_317 = vector.shape_cast %get3A_316 : vector<1x16xf32> to vector<16xf32>
      %mul3A_318 = arith.mulf %get3A_52, %get3A_317 : vector<16xf32>
      %add3A_319 = arith.addf %add3A_313, %mul3A_318 : vector<16xf32>
      %swap3A_320 = arith.index_cast %scan3A_44 : i32 to index
      %swap3A_321 = arith.constant 192 : index
      %swap3A_322 = tpu.vector_load %arg9[%swap3A_320, %swap3A_321] {strides = array<i32>} : memref<32x768xf32, #tpu.memory_space<vmem>>, vector<1x16xf32>,
      %swap3A_323 = vector.shape_cast %swap3A_322 : vector<1x16xf32> to vector<16xf32>
      %swap3A_324 = vector.shape_cast %add3A_319 : vector<16xf32> to vector<1x16xf32>
      tpu.vector_store %arg9[%swap3A_320, %swap3A_321], %swap3A_324 {strides = array<i32>} : memref<32x768xf32, #tpu.memory_space<vmem>>, vector<1x16xf32>,
      %get3A_325 = arith.index_cast %scan3A_44 : i32 to index
      %get3A_326 = arith.constant 208 : index
      %get3A_327 = tpu.vector_load %arg9[%get3A_325, %get3A_326] {strides = array<i32>} : memref<32x768xf32, #tpu.memory_space<vmem>>, vector<1x16xf32>,
      %get3A_328 = vector.shape_cast %get3A_327 : vector<1x16xf32> to vector<16xf32>
      %get3A_329 = arith.index_cast %scan3A_44 : i32 to index
      %get3A_330 = arith.constant 208 : index
      %get3A_331 = tpu.vector_load %arg10[%get3A_329, %get3A_330] {strides = array<i32>} : memref<32x768xf32, #tpu.memory_space<vmem>>, vector<1x16xf32>,
      %get3A_332 = vector.shape_cast %get3A_331 : vector<1x16xf32> to vector<16xf32>
      %mul3A_333 = arith.mulf %get3A_48, %get3A_332 : vector<16xf32>
      %add3A_334 = arith.addf %get3A_328, %mul3A_333 : vector<16xf32>
      %get3A_335 = arith.index_cast %scan3A_44 : i32 to index
      %get3A_336 = arith.constant 208 : index
      %get3A_337 = tpu.vector_load %arg11[%get3A_335, %get3A_336] {strides = array<i32>} : memref<32x768xf32, #tpu.memory_space<vmem>>, vector<1x16xf32>,
      %get3A_338 = vector.shape_cast %get3A_337 : vector<1x16xf32> to vector<16xf32>
      %mul3A_339 = arith.mulf %get3A_52, %get3A_338 : vector<16xf32>
      %add3A_340 = arith.addf %add3A_334, %mul3A_339 : vector<16xf32>
      %swap3A_341 = arith.index_cast %scan3A_44 : i32 to index
      %swap3A_342 = arith.constant 208 : index
      %swap3A_343 = tpu.vector_load %arg9[%swap3A_341, %swap3A_342] {strides = array<i32>} : memref<32x768xf32, #tpu.memory_space<vmem>>, vector<1x16xf32>,
      %swap3A_344 = vector.shape_cast %swap3A_343 : vector<1x16xf32> to vector<16xf32>
      %swap3A_345 = vector.shape_cast %add3A_340 : vector<16xf32> to vector<1x16xf32>
      tpu.vector_store %arg9[%swap3A_341, %swap3A_342], %swap3A_345 {strides = array<i32>} : memref<32x768xf32, #tpu.memory_space<vmem>>, vector<1x16xf32>,
      %get3A_346 = arith.index_cast %scan3A_44 : i32 to index
      %get3A_347 = arith.constant 224 : index
      %get3A_348 = tpu.vector_load %arg9[%get3A_346, %get3A_347] {strides = array<i32>} : memref<32x768xf32, #tpu.memory_space<vmem>>, vector<1x16xf32>,
      %get3A_349 = vector.shape_cast %get3A_348 : vector<1x16xf32> to vector<16xf32>
      %get3A_350 = arith.index_cast %scan3A_44 : i32 to index
      %get3A_351 = arith.constant 224 : index
      %get3A_352 = tpu.vector_load %arg10[%get3A_350, %get3A_351] {strides = array<i32>} : memref<32x768xf32, #tpu.memory_space<vmem>>, vector<1x16xf32>,
      %get3A_353 = vector.shape_cast %get3A_352 : vector<1x16xf32> to vector<16xf32>
      %mul3A_354 = arith.mulf %get3A_48, %get3A_353 : vector<16xf32>
      %add3A_355 = arith.addf %get3A_349, %mul3A_354 : vector<16xf32>
      %get3A_356 = arith.index_cast %scan3A_44 : i32 to index
      %get3A_357 = arith.constant 224 : index
      %get3A_358 = tpu.vector_load %arg11[%get3A_356, %get3A_357] {strides = array<i32>} : memref<32x768xf32, #tpu.memory_space<vmem>>, vector<1x16xf32>,
      %get3A_359 = vector.shape_cast %get3A_358 : vector<1x16xf32> to vector<16xf32>
      %mul3A_360 = arith.mulf %get3A_52, %get3A_359 : vector<16xf32>
      %add3A_361 = arith.addf %add3A_355, %mul3A_360 : vector<16xf32>
      %swap3A_362 = arith.index_cast %scan3A_44 : i32 to index
      %swap3A_363 = arith.constant 224 : index
      %swap3A_364 = tpu.vector_load %arg9[%swap3A_362, %swap3A_363] {strides = array<i32>} : memref<32x768xf32, #tpu.memory_space<vmem>>, vector<1x16xf32>,
      %swap3A_365 = vector.shape_cast %swap3A_364 : vector<1x16xf32> to vector<16xf32>
      %swap3A_366 = vector.shape_cast %add3A_361 : vector<16xf32> to vector<1x16xf32>
      tpu.vector_store %arg9[%swap3A_362, %swap3A_363], %swap3A_366 {strides = array<i32>} : memref<32x768xf32, #tpu.memory_space<vmem>>, vector<1x16xf32>,
      %get3A_367 = arith.index_cast %scan3A_44 : i32 to index
      %get3A_368 = arith.constant 240 : index
      %get3A_369 = tpu.vector_load %arg9[%get3A_367, %get3A_368] {strides = array<i32>} : memref<32x768xf32, #tpu.memory_space<vmem>>, vector<1x16xf32>,
      %get3A_370 = vector.shape_cast %get3A_369 : vector<1x16xf32> to vector<16xf32>
      %get3A_371 = arith.index_cast %scan3A_44 : i32 to index
      %get3A_372 = arith.constant 240 : index
      %get3A_373 = tpu.vector_load %arg10[%get3A_371, %get3A_372] {strides = array<i32>} : memref<32x768xf32, #tpu.memory_space<vmem>>, vector<1x16xf32>,
      %get3A_374 = vector.shape_cast %get3A_373 : vector<1x16xf32> to vector<16xf32>
      %mul3A_375 = arith.mulf %get3A_48, %get3A_374 : vector<16xf32>
      %add3A_376 = arith.addf %get3A_370, %mul3A_375 : vector<16xf32>
      %get3A_377 = arith.index_cast %scan3A_44 : i32 to index
      %get3A_378 = arith.constant 240 : index
      %get3A_379 = tpu.vector_load %arg11[%get3A_377, %get3A_378] {strides = array<i32>} : memref<32x768xf32, #tpu.memory_space<vmem>>, vector<1x16xf32>,
      %get3A_380 = vector.shape_cast %get3A_379 : vector<1x16xf32> to vector<16xf32>
      %mul3A_381 = arith.mulf %get3A_52, %get3A_380 : vector<16xf32>
      %add3A_382 = arith.addf %add3A_376, %mul3A_381 : vector<16xf32>
      %swap3A_383 = arith.index_cast %scan3A_44 : i32 to index
      %swap3A_384 = arith.constant 240 : index
      %swap3A_385 = tpu.vector_load %arg9[%swap3A_383, %swap3A_384] {strides = array<i32>} : memref<32x768xf32, #tpu.memory_space<vmem>>, vector<1x16xf32>,
      %swap3A_386 = vector.shape_cast %swap3A_385 : vector<1x16xf32> to vector<16xf32>
      %swap3A_387 = vector.shape_cast %add3A_382 : vector<16xf32> to vector<1x16xf32>
      tpu.vector_store %arg9[%swap3A_383, %swap3A_384], %swap3A_387 {strides = array<i32>} : memref<32x768xf32, #tpu.memory_space<vmem>>, vector<1x16xf32>,
      %get3A_388 = arith.index_cast %scan3A_44 : i32 to index
      %get3A_389 = arith.constant 256 : index
      %get3A_390 = tpu.vector_load %arg9[%get3A_388, %get3A_389] {strides = array<i32>} : memref<32x768xf32, #tpu.memory_space<vmem>>, vector<1x16xf32>,
      %get3A_391 = vector.shape_cast %get3A_390 : vector<1x16xf32> to vector<16xf32>
      %get3A_392 = arith.index_cast %scan3A_44 : i32 to index
      %get3A_393 = arith.constant 256 : index
      %get3A_394 = tpu.vector_load %arg10[%get3A_392, %get3A_393] {strides = array<i32>} : memref<32x768xf32, #tpu.memory_space<vmem>>, vector<1x16xf32>,
      %get3A_395 = vector.shape_cast %get3A_394 : vector<1x16xf32> to vector<16xf32>
      %mul3A_396 = arith.mulf %get3A_48, %get3A_395 : vector<16xf32>
      %add3A_397 = arith.addf %get3A_391, %mul3A_396 : vector<16xf32>
      %get3A_398 = arith.index_cast %scan3A_44 : i32 to index
      %get3A_399 = arith.constant 256 : index
      %get3A_400 = tpu.vector_load %arg11[%get3A_398, %get3A_399] {strides = array<i32>} : memref<32x768xf32, #tpu.memory_space<vmem>>, vector<1x16xf32>,
      %get3A_401 = vector.shape_cast %get3A_400 : vector<1x16xf32> to vector<16xf32>
      %mul3A_402 = arith.mulf %get3A_52, %get3A_401 : vector<16xf32>
      %add3A_403 = arith.addf %add3A_397, %mul3A_402 : vector<16xf32>
      %swap3A_404 = arith.index_cast %scan3A_44 : i32 to index
      %swap3A_405 = arith.constant 256 : index
      %swap3A_406 = tpu.vector_load %arg9[%swap3A_404, %swap3A_405] {strides = array<i32>} : memref<32x768xf32, #tpu.memory_space<vmem>>, vector<1x16xf32>,
      %swap3A_407 = vector.shape_cast %swap3A_406 : vector<1x16xf32> to vector<16xf32>
      %swap3A_408 = vector.shape_cast %add3A_403 : vector<16xf32> to vector<1x16xf32>
      tpu.vector_store %arg9[%swap3A_404, %swap3A_405], %swap3A_408 {strides = array<i32>} : memref<32x768xf32, #tpu.memory_space<vmem>>, vector<1x16xf32>,
      %get3A_409 = arith.index_cast %scan3A_44 : i32 to index
      %get3A_410 = arith.constant 272 : index
      %get3A_411 = tpu.vector_load %arg9[%get3A_409, %get3A_410] {strides = array<i32>} : memref<32x768xf32, #tpu.memory_space<vmem>>, vector<1x16xf32>,
      %get3A_412 = vector.shape_cast %get3A_411 : vector<1x16xf32> to vector<16xf32>
      %get3A_413 = arith.index_cast %scan3A_44 : i32 to index
      %get3A_414 = arith.constant 272 : index
      %get3A_415 = tpu.vector_load %arg10[%get3A_413, %get3A_414] {strides = array<i32>} : memref<32x768xf32, #tpu.memory_space<vmem>>, vector<1x16xf32>,
      %get3A_416 = vector.shape_cast %get3A_415 : vector<1x16xf32> to vector<16xf32>
      %mul3A_417 = arith.mulf %get3A_48, %get3A_416 : vector<16xf32>
      %add3A_418 = arith.addf %get3A_412, %mul3A_417 : vector<16xf32>
      %get3A_419 = arith.index_cast %scan3A_44 : i32 to index
      %get3A_420 = arith.constant 272 : index
      %get3A_421 = tpu.vector_load %arg11[%get3A_419, %get3A_420] {strides = array<i32>} : memref<32x768xf32, #tpu.memory_space<vmem>>, vector<1x16xf32>,
      %get3A_422 = vector.shape_cast %get3A_421 : vector<1x16xf32> to vector<16xf32>
      %mul3A_423 = arith.mulf %get3A_52, %get3A_422 : vector<16xf32>
      %add3A_424 = arith.addf %add3A_418, %mul3A_423 : vector<16xf32>
      %swap3A_425 = arith.index_cast %scan3A_44 : i32 to index
      %swap3A_426 = arith.constant 272 : index
      %swap3A_427 = tpu.vector_load %arg9[%swap3A_425, %swap3A_426] {strides = array<i32>} : memref<32x768xf32, #tpu.memory_space<vmem>>, vector<1x16xf32>,
      %swap3A_428 = vector.shape_cast %swap3A_427 : vector<1x16xf32> to vector<16xf32>
      %swap3A_429 = vector.shape_cast %add3A_424 : vector<16xf32> to vector<1x16xf32>
      tpu.vector_store %arg9[%swap3A_425, %swap3A_426], %swap3A_429 {strides = array<i32>} : memref<32x768xf32, #tpu.memory_space<vmem>>, vector<1x16xf32>,
      %get3A_430 = arith.index_cast %scan3A_44 : i32 to index
      %get3A_431 = arith.constant 288 : index
      %get3A_432 = tpu.vector_load %arg9[%get3A_430, %get3A_431] {strides = array<i32>} : memref<32x768xf32, #tpu.memory_space<vmem>>, vector<1x16xf32>,
      %get3A_433 = vector.shape_cast %get3A_432 : vector<1x16xf32> to vector<16xf32>
      %get3A_434 = arith.index_cast %scan3A_44 : i32 to index
      %get3A_435 = arith.constant 288 : index
      %get3A_436 = tpu.vector_load %arg10[%get3A_434, %get3A_435] {strides = array<i32>} : memref<32x768xf32, #tpu.memory_space<vmem>>, vector<1x16xf32>,
      %get3A_437 = vector.shape_cast %get3A_436 : vector<1x16xf32> to vector<16xf32>
      %mul3A_438 = arith.mulf %get3A_48, %get3A_437 : vector<16xf32>
      %add3A_439 = arith.addf %get3A_433, %mul3A_438 : vector<16xf32>
      %get3A_440 = arith.index_cast %scan3A_44 : i32 to index
      %get3A_441 = arith.constant 288 : index
      %get3A_442 = tpu.vector_load %arg11[%get3A_440, %get3A_441] {strides = array<i32>} : memref<32x768xf32, #tpu.memory_space<vmem>>, vector<1x16xf32>,
      %get3A_443 = vector.shape_cast %get3A_442 : vector<1x16xf32> to vector<16xf32>
      %mul3A_444 = arith.mulf %get3A_52, %get3A_443 : vector<16xf32>
      %add3A_445 = arith.addf %add3A_439, %mul3A_444 : vector<16xf32>
      %swap3A_446 = arith.index_cast %scan3A_44 : i32 to index
      %swap3A_447 = arith.constant 288 : index
      %swap3A_448 = tpu.vector_load %arg9[%swap3A_446, %swap3A_447] {strides = array<i32>} : memref<32x768xf32, #tpu.memory_space<vmem>>, vector<1x16xf32>,
      %swap3A_449 = vector.shape_cast %swap3A_448 : vector<1x16xf32> to vector<16xf32>
      %swap3A_450 = vector.shape_cast %add3A_445 : vector<16xf32> to vector<1x16xf32>
      tpu.vector_store %arg9[%swap3A_446, %swap3A_447], %swap3A_450 {strides = array<i32>} : memref<32x768xf32, #tpu.memory_space<vmem>>, vector<1x16xf32>,
      %get3A_451 = arith.index_cast %scan3A_44 : i32 to index
      %get3A_452 = arith.constant 304 : index
      %get3A_453 = tpu.vector_load %arg9[%get3A_451, %get3A_452] {strides = array<i32>} : memref<32x768xf32, #tpu.memory_space<vmem>>, vector<1x16xf32>,
      %get3A_454 = vector.shape_cast %get3A_453 : vector<1x16xf32> to vector<16xf32>
      %get3A_455 = arith.index_cast %scan3A_44 : i32 to index
      %get3A_456 = arith.constant 304 : index
      %get3A_457 = tpu.vector_load %arg10[%get3A_455, %get3A_456] {strides = array<i32>} : memref<32x768xf32, #tpu.memory_space<vmem>>, vector<1x16xf32>,
      %get3A_458 = vector.shape_cast %get3A_457 : vector<1x16xf32> to vector<16xf32>
      %mul3A_459 = arith.mulf %get3A_48, %get3A_458 : vector<16xf32>
      %add3A_460 = arith.addf %get3A_454, %mul3A_459 : vector<16xf32>
      %get3A_461 = arith.index_cast %scan3A_44 : i32 to index
      %get3A_462 = arith.constant 304 : index
      %get3A_463 = tpu.vector_load %arg11[%get3A_461, %get3A_462] {strides = array<i32>} : memref<32x768xf32, #tpu.memory_space<vmem>>, vector<1x16xf32>,
      %get3A_464 = vector.shape_cast %get3A_463 : vector<1x16xf32> to vector<16xf32>
      %mul3A_465 = arith.mulf %get3A_52, %get3A_464 : vector<16xf32>
      %add3A_466 = arith.addf %add3A_460, %mul3A_465 : vector<16xf32>
      %swap3A_467 = arith.index_cast %scan3A_44 : i32 to index
      %swap3A_468 = arith.constant 304 : index
      %swap3A_469 = tpu.vector_load %arg9[%swap3A_467, %swap3A_468] {strides = array<i32>} : memref<32x768xf32, #tpu.memory_space<vmem>>, vector<1x16xf32>,
      %swap3A_470 = vector.shape_cast %swap3A_469 : vector<1x16xf32> to vector<16xf32>
      %swap3A_471 = vector.shape_cast %add3A_466 : vector<16xf32> to vector<1x16xf32>
      tpu.vector_store %arg9[%swap3A_467, %swap3A_468], %swap3A_471 {strides = array<i32>} : memref<32x768xf32, #tpu.memory_space<vmem>>, vector<1x16xf32>,
      %get3A_472 = arith.index_cast %scan3A_44 : i32 to index
      %get3A_473 = arith.constant 320 : index
      %get3A_474 = tpu.vector_load %arg9[%get3A_472, %get3A_473] {strides = array<i32>} : memref<32x768xf32, #tpu.memory_space<vmem>>, vector<1x16xf32>,
      %get3A_475 = vector.shape_cast %get3A_474 : vector<1x16xf32> to vector<16xf32>
      %get3A_476 = arith.index_cast %scan3A_44 : i32 to index
      %get3A_477 = arith.constant 320 : index
      %get3A_478 = tpu.vector_load %arg10[%get3A_476, %get3A_477] {strides = array<i32>} : memref<32x768xf32, #tpu.memory_space<vmem>>, vector<1x16xf32>,
      %get3A_479 = vector.shape_cast %get3A_478 : vector<1x16xf32> to vector<16xf32>
      %mul3A_480 = arith.mulf %get3A_48, %get3A_479 : vector<16xf32>
      %add3A_481 = arith.addf %get3A_475, %mul3A_480 : vector<16xf32>
      %get3A_482 = arith.index_cast %scan3A_44 : i32 to index
      %get3A_483 = arith.constant 320 : index
      %get3A_484 = tpu.vector_load %arg11[%get3A_482, %get3A_483] {strides = array<i32>} : memref<32x768xf32, #tpu.memory_space<vmem>>, vector<1x16xf32>,
      %get3A_485 = vector.shape_cast %get3A_484 : vector<1x16xf32> to vector<16xf32>
      %mul3A_486 = arith.mulf %get3A_52, %get3A_485 : vector<16xf32>
      %add3A_487 = arith.addf %add3A_481, %mul3A_486 : vector<16xf32>
      %swap3A_488 = arith.index_cast %scan3A_44 : i32 to index
      %swap3A_489 = arith.constant 320 : index
      %swap3A_490 = tpu.vector_load %arg9[%swap3A_488, %swap3A_489] {strides = array<i32>} : memref<32x768xf32, #tpu.memory_space<vmem>>, vector<1x16xf32>,
      %swap3A_491 = vector.shape_cast %swap3A_490 : vector<1x16xf32> to vector<16xf32>
      %swap3A_492 = vector.shape_cast %add3A_487 : vector<16xf32> to vector<1x16xf32>
      tpu.vector_store %arg9[%swap3A_488, %swap3A_489], %swap3A_492 {strides = array<i32>} : memref<32x768xf32, #tpu.memory_space<vmem>>, vector<1x16xf32>,
      %get3A_493 = arith.index_cast %scan3A_44 : i32 to index
      %get3A_494 = arith.constant 336 : index
      %get3A_495 = tpu.vector_load %arg9[%get3A_493, %get3A_494] {strides = array<i32>} : memref<32x768xf32, #tpu.memory_space<vmem>>, vector<1x16xf32>,
      %get3A_496 = vector.shape_cast %get3A_495 : vector<1x16xf32> to vector<16xf32>
      %get3A_497 = arith.index_cast %scan3A_44 : i32 to index
      %get3A_498 = arith.constant 336 : index
      %get3A_499 = tpu.vector_load %arg10[%get3A_497, %get3A_498] {strides = array<i32>} : memref<32x768xf32, #tpu.memory_space<vmem>>, vector<1x16xf32>,
      %get3A_500 = vector.shape_cast %get3A_499 : vector<1x16xf32> to vector<16xf32>
      %mul3A_501 = arith.mulf %get3A_48, %get3A_500 : vector<16xf32>
      %add3A_502 = arith.addf %get3A_496, %mul3A_501 : vector<16xf32>
      %get3A_503 = arith.index_cast %scan3A_44 : i32 to index
      %get3A_504 = arith.constant 336 : index
      %get3A_505 = tpu.vector_load %arg11[%get3A_503, %get3A_504] {strides = array<i32>} : memref<32x768xf32, #tpu.memory_space<vmem>>, vector<1x16xf32>,
      %get3A_506 = vector.shape_cast %get3A_505 : vector<1x16xf32> to vector<16xf32>
      %mul3A_507 = arith.mulf %get3A_52, %get3A_506 : vector<16xf32>
      %add3A_508 = arith.addf %add3A_502, %mul3A_507 : vector<16xf32>
      %swap3A_509 = arith.index_cast %scan3A_44 : i32 to index
      %swap3A_510 = arith.constant 336 : index
      %swap3A_511 = tpu.vector_load %arg9[%swap3A_509, %swap3A_510] {strides = array<i32>} : memref<32x768xf32, #tpu.memory_space<vmem>>, vector<1x16xf32>,
      %swap3A_512 = vector.shape_cast %swap3A_511 : vector<1x16xf32> to vector<16xf32>
      %swap3A_513 = vector.shape_cast %add3A_508 : vector<16xf32> to vector<1x16xf32>
      tpu.vector_store %arg9[%swap3A_509, %swap3A_510], %swap3A_513 {strides = array<i32>} : memref<32x768xf32, #tpu.memory_space<vmem>>, vector<1x16xf32>,
      %get3A_514 = arith.index_cast %scan3A_44 : i32 to index
      %get3A_515 = arith.constant 352 : index
      %get3A_516 = tpu.vector_load %arg9[%get3A_514, %get3A_515] {strides = array<i32>} : memref<32x768xf32, #tpu.memory_space<vmem>>, vector<1x16xf32>,
      %get3A_517 = vector.shape_cast %get3A_516 : vector<1x16xf32> to vector<16xf32>
      %get3A_518 = arith.index_cast %scan3A_44 : i32 to index
      %get3A_519 = arith.constant 352 : index
      %get3A_520 = tpu.vector_load %arg10[%get3A_518, %get3A_519] {strides = array<i32>} : memref<32x768xf32, #tpu.memory_space<vmem>>, vector<1x16xf32>,
      %get3A_521 = vector.shape_cast %get3A_520 : vector<1x16xf32> to vector<16xf32>
      %mul3A_522 = arith.mulf %get3A_48, %get3A_521 : vector<16xf32>
      %add3A_523 = arith.addf %get3A_517, %mul3A_522 : vector<16xf32>
      %get3A_524 = arith.index_cast %scan3A_44 : i32 to index
      %get3A_525 = arith.constant 352 : index
      %get3A_526 = tpu.vector_load %arg11[%get3A_524, %get3A_525] {strides = array<i32>} : memref<32x768xf32, #tpu.memory_space<vmem>>, vector<1x16xf32>,
      %get3A_527 = vector.shape_cast %get3A_526 : vector<1x16xf32> to vector<16xf32>
      %mul3A_528 = arith.mulf %get3A_52, %get3A_527 : vector<16xf32>
      %add3A_529 = arith.addf %add3A_523, %mul3A_528 : vector<16xf32>
      %swap3A_530 = arith.index_cast %scan3A_44 : i32 to index
      %swap3A_531 = arith.constant 352 : index
      %swap3A_532 = tpu.vector_load %arg9[%swap3A_530, %swap3A_531] {strides = array<i32>} : memref<32x768xf32, #tpu.memory_space<vmem>>, vector<1x16xf32>,
      %swap3A_533 = vector.shape_cast %swap3A_532 : vector<1x16xf32> to vector<16xf32>
      %swap3A_534 = vector.shape_cast %add3A_529 : vector<16xf32> to vector<1x16xf32>
      tpu.vector_store %arg9[%swap3A_530, %swap3A_531], %swap3A_534 {strides = array<i32>} : memref<32x768xf32, #tpu.memory_space<vmem>>, vector<1x16xf32>,
      %get3A_535 = arith.index_cast %scan3A_44 : i32 to index
      %get3A_536 = arith.constant 368 : index
      %get3A_537 = tpu.vector_load %arg9[%get3A_535, %get3A_536] {strides = array<i32>} : memref<32x768xf32, #tpu.memory_space<vmem>>, vector<1x16xf32>,
      %get3A_538 = vector.shape_cast %get3A_537 : vector<1x16xf32> to vector<16xf32>
      %get3A_539 = arith.index_cast %scan3A_44 : i32 to index
      %get3A_540 = arith.constant 368 : index
      %get3A_541 = tpu.vector_load %arg10[%get3A_539, %get3A_540] {strides = array<i32>} : memref<32x768xf32, #tpu.memory_space<vmem>>, vector<1x16xf32>,
      %get3A_542 = vector.shape_cast %get3A_541 : vector<1x16xf32> to vector<16xf32>
      %mul3A_543 = arith.mulf %get3A_48, %get3A_542 : vector<16xf32>
      %add3A_544 = arith.addf %get3A_538, %mul3A_543 : vector<16xf32>
      %get3A_545 = arith.index_cast %scan3A_44 : i32 to index
      %get3A_546 = arith.constant 368 : index
      %get3A_547 = tpu.vector_load %arg11[%get3A_545, %get3A_546] {strides = array<i32>} : memref<32x768xf32, #tpu.memory_space<vmem>>, vector<1x16xf32>,
      %get3A_548 = vector.shape_cast %get3A_547 : vector<1x16xf32> to vector<16xf32>
      %mul3A_549 = arith.mulf %get3A_52, %get3A_548 : vector<16xf32>
      %add3A_550 = arith.addf %add3A_544, %mul3A_549 : vector<16xf32>
      %swap3A_551 = arith.index_cast %scan3A_44 : i32 to index
      %swap3A_552 = arith.constant 368 : index
      %swap3A_553 = tpu.vector_load %arg9[%swap3A_551, %swap3A_552] {strides = array<i32>} : memref<32x768xf32, #tpu.memory_space<vmem>>, vector<1x16xf32>,
      %swap3A_554 = vector.shape_cast %swap3A_553 : vector<1x16xf32> to vector<16xf32>
      %swap3A_555 = vector.shape_cast %add3A_550 : vector<16xf32> to vector<1x16xf32>
      tpu.vector_store %arg9[%swap3A_551, %swap3A_552], %swap3A_555 {strides = array<i32>} : memref<32x768xf32, #tpu.memory_space<vmem>>, vector<1x16xf32>,
      %get3A_556 = arith.index_cast %scan3A_44 : i32 to index
      %get3A_557 = arith.constant 384 : index
      %get3A_558 = tpu.vector_load %arg9[%get3A_556, %get3A_557] {strides = array<i32>} : memref<32x768xf32, #tpu.memory_space<vmem>>, vector<1x16xf32>,
      %get3A_559 = vector.shape_cast %get3A_558 : vector<1x16xf32> to vector<16xf32>
      %get3A_560 = arith.index_cast %scan3A_44 : i32 to index
      %get3A_561 = arith.constant 384 : index
      %get3A_562 = tpu.vector_load %arg10[%get3A_560, %get3A_561] {strides = array<i32>} : memref<32x768xf32, #tpu.memory_space<vmem>>, vector<1x16xf32>,
      %get3A_563 = vector.shape_cast %get3A_562 : vector<1x16xf32> to vector<16xf32>
      %mul3A_564 = arith.mulf %get3A_48, %get3A_563 : vector<16xf32>
      %add3A_565 = arith.addf %get3A_559, %mul3A_564 : vector<16xf32>
      %get3A_566 = arith.index_cast %scan3A_44 : i32 to index
      %get3A_567 = arith.constant 384 : index
      %get3A_568 = tpu.vector_load %arg11[%get3A_566, %get3A_567] {strides = array<i32>} : memref<32x768xf32, #tpu.memory_space<vmem>>, vector<1x16xf32>,
      %get3A_569 = vector.shape_cast %get3A_568 : vector<1x16xf32> to vector<16xf32>
      %mul3A_570 = arith.mulf %get3A_52, %get3A_569 : vector<16xf32>
      %add3A_571 = arith.addf %add3A_565, %mul3A_570 : vector<16xf32>
      %swap3A_572 = arith.index_cast %scan3A_44 : i32 to index
      %swap3A_573 = arith.constant 384 : index
      %swap3A_574 = tpu.vector_load %arg9[%swap3A_572, %swap3A_573] {strides = array<i32>} : memref<32x768xf32, #tpu.memory_space<vmem>>, vector<1x16xf32>,
      %swap3A_575 = vector.shape_cast %swap3A_574 : vector<1x16xf32> to vector<16xf32>
      %swap3A_576 = vector.shape_cast %add3A_571 : vector<16xf32> to vector<1x16xf32>
      tpu.vector_store %arg9[%swap3A_572, %swap3A_573], %swap3A_576 {strides = array<i32>} : memref<32x768xf32, #tpu.memory_space<vmem>>, vector<1x16xf32>,
      %get3A_577 = arith.index_cast %scan3A_44 : i32 to index
      %get3A_578 = arith.constant 400 : index
      %get3A_579 = tpu.vector_load %arg9[%get3A_577, %get3A_578] {strides = array<i32>} : memref<32x768xf32, #tpu.memory_space<vmem>>, vector<1x16xf32>,
      %get3A_580 = vector.shape_cast %get3A_579 : vector<1x16xf32> to vector<16xf32>
      %get3A_581 = arith.index_cast %scan3A_44 : i32 to index
      %get3A_582 = arith.constant 400 : index
      %get3A_583 = tpu.vector_load %arg10[%get3A_581, %get3A_582] {strides = array<i32>} : memref<32x768xf32, #tpu.memory_space<vmem>>, vector<1x16xf32>,
      %get3A_584 = vector.shape_cast %get3A_583 : vector<1x16xf32> to vector<16xf32>
      %mul3A_585 = arith.mulf %get3A_48, %get3A_584 : vector<16xf32>
      %add3A_586 = arith.addf %get3A_580, %mul3A_585 : vector<16xf32>
      %get3A_587 = arith.index_cast %scan3A_44 : i32 to index
      %get3A_588 = arith.constant 400 : index
      %get3A_589 = tpu.vector_load %arg11[%get3A_587, %get3A_588] {strides = array<i32>} : memref<32x768xf32, #tpu.memory_space<vmem>>, vector<1x16xf32>,
      %get3A_590 = vector.shape_cast %get3A_589 : vector<1x16xf32> to vector<16xf32>
      %mul3A_591 = arith.mulf %get3A_52, %get3A_590 : vector<16xf32>
      %add3A_592 = arith.addf %add3A_586, %mul3A_591 : vector<16xf32>
      %swap3A_593 = arith.index_cast %scan3A_44 : i32 to index
      %swap3A_594 = arith.constant 400 : index
      %swap3A_595 = tpu.vector_load %arg9[%swap3A_593, %swap3A_594] {strides = array<i32>} : memref<32x768xf32, #tpu.memory_space<vmem>>, vector<1x16xf32>,
      %swap3A_596 = vector.shape_cast %swap3A_595 : vector<1x16xf32> to vector<16xf32>
      %swap3A_597 = vector.shape_cast %add3A_592 : vector<16xf32> to vector<1x16xf32>
      tpu.vector_store %arg9[%swap3A_593, %swap3A_594], %swap3A_597 {strides = array<i32>} : memref<32x768xf32, #tpu.memory_space<vmem>>, vector<1x16xf32>,
      %get3A_598 = arith.index_cast %scan3A_44 : i32 to index
      %get3A_599 = arith.constant 416 : index
      %get3A_600 = tpu.vector_load %arg9[%get3A_598, %get3A_599] {strides = array<i32>} : memref<32x768xf32, #tpu.memory_space<vmem>>, vector<1x16xf32>,
      %get3A_601 = vector.shape_cast %get3A_600 : vector<1x16xf32> to vector<16xf32>
      %get3A_602 = arith.index_cast %scan3A_44 : i32 to index
      %get3A_603 = arith.constant 416 : index
      %get3A_604 = tpu.vector_load %arg10[%get3A_602, %get3A_603] {strides = array<i32>} : memref<32x768xf32, #tpu.memory_space<vmem>>, vector<1x16xf32>,
      %get3A_605 = vector.shape_cast %get3A_604 : vector<1x16xf32> to vector<16xf32>
      %mul3A_606 = arith.mulf %get3A_48, %get3A_605 : vector<16xf32>
      %add3A_607 = arith.addf %get3A_601, %mul3A_606 : vector<16xf32>
      %get3A_608 = arith.index_cast %scan3A_44 : i32 to index
      %get3A_609 = arith.constant 416 : index
      %get3A_610 = tpu.vector_load %arg11[%get3A_608, %get3A_609] {strides = array<i32>} : memref<32x768xf32, #tpu.memory_space<vmem>>, vector<1x16xf32>,
      %get3A_611 = vector.shape_cast %get3A_610 : vector<1x16xf32> to vector<16xf32>
      %mul3A_612 = arith.mulf %get3A_52, %get3A_611 : vector<16xf32>
      %add3A_613 = arith.addf %add3A_607, %mul3A_612 : vector<16xf32>
      %swap3A_614 = arith.index_cast %scan3A_44 : i32 to index
      %swap3A_615 = arith.constant 416 : index
      %swap3A_616 = tpu.vector_load %arg9[%swap3A_614, %swap3A_615] {strides = array<i32>} : memref<32x768xf32, #tpu.memory_space<vmem>>, vector<1x16xf32>,
      %swap3A_617 = vector.shape_cast %swap3A_616 : vector<1x16xf32> to vector<16xf32>
      %swap3A_618 = vector.shape_cast %add3A_613 : vector<16xf32> to vector<1x16xf32>
      tpu.vector_store %arg9[%swap3A_614, %swap3A_615], %swap3A_618 {strides = array<i32>} : memref<32x768xf32, #tpu.memory_space<vmem>>, vector<1x16xf32>,
      %get3A_619 = arith.index_cast %scan3A_44 : i32 to index
      %get3A_620 = arith.constant 432 : index
      %get3A_621 = tpu.vector_load %arg9[%get3A_619, %get3A_620] {strides = array<i32>} : memref<32x768xf32, #tpu.memory_space<vmem>>, vector<1x16xf32>,
      %get3A_622 = vector.shape_cast %get3A_621 : vector<1x16xf32> to vector<16xf32>
      %get3A_623 = arith.index_cast %scan3A_44 : i32 to index
      %get3A_624 = arith.constant 432 : index
      %get3A_625 = tpu.vector_load %arg10[%get3A_623, %get3A_624] {strides = array<i32>} : memref<32x768xf32, #tpu.memory_space<vmem>>, vector<1x16xf32>,
      %get3A_626 = vector.shape_cast %get3A_625 : vector<1x16xf32> to vector<16xf32>
      %mul3A_627 = arith.mulf %get3A_48, %get3A_626 : vector<16xf32>
      %add3A_628 = arith.addf %get3A_622, %mul3A_627 : vector<16xf32>
      %get3A_629 = arith.index_cast %scan3A_44 : i32 to index
      %get3A_630 = arith.constant 432 : index
      %get3A_631 = tpu.vector_load %arg11[%get3A_629, %get3A_630] {strides = array<i32>} : memref<32x768xf32, #tpu.memory_space<vmem>>, vector<1x16xf32>,
      %get3A_632 = vector.shape_cast %get3A_631 : vector<1x16xf32> to vector<16xf32>
      %mul3A_633 = arith.mulf %get3A_52, %get3A_632 : vector<16xf32>
      %add3A_634 = arith.addf %add3A_628, %mul3A_633 : vector<16xf32>
      %swap3A_635 = arith.index_cast %scan3A_44 : i32 to index
      %swap3A_636 = arith.constant 432 : index
      %swap3A_637 = tpu.vector_load %arg9[%swap3A_635, %swap3A_636] {strides = array<i32>} : memref<32x768xf32, #tpu.memory_space<vmem>>, vector<1x16xf32>,
      %swap3A_638 = vector.shape_cast %swap3A_637 : vector<1x16xf32> to vector<16xf32>
      %swap3A_639 = vector.shape_cast %add3A_634 : vector<16xf32> to vector<1x16xf32>
      tpu.vector_store %arg9[%swap3A_635, %swap3A_636], %swap3A_639 {strides = array<i32>} : memref<32x768xf32, #tpu.memory_space<vmem>>, vector<1x16xf32>,
      %get3A_640 = arith.index_cast %scan3A_44 : i32 to index
      %get3A_641 = arith.constant 448 : index
      %get3A_642 = tpu.vector_load %arg9[%get3A_640, %get3A_641] {strides = array<i32>} : memref<32x768xf32, #tpu.memory_space<vmem>>, vector<1x16xf32>,
      %get3A_643 = vector.shape_cast %get3A_642 : vector<1x16xf32> to vector<16xf32>
      %get3A_644 = arith.index_cast %scan3A_44 : i32 to index
      %get3A_645 = arith.constant 448 : index
      %get3A_646 = tpu.vector_load %arg10[%get3A_644, %get3A_645] {strides = array<i32>} : memref<32x768xf32, #tpu.memory_space<vmem>>, vector<1x16xf32>,
      %get3A_647 = vector.shape_cast %get3A_646 : vector<1x16xf32> to vector<16xf32>
      %mul3A_648 = arith.mulf %get3A_48, %get3A_647 : vector<16xf32>
      %add3A_649 = arith.addf %get3A_643, %mul3A_648 : vector<16xf32>
      %get3A_650 = arith.index_cast %scan3A_44 : i32 to index
      %get3A_651 = arith.constant 448 : index
      %get3A_652 = tpu.vector_load %arg11[%get3A_650, %get3A_651] {strides = array<i32>} : memref<32x768xf32, #tpu.memory_space<vmem>>, vector<1x16xf32>,
      %get3A_653 = vector.shape_cast %get3A_652 : vector<1x16xf32> to vector<16xf32>
      %mul3A_654 = arith.mulf %get3A_52, %get3A_653 : vector<16xf32>
      %add3A_655 = arith.addf %add3A_649, %mul3A_654 : vector<16xf32>
      %swap3A_656 = arith.index_cast %scan3A_44 : i32 to index
      %swap3A_657 = arith.constant 448 : index
      %swap3A_658 = tpu.vector_load %arg9[%swap3A_656, %swap3A_657] {strides = array<i32>} : memref<32x768xf32, #tpu.memory_space<vmem>>, vector<1x16xf32>,
      %swap3A_659 = vector.shape_cast %swap3A_658 : vector<1x16xf32> to vector<16xf32>
      %swap3A_660 = vector.shape_cast %add3A_655 : vector<16xf32> to vector<1x16xf32>
      tpu.vector_store %arg9[%swap3A_656, %swap3A_657], %swap3A_660 {strides = array<i32>} : memref<32x768xf32, #tpu.memory_space<vmem>>, vector<1x16xf32>,
      %get3A_661 = arith.index_cast %scan3A_44 : i32 to index
      %get3A_662 = arith.constant 464 : index
      %get3A_663 = tpu.vector_load %arg9[%get3A_661, %get3A_662] {strides = array<i32>} : memref<32x768xf32, #tpu.memory_space<vmem>>, vector<1x16xf32>,
      %get3A_664 = vector.shape_cast %get3A_663 : vector<1x16xf32> to vector<16xf32>
      %get3A_665 = arith.index_cast %scan3A_44 : i32 to index
      %get3A_666 = arith.constant 464 : index
      %get3A_667 = tpu.vector_load %arg10[%get3A_665, %get3A_666] {strides = array<i32>} : memref<32x768xf32, #tpu.memory_space<vmem>>, vector<1x16xf32>,
      %get3A_668 = vector.shape_cast %get3A_667 : vector<1x16xf32> to vector<16xf32>
      %mul3A_669 = arith.mulf %get3A_48, %get3A_668 : vector<16xf32>
      %add3A_670 = arith.addf %get3A_664, %mul3A_669 : vector<16xf32>
      %get3A_671 = arith.index_cast %scan3A_44 : i32 to index
      %get3A_672 = arith.constant 464 : index
      %get3A_673 = tpu.vector_load %arg11[%get3A_671, %get3A_672] {strides = array<i32>} : memref<32x768xf32, #tpu.memory_space<vmem>>, vector<1x16xf32>,
      %get3A_674 = vector.shape_cast %get3A_673 : vector<1x16xf32> to vector<16xf32>
      %mul3A_675 = arith.mulf %get3A_52, %get3A_674 : vector<16xf32>
      %add3A_676 = arith.addf %add3A_670, %mul3A_675 : vector<16xf32>
      %swap3A_677 = arith.index_cast %scan3A_44 : i32 to index
      %swap3A_678 = arith.constant 464 : index
      %swap3A_679 = tpu.vector_load %arg9[%swap3A_677, %swap3A_678] {strides = array<i32>} : memref<32x768xf32, #tpu.memory_space<vmem>>, vector<1x16xf32>,
      %swap3A_680 = vector.shape_cast %swap3A_679 : vector<1x16xf32> to vector<16xf32>
      %swap3A_681 = vector.shape_cast %add3A_676 : vector<16xf32> to vector<1x16xf32>
      tpu.vector_store %arg9[%swap3A_677, %swap3A_678], %swap3A_681 {strides = array<i32>} : memref<32x768xf32, #tpu.memory_space<vmem>>, vector<1x16xf32>,
      %get3A_682 = arith.index_cast %scan3A_44 : i32 to index
      %get3A_683 = arith.constant 480 : index
      %get3A_684 = tpu.vector_load %arg9[%get3A_682, %get3A_683] {strides = array<i32>} : memref<32x768xf32, #tpu.memory_space<vmem>>, vector<1x16xf32>,
      %get3A_685 = vector.shape_cast %get3A_684 : vector<1x16xf32> to vector<16xf32>
      %get3A_686 = arith.index_cast %scan3A_44 : i32 to index
      %get3A_687 = arith.constant 480 : index
      %get3A_688 = tpu.vector_load %arg10[%get3A_686, %get3A_687] {strides = array<i32>} : memref<32x768xf32, #tpu.memory_space<vmem>>, vector<1x16xf32>,
      %get3A_689 = vector.shape_cast %get3A_688 : vector<1x16xf32> to vector<16xf32>
      %mul3A_690 = arith.mulf %get3A_48, %get3A_689 : vector<16xf32>
      %add3A_691 = arith.addf %get3A_685, %mul3A_690 : vector<16xf32>
      %get3A_692 = arith.index_cast %scan3A_44 : i32 to index
      %get3A_693 = arith.constant 480 : index
      %get3A_694 = tpu.vector_load %arg11[%get3A_692, %get3A_693] {strides = array<i32>} : memref<32x768xf32, #tpu.memory_space<vmem>>, vector<1x16xf32>,
      %get3A_695 = vector.shape_cast %get3A_694 : vector<1x16xf32> to vector<16xf32>
      %mul3A_696 = arith.mulf %get3A_52, %get3A_695 : vector<16xf32>
      %add3A_697 = arith.addf %add3A_691, %mul3A_696 : vector<16xf32>
      %swap3A_698 = arith.index_cast %scan3A_44 : i32 to index
      %swap3A_699 = arith.constant 480 : index
      %swap3A_700 = tpu.vector_load %arg9[%swap3A_698, %swap3A_699] {strides = array<i32>} : memref<32x768xf32, #tpu.memory_space<vmem>>, vector<1x16xf32>,
      %swap3A_701 = vector.shape_cast %swap3A_700 : vector<1x16xf32> to vector<16xf32>
      %swap3A_702 = vector.shape_cast %add3A_697 : vector<16xf32> to vector<1x16xf32>
      tpu.vector_store %arg9[%swap3A_698, %swap3A_699], %swap3A_702 {strides = array<i32>} : memref<32x768xf32, #tpu.memory_space<vmem>>, vector<1x16xf32>,
      %get3A_703 = arith.index_cast %scan3A_44 : i32 to index
      %get3A_704 = arith.constant 496 : index
      %get3A_705 = tpu.vector_load %arg9[%get3A_703, %get3A_704] {strides = array<i32>} : memref<32x768xf32, #tpu.memory_space<vmem>>, vector<1x16xf32>,
      %get3A_706 = vector.shape_cast %get3A_705 : vector<1x16xf32> to vector<16xf32>
      %get3A_707 = arith.index_cast %scan3A_44 : i32 to index
      %get3A_708 = arith.constant 496 : index
      %get3A_709 = tpu.vector_load %arg10[%get3A_707, %get3A_708] {strides = array<i32>} : memref<32x768xf32, #tpu.memory_space<vmem>>, vector<1x16xf32>,
      %get3A_710 = vector.shape_cast %get3A_709 : vector<1x16xf32> to vector<16xf32>
      %mul3A_711 = arith.mulf %get3A_48, %get3A_710 : vector<16xf32>
      %add3A_712 = arith.addf %get3A_706, %mul3A_711 : vector<16xf32>
      %get3A_713 = arith.index_cast %scan3A_44 : i32 to index
      %get3A_714 = arith.constant 496 : index
      %get3A_715 = tpu.vector_load %arg11[%get3A_713, %get3A_714] {strides = array<i32>} : memref<32x768xf32, #tpu.memory_space<vmem>>, vector<1x16xf32>,
      %get3A_716 = vector.shape_cast %get3A_715 : vector<1x16xf32> to vector<16xf32>
      %mul3A_717 = arith.mulf %get3A_52, %get3A_716 : vector<16xf32>
      %add3A_718 = arith.addf %add3A_712, %mul3A_717 : vector<16xf32>
      %swap3A_719 = arith.index_cast %scan3A_44 : i32 to index
      %swap3A_720 = arith.constant 496 : index
      %swap3A_721 = tpu.vector_load %arg9[%swap3A_719, %swap3A_720] {strides = array<i32>} : memref<32x768xf32, #tpu.memory_space<vmem>>, vector<1x16xf32>,
      %swap3A_722 = vector.shape_cast %swap3A_721 : vector<1x16xf32> to vector<16xf32>
      %swap3A_723 = vector.shape_cast %add3A_718 : vector<16xf32> to vector<1x16xf32>
      tpu.vector_store %arg9[%swap3A_719, %swap3A_720], %swap3A_723 {strides = array<i32>} : memref<32x768xf32, #tpu.memory_space<vmem>>, vector<1x16xf32>,
      %get3A_724 = arith.index_cast %scan3A_44 : i32 to index
      %get3A_725 = arith.constant 512 : index
      %get3A_726 = tpu.vector_load %arg9[%get3A_724, %get3A_725] {strides = array<i32>} : memref<32x768xf32, #tpu.memory_space<vmem>>, vector<1x16xf32>,
      %get3A_727 = vector.shape_cast %get3A_726 : vector<1x16xf32> to vector<16xf32>
      %get3A_728 = arith.index_cast %scan3A_44 : i32 to index
      %get3A_729 = arith.constant 512 : index
      %get3A_730 = tpu.vector_load %arg10[%get3A_728, %get3A_729] {strides = array<i32>} : memref<32x768xf32, #tpu.memory_space<vmem>>, vector<1x16xf32>,
      %get3A_731 = vector.shape_cast %get3A_730 : vector<1x16xf32> to vector<16xf32>
      %mul3A_732 = arith.mulf %get3A_48, %get3A_731 : vector<16xf32>
      %add3A_733 = arith.addf %get3A_727, %mul3A_732 : vector<16xf32>
      %get3A_734 = arith.index_cast %scan3A_44 : i32 to index
      %get3A_735 = arith.constant 512 : index
      %get3A_736 = tpu.vector_load %arg11[%get3A_734, %get3A_735] {strides = array<i32>} : memref<32x768xf32, #tpu.memory_space<vmem>>, vector<1x16xf32>,
      %get3A_737 = vector.shape_cast %get3A_736 : vector<1x16xf32> to vector<16xf32>
      %mul3A_738 = arith.mulf %get3A_52, %get3A_737 : vector<16xf32>
      %add3A_739 = arith.addf %add3A_733, %mul3A_738 : vector<16xf32>
      %swap3A_740 = arith.index_cast %scan3A_44 : i32 to index
      %swap3A_741 = arith.constant 512 : index
      %swap3A_742 = tpu.vector_load %arg9[%swap3A_740, %swap3A_741] {strides = array<i32>} : memref<32x768xf32, #tpu.memory_space<vmem>>, vector<1x16xf32>,
      %swap3A_743 = vector.shape_cast %swap3A_742 : vector<1x16xf32> to vector<16xf32>
      %swap3A_744 = vector.shape_cast %add3A_739 : vector<16xf32> to vector<1x16xf32>
      tpu.vector_store %arg9[%swap3A_740, %swap3A_741], %swap3A_744 {strides = array<i32>} : memref<32x768xf32, #tpu.memory_space<vmem>>, vector<1x16xf32>,
      %get3A_745 = arith.index_cast %scan3A_44 : i32 to index
      %get3A_746 = arith.constant 528 : index
      %get3A_747 = tpu.vector_load %arg9[%get3A_745, %get3A_746] {strides = array<i32>} : memref<32x768xf32, #tpu.memory_space<vmem>>, vector<1x16xf32>,
      %get3A_748 = vector.shape_cast %get3A_747 : vector<1x16xf32> to vector<16xf32>
      %get3A_749 = arith.index_cast %scan3A_44 : i32 to index
      %get3A_750 = arith.constant 528 : index
      %get3A_751 = tpu.vector_load %arg10[%get3A_749, %get3A_750] {strides = array<i32>} : memref<32x768xf32, #tpu.memory_space<vmem>>, vector<1x16xf32>,
      %get3A_752 = vector.shape_cast %get3A_751 : vector<1x16xf32> to vector<16xf32>
      %mul3A_753 = arith.mulf %get3A_48, %get3A_752 : vector<16xf32>
      %add3A_754 = arith.addf %get3A_748, %mul3A_753 : vector<16xf32>
      %get3A_755 = arith.index_cast %scan3A_44 : i32 to index
      %get3A_756 = arith.constant 528 : index
      %get3A_757 = tpu.vector_load %arg11[%get3A_755, %get3A_756] {strides = array<i32>} : memref<32x768xf32, #tpu.memory_space<vmem>>, vector<1x16xf32>,
      %get3A_758 = vector.shape_cast %get3A_757 : vector<1x16xf32> to vector<16xf32>
      %mul3A_759 = arith.mulf %get3A_52, %get3A_758 : vector<16xf32>
      %add3A_760 = arith.addf %add3A_754, %mul3A_759 : vector<16xf32>
      %swap3A_761 = arith.index_cast %scan3A_44 : i32 to index
      %swap3A_762 = arith.constant 528 : index
      %swap3A_763 = tpu.vector_load %arg9[%swap3A_761, %swap3A_762] {strides = array<i32>} : memref<32x768xf32, #tpu.memory_space<vmem>>, vector<1x16xf32>,
      %swap3A_764 = vector.shape_cast %swap3A_763 : vector<1x16xf32> to vector<16xf32>
      %swap3A_765 = vector.shape_cast %add3A_760 : vector<16xf32> to vector<1x16xf32>
      tpu.vector_store %arg9[%swap3A_761, %swap3A_762], %swap3A_765 {strides = array<i32>} : memref<32x768xf32, #tpu.memory_space<vmem>>, vector<1x16xf32>,
      %get3A_766 = arith.index_cast %scan3A_44 : i32 to index
      %get3A_767 = arith.constant 544 : index
      %get3A_768 = tpu.vector_load %arg9[%get3A_766, %get3A_767] {strides = array<i32>} : memref<32x768xf32, #tpu.memory_space<vmem>>, vector<1x16xf32>,
      %get3A_769 = vector.shape_cast %get3A_768 : vector<1x16xf32> to vector<16xf32>
      %get3A_770 = arith.index_cast %scan3A_44 : i32 to index
      %get3A_771 = arith.constant 544 : index
      %get3A_772 = tpu.vector_load %arg10[%get3A_770, %get3A_771] {strides = array<i32>} : memref<32x768xf32, #tpu.memory_space<vmem>>, vector<1x16xf32>,
      %get3A_773 = vector.shape_cast %get3A_772 : vector<1x16xf32> to vector<16xf32>
      %mul3A_774 = arith.mulf %get3A_48, %get3A_773 : vector<16xf32>
      %add3A_775 = arith.addf %get3A_769, %mul3A_774 : vector<16xf32>
      %get3A_776 = arith.index_cast %scan3A_44 : i32 to index
      %get3A_777 = arith.constant 544 : index
      %get3A_778 = tpu.vector_load %arg11[%get3A_776, %get3A_777] {strides = array<i32>} : memref<32x768xf32, #tpu.memory_space<vmem>>, vector<1x16xf32>,
      %get3A_779 = vector.shape_cast %get3A_778 : vector<1x16xf32> to vector<16xf32>
      %mul3A_780 = arith.mulf %get3A_52, %get3A_779 : vector<16xf32>
      %add3A_781 = arith.addf %add3A_775, %mul3A_780 : vector<16xf32>
      %swap3A_782 = arith.index_cast %scan3A_44 : i32 to index
      %swap3A_783 = arith.constant 544 : index
      %swap3A_784 = tpu.vector_load %arg9[%swap3A_782, %swap3A_783] {strides = array<i32>} : memref<32x768xf32, #tpu.memory_space<vmem>>, vector<1x16xf32>,
      %swap3A_785 = vector.shape_cast %swap3A_784 : vector<1x16xf32> to vector<16xf32>
      %swap3A_786 = vector.shape_cast %add3A_781 : vector<16xf32> to vector<1x16xf32>
      tpu.vector_store %arg9[%swap3A_782, %swap3A_783], %swap3A_786 {strides = array<i32>} : memref<32x768xf32, #tpu.memory_space<vmem>>, vector<1x16xf32>,
      %get3A_787 = arith.index_cast %scan3A_44 : i32 to index
      %get3A_788 = arith.constant 560 : index
      %get3A_789 = tpu.vector_load %arg9[%get3A_787, %get3A_788] {strides = array<i32>} : memref<32x768xf32, #tpu.memory_space<vmem>>, vector<1x16xf32>,
      %get3A_790 = vector.shape_cast %get3A_789 : vector<1x16xf32> to vector<16xf32>
      %get3A_791 = arith.index_cast %scan3A_44 : i32 to index
      %get3A_792 = arith.constant 560 : index
      %get3A_793 = tpu.vector_load %arg10[%get3A_791, %get3A_792] {strides = array<i32>} : memref<32x768xf32, #tpu.memory_space<vmem>>, vector<1x16xf32>,
      %get3A_794 = vector.shape_cast %get3A_793 : vector<1x16xf32> to vector<16xf32>
      %mul3A_795 = arith.mulf %get3A_48, %get3A_794 : vector<16xf32>
      %add3A_796 = arith.addf %get3A_790, %mul3A_795 : vector<16xf32>
      %get3A_797 = arith.index_cast %scan3A_44 : i32 to index
      %get3A_798 = arith.constant 560 : index
      %get3A_799 = tpu.vector_load %arg11[%get3A_797, %get3A_798] {strides = array<i32>} : memref<32x768xf32, #tpu.memory_space<vmem>>, vector<1x16xf32>,
      %get3A_800 = vector.shape_cast %get3A_799 : vector<1x16xf32> to vector<16xf32>
      %mul3A_801 = arith.mulf %get3A_52, %get3A_800 : vector<16xf32>
      %add3A_802 = arith.addf %add3A_796, %mul3A_801 : vector<16xf32>
      %swap3A_803 = arith.index_cast %scan3A_44 : i32 to index
      %swap3A_804 = arith.constant 560 : index
      %swap3A_805 = tpu.vector_load %arg9[%swap3A_803, %swap3A_804] {strides = array<i32>} : memref<32x768xf32, #tpu.memory_space<vmem>>, vector<1x16xf32>,
      %swap3A_806 = vector.shape_cast %swap3A_805 : vector<1x16xf32> to vector<16xf32>
      %swap3A_807 = vector.shape_cast %add3A_802 : vector<16xf32> to vector<1x16xf32>
      tpu.vector_store %arg9[%swap3A_803, %swap3A_804], %swap3A_807 {strides = array<i32>} : memref<32x768xf32, #tpu.memory_space<vmem>>, vector<1x16xf32>,
      %get3A_808 = arith.index_cast %scan3A_44 : i32 to index
      %get3A_809 = arith.constant 576 : index
      %get3A_810 = tpu.vector_load %arg9[%get3A_808, %get3A_809] {strides = array<i32>} : memref<32x768xf32, #tpu.memory_space<vmem>>, vector<1x16xf32>,
      %get3A_811 = vector.shape_cast %get3A_810 : vector<1x16xf32> to vector<16xf32>
      %get3A_812 = arith.index_cast %scan3A_44 : i32 to index
      %get3A_813 = arith.constant 576 : index
      %get3A_814 = tpu.vector_load %arg10[%get3A_812, %get3A_813] {strides = array<i32>} : memref<32x768xf32, #tpu.memory_space<vmem>>, vector<1x16xf32>,
      %get3A_815 = vector.shape_cast %get3A_814 : vector<1x16xf32> to vector<16xf32>
      %mul3A_816 = arith.mulf %get3A_48, %get3A_815 : vector<16xf32>
      %add3A_817 = arith.addf %get3A_811, %mul3A_816 : vector<16xf32>
      %get3A_818 = arith.index_cast %scan3A_44 : i32 to index
      %get3A_819 = arith.constant 576 : index
      %get3A_820 = tpu.vector_load %arg11[%get3A_818, %get3A_819] {strides = array<i32>} : memref<32x768xf32, #tpu.memory_space<vmem>>, vector<1x16xf32>,
      %get3A_821 = vector.shape_cast %get3A_820 : vector<1x16xf32> to vector<16xf32>
      %mul3A_822 = arith.mulf %get3A_52, %get3A_821 : vector<16xf32>
      %add3A_823 = arith.addf %add3A_817, %mul3A_822 : vector<16xf32>
      %swap3A_824 = arith.index_cast %scan3A_44 : i32 to index
      %swap3A_825 = arith.constant 576 : index
      %swap3A_826 = tpu.vector_load %arg9[%swap3A_824, %swap3A_825] {strides = array<i32>} : memref<32x768xf32, #tpu.memory_space<vmem>>, vector<1x16xf32>,
      %swap3A_827 = vector.shape_cast %swap3A_826 : vector<1x16xf32> to vector<16xf32>
      %swap3A_828 = vector.shape_cast %add3A_823 : vector<16xf32> to vector<1x16xf32>
      tpu.vector_store %arg9[%swap3A_824, %swap3A_825], %swap3A_828 {strides = array<i32>} : memref<32x768xf32, #tpu.memory_space<vmem>>, vector<1x16xf32>,
      %get3A_829 = arith.index_cast %scan3A_44 : i32 to index
      %get3A_830 = arith.constant 592 : index
      %get3A_831 = tpu.vector_load %arg9[%get3A_829, %get3A_830] {strides = array<i32>} : memref<32x768xf32, #tpu.memory_space<vmem>>, vector<1x16xf32>,
      %get3A_832 = vector.shape_cast %get3A_831 : vector<1x16xf32> to vector<16xf32>
      %get3A_833 = arith.index_cast %scan3A_44 : i32 to index
      %get3A_834 = arith.constant 592 : index
      %get3A_835 = tpu.vector_load %arg10[%get3A_833, %get3A_834] {strides = array<i32>} : memref<32x768xf32, #tpu.memory_space<vmem>>, vector<1x16xf32>,
      %get3A_836 = vector.shape_cast %get3A_835 : vector<1x16xf32> to vector<16xf32>
      %mul3A_837 = arith.mulf %get3A_48, %get3A_836 : vector<16xf32>
      %add3A_838 = arith.addf %get3A_832, %mul3A_837 : vector<16xf32>
      %get3A_839 = arith.index_cast %scan3A_44 : i32 to index
      %get3A_840 = arith.constant 592 : index
      %get3A_841 = tpu.vector_load %arg11[%get3A_839, %get3A_840] {strides = array<i32>} : memref<32x768xf32, #tpu.memory_space<vmem>>, vector<1x16xf32>,
      %get3A_842 = vector.shape_cast %get3A_841 : vector<1x16xf32> to vector<16xf32>
      %mul3A_843 = arith.mulf %get3A_52, %get3A_842 : vector<16xf32>
      %add3A_844 = arith.addf %add3A_838, %mul3A_843 : vector<16xf32>
      %swap3A_845 = arith.index_cast %scan3A_44 : i32 to index
      %swap3A_846 = arith.constant 592 : index
      %swap3A_847 = tpu.vector_load %arg9[%swap3A_845, %swap3A_846] {strides = array<i32>} : memref<32x768xf32, #tpu.memory_space<vmem>>, vector<1x16xf32>,
      %swap3A_848 = vector.shape_cast %swap3A_847 : vector<1x16xf32> to vector<16xf32>
      %swap3A_849 = vector.shape_cast %add3A_844 : vector<16xf32> to vector<1x16xf32>
      tpu.vector_store %arg9[%swap3A_845, %swap3A_846], %swap3A_849 {strides = array<i32>} : memref<32x768xf32, #tpu.memory_space<vmem>>, vector<1x16xf32>,
      %get3A_850 = arith.index_cast %scan3A_44 : i32 to index
      %get3A_851 = arith.constant 608 : index
      %get3A_852 = tpu.vector_load %arg9[%get3A_850, %get3A_851] {strides = array<i32>} : memref<32x768xf32, #tpu.memory_space<vmem>>, vector<1x16xf32>,
      %get3A_853 = vector.shape_cast %get3A_852 : vector<1x16xf32> to vector<16xf32>
      %get3A_854 = arith.index_cast %scan3A_44 : i32 to index
      %get3A_855 = arith.constant 608 : index
      %get3A_856 = tpu.vector_load %arg10[%get3A_854, %get3A_855] {strides = array<i32>} : memref<32x768xf32, #tpu.memory_space<vmem>>, vector<1x16xf32>,
      %get3A_857 = vector.shape_cast %get3A_856 : vector<1x16xf32> to vector<16xf32>
      %mul3A_858 = arith.mulf %get3A_48, %get3A_857 : vector<16xf32>
      %add3A_859 = arith.addf %get3A_853, %mul3A_858 : vector<16xf32>
      %get3A_860 = arith.index_cast %scan3A_44 : i32 to index
      %get3A_861 = arith.constant 608 : index
      %get3A_862 = tpu.vector_load %arg11[%get3A_860, %get3A_861] {strides = array<i32>} : memref<32x768xf32, #tpu.memory_space<vmem>>, vector<1x16xf32>,
      %get3A_863 = vector.shape_cast %get3A_862 : vector<1x16xf32> to vector<16xf32>
      %mul3A_864 = arith.mulf %get3A_52, %get3A_863 : vector<16xf32>
      %add3A_865 = arith.addf %add3A_859, %mul3A_864 : vector<16xf32>
      %swap3A_866 = arith.index_cast %scan3A_44 : i32 to index
      %swap3A_867 = arith.constant 608 : index
      %swap3A_868 = tpu.vector_load %arg9[%swap3A_866, %swap3A_867] {strides = array<i32>} : memref<32x768xf32, #tpu.memory_space<vmem>>, vector<1x16xf32>,
      %swap3A_869 = vector.shape_cast %swap3A_868 : vector<1x16xf32> to vector<16xf32>
      %swap3A_870 = vector.shape_cast %add3A_865 : vector<16xf32> to vector<1x16xf32>
      tpu.vector_store %arg9[%swap3A_866, %swap3A_867], %swap3A_870 {strides = array<i32>} : memref<32x768xf32, #tpu.memory_space<vmem>>, vector<1x16xf32>,
      %get3A_871 = arith.index_cast %scan3A_44 : i32 to index
      %get3A_872 = arith.constant 624 : index
      %get3A_873 = tpu.vector_load %arg9[%get3A_871, %get3A_872] {strides = array<i32>} : memref<32x768xf32, #tpu.memory_space<vmem>>, vector<1x16xf32>,
      %get3A_874 = vector.shape_cast %get3A_873 : vector<1x16xf32> to vector<16xf32>
      %get3A_875 = arith.index_cast %scan3A_44 : i32 to index
      %get3A_876 = arith.constant 624 : index
      %get3A_877 = tpu.vector_load %arg10[%get3A_875, %get3A_876] {strides = array<i32>} : memref<32x768xf32, #tpu.memory_space<vmem>>, vector<1x16xf32>,
      %get3A_878 = vector.shape_cast %get3A_877 : vector<1x16xf32> to vector<16xf32>
      %mul3A_879 = arith.mulf %get3A_48, %get3A_878 : vector<16xf32>
      %add3A_880 = arith.addf %get3A_874, %mul3A_879 : vector<16xf32>
      %get3A_881 = arith.index_cast %scan3A_44 : i32 to index
      %get3A_882 = arith.constant 624 : index
      %get3A_883 = tpu.vector_load %arg11[%get3A_881, %get3A_882] {strides = array<i32>} : memref<32x768xf32, #tpu.memory_space<vmem>>, vector<1x16xf32>,
      %get3A_884 = vector.shape_cast %get3A_883 : vector<1x16xf32> to vector<16xf32>
      %mul3A_885 = arith.mulf %get3A_52, %get3A_884 : vector<16xf32>
      %add3A_886 = arith.addf %add3A_880, %mul3A_885 : vector<16xf32>
      %swap3A_887 = arith.index_cast %scan3A_44 : i32 to index
      %swap3A_888 = arith.constant 624 : index
      %swap3A_889 = tpu.vector_load %arg9[%swap3A_887, %swap3A_888] {strides = array<i32>} : memref<32x768xf32, #tpu.memory_space<vmem>>, vector<1x16xf32>,
      %swap3A_890 = vector.shape_cast %swap3A_889 : vector<1x16xf32> to vector<16xf32>
      %swap3A_891 = vector.shape_cast %add3A_886 : vector<16xf32> to vector<1x16xf32>
      tpu.vector_store %arg9[%swap3A_887, %swap3A_888], %swap3A_891 {strides = array<i32>} : memref<32x768xf32, #tpu.memory_space<vmem>>, vector<1x16xf32>,
      %get3A_892 = arith.index_cast %scan3A_44 : i32 to index
      %get3A_893 = arith.constant 640 : index
      %get3A_894 = tpu.vector_load %arg9[%get3A_892, %get3A_893] {strides = array<i32>} : memref<32x768xf32, #tpu.memory_space<vmem>>, vector<1x16xf32>,
      %get3A_895 = vector.shape_cast %get3A_894 : vector<1x16xf32> to vector<16xf32>
      %get3A_896 = arith.index_cast %scan3A_44 : i32 to index
      %get3A_897 = arith.constant 640 : index
      %get3A_898 = tpu.vector_load %arg10[%get3A_896, %get3A_897] {strides = array<i32>} : memref<32x768xf32, #tpu.memory_space<vmem>>, vector<1x16xf32>,
      %get3A_899 = vector.shape_cast %get3A_898 : vector<1x16xf32> to vector<16xf32>
      %mul3A_900 = arith.mulf %get3A_48, %get3A_899 : vector<16xf32>
      %add3A_901 = arith.addf %get3A_895, %mul3A_900 : vector<16xf32>
      %get3A_902 = arith.index_cast %scan3A_44 : i32 to index
      %get3A_903 = arith.constant 640 : index
      %get3A_904 = tpu.vector_load %arg11[%get3A_902, %get3A_903] {strides = array<i32>} : memref<32x768xf32, #tpu.memory_space<vmem>>, vector<1x16xf32>,
      %get3A_905 = vector.shape_cast %get3A_904 : vector<1x16xf32> to vector<16xf32>
      %mul3A_906 = arith.mulf %get3A_52, %get3A_905 : vector<16xf32>
      %add3A_907 = arith.addf %add3A_901, %mul3A_906 : vector<16xf32>
      %swap3A_908 = arith.index_cast %scan3A_44 : i32 to index
      %swap3A_909 = arith.constant 640 : index
      %swap3A_910 = tpu.vector_load %arg9[%swap3A_908, %swap3A_909] {strides = array<i32>} : memref<32x768xf32, #tpu.memory_space<vmem>>, vector<1x16xf32>,
      %swap3A_911 = vector.shape_cast %swap3A_910 : vector<1x16xf32> to vector<16xf32>
      %swap3A_912 = vector.shape_cast %add3A_907 : vector<16xf32> to vector<1x16xf32>
      tpu.vector_store %arg9[%swap3A_908, %swap3A_909], %swap3A_912 {strides = array<i32>} : memref<32x768xf32, #tpu.memory_space<vmem>>, vector<1x16xf32>,
      %get3A_913 = arith.index_cast %scan3A_44 : i32 to index
      %get3A_914 = arith.constant 656 : index
      %get3A_915 = tpu.vector_load %arg9[%get3A_913, %get3A_914] {strides = array<i32>} : memref<32x768xf32, #tpu.memory_space<vmem>>, vector<1x16xf32>,
      %get3A_916 = vector.shape_cast %get3A_915 : vector<1x16xf32> to vector<16xf32>
      %get3A_917 = arith.index_cast %scan3A_44 : i32 to index
      %get3A_918 = arith.constant 656 : index
      %get3A_919 = tpu.vector_load %arg10[%get3A_917, %get3A_918] {strides = array<i32>} : memref<32x768xf32, #tpu.memory_space<vmem>>, vector<1x16xf32>,
      %get3A_920 = vector.shape_cast %get3A_919 : vector<1x16xf32> to vector<16xf32>
      %mul3A_921 = arith.mulf %get3A_48, %get3A_920 : vector<16xf32>
      %add3A_922 = arith.addf %get3A_916, %mul3A_921 : vector<16xf32>
      %get3A_923 = arith.index_cast %scan3A_44 : i32 to index
      %get3A_924 = arith.constant 656 : index
      %get3A_925 = tpu.vector_load %arg11[%get3A_923, %get3A_924] {strides = array<i32>} : memref<32x768xf32, #tpu.memory_space<vmem>>, vector<1x16xf32>,
      %get3A_926 = vector.shape_cast %get3A_925 : vector<1x16xf32> to vector<16xf32>
      %mul3A_927 = arith.mulf %get3A_52, %get3A_926 : vector<16xf32>
      %add3A_928 = arith.addf %add3A_922, %mul3A_927 : vector<16xf32>
      %swap3A_929 = arith.index_cast %scan3A_44 : i32 to index
      %swap3A_930 = arith.constant 656 : index
      %swap3A_931 = tpu.vector_load %arg9[%swap3A_929, %swap3A_930] {strides = array<i32>} : memref<32x768xf32, #tpu.memory_space<vmem>>, vector<1x16xf32>,
      %swap3A_932 = vector.shape_cast %swap3A_931 : vector<1x16xf32> to vector<16xf32>
      %swap3A_933 = vector.shape_cast %add3A_928 : vector<16xf32> to vector<1x16xf32>
      tpu.vector_store %arg9[%swap3A_929, %swap3A_930], %swap3A_933 {strides = array<i32>} : memref<32x768xf32, #tpu.memory_space<vmem>>, vector<1x16xf32>,
      %get3A_934 = arith.index_cast %scan3A_44 : i32 to index
      %get3A_935 = arith.constant 672 : index
      %get3A_936 = tpu.vector_load %arg9[%get3A_934, %get3A_935] {strides = array<i32>} : memref<32x768xf32, #tpu.memory_space<vmem>>, vector<1x16xf32>,
      %get3A_937 = vector.shape_cast %get3A_936 : vector<1x16xf32> to vector<16xf32>
      %get3A_938 = arith.index_cast %scan3A_44 : i32 to index
      %get3A_939 = arith.constant 672 : index
      %get3A_940 = tpu.vector_load %arg10[%get3A_938, %get3A_939] {strides = array<i32>} : memref<32x768xf32, #tpu.memory_space<vmem>>, vector<1x16xf32>,
      %get3A_941 = vector.shape_cast %get3A_940 : vector<1x16xf32> to vector<16xf32>
      %mul3A_942 = arith.mulf %get3A_48, %get3A_941 : vector<16xf32>
      %add3A_943 = arith.addf %get3A_937, %mul3A_942 : vector<16xf32>
      %get3A_944 = arith.index_cast %scan3A_44 : i32 to index
      %get3A_945 = arith.constant 672 : index
      %get3A_946 = tpu.vector_load %arg11[%get3A_944, %get3A_945] {strides = array<i32>} : memref<32x768xf32, #tpu.memory_space<vmem>>, vector<1x16xf32>,
      %get3A_947 = vector.shape_cast %get3A_946 : vector<1x16xf32> to vector<16xf32>
      %mul3A_948 = arith.mulf %get3A_52, %get3A_947 : vector<16xf32>
      %add3A_949 = arith.addf %add3A_943, %mul3A_948 : vector<16xf32>
      %swap3A_950 = arith.index_cast %scan3A_44 : i32 to index
      %swap3A_951 = arith.constant 672 : index
      %swap3A_952 = tpu.vector_load %arg9[%swap3A_950, %swap3A_951] {strides = array<i32>} : memref<32x768xf32, #tpu.memory_space<vmem>>, vector<1x16xf32>,
      %swap3A_953 = vector.shape_cast %swap3A_952 : vector<1x16xf32> to vector<16xf32>
      %swap3A_954 = vector.shape_cast %add3A_949 : vector<16xf32> to vector<1x16xf32>
      tpu.vector_store %arg9[%swap3A_950, %swap3A_951], %swap3A_954 {strides = array<i32>} : memref<32x768xf32, #tpu.memory_space<vmem>>, vector<1x16xf32>,
      %get3A_955 = arith.index_cast %scan3A_44 : i32 to index
      %get3A_956 = arith.constant 688 : index
      %get3A_957 = tpu.vector_load %arg9[%get3A_955, %get3A_956] {strides = array<i32>} : memref<32x768xf32, #tpu.memory_space<vmem>>, vector<1x16xf32>,
      %get3A_958 = vector.shape_cast %get3A_957 : vector<1x16xf32> to vector<16xf32>
      %get3A_959 = arith.index_cast %scan3A_44 : i32 to index
      %get3A_960 = arith.constant 688 : index
      %get3A_961 = tpu.vector_load %arg10[%get3A_959, %get3A_960] {strides = array<i32>} : memref<32x768xf32, #tpu.memory_space<vmem>>, vector<1x16xf32>,
      %get3A_962 = vector.shape_cast %get3A_961 : vector<1x16xf32> to vector<16xf32>
      %mul3A_963 = arith.mulf %get3A_48, %get3A_962 : vector<16xf32>
      %add3A_964 = arith.addf %get3A_958, %mul3A_963 : vector<16xf32>
      %get3A_965 = arith.index_cast %scan3A_44 : i32 to index
      %get3A_966 = arith.constant 688 : index
      %get3A_967 = tpu.vector_load %arg11[%get3A_965, %get3A_966] {strides = array<i32>} : memref<32x768xf32, #tpu.memory_space<vmem>>, vector<1x16xf32>,
      %get3A_968 = vector.shape_cast %get3A_967 : vector<1x16xf32> to vector<16xf32>
      %mul3A_969 = arith.mulf %get3A_52, %get3A_968 : vector<16xf32>
      %add3A_970 = arith.addf %add3A_964, %mul3A_969 : vector<16xf32>
      %swap3A_971 = arith.index_cast %scan3A_44 : i32 to index
      %swap3A_972 = arith.constant 688 : index
      %swap3A_973 = tpu.vector_load %arg9[%swap3A_971, %swap3A_972] {strides = array<i32>} : memref<32x768xf32, #tpu.memory_space<vmem>>, vector<1x16xf32>,
      %swap3A_974 = vector.shape_cast %swap3A_973 : vector<1x16xf32> to vector<16xf32>
      %swap3A_975 = vector.shape_cast %add3A_970 : vector<16xf32> to vector<1x16xf32>
      tpu.vector_store %arg9[%swap3A_971, %swap3A_972], %swap3A_975 {strides = array<i32>} : memref<32x768xf32, #tpu.memory_space<vmem>>, vector<1x16xf32>,
      %get3A_976 = arith.index_cast %scan3A_44 : i32 to index
      %get3A_977 = arith.constant 704 : index
      %get3A_978 = tpu.vector_load %arg9[%get3A_976, %get3A_977] {strides = array<i32>} : memref<32x768xf32, #tpu.memory_space<vmem>>, vector<1x16xf32>,
      %get3A_979 = vector.shape_cast %get3A_978 : vector<1x16xf32> to vector<16xf32>
      %get3A_980 = arith.index_cast %scan3A_44 : i32 to index
      %get3A_981 = arith.constant 704 : index
      %get3A_982 = tpu.vector_load %arg10[%get3A_980, %get3A_981] {strides = array<i32>} : memref<32x768xf32, #tpu.memory_space<vmem>>, vector<1x16xf32>,
      %get3A_983 = vector.shape_cast %get3A_982 : vector<1x16xf32> to vector<16xf32>
      %mul3A_984 = arith.mulf %get3A_48, %get3A_983 : vector<16xf32>
      %add3A_985 = arith.addf %get3A_979, %mul3A_984 : vector<16xf32>
      %get3A_986 = arith.index_cast %scan3A_44 : i32 to index
      %get3A_987 = arith.constant 704 : index
      %get3A_988 = tpu.vector_load %arg11[%get3A_986, %get3A_987] {strides = array<i32>} : memref<32x768xf32, #tpu.memory_space<vmem>>, vector<1x16xf32>,
      %get3A_989 = vector.shape_cast %get3A_988 : vector<1x16xf32> to vector<16xf32>
      %mul3A_990 = arith.mulf %get3A_52, %get3A_989 : vector<16xf32>
      %add3A_991 = arith.addf %add3A_985, %mul3A_990 : vector<16xf32>
      %swap3A_992 = arith.index_cast %scan3A_44 : i32 to index
      %swap3A_993 = arith.constant 704 : index
      %swap3A_994 = tpu.vector_load %arg9[%swap3A_992, %swap3A_993] {strides = array<i32>} : memref<32x768xf32, #tpu.memory_space<vmem>>, vector<1x16xf32>,
      %swap3A_995 = vector.shape_cast %swap3A_994 : vector<1x16xf32> to vector<16xf32>
      %swap3A_996 = vector.shape_cast %add3A_991 : vector<16xf32> to vector<1x16xf32>
      tpu.vector_store %arg9[%swap3A_992, %swap3A_993], %swap3A_996 {strides = array<i32>} : memref<32x768xf32, #tpu.memory_space<vmem>>, vector<1x16xf32>,
      %get3A_997 = arith.index_cast %scan3A_44 : i32 to index
      %get3A_998 = arith.constant 720 : index
      %get3A_999 = tpu.vector_load %arg9[%get3A_997, %get3A_998] {strides = array<i32>} : memref<32x768xf32, #tpu.memory_space<vmem>>, vector<1x16xf32>,
      %get3A_1000 = vector.shape_cast %get3A_999 : vector<1x16xf32> to vector<16xf32>
      %get3A_1001 = arith.index_cast %scan3A_44 : i32 to index
      %get3A_1002 = arith.constant 720 : index
      %get3A_1003 = tpu.vector_load %arg10[%get3A_1001, %get3A_1002] {strides = array<i32>} : memref<32x768xf32, #tpu.memory_space<vmem>>, vector<1x16xf32>,
      %get3A_1004 = vector.shape_cast %get3A_1003 : vector<1x16xf32> to vector<16xf32>
      %mul3A_1005 = arith.mulf %get3A_48, %get3A_1004 : vector<16xf32>
      %add3A_1006 = arith.addf %get3A_1000, %mul3A_1005 : vector<16xf32>
      %get3A_1007 = arith.index_cast %scan3A_44 : i32 to index
      %get3A_1008 = arith.constant 720 : index
      %get3A_1009 = tpu.vector_load %arg11[%get3A_1007, %get3A_1008] {strides = array<i32>} : memref<32x768xf32, #tpu.memory_space<vmem>>, vector<1x16xf32>,
      %get3A_1010 = vector.shape_cast %get3A_1009 : vector<1x16xf32> to vector<16xf32>
      %mul3A_1011 = arith.mulf %get3A_52, %get3A_1010 : vector<16xf32>
      %add3A_1012 = arith.addf %add3A_1006, %mul3A_1011 : vector<16xf32>
      %swap3A_1013 = arith.index_cast %scan3A_44 : i32 to index
      %swap3A_1014 = arith.constant 720 : index
      %swap3A_1015 = tpu.vector_load %arg9[%swap3A_1013, %swap3A_1014] {strides = array<i32>} : memref<32x768xf32, #tpu.memory_space<vmem>>, vector<1x16xf32>,
      %swap3A_1016 = vector.shape_cast %swap3A_1015 : vector<1x16xf32> to vector<16xf32>
      %swap3A_1017 = vector.shape_cast %add3A_1012 : vector<16xf32> to vector<1x16xf32>
      tpu.vector_store %arg9[%swap3A_1013, %swap3A_1014], %swap3A_1017 {strides = array<i32>} : memref<32x768xf32, #tpu.memory_space<vmem>>, vector<1x16xf32>,
      %get3A_1018 = arith.index_cast %scan3A_44 : i32 to index
      %get3A_1019 = arith.constant 736 : index
      %get3A_1020 = tpu.vector_load %arg9[%get3A_1018, %get3A_1019] {strides = array<i32>} : memref<32x768xf32, #tpu.memory_space<vmem>>, vector<1x16xf32>,
      %get3A_1021 = vector.shape_cast %get3A_1020 : vector<1x16xf32> to vector<16xf32>
      %get3A_1022 = arith.index_cast %scan3A_44 : i32 to index
      %get3A_1023 = arith.constant 736 : index
      %get3A_1024 = tpu.vector_load %arg10[%get3A_1022, %get3A_1023] {strides = array<i32>} : memref<32x768xf32, #tpu.memory_space<vmem>>, vector<1x16xf32>,
      %get3A_1025 = vector.shape_cast %get3A_1024 : vector<1x16xf32> to vector<16xf32>
      %mul3A_1026 = arith.mulf %get3A_48, %get3A_1025 : vector<16xf32>
      %add3A_1027 = arith.addf %get3A_1021, %mul3A_1026 : vector<16xf32>
      %get3A_1028 = arith.index_cast %scan3A_44 : i32 to index
      %get3A_1029 = arith.constant 736 : index
      %get3A_1030 = tpu.vector_load %arg11[%get3A_1028, %get3A_1029] {strides = array<i32>} : memref<32x768xf32, #tpu.memory_space<vmem>>, vector<1x16xf32>,
      %get3A_1031 = vector.shape_cast %get3A_1030 : vector<1x16xf32> to vector<16xf32>
      %mul3A_1032 = arith.mulf %get3A_52, %get3A_1031 : vector<16xf32>
      %add3A_1033 = arith.addf %add3A_1027, %mul3A_1032 : vector<16xf32>
      %swap3A_1034 = arith.index_cast %scan3A_44 : i32 to index
      %swap3A_1035 = arith.constant 736 : index
      %swap3A_1036 = tpu.vector_load %arg9[%swap3A_1034, %swap3A_1035] {strides = array<i32>} : memref<32x768xf32, #tpu.memory_space<vmem>>, vector<1x16xf32>,
      %swap3A_1037 = vector.shape_cast %swap3A_1036 : vector<1x16xf32> to vector<16xf32>
      %swap3A_1038 = vector.shape_cast %add3A_1033 : vector<16xf32> to vector<1x16xf32>
      tpu.vector_store %arg9[%swap3A_1034, %swap3A_1035], %swap3A_1038 {strides = array<i32>} : memref<32x768xf32, #tpu.memory_space<vmem>>, vector<1x16xf32>,
      %get3A_1039 = arith.index_cast %scan3A_44 : i32 to index
      %get3A_1040 = arith.constant 752 : index
      %get3A_1041 = tpu.vector_load %arg9[%get3A_1039, %get3A_1040] {strides = array<i32>} : memref<32x768xf32, #tpu.memory_space<vmem>>, vector<1x16xf32>,
      %get3A_1042 = vector.shape_cast %get3A_1041 : vector<1x16xf32> to vector<16xf32>
      %get3A_1043 = arith.index_cast %scan3A_44 : i32 to index
      %get3A_1044 = arith.constant 752 : index
      %get3A_1045 = tpu.vector_load %arg10[%get3A_1043, %get3A_1044] {strides = array<i32>} : memref<32x768xf32, #tpu.memory_space<vmem>>, vector<1x16xf32>,
      %get3A_1046 = vector.shape_cast %get3A_1045 : vector<1x16xf32> to vector<16xf32>
      %mul3A_1047 = arith.mulf %get3A_48, %get3A_1046 : vector<16xf32>
      %add3A_1048 = arith.addf %get3A_1042, %mul3A_1047 : vector<16xf32>
      %get3A_1049 = arith.index_cast %scan3A_44 : i32 to index
      %get3A_1050 = arith.constant 752 : index
      %get3A_1051 = tpu.vector_load %arg11[%get3A_1049, %get3A_1050] {strides = array<i32>} : memref<32x768xf32, #tpu.memory_space<vmem>>, vector<1x16xf32>,
      %get3A_1052 = vector.shape_cast %get3A_1051 : vector<1x16xf32> to vector<16xf32>
      %mul3A_1053 = arith.mulf %get3A_52, %get3A_1052 : vector<16xf32>
      %add3A_1054 = arith.addf %add3A_1048, %mul3A_1053 : vector<16xf32>
      %swap3A_1055 = arith.index_cast %scan3A_44 : i32 to index
      %swap3A_1056 = arith.constant 752 : index
      %swap3A_1057 = tpu.vector_load %arg9[%swap3A_1055, %swap3A_1056] {strides = array<i32>} : memref<32x768xf32, #tpu.memory_space<vmem>>, vector<1x16xf32>,
      %swap3A_1058 = vector.shape_cast %swap3A_1057 : vector<1x16xf32> to vector<16xf32>
      %swap3A_1059 = vector.shape_cast %add3A_1054 : vector<16xf32> to vector<1x16xf32>
      tpu.vector_store %arg9[%swap3A_1055, %swap3A_1056], %swap3A_1059 {strides = array<i32>} : memref<32x768xf32, #tpu.memory_space<vmem>>, vector<1x16xf32>,
      %scan3A_1060 = arith.constant 0 : i32
      scf.yield %scan3A_1060 : i32
    }
    %scan3A_43 = arith.constant 32 : i32
    "tpu.region"() ({
      %run_scoped3A = tpu.sem_alloc : memref<!tpu.dma_semaphore, #tpu.memory_space<semaphore_mem>>
      %dma_start3A_44 = arith.constant 0 : i32
      %dma_start3A_45 = tpu.memref_slice %arg8[%add3A_24, %dma_start3A_44] : memref<2048x768xf32, #tpu.memory_space<hbm>> -> memref<32x768xf32, #tpu.memory_space<hbm>>
      %dma_start3A_46 = arith.constant 0 : i32
      %dma_start3A_47 = tpu.memref_slice %arg8[%add3A_24, %dma_start3A_46] : memref<2048x768xf32, #tpu.memory_space<hbm>> -> memref<32x768xf32, #tpu.memory_space<hbm>>
      tpu.enqueue_dma source(%arg9 : memref<32x768xf32, #tpu.memory_space<vmem>>) target(%dma_start3A_47 : memref<32x768xf32, #tpu.memory_space<hbm>>) target_semaphore(%run_scoped3A : memref<!tpu.dma_semaphore, #tpu.memory_space<semaphore_mem>>)
      %dma_wait3A_48 = arith.constant 0 : i32
      %dma_wait3A_49 = tpu.memref_slice %arg8[%add3A_24, %dma_wait3A_48] : memref<2048x768xf32, #tpu.memory_space<hbm>> -> memref<32x768xf32, #tpu.memory_space<hbm>>
      %dma_wait3A_50 = arith.constant 0 : i32
      %dma_wait3A_51 = tpu.memref_slice %arg8[%add3A_24, %dma_wait3A_50] : memref<2048x768xf32, #tpu.memory_space<hbm>> -> memref<32x768xf32, #tpu.memory_space<hbm>>
      tpu.wait_dma2 semaphore(%run_scoped3A : memref<!tpu.dma_semaphore, #tpu.memory_space<semaphore_mem>>) src(%arg9 : memref<32x768xf32, #tpu.memory_space<vmem>>) dst(%dma_wait3A_51 : memref<32x768xf32, #tpu.memory_space<hbm>>)
      tpu.yield
    }) : () -> ()
    return
  }
}

#map = affine_map<(d0, d1) -> (0, 0)>
#map1 = affine_map<(d0, d1) -> (0)>
module attributes {stable_mosaic.version = 14 : i64} {
  func.func @_dispatch(%arg0: i32, %arg1: i32, %arg2: memref<2048x768xf32, #tpu.memory_space<hbm>>, %arg3: memref<2048xi32, #tpu.memory_space<hbm>>, %arg4: memref<2048xi32, #tpu.memory_space<hbm>>, %arg5: memref<6144x768xf32, #tpu.memory_space<hbm>>, %arg6: memref<64x768xf32, #tpu.memory_space<vmem>>, %arg7: memref<64xi32, #tpu.memory_space<vmem>>, %arg8: memref<64xi32, #tpu.memory_space<vmem>>, %arg9: memref<!tpu.dma_semaphore, #tpu.memory_space<semaphore_mem>>, %arg10: memref<!tpu.dma_semaphore, #tpu.memory_space<semaphore_mem>>) attributes {dimension_semantics = [#tpu.dimension_semantics<core_parallel>, #tpu.dimension_semantics<subcore_parallel>], iteration_bounds = array<i64: 2, 16>, scalar_prefetch = 0 : i64, scratch_operands = 5 : i64, tpu.core_type = #tpu.core_type<sc_vector_subcore>, window_params = [{transform_indices = #map}, {transform_indices = #map1}, {transform_indices = #map1}, {transform_indices = #map}]} {
    %mul3A = arith.constant 2 : i32
    %mul3A_0 = arith.muli %arg1, %mul3A : i32
    %add3A = arith.addi %mul3A_0, %arg0 : i32
    %mul3A_1 = arith.constant 64 : i32
    %mul3A_2 = arith.muli %add3A, %mul3A_1 : i32
    "tpu.region"() ({
      %run_scoped3A = tpu.sem_alloc : memref<!tpu.dma_semaphore, #tpu.memory_space<semaphore_mem>>
      %dma_start3A_13 = tpu.memref_slice %arg3[%mul3A_2] : memref<2048xi32, #tpu.memory_space<hbm>> -> memref<64xi32, #tpu.memory_space<hbm>>
      %dma_start3A_14 = tpu.memref_slice %arg3[%mul3A_2] : memref<2048xi32, #tpu.memory_space<hbm>> -> memref<64xi32, #tpu.memory_space<hbm>>
      tpu.enqueue_dma source(%dma_start3A_14 : memref<64xi32, #tpu.memory_space<hbm>>) target(%arg7 : memref<64xi32, #tpu.memory_space<vmem>>) target_semaphore(%run_scoped3A : memref<!tpu.dma_semaphore, #tpu.memory_space<semaphore_mem>>)
      %dma_wait3A_15 = tpu.memref_slice %arg3[%mul3A_2] : memref<2048xi32, #tpu.memory_space<hbm>> -> memref<64xi32, #tpu.memory_space<hbm>>
      %dma_wait3A_16 = tpu.memref_slice %arg3[%mul3A_2] : memref<2048xi32, #tpu.memory_space<hbm>> -> memref<64xi32, #tpu.memory_space<hbm>>
      tpu.wait_dma2 semaphore(%run_scoped3A : memref<!tpu.dma_semaphore, #tpu.memory_space<semaphore_mem>>) src(%dma_wait3A_16 : memref<64xi32, #tpu.memory_space<hbm>>) dst(%arg7 : memref<64xi32, #tpu.memory_space<vmem>>)
      tpu.yield
    }) : () -> ()
    "tpu.region"() ({
      %run_scoped3A = tpu.sem_alloc : memref<!tpu.dma_semaphore, #tpu.memory_space<semaphore_mem>>
      %dma_start3A_13 = tpu.memref_slice %arg4[%mul3A_2] : memref<2048xi32, #tpu.memory_space<hbm>> -> memref<64xi32, #tpu.memory_space<hbm>>
      %dma_start3A_14 = tpu.memref_slice %arg4[%mul3A_2] : memref<2048xi32, #tpu.memory_space<hbm>> -> memref<64xi32, #tpu.memory_space<hbm>>
      tpu.enqueue_dma source(%dma_start3A_14 : memref<64xi32, #tpu.memory_space<hbm>>) target(%arg8 : memref<64xi32, #tpu.memory_space<vmem>>) target_semaphore(%run_scoped3A : memref<!tpu.dma_semaphore, #tpu.memory_space<semaphore_mem>>)
      %dma_wait3A_15 = tpu.memref_slice %arg4[%mul3A_2] : memref<2048xi32, #tpu.memory_space<hbm>> -> memref<64xi32, #tpu.memory_space<hbm>>
      %dma_wait3A_16 = tpu.memref_slice %arg4[%mul3A_2] : memref<2048xi32, #tpu.memory_space<hbm>> -> memref<64xi32, #tpu.memory_space<hbm>>
      tpu.wait_dma2 semaphore(%run_scoped3A : memref<!tpu.dma_semaphore, #tpu.memory_space<semaphore_mem>>) src(%dma_wait3A_16 : memref<64xi32, #tpu.memory_space<hbm>>) dst(%arg8 : memref<64xi32, #tpu.memory_space<vmem>>)
      tpu.yield
    }) : () -> ()
    "tpu.region"() ({
      %run_scoped3A = tpu.sem_alloc : memref<!tpu.dma_semaphore, #tpu.memory_space<semaphore_mem>>
      %dma_start3A_13 = arith.constant 0 : i32
      %dma_start3A_14 = tpu.memref_slice %arg2[%mul3A_2, %dma_start3A_13] : memref<2048x768xf32, #tpu.memory_space<hbm>> -> memref<64x768xf32, #tpu.memory_space<hbm>>
      %dma_start3A_15 = arith.constant 0 : i32
      %dma_start3A_16 = tpu.memref_slice %arg2[%mul3A_2, %dma_start3A_15] : memref<2048x768xf32, #tpu.memory_space<hbm>> -> memref<64x768xf32, #tpu.memory_space<hbm>>
      tpu.enqueue_dma source(%dma_start3A_16 : memref<64x768xf32, #tpu.memory_space<hbm>>) target(%arg6 : memref<64x768xf32, #tpu.memory_space<vmem>>) target_semaphore(%run_scoped3A : memref<!tpu.dma_semaphore, #tpu.memory_space<semaphore_mem>>)
      %dma_wait3A_17 = arith.constant 0 : i32
      %dma_wait3A_18 = tpu.memref_slice %arg2[%mul3A_2, %dma_wait3A_17] : memref<2048x768xf32, #tpu.memory_space<hbm>> -> memref<64x768xf32, #tpu.memory_space<hbm>>
      %dma_wait3A_19 = arith.constant 0 : i32
      %dma_wait3A_20 = tpu.memref_slice %arg2[%mul3A_2, %dma_wait3A_19] : memref<2048x768xf32, #tpu.memory_space<hbm>> -> memref<64x768xf32, #tpu.memory_space<hbm>>
      tpu.wait_dma2 semaphore(%run_scoped3A : memref<!tpu.dma_semaphore, #tpu.memory_space<semaphore_mem>>) src(%dma_wait3A_20 : memref<64x768xf32, #tpu.memory_space<hbm>>) dst(%arg6 : memref<64x768xf32, #tpu.memory_space<vmem>>)
      tpu.yield
    }) : () -> ()
    %dma_start3A = arith.constant 0 : i32
    %dma_start3A_3 = arith.constant 0 : i32
    %dma_start3A_4 = tpu.memref_slice %arg5[%dma_start3A, %dma_start3A_3] : memref<6144x768xf32, #tpu.memory_space<hbm>> -> memref<6144x768xf32, #tpu.memory_space<hbm>>
    tpu.enqueue_indirect_dma source(%arg6 : memref<64x768xf32, #tpu.memory_space<vmem>>) target(%dma_start3A_4 : memref<6144x768xf32, #tpu.memory_space<hbm>>) offsets(%arg7 : memref<64xi32, #tpu.memory_space<vmem>>) semaphore(%arg9 : memref<!tpu.dma_semaphore, #tpu.memory_space<semaphore_mem>>)
    %dma_start3A_5 = arith.constant 0 : i32
    %dma_start3A_6 = arith.constant 0 : i32
    %dma_start3A_7 = tpu.memref_slice %arg5[%dma_start3A_5, %dma_start3A_6] : memref<6144x768xf32, #tpu.memory_space<hbm>> -> memref<6144x768xf32, #tpu.memory_space<hbm>>
    tpu.enqueue_indirect_dma source(%arg6 : memref<64x768xf32, #tpu.memory_space<vmem>>) target(%dma_start3A_7 : memref<6144x768xf32, #tpu.memory_space<hbm>>) offsets(%arg8 : memref<64xi32, #tpu.memory_space<vmem>>) semaphore(%arg10 : memref<!tpu.dma_semaphore, #tpu.memory_space<semaphore_mem>>)
    %dma_wait3A = arith.constant 0 : i32
    %dma_wait3A_8 = arith.constant 0 : i32
    %dma_wait3A_9 = tpu.memref_slice %arg5[%dma_wait3A, %dma_wait3A_8] : memref<6144x768xf32, #tpu.memory_space<hbm>> -> memref<6144x768xf32, #tpu.memory_space<hbm>>
    tpu.wait_indirect_dma semaphore(%arg9 : memref<!tpu.dma_semaphore, #tpu.memory_space<semaphore_mem>>) src(%arg6 : memref<64x768xf32, #tpu.memory_space<vmem>>) dst(%dma_wait3A_9 : memref<6144x768xf32, #tpu.memory_space<hbm>>)
    %dma_wait3A_10 = arith.constant 0 : i32
    %dma_wait3A_11 = arith.constant 0 : i32
    %dma_wait3A_12 = tpu.memref_slice %arg5[%dma_wait3A_10, %dma_wait3A_11] : memref<6144x768xf32, #tpu.memory_space<hbm>> -> memref<6144x768xf32, #tpu.memory_space<hbm>>
    tpu.wait_indirect_dma semaphore(%arg10 : memref<!tpu.dma_semaphore, #tpu.memory_space<semaphore_mem>>) src(%arg6 : memref<64x768xf32, #tpu.memory_space<vmem>>) dst(%dma_wait3A_12 : memref<6144x768xf32, #tpu.memory_space<hbm>>)
    return
  }
}

module attributes {stable_mosaic.version = 14 : i64} {
  func.func @_expert_kernel(%arg0: i32, %arg1: memref<24xi32, #tpu.memory_space<smem>>, %arg2: memref<256x768xf32, #tpu.memory_space<vmem>>, %arg3: memref<1x1536x768xf32, #tpu.memory_space<vmem>>, %arg4: memref<1x1x1536xf32, #tpu.memory_space<vmem>>, %arg5: memref<1x768x1536xf32, #tpu.memory_space<vmem>>, %arg6: memref<1x1x768xf32, #tpu.memory_space<vmem>>, %arg7: memref<256x768xf32, #tpu.memory_space<vmem>>) attributes {dimension_semantics = [#tpu.dimension_semantics<arbitrary>], iteration_bounds = array<i64: 24>, scalar_prefetch = 1 : i64, scratch_operands = 0 : i64, tpu.core_type = #tpu.core_type<tc>, window_params = [{transform_indices = @transform_0, window_bounds = array<i64: 256, 768>}, {transform_indices = @transform_1, window_bounds = array<i64: 1, 1536, 768>}, {transform_indices = @transform_2, window_bounds = array<i64: 1, 1, 1536>}, {transform_indices = @transform_3, window_bounds = array<i64: 1, 768, 1536>}, {transform_indices = @transform_4, window_bounds = array<i64: 1, 1, 768>}, {transform_indices = @transform_5, window_bounds = array<i64: 256, 768>}]} {
    %get3A = arith.constant 0 : index
    %get3A_0 = arith.constant 0 : index
    %get3A_1 = vector.load %arg2[%get3A, %get3A_0] : memref<256x768xf32, #tpu.memory_space<vmem>>, vector<256x768xf32>
    %get3A_2 = arith.constant 0 : index
    %get3A_3 = arith.constant 0 : index
    %get3A_4 = arith.constant 0 : index
    %get3A_5 = vector.load %arg3[%get3A_2, %get3A_3, %get3A_4] : memref<1x1536x768xf32, #tpu.memory_space<vmem>>, vector<1x1536x768xf32>
    %get3A_6 = vector.shape_cast %get3A_5 : vector<1x1536x768xf32> to vector<1536x768xf32>
    %dot_general3A = arith.constant dense<0.000000e+00> : vector<256x1536xf32>
    %dot_general3A_7 = tpu.matmul %get3A_1, %get3A_6, %dot_general3A {dimension_numbers = #tpu.dot_dimension_numbers<[1], [1], [0], [0], [0, 0, 1, 0], [], []>, transpose_lhs_hint = false} : vector<256x768xf32>, vector<1536x768xf32>, vector<256x1536xf32> -> vector<256x1536xf32>
    %get3A_8 = arith.constant 0 : index
    %get3A_9 = arith.constant 0 : index
    %get3A_10 = arith.constant 0 : index
    %get3A_11 = vector.load %arg4[%get3A_8, %get3A_9, %get3A_10] : memref<1x1x1536xf32, #tpu.memory_space<vmem>>, vector<1x1x1536xf32>
    %get3A_12 = vector.shape_cast %get3A_11 : vector<1x1x1536xf32> to vector<1x1536xf32>
    %add3A = vector.broadcast %get3A_12 : vector<1x1536xf32> to vector<256x1536xf32>
    %add3A_13 = arith.addf %dot_general3A_7, %add3A : vector<256x1536xf32>
    %mul3A = arith.constant 5.000000e-01 : f32
    %mul3A_14 = vector.broadcast %mul3A : f32 to vector<256x1536xf32>
    %mul3A_15 = arith.mulf %mul3A_14, %add3A_13 : vector<256x1536xf32>
    %mul3A_16 = arith.constant 0.707106769 : f32
    %mul3A_17 = vector.broadcast %mul3A_16 : f32 to vector<256x1536xf32>
    %mul3A_18 = arith.mulf %add3A_13, %mul3A_17 : vector<256x1536xf32>
    %erf3A = math.erf %mul3A_18 : vector<256x1536xf32>
    %add3A_19 = arith.constant 1.000000e+00 : f32
    %add3A_20 = vector.broadcast %add3A_19 : f32 to vector<256x1536xf32>
    %add3A_21 = arith.addf %add3A_20, %erf3A : vector<256x1536xf32>
    %mul3A_22 = arith.mulf %mul3A_15, %add3A_21 : vector<256x1536xf32>
    %get3A_23 = arith.constant 0 : index
    %get3A_24 = arith.constant 0 : index
    %get3A_25 = arith.constant 0 : index
    %get3A_26 = vector.load %arg5[%get3A_23, %get3A_24, %get3A_25] : memref<1x768x1536xf32, #tpu.memory_space<vmem>>, vector<1x768x1536xf32>
    %get3A_27 = vector.shape_cast %get3A_26 : vector<1x768x1536xf32> to vector<768x1536xf32>
    %dot_general3A_28 = arith.constant dense<0.000000e+00> : vector<256x768xf32>
    %dot_general3A_29 = tpu.matmul %mul3A_22, %get3A_27, %dot_general3A_28 {dimension_numbers = #tpu.dot_dimension_numbers<[1], [1], [0], [0], [0, 0, 1, 0], [], []>, transpose_lhs_hint = false} : vector<256x1536xf32>, vector<768x1536xf32>, vector<256x768xf32> -> vector<256x768xf32>
    %get3A_30 = arith.constant 0 : index
    %get3A_31 = arith.constant 0 : index
    %get3A_32 = arith.constant 0 : index
    %get3A_33 = vector.load %arg6[%get3A_30, %get3A_31, %get3A_32] : memref<1x1x768xf32, #tpu.memory_space<vmem>>, vector<1x1x768xf32>
    %get3A_34 = vector.shape_cast %get3A_33 : vector<1x1x768xf32> to vector<1x768xf32>
    %add3A_35 = vector.broadcast %get3A_34 : vector<1x768xf32> to vector<256x768xf32>
    %add3A_36 = arith.addf %dot_general3A_29, %add3A_35 : vector<256x768xf32>
    %swap3A = arith.constant 0 : index
    %swap3A_37 = arith.constant 0 : index
    %swap3A_38 = vector.load %arg7[%swap3A, %swap3A_37] : memref<256x768xf32, #tpu.memory_space<vmem>>, vector<256x768xf32>
    tpu.vector_store %arg7[%swap3A, %swap3A_37], %add3A_36 {strides = array<i32>} : memref<256x768xf32, #tpu.memory_space<vmem>>, vector<256x768xf32>,
    return
  }
  func.func @transform_0(%arg0: i32, %arg1: memref<24xi32, #tpu.memory_space<smem>>) -> (i32, i32) {
    %c0_i32 = arith.constant 0 : i32
    %c0_i32_0 = arith.constant 0 : i32
    return %arg0, %c0_i32 : i32, i32
  }
  func.func @transform_1(%arg0: i32, %arg1: memref<24xi32, #tpu.memory_space<smem>>) -> (i32, i32, i32) {
    %get3A = arith.index_cast %arg0 : i32 to index
    %get3A_0 = memref.load %arg1[%get3A] : memref<24xi32, #tpu.memory_space<smem>>
    %c0_i32 = arith.constant 0 : i32
    %c0_i32_1 = arith.constant 0 : i32
    %c0_i32_2 = arith.constant 0 : i32
    return %get3A_0, %c0_i32, %c0_i32_1 : i32, i32, i32
  }
  func.func @transform_2(%arg0: i32, %arg1: memref<24xi32, #tpu.memory_space<smem>>) -> (i32, i32, i32) {
    %get3A = arith.index_cast %arg0 : i32 to index
    %get3A_0 = memref.load %arg1[%get3A] : memref<24xi32, #tpu.memory_space<smem>>
    %c0_i32 = arith.constant 0 : i32
    %c0_i32_1 = arith.constant 0 : i32
    %c0_i32_2 = arith.constant 0 : i32
    return %get3A_0, %c0_i32, %c0_i32_1 : i32, i32, i32
  }
  func.func @transform_3(%arg0: i32, %arg1: memref<24xi32, #tpu.memory_space<smem>>) -> (i32, i32, i32) {
    %get3A = arith.index_cast %arg0 : i32 to index
    %get3A_0 = memref.load %arg1[%get3A] : memref<24xi32, #tpu.memory_space<smem>>
    %c0_i32 = arith.constant 0 : i32
    %c0_i32_1 = arith.constant 0 : i32
    %c0_i32_2 = arith.constant 0 : i32
    return %get3A_0, %c0_i32, %c0_i32_1 : i32, i32, i32
  }
  func.func @transform_4(%arg0: i32, %arg1: memref<24xi32, #tpu.memory_space<smem>>) -> (i32, i32, i32) {
    %get3A = arith.index_cast %arg0 : i32 to index
    %get3A_0 = memref.load %arg1[%get3A] : memref<24xi32, #tpu.memory_space<smem>>
    %c0_i32 = arith.constant 0 : i32
    %c0_i32_1 = arith.constant 0 : i32
    %c0_i32_2 = arith.constant 0 : i32
    return %get3A_0, %c0_i32, %c0_i32_1 : i32, i32, i32
  }
  func.func @transform_5(%arg0: i32, %arg1: memref<24xi32, #tpu.memory_space<smem>>) -> (i32, i32) {
    %c0_i32 = arith.constant 0 : i32
    %c0_i32_0 = arith.constant 0 : i32
    return %arg0, %c0_i32 : i32, i32
  }
}

module attributes {stable_mosaic.version = 14 : i64} {
  func.func @_gate_kernel(%arg0: memref<2048x768xf32, #tpu.memory_space<vmem>>, %arg1: memref<1x768xf32, #tpu.memory_space<vmem>>, %arg2: memref<1x768xf32, #tpu.memory_space<vmem>>, %arg3: memref<8x768xf32, #tpu.memory_space<vmem>>, %arg4: memref<2048x768xf32, #tpu.memory_space<vmem>>, %arg5: memref<1x2048xi32, #tpu.memory_space<vmem>>, %arg6: memref<1x2048xi32, #tpu.memory_space<vmem>>, %arg7: memref<1x2048xf32, #tpu.memory_space<vmem>>, %arg8: memref<1x2048xf32, #tpu.memory_space<vmem>>, %arg9: memref<1x24xi32, #tpu.memory_space<vmem>>, %arg10: memref<1x1xf32, #tpu.memory_space<vmem>>) attributes {dimension_semantics = [], scalar_prefetch = 0 : i64, scratch_operands = 0 : i64, tpu.core_type = #tpu.core_type<tc>} {
    %get3A = arith.constant 0 : index
    %get3A_0 = arith.constant 0 : index
    %get3A_1 = vector.load %arg0[%get3A, %get3A_0] : memref<2048x768xf32, #tpu.memory_space<vmem>>, vector<2048x768xf32>
    %reduce_sum3A = arith.constant dense<0.000000e+00> : vector<2048xf32>
    %reduce_sum3A_2 = vector.multi_reduction <add>, %get3A_1, %reduce_sum3A [1] : vector<2048x768xf32> to vector<2048xf32>
    %broadcast_in_dim3A = vector.shape_cast %reduce_sum3A_2 : vector<2048xf32> to vector<2048x1xf32>
    %div3A = arith.constant 7.680000e+02 : f32
    %div3A_3 = vector.broadcast %div3A : f32 to vector<2048x1xf32>
    %div3A_4 = arith.divf %broadcast_in_dim3A, %div3A_3 : vector<2048x1xf32>
    %sub3A = vector.broadcast %div3A_4 : vector<2048x1xf32> to vector<2048x768xf32>
    %sub3A_5 = arith.subf %get3A_1, %sub3A : vector<2048x768xf32>
    %integer_pow3A = arith.mulf %sub3A_5, %sub3A_5 : vector<2048x768xf32>
    %reduce_sum3A_6 = arith.constant dense<0.000000e+00> : vector<2048xf32>
    %reduce_sum3A_7 = vector.multi_reduction <add>, %integer_pow3A, %reduce_sum3A_6 [1] : vector<2048x768xf32> to vector<2048xf32>
    %broadcast_in_dim3A_8 = vector.shape_cast %reduce_sum3A_7 : vector<2048xf32> to vector<2048x1xf32>
    %div3A_9 = arith.constant 7.680000e+02 : f32
    %div3A_10 = vector.broadcast %div3A_9 : f32 to vector<2048x1xf32>
    %div3A_11 = arith.divf %broadcast_in_dim3A_8, %div3A_10 : vector<2048x1xf32>
    %sub3A_12 = vector.broadcast %div3A_4 : vector<2048x1xf32> to vector<2048x768xf32>
    %sub3A_13 = arith.subf %get3A_1, %sub3A_12 : vector<2048x768xf32>
    %add3A = arith.constant 9.99999974E-6 : f32
    %add3A_14 = vector.broadcast %add3A : f32 to vector<2048x1xf32>
    %add3A_15 = arith.addf %div3A_11, %add3A_14 : vector<2048x1xf32>
    %sqrt3A = math.sqrt %add3A_15 : vector<2048x1xf32>
    %div3A_16 = vector.broadcast %sqrt3A : vector<2048x1xf32> to vector<2048x768xf32>
    %div3A_17 = arith.divf %sub3A_13, %div3A_16 : vector<2048x768xf32>
    %get3A_18 = arith.constant 0 : index
    %get3A_19 = arith.constant 0 : index
    %get3A_20 = vector.load %arg1[%get3A_18, %get3A_19] : memref<1x768xf32, #tpu.memory_space<vmem>>, vector<1x768xf32>
    %mul3A = vector.broadcast %get3A_20 : vector<1x768xf32> to vector<2048x768xf32>
    %mul3A_21 = arith.mulf %div3A_17, %mul3A : vector<2048x768xf32>
    %get3A_22 = arith.constant 0 : index
    %get3A_23 = arith.constant 0 : index
    %get3A_24 = vector.load %arg2[%get3A_22, %get3A_23] : memref<1x768xf32, #tpu.memory_space<vmem>>, vector<1x768xf32>
    %add3A_25 = vector.broadcast %get3A_24 : vector<1x768xf32> to vector<2048x768xf32>
    %add3A_26 = arith.addf %mul3A_21, %add3A_25 : vector<2048x768xf32>
    %swap3A = arith.constant 0 : index
    %swap3A_27 = arith.constant 0 : index
    %swap3A_28 = vector.load %arg4[%swap3A, %swap3A_27] : memref<2048x768xf32, #tpu.memory_space<vmem>>, vector<2048x768xf32>
    tpu.vector_store %arg4[%swap3A, %swap3A_27], %add3A_26 {strides = array<i32>} : memref<2048x768xf32, #tpu.memory_space<vmem>>, vector<2048x768xf32>,
    %get3A_29 = arith.constant 0 : index
    %get3A_30 = arith.constant 0 : index
    %get3A_31 = vector.load %arg3[%get3A_29, %get3A_30] : memref<8x768xf32, #tpu.memory_space<vmem>>, vector<8x768xf32>
    %dot_general3A = arith.constant dense<0.000000e+00> : vector<8x2048xf32>
    %dot_general3A_32 = tpu.matmul %get3A_31, %add3A_26, %dot_general3A {dimension_numbers = #tpu.dot_dimension_numbers<[1], [1], [0], [0], [0, 0, 1, 0], [], []>, transpose_lhs_hint = false} : vector<8x768xf32>, vector<2048x768xf32>, vector<8x2048xf32> -> vector<8x2048xf32>
    %iota3A = tpu.iota {dimensions = array<i32: 0>} : vector<8x2048xi32>
    %reduce_max3A = arith.constant dense<0xFF800000> : vector<2048xf32>
    %reduce_max3A_33 = vector.multi_reduction <maximumf>, %dot_general3A_32, %reduce_max3A [0] : vector<8x2048xf32> to vector<2048xf32>
    %broadcast_in_dim3A_34 = vector.shape_cast %reduce_max3A_33 : vector<2048xf32> to vector<1x2048xf32>
    %eq3A = vector.broadcast %broadcast_in_dim3A_34 : vector<1x2048xf32> to vector<8x2048xf32>
    %eq3A_35 = arith.cmpf oeq, %dot_general3A_32, %eq3A : vector<8x2048xf32>
    %jit3A = arith.constant 8 : i32
    %broadcast_in_dim3A_36 = vector.broadcast %jit3A : i32 to vector<8x2048xi32>
    %select_n3A = arith.select %eq3A_35, %iota3A, %broadcast_in_dim3A_36 : vector<8x2048xi1>, vector<8x2048xi32>
    %reduce_min3A = arith.constant dense<2147483647> : vector<2048xi32>
    %reduce_min3A_37 = vector.multi_reduction <minsi>, %select_n3A, %reduce_min3A [0] : vector<8x2048xi32> to vector<2048xi32>
    %broadcast_in_dim3A_38 = vector.shape_cast %reduce_min3A_37 : vector<2048xi32> to vector<1x2048xi32>
    %eq3A_39 = vector.broadcast %broadcast_in_dim3A_38 : vector<1x2048xi32> to vector<8x2048xi32>
    %eq3A_40 = arith.cmpi eq, %iota3A, %eq3A_39 : vector<8x2048xi32>
    %jit3A_41 = arith.constant 0xFF800000 : f32
    %broadcast_in_dim3A_42 = vector.broadcast %jit3A_41 : f32 to vector<8x2048xf32>
    %select_n3A_43 = arith.select %eq3A_40, %broadcast_in_dim3A_42, %dot_general3A_32 : vector<8x2048xi1>, vector<8x2048xf32>
    %reduce_max3A_44 = arith.constant dense<0xFF800000> : vector<2048xf32>
    %reduce_max3A_45 = vector.multi_reduction <maximumf>, %select_n3A_43, %reduce_max3A_44 [0] : vector<8x2048xf32> to vector<2048xf32>
    %broadcast_in_dim3A_46 = vector.shape_cast %reduce_max3A_45 : vector<2048xf32> to vector<1x2048xf32>
    %eq3A_47 = vector.broadcast %broadcast_in_dim3A_46 : vector<1x2048xf32> to vector<8x2048xf32>
    %eq3A_48 = arith.cmpf oeq, %select_n3A_43, %eq3A_47 : vector<8x2048xf32>
    %jit3A_49 = arith.constant 8 : i32
    %broadcast_in_dim3A_50 = vector.broadcast %jit3A_49 : i32 to vector<8x2048xi32>
    %select_n3A_51 = arith.select %eq3A_48, %iota3A, %broadcast_in_dim3A_50 : vector<8x2048xi1>, vector<8x2048xi32>
    %reduce_min3A_52 = arith.constant dense<2147483647> : vector<2048xi32>
    %reduce_min3A_53 = vector.multi_reduction <minsi>, %select_n3A_51, %reduce_min3A_52 [0] : vector<8x2048xi32> to vector<2048xi32>
    %broadcast_in_dim3A_54 = vector.shape_cast %reduce_min3A_53 : vector<2048xi32> to vector<1x2048xi32>
    %sub3A_55 = arith.subf %broadcast_in_dim3A_46, %broadcast_in_dim3A_34 : vector<1x2048xf32>
    %exp3A = math.exp %sub3A_55 : vector<1x2048xf32>
    %add3A_56 = arith.constant 1.000000e+00 : f32
    %add3A_57 = vector.broadcast %add3A_56 : f32 to vector<1x2048xf32>
    %add3A_58 = arith.addf %add3A_57, %exp3A : vector<1x2048xf32>
    %div3A_59 = arith.constant 1.000000e+00 : f32
    %div3A_60 = vector.broadcast %div3A_59 : f32 to vector<1x2048xf32>
    %div3A_61 = arith.divf %div3A_60, %add3A_58 : vector<1x2048xf32>
    %div3A_62 = arith.divf %exp3A, %add3A_58 : vector<1x2048xf32>
    %swap3A_63 = arith.constant 0 : index
    %swap3A_64 = arith.constant 0 : index
    %swap3A_65 = vector.load %arg7[%swap3A_63, %swap3A_64] : memref<1x2048xf32, #tpu.memory_space<vmem>>, vector<1x2048xf32>
    tpu.vector_store %arg7[%swap3A_63, %swap3A_64], %div3A_61 {strides = array<i32>} : memref<1x2048xf32, #tpu.memory_space<vmem>>, vector<1x2048xf32>,
    %swap3A_66 = arith.constant 0 : index
    %swap3A_67 = arith.constant 0 : index
    %swap3A_68 = vector.load %arg8[%swap3A_66, %swap3A_67] : memref<1x2048xf32, #tpu.memory_space<vmem>>, vector<1x2048xf32>
    tpu.vector_store %arg8[%swap3A_66, %swap3A_67], %div3A_62 {strides = array<i32>} : memref<1x2048xf32, #tpu.memory_space<vmem>>, vector<1x2048xf32>,
    %eq3A_69 = vector.broadcast %broadcast_in_dim3A_38 : vector<1x2048xi32> to vector<8x2048xi32>
    %eq3A_70 = arith.cmpi eq, %iota3A, %eq3A_69 : vector<8x2048xi32>
    %convert_element_type3A = arith.extui %eq3A_70 : vector<8x2048xi1> to vector<8x2048xi32>
    %convert_element_type3A_71 = arith.sitofp %convert_element_type3A : vector<8x2048xi32> to vector<8x2048xf32>
    %eq3A_72 = vector.broadcast %broadcast_in_dim3A_54 : vector<1x2048xi32> to vector<8x2048xi32>
    %eq3A_73 = arith.cmpi eq, %iota3A, %eq3A_72 : vector<8x2048xi32>
    %convert_element_type3A_74 = arith.extui %eq3A_73 : vector<8x2048xi1> to vector<8x2048xi32>
    %convert_element_type3A_75 = arith.sitofp %convert_element_type3A_74 : vector<8x2048xi32> to vector<8x2048xf32>
    %mul3A_76 = vector.broadcast %div3A_61 : vector<1x2048xf32> to vector<8x2048xf32>
    %mul3A_77 = arith.mulf %convert_element_type3A_71, %mul3A_76 : vector<8x2048xf32>
    %mul3A_78 = vector.broadcast %div3A_62 : vector<1x2048xf32> to vector<8x2048xf32>
    %mul3A_79 = arith.mulf %convert_element_type3A_75, %mul3A_78 : vector<8x2048xf32>
    %add3A_80 = arith.addf %mul3A_77, %mul3A_79 : vector<8x2048xf32>
    %reduce_sum3A_81 = arith.constant dense<0.000000e+00> : vector<8xf32>
    %reduce_sum3A_82 = vector.multi_reduction <add>, %add3A_80, %reduce_sum3A_81 [1] : vector<8x2048xf32> to vector<8xf32>
    %broadcast_in_dim3A_83 = vector.shape_cast %reduce_sum3A_82 : vector<8xf32> to vector<8x1xf32>
    %div3A_84 = arith.constant 2.048000e+03 : f32
    %div3A_85 = vector.broadcast %div3A_84 : f32 to vector<8x1xf32>
    %div3A_86 = arith.divf %broadcast_in_dim3A_83, %div3A_85 : vector<8x1xf32>
    %sub3A_87 = arith.constant 1.250000e-01 : f32
    %sub3A_88 = vector.broadcast %sub3A_87 : f32 to vector<8x1xf32>
    %sub3A_89 = arith.subf %div3A_86, %sub3A_88 : vector<8x1xf32>
    %integer_pow3A_90 = arith.mulf %sub3A_89, %sub3A_89 : vector<8x1xf32>
    %reduce_sum3A_91 = vector.shape_cast %integer_pow3A_90 : vector<8x1xf32> to vector<1x8x1xf32>
    %reduce_sum3A_92 = arith.constant dense<0.000000e+00> : vector<1xf32>
    %reduce_sum3A_93 = vector.multi_reduction <add>, %reduce_sum3A_91, %reduce_sum3A_92 [1, 2] : vector<1x8x1xf32> to vector<1xf32>
    %reduce_sum3A_94 = vector.shape_cast %reduce_sum3A_93 : vector<1xf32> to vector<1x1x1xf32>
    %reduce_sum3A_95 = vector.extract %reduce_sum3A_94[0, 0, 0] : f32 from vector<1x1x1xf32>
    %div3A_96 = arith.constant 8.000000e+00 : f32
    %div3A_97 = arith.divf %reduce_sum3A_95, %div3A_96 : f32
    %reshape3A = vector.broadcast %div3A_97 : f32 to vector<1x1xf32>
    %swap3A_98 = arith.constant 0 : index
    %swap3A_99 = arith.constant 0 : index
    %swap3A_100 = vector.load %arg10[%swap3A_98, %swap3A_99] : memref<1x1xf32, #tpu.memory_space<vmem>>, vector<1x1xf32>
    tpu.vector_store %arg10[%swap3A_98, %swap3A_99], %reshape3A {strides = array<i32>} : memref<1x1xf32, #tpu.memory_space<vmem>>, vector<1x1xf32>,
    %iota3A_101 = tpu.iota {dimensions = array<i32: 0>} : vector<2048x2048xi32>
    %iota3A_102 = tpu.iota {dimensions = array<i32: 1>} : vector<2048x2048xi32>
    %lt3A = arith.cmpi slt, %iota3A_101, %iota3A_102 : vector<2048x2048xi32>
    %convert_element_type3A_103 = arith.extui %lt3A : vector<2048x2048xi1> to vector<2048x2048xi32>
    %convert_element_type3A_104 = arith.sitofp %convert_element_type3A_103 : vector<2048x2048xi32> to vector<2048x2048xf32>
    %dot_general3A_105 = arith.constant dense<0.000000e+00> : vector<8x2048xf32>
    %dot_general3A_106 = tpu.matmul %convert_element_type3A_71, %convert_element_type3A_104, %dot_general3A_105 {dimension_numbers = #tpu.dot_dimension_numbers<[1], [0], [0], [1], [0, 0, 1, 1], [], []>, transpose_lhs_hint = false} : vector<8x2048xf32>, vector<2048x2048xf32>, vector<8x2048xf32> -> vector<8x2048xf32>
    %dot_general3A_107 = arith.constant dense<0.000000e+00> : vector<8x2048xf32>
    %dot_general3A_108 = tpu.matmul %convert_element_type3A_75, %convert_element_type3A_104, %dot_general3A_107 {dimension_numbers = #tpu.dot_dimension_numbers<[1], [0], [0], [1], [0, 0, 1, 1], [], []>, transpose_lhs_hint = false} : vector<8x2048xf32>, vector<2048x2048xf32>, vector<8x2048xf32> -> vector<8x2048xf32>
    %reduce_sum3A_109 = arith.constant dense<0.000000e+00> : vector<8xf32>
    %reduce_sum3A_110 = vector.multi_reduction <add>, %convert_element_type3A_71, %reduce_sum3A_109 [1] : vector<8x2048xf32> to vector<8xf32>
    %broadcast_in_dim3A_111 = vector.shape_cast %reduce_sum3A_110 : vector<8xf32> to vector<8x1xf32>
    %reduce_sum3A_112 = arith.constant dense<0.000000e+00> : vector<8xf32>
    %reduce_sum3A_113 = vector.multi_reduction <add>, %convert_element_type3A_75, %reduce_sum3A_112 [1] : vector<8x2048xf32> to vector<8xf32>
    %broadcast_in_dim3A_114 = vector.shape_cast %reduce_sum3A_113 : vector<8xf32> to vector<8x1xf32>
    %add3A_115 = arith.addf %broadcast_in_dim3A_111, %broadcast_in_dim3A_114 : vector<8x1xf32>
    %add3A_116 = arith.constant 2.550000e+02 : f32
    %add3A_117 = vector.broadcast %add3A_116 : f32 to vector<8x1xf32>
    %add3A_118 = arith.addf %add3A_115, %add3A_117 : vector<8x1xf32>
    %mul3A_119 = arith.constant 3.906250e-03 : f32
    %mul3A_120 = vector.broadcast %mul3A_119 : f32 to vector<8x1xf32>
    %mul3A_121 = arith.mulf %add3A_118, %mul3A_120 : vector<8x1xf32>
    %floor3A = math.floor %mul3A_121 : vector<8x1xf32>
    %iota3A_122 = tpu.iota {dimensions = array<i32: 1>} : vector<8x8xi32>
    %iota3A_123 = tpu.iota {dimensions = array<i32: 0>} : vector<8x8xi32>
    %lt3A_124 = arith.cmpi slt, %iota3A_122, %iota3A_123 : vector<8x8xi32>
    %convert_element_type3A_125 = arith.extui %lt3A_124 : vector<8x8xi1> to vector<8x8xi32>
    %convert_element_type3A_126 = arith.sitofp %convert_element_type3A_125 : vector<8x8xi32> to vector<8x8xf32>
    %dot_general3A_127 = arith.constant dense<0.000000e+00> : vector<8x1xf32>
    %dot_general3A_128 = tpu.matmul %convert_element_type3A_126, %floor3A, %dot_general3A_127 {dimension_numbers = #tpu.dot_dimension_numbers<[1], [0], [0], [1], [0, 0, 1, 1], [], []>, transpose_lhs_hint = false} : vector<8x8xf32>, vector<8x1xf32>, vector<8x1xf32> -> vector<8x1xf32>
    %mul3A_129 = arith.constant 2.560000e+02 : f32
    %mul3A_130 = vector.broadcast %mul3A_129 : f32 to vector<8x1xf32>
    %mul3A_131 = arith.mulf %dot_general3A_128, %mul3A_130 : vector<8x1xf32>
    %add3A_132 = vector.broadcast %mul3A_131 : vector<8x1xf32> to vector<8x2048xf32>
    %add3A_133 = arith.addf %add3A_132, %dot_general3A_106 : vector<8x2048xf32>
    %mul3A_134 = arith.mulf %convert_element_type3A_71, %add3A_133 : vector<8x2048xf32>
    %reduce_sum3A_135 = arith.constant dense<0.000000e+00> : vector<2048xf32>
    %reduce_sum3A_136 = vector.multi_reduction <add>, %mul3A_134, %reduce_sum3A_135 [0] : vector<8x2048xf32> to vector<2048xf32>
    %broadcast_in_dim3A_137 = vector.shape_cast %reduce_sum3A_136 : vector<2048xf32> to vector<1x2048xf32>
    %add3A_138 = arith.addf %mul3A_131, %broadcast_in_dim3A_111 : vector<8x1xf32>
    %add3A_139 = vector.broadcast %add3A_138 : vector<8x1xf32> to vector<8x2048xf32>
    %add3A_140 = arith.addf %add3A_139, %dot_general3A_108 : vector<8x2048xf32>
    %mul3A_141 = arith.mulf %convert_element_type3A_75, %add3A_140 : vector<8x2048xf32>
    %reduce_sum3A_142 = arith.constant dense<0.000000e+00> : vector<2048xf32>
    %reduce_sum3A_143 = vector.multi_reduction <add>, %mul3A_141, %reduce_sum3A_142 [0] : vector<8x2048xf32> to vector<2048xf32>
    %broadcast_in_dim3A_144 = vector.shape_cast %reduce_sum3A_143 : vector<2048xf32> to vector<1x2048xf32>
    %convert_element_type3A_145 = arith.fptosi %broadcast_in_dim3A_137 : vector<1x2048xf32> to vector<1x2048xi32>
    %swap3A_146 = arith.constant 0 : index
    %swap3A_147 = arith.constant 0 : index
    %swap3A_148 = vector.load %arg5[%swap3A_146, %swap3A_147] : memref<1x2048xi32, #tpu.memory_space<vmem>>, vector<1x2048xi32>
    tpu.vector_store %arg5[%swap3A_146, %swap3A_147], %convert_element_type3A_145 {strides = array<i32>} : memref<1x2048xi32, #tpu.memory_space<vmem>>, vector<1x2048xi32>,
    %convert_element_type3A_149 = arith.fptosi %broadcast_in_dim3A_144 : vector<1x2048xf32> to vector<1x2048xi32>
    %swap3A_150 = arith.constant 0 : index
    %swap3A_151 = arith.constant 0 : index
    %swap3A_152 = vector.load %arg6[%swap3A_150, %swap3A_151] : memref<1x2048xi32, #tpu.memory_space<vmem>>, vector<1x2048xi32>
    tpu.vector_store %arg6[%swap3A_150, %swap3A_151], %convert_element_type3A_149 {strides = array<i32>} : memref<1x2048xi32, #tpu.memory_space<vmem>>, vector<1x2048xi32>,
    %add3A_153 = arith.addf %dot_general3A_128, %floor3A : vector<8x1xf32>
    %iota3A_154 = tpu.iota {dimensions = array<i32: 1>} : vector<8x24xi32>
    %convert_element_type3A_155 = arith.sitofp %iota3A_154 : vector<8x24xi32> to vector<8x24xf32>
    %ge3A = vector.broadcast %add3A_153 : vector<8x1xf32> to vector<8x24xf32>
    %ge3A_156 = arith.cmpf oge, %convert_element_type3A_155, %ge3A : vector<8x24xf32>
    %convert_element_type3A_157 = arith.extui %ge3A_156 : vector<8x24xi1> to vector<8x24xi32>
    %convert_element_type3A_158 = arith.sitofp %convert_element_type3A_157 : vector<8x24xi32> to vector<8x24xf32>
    %reduce_sum3A_159 = arith.constant dense<0.000000e+00> : vector<24xf32>
    %reduce_sum3A_160 = vector.multi_reduction <add>, %convert_element_type3A_158, %reduce_sum3A_159 [0] : vector<8x24xf32> to vector<24xf32>
    %broadcast_in_dim3A_161 = vector.shape_cast %reduce_sum3A_160 : vector<24xf32> to vector<1x24xf32>
    %min3A = arith.constant 7.000000e+00 : f32
    %min3A_162 = vector.broadcast %min3A : f32 to vector<1x24xf32>
    %min3A_163 = arith.minimumf %broadcast_in_dim3A_161, %min3A_162 : vector<1x24xf32>
    %convert_element_type3A_164 = arith.fptosi %min3A_163 : vector<1x24xf32> to vector<1x24xi32>
    %swap3A_165 = arith.constant 0 : index
    %swap3A_166 = arith.constant 0 : index
    %swap3A_167 = vector.load %arg9[%swap3A_165, %swap3A_166] : memref<1x24xi32, #tpu.memory_space<vmem>>, vector<1x24xi32>
    tpu.vector_store %arg9[%swap3A_165, %swap3A_166], %convert_element_type3A_164 {strides = array<i32>} : memref<1x24xi32, #tpu.memory_space<vmem>>, vector<1x24xi32>,
    return
  }
}

</mosaic_0001>

<sc_bundles>
// kernel: kernel.6.cloned.1.call-start
scs
__scs_entry_jumppad:
0x0: {  	(pc) =	sbr.rel $0x88, $3  }
0x1: {  	(tag) =	ssettag $0x0;
	lr =	simm.s32 $0x1  }
0x2: {  	[smem:$0x3F99] =	sst lr;
	_ =	strace $0xD0000000  }
0x3: {  	_ = 	snop  }
0x4: {  	_ = 	snop  }
0x5: {  	_ = 	snop  }
0x6: {  	_ = 	snop  }
0x7: {  	_ = 	snop  }
__scs_overlays_trampoline_lowered:
0x8: {  	[smem:$0x3FA8] =	sst s0  }
0x9: {  	[smem:$0x3FA9] =	sst s1  }
0xa: {  	[smem:$0x3FAA] =	sst s2  }
0xb: {  	[smem:$0x3FAB] =	sst s3  }
0xc: {  	[smem:$0x3FAC] =	sst s4  }
0xd: {  	[smem:$0x3FAD] =	sst s5  }
0xe: {  	[smem:$0x3FAE] =	sst s6  }
0xf: {  	[smem:$0x3FAF] =	sst s7  }
0x10: {  	[smem:$0x3FB0] =	sst s8  }
0x11: {  	[smem:$0x3FB1] =	sst s9;
	s0 =	simm.s32 @!p0 $0x0  }
0x12: {  	s1 =	sld [smem:$0x3F97];
	s0 =	simm.s32 @p0 $0x1  }
0x13: {  	[smem:$0x3FB2] =	sst s0;
	s0 =	simm.s32 @!p1 $0x0  }
0x14: {  	s2 =	sld [smem:$0x3F96];
	s0 =	simm.s32 @p1 $0x1  }
0x15: {  	[smem:$0x3FB3] =	sst s0;
	s0 =	simm.s32 @!p2 $0x0  }
0x16: {  	s3 =	sld [smem:$0x3FDB];
	s0 =	simm.s32 @p2 $0x1  }
0x17: {  	s4 =	simm.s32 $0x1BF5;
	[smem:$0x3FB5] =	sst s0  }
0x18: {  	s0 =	sld [smem:$0x3F98];
	_ =	swait.ge [sflag:s4], $0x0  }
0x19: {  	s7 =	sld [smem:$0x3F99]  }
0x1a: {  	s8 =	sadd.s32 $0xFFFFE003, lr  }
0x1b: {  	s9 =	sadd.s32 $0xFFFFFEF7, lr;
	s5 =	simm.s32 $0xFFFFFFFF;
	p2 =	slt.u32 s8, $0xFFFFF086  }
0x1c: {  	p1 =	slt.u32 s9, $0xF7A;
	s5 =	simm.s32 @!p2 $0x0  }
0x1d: {  	s5 =	simm.s32 @p1 $0x1;
	p0 =	seq.s32 s7, s2  }
0x1e: {  	s7 =	smul.u32 @!p0 $0xF7A, s2;
	p2 =	seq.s32 @!p0 s5, $0x0  }
0x1f: {  	s9 =	smul.u32 $0xF7A, s1;
	s8 =	simm.s32 @!p0 $0x1BF5;
	p2 =	por !p2, p0  }
0x20: {  	[sflag:s8] =	ssyncset.s32 @!p0 $0xFFFFF086;
	s6 =	sadd.s32 @!p0 s3, s7;
	s7 =	simm.s32 @!p0 $0x108  }
0x21: {  	s3 =	sadd.s32 s3, s9;
	s6 =	sadd.s32 @!p0 $0x88, s6;
	s7 =	simm.s32 @p2 $0x1082  }
0x22: {  	[simem:s7], [sflag:s8] =	dma.local @!p0 [hbm:s6], $0xF7A  }
0x23: {  	s9 =	sor.u32 $0xD0000000, s2;
	s6 =	simm.s32 $0x108;
	_ =	swait.ge @!p0 [sflag:s8], $0x0  }
0x24: {  	s3 =	sadd.s32 $0x88, s3;
	s6 =	simm.s32 @!p1 $0x1082;
	[sflag:s4] =	ssyncset.s32 $0xFFFFF086  }
0x25: {  	[simem:s6], [sflag:s4] =	dma.local [hbm:s3], $0xF7A  }
0x26: {  	[smem:$0x3F99] =	sst s1;
	(tag) =	ssettag s2;
	_ =	strace s9  }
0x27: {  	s1 =	sld [smem:$0x3FA9]  }
0x28: {  	s2 =	sld [smem:$0x3FAA]  }
0x29: {  	s4 =	sld [smem:$0x3FAC]  }
0x2a: {  	p0 =	seq.s32 s5, $0x0;
	s5 =	sld [smem:$0x3FAD]  }
0x2b: {  	s6 =	sld [smem:$0x3FAE]  }
0x2c: {  	s7 =	sld [smem:$0x3FAF]  }
0x2d: {  	s3 =	simm.s32 $0x108;
	s8 =	sld [smem:$0x3FB0]  }
0x2e: {  	s3 =	simm.s32 @!p0 $0x1082;
	s9 =	sld [smem:$0x3FB1]  }
0x2f: {  	lr =	sadd.s32 s0, s3;
	s0 =	sld [smem:$0x3FA8]  }
0x30: {  	s3 =	sld [smem:$0x3FAB]  }
0x31: {  	[smem:$0x3FB4] =	sst s10  }
0x32: {  	s10 =	sld [smem:$0x3FB2];
	_ =	sdelay $0x3  }
0x33: {  	p0 =	seq.s32 s10, $0x1;
	s10 =	sld [smem:$0x3FB4];
	_ =	sdelay $0x3  }
0x34: {  	[smem:$0x3FB4] =	sst s10  }
0x35: {  	s10 =	sld [smem:$0x3FB3];
	_ =	sdelay $0x3  }
0x36: {  	p1 =	seq.s32 s10, $0x1;
	s10 =	sld [smem:$0x3FB4];
	_ =	sdelay $0x3  }
0x37: {  	[smem:$0x3FB4] =	sst s10  }
0x38: {  	s10 =	sld [smem:$0x3FB5]  }
0x39: {  	_ = 	snop;
	(pc) =	sbr.ind lr, $3  }
0x3a: {  	_ = 	snop  }
0x3b: {  	_ = 	snop  }
0x3c: {  	p2 =	seq.s32 s10, $0x1;
	s10 =	sld [smem:$0x3FB4]  }
0x3d: {  	_ =	shalt  }
0x3e: {  	_ =	shalt  }
0x3f: {  	_ =	shalt  }
0x40: {  	_ =	shalt  }
0x41: {  	_ =	shalt  }
0x42: {  	_ =	shalt  }
0x43: {  	_ =	shalt  }
0x44: {  	_ =	shalt  }
0x45: {  	_ =	shalt  }
0x46: {  	_ =	shalt  }
0x47: {  	_ =	shalt  }
0x48: {  	_ =	shalt  }
0x49: {  	_ =	shalt  }
0x4a: {  	_ =	shalt  }
0x4b: {  	_ =	shalt  }
0x4c: {  	_ =	shalt  }
0x4d: {  	_ =	shalt  }
0x4e: {  	_ =	shalt  }
0x4f: {  	_ =	shalt  }
0x50: {  	_ =	shalt  }
0x51: {  	_ =	shalt  }
0x52: {  	_ =	shalt  }
0x53: {  	_ =	shalt  }
0x54: {  	_ =	shalt  }
0x55: {  	_ =	shalt  }
0x56: {  	_ =	shalt  }
0x57: {  	_ =	shalt  }
0x58: {  	_ =	shalt  }
0x59: {  	_ =	shalt  }
0x5a: {  	_ =	shalt  }
0x5b: {  	_ =	shalt  }
0x5c: {  	_ =	shalt  }
0x5d: {  	_ =	shalt  }
0x5e: {  	_ =	shalt  }
0x5f: {  	_ =	shalt  }
0x60: {  	_ =	shalt  }
0x61: {  	_ =	shalt  }
0x62: {  	_ =	shalt  }
0x63: {  	_ =	shalt  }
0x64: {  	_ =	shalt  }
0x65: {  	_ =	shalt  }
0x66: {  	_ =	shalt  }
0x67: {  	_ =	shalt  }
0x68: {  	_ =	shalt  }
0x69: {  	_ =	shalt  }
0x6a: {  	_ =	shalt  }
0x6b: {  	_ =	shalt  }
0x6c: {  	_ =	shalt  }
0x6d: {  	_ =	shalt  }
0x6e: {  	_ =	shalt  }
0x6f: {  	_ =	shalt  }
0x70: {  	_ =	shalt  }
0x71: {  	_ =	shalt  }
0x72: {  	_ =	shalt  }
0x73: {  	_ =	shalt  }
0x74: {  	_ =	shalt  }
0x75: {  	_ =	shalt  }
0x76: {  	_ =	shalt  }
0x77: {  	_ =	shalt  }
0x78: {  	_ =	shalt  }
0x79: {  	_ =	shalt  }
0x7a: {  	_ =	shalt  }
0x7b: {  	_ =	shalt  }
0x7c: {  	_ =	shalt  }
0x7d: {  	_ =	shalt  }
0x7e: {  	_ =	shalt  }
0x7f: {  	_ =	shalt  }
0x80: {  	_ =	shalt  }
0x81: {  	_ =	shalt  }
0x82: {  	_ =	shalt  }
0x83: {  	_ =	shalt  }
0x84: {  	_ =	shalt  }
0x85: {  	_ =	shalt  }
0x86: {  	_ =	shalt  }
0x87: {  	_ =	shalt  }
.Lfunc_end0:
.L_simem_size_0:
called_computation_lowered:
.L_overlay_start_0:
0x88: {  	s2 =	sld [smem:$0x3FD9]  }
0x89: {  	s3 =	sld [smem:$0x3FFE];
	_ =	sdelay $0x1  }
0x8a: {  	s1 =	srdreg.scid  }
0x8b: {  	s0 =	sand.u32 $0x1, s1  }
0x8c: {  	s14 =	sshll.u32 s0, $0xA;
	s2 =	sadd.s32 s3, s2  }
0x8d: {  	s2 =	sadd.s32 s2, s14  }
0x8e: {  	[smem:$0x3FC0] =	sst s2  }
0x8f: {  	_ = 	snop  }
0x90: {  	s2 =	sld [smem:$0x3FD0];
	_ =	sdelay $0x2  }
0x91: {  	s15 =	simm.s32 $0xA;
	s4 =	simm.s32 $0x10  }
0x92: {  	[smem:s4], [sflag:s15] =	dma.local [hbm:s2], $0x1  }
0x93: {  	_ =	swait.eq [sflag:s15], $0x1  }
0x94: {  	[sflag:s15] =	ssyncset.done $0x0  }
0x95: {  	[sflag:s15] =	ssyncadd.s32 $0xFFFFFFFF  }
0x96: {  	s16 =	sld [smem:$0x10];
	(tm) =	ssettm $0x1  }
0x97: {  	s17 =	sld [smem:$0x3FFB];
	_ =	sdelay $0x3  }
0x98: {  	_ =	strace s17  }
0x99: {  	s3 =	sld [smem:$0x3FFC];
	_ =	sdelay $0x3  }
0x9a: {  	_ =	strace s3  }
0x9b: {  	s3 =	sld [smem:$0x3FFD];
	_ =	sdelay $0x3  }
0x9c: {  	_ =	strace s3  }
0x9d: {  	_ =	strace $0x8FFFFFFF  }
0x9e: {  	s18 =	sld [smem:$0x3FDB];
	_ =	sdelay $0x1  }
0x9f: {  	s19 =	simm.s32 $_scs_section_size  }
0xa0: {  	s5 =	simm.s32 $_size__tile_overlayer_lowered;
	s6 =	simm.s32 $_tile_overlayer_lowered  }
0xa1: {  	s22 =	simm.s32 $0x1BFF;
	s21 =	sshll.u32 s6, $0x1;
	s3 =	sadd.s32 s19, s18  }
0xa2: {  	s7 =	simm.s32 $0x0;
	s20 =	sshll.u32 s5, $0x1;
	s5 =	sadd.s32 s21, s3  }
0xa3: {  	[timem:s7], [sflag:s22] =	dma.local [hbm:s5], s20  }
0xa4: {  	_ =	swait.ge [sflag:s22], s20  }
0xa5: {  	s4 =	ssub.s32 $0x0, s20;
	[sflag:s22] =	ssyncset.done $0x0  }
0xa6: {  	[sflag:s22] =	ssyncadd.s32 s4;
	_ =	sdelay $0x1  }
0xa7: {  	s23 =	simm.s32 $0x1B8B  }
0xa8: {  	_ =	swait.ge [sflag:s23], $0x1  }
0xa9: {  	[sflag:s23] =	ssyncset.done $0x0  }
0xaa: {  	s25 =	simm.s32 $0x1B8E;
	s24 =	sld [smem:$0x3FFE];
	[sflag:s23] =	ssyncadd.s32 $0xFFFFFFFF  }
0xab: {  	s26 =	simm.s32 $execute0_lowered;
	[smem:$0x3FD2] =	sst s25  }
0xac: {  	s5 =	sshll.u32 s26, $0x1;
	_ =	strace $0x80000046;
	[dreg:$0x1] =	wrdreg $0xFFFFFFFF  }
0xad: {  	s28 =	simm.s32 $_size_execute0_lowered;
	s3 =	sadd.s32 s3, s5;
	[dreg:$0x0] =	wrdreg $0x0  }
0xae: {  	s5 =	sshll.u32 s28, $0x1;
	[dreg:$0x2] =	wrdreg s3  }
0xaf: {  	[dreg:$0x3] =	wrdreg s5  }
0xb0: {  	[dreg:$0x4] =	wrdreg $0xC0  }
0xb1: {  	_ =	task [dreg:s7], $0x5FFFF  }
0xb2: {  	[dreg:$0x1] =	wrdreg $0xFFFFFFFF  }
0xb3: {  	[dreg:$0x0] =	wrdreg $0x60  }
0xb4: {  	[dreg:$0x2] =	wrdreg s16  }
0xb5: {  	[dreg:$0x3] =	wrdreg s24  }
0xb6: {  	[dreg:$0x4] =	wrdreg $0x9  }
0xb7: {  	_ =	task.clear_ibuf [dreg:s7], $0x5FFFF;
	_ =	strace $0x90000046  }
0xb8: {  	s29 =	simm.s32 $0x9;
	_ =	strace $0x80000048  }
0xb9: {  	_ =	swait.ge [sflag:s29], $0x1  }
0xba: {  	[sflag:s29] =	ssyncadd.s32 $0xFFFFFFFF  }
0xbb: {  	_ =	strace $0x90000048  }
0xbc: {  	_ =	sfence  }
0xbd: {  	s30 =	sld [smem:$0x0];
	_ =	sdelay $0x2  }
0xbe: {  	s31 =	sshll.u32 s1, $0xD;
	s1 =	sshrl.u32 s1, $0x2  }
0xbf: {  	s3 =	sand.u32 $0x4000, s31;
	s1 =	sadd.s32 s1, s30  }
0xc0: {  	s0 =	sor.u32 s3, s0;
	s1 =	sshll.u32 s1, $0x11  }
0xc1: {  	s0 =	sor.u32 s1, s0  }
0xc2: {  	s0 =	sadd.s32 $0x8F2B, s0  }
0xc3: {  	[sflag:s0] =	ssyncadd.remote.s32 $0x1  }
0xc4: {  	_ =	sfence.sel $0xFFFF  }
0xc5: {  	[dreg:$0x0] =	wrdreg $0xFFFFFFFF;
	(pc) =	sbr.abs _section_cstart, $3  }
0xc6: {  	[dreg:$0x1] =	wrdreg $0xFFFFFFFF  }
0xc7: {  	_ =	task.clear_ibuf [dreg:s7], $0x2FFFF;
	_ =	strace $0x9FFFFFFF  }
0xc8: {  	(tm) =	ssettm $0x7FFFFFFF  }
0xc9: {  	_ =	shalt  }
tec
execute0_lowered:
.L_overlay_start_1:
0x0: {  	(tag) =	ssettag $0x1  }
0x1: {  	s0 =	srdreg.scid  }
0x2: {  	s1 =	rddreg [dreg:$0x0];
	s2 =	stileid.u32  }
0x3: {  	s5 =	rddreg [dreg:$0x1];
	s25 =	simm.s32 $0xC000;
	s26 =	simm.s32 $0xC080  }
0x4: {  	s7 =	simm.s32 $0x3;
	s10 =	simm.s32 $0x1800;
	s11 =	simm.s32 $0x2000  }
0x5: {  	s12 =	simm.s32 $0x2800;
	s13 =	simm.s32 $0x3000;
	s14 =	simm.s32 $0x3800  }
0x6: {  	s15 =	simm.s32 $0x4000;
	s16 =	simm.s32 $0x4800;
	s17 =	simm.s32 $0x5000  }
0x7: {  	s18 =	simm.s32 $0x5800;
	s19 =	simm.s32 $0x6000;
	s20 =	simm.s32 $0x6800  }
0x8: {  	s21 =	simm.s32 $0x7000;
	s22 =	simm.s32 $0x7800;
	s23 =	simm.s32 $0x8000  }
0x9: {  	s28 =	simm.s32 $0xA000;
	s29 =	simm.s32 $0xA800;
	s30 =	simm.s32 $0xB000  }
0xa: {  	s0 =	sand.u32 $0x1, s0;
	s3 =	sshll.u32 s2, $0x4;
	s2 =	simm.s32 $0x0  }
0xb: {  	s31 =	simm.s32 $0xB800;
	s4 =	sshll.u32 s0, $0x3;
	[smem:$0x7FF] =	sst s2  }
0xc: {  	s0 =	ssub.s32 $0x2, s0;
	_ =	strace $0x80000047;
	[dreg:$0x6] =	wrdreg s25  }
0xd: {  	s3 =	sor.u32 s4, s3;
	s24 =	sshrl.u32 s0, $0x1;
	[dreg:$0x7] =	wrdreg s26  }
0xe: {  	s25 =	simm.s32 $0x9000;
	s26 =	simm.s32 $0x9800;
	s4 =	sadd.s32 s3, s5  }
0xf: {  	s3 =	smul.u32 $0x300, s3;
	s0 =	ssub.s32 s0, s24;
	s6 =	sadd.s32 $0x1C00, s4  }
0x10: {  	s24 =	simm.s32 $0x8800;
	s4 =	sadd.s32 $0x1A00, s4;
	[dreg:$0x3] =	wrdreg s6  }
0x11: {  	v2 =	vlaneseq.u32;
	[dreg:$0x4] =	wrdreg s4;
	s1 =	sadd.s32 s1, s3;
	s3 =	sadd.s32 $0x1E00, s5  }
0x12: {  	vm0 =	vmmov $0xffff;
	v1 =	vshrl.u32 v2, $0x3;
	s4 =	sadd.s32 $0x1F00, s5;
	s5 =	sadd.s32 $0x2000, s5;
	s6 =	smax.u32 s0, $0x1  }
0x13: {  	v0 =	vand.u32 $0x7, v2;
	v2 =	vor.u32 $0x8, v2;
	v1 =	vmul.u32 $0x8, v1;
	s0 =	simm.s32 $0x2;
	[dreg:$0x5] =	wrdreg s1;
	s1 =	simm.s32 $0x1  }
.LBB2_1:
0x14: {  	s8 =	rddreg [dreg:$0x3]  }
0x15: {  	s9 =	rddreg [dreg:$0x6]  }
0x16: {  	[tilespmem:s9], [sflag:$0x3] =	stream.linear.gather [hbm4b:s8+s2], $0x40, $0x38;
	[tilespmem:$0xC100] =	vst v63  }
0x17: {  	_ =	swait.ge [sflag:s7], $0x40  }
0x18: {  	s8 =	rddreg [dreg:$0x4];
	[sflag:s7] =	ssyncset.done $0x0  }
0x19: {  	s9 =	rddreg [dreg:$0x7];
	[sflag:s7] =	ssyncadd.s32 $0xFFFFFFC0  }
0x1a: {  	[tilespmem:s9], [sflag:$0x3] =	stream.linear.gather [hbm4b:s8+s2], $0x40, $0x38;
	[tilespmem:$0xC100] =	vst v63  }
0x1b: {  	_ =	swait.ge [sflag:s7], $0x40  }
0x1c: {  	[sflag:s7] =	ssyncset.done $0x0  }
0x1d: {  	s9 =	rddreg [dreg:$0x5];
	[sflag:s7] =	ssyncadd.s32 $0xFFFFFFC0  }
0x1e: {  	[tilespmem:s2], [sflag:$0x3] =	stream.linear.gather [hbm4b:s9+s2], $0xC000, $0x38;
	[tilespmem:$0xC100] =	vst v63  }
0x1f: {  	_ =	swait.ge [sflag:s7], $0xC000  }
0x20: {  	[sflag:s7] =	ssyncset.done $0x0  }
0x21: {  	[sflag:s7] =	ssyncadd.s32 $0xFFFF4000  }
0x22: {  	v3 =	vld [tilespmem:$0xC000];
	_ =	sdelay $0x4  }
0x23: {  	v4 =	vshrl.u32 v3, $0x3  }
0x24: {  	v4 =	vmul.u32 $0x30, v4  }
0x25: {  	v3 =	vand.u32 $0x7, v3  }
0x26: {  	v3 =	vor.u32 v3, v4  }
0x27: {  	v4 =	vperm.xlane v3, v0;
	_ =	sdelay $0x1  }
0x28: {  	v4 =	vadd.s32 v1, v4;
	_ =	sdelay $0x3  }
0x29: {  	v3 =	vperm.xlane v3, v2  }
0x2a: {  	[hbm4b:s3+s2] =	stream.indirect_vreg.scatter [tilespmem:s2], [sflag:$0x1], $0x80, v4, vm0, $0xb8;
	[tilespmem:$0xC100] =	vst v63  }
0x2b: {  	s8 =	simm.s32 $0x800;
	v3 =	vadd.s32 v1, v3  }
0x2c: {  	[hbm4b:s4+s2] =	stream.indirect_vreg.scatter [tilespmem:s8], [sflag:$0x1], $0x80, v4, vm0, $0xb8;
	[tilespmem:$0xC100] =	vst v63  }
0x2d: {  	s9 =	simm.s32 $0x1000  }
0x2e: {  	[hbm4b:s5+s2] =	stream.indirect_vreg.scatter [tilespmem:s9], [sflag:$0x1], $0x80, v4, vm0, $0xb8;
	[tilespmem:$0xC100] =	vst v63  }
0x2f: {  	_ = 	snop  }
0x30: {  	[hbm4b:s3+s2] =	stream.indirect_vreg.scatter [tilespmem:s10], [sflag:$0x1], $0x80, v3, vm0, $0xb8;
	[tilespmem:$0xC100] =	vst v63  }
0x31: {  	_ = 	snop  }
0x32: {  	[hbm4b:s4+s2] =	stream.indirect_vreg.scatter [tilespmem:s11], [sflag:$0x1], $0x80, v3, vm0, $0xb8;
	[tilespmem:$0xC100] =	vst v63  }
0x33: {  	_ = 	snop  }
0x34: {  	[hbm4b:s5+s2] =	stream.indirect_vreg.scatter [tilespmem:s12], [sflag:$0x1], $0x80, v3, vm0, $0xb8;
	[tilespmem:$0xC100] =	vst v63  }
0x35: {  	v3 =	vld [tilespmem:$0xC010];
	_ =	sdelay $0x4  }
0x36: {  	v57 =	vshrl.u32 v3, $0x3  }
0x37: {  	v4 =	vmul.u32 $0x30, v57  }
0x38: {  	v3 =	vand.u32 $0x7, v3  }
0x39: {  	v3 =	vor.u32 v3, v4  }
0x3a: {  	v4 =	vperm.xlane v3, v0;
	_ =	sdelay $0x1  }
0x3b: {  	v4 =	vadd.s32 v1, v4;
	_ =	sdelay $0x3  }
0x3c: {  	v3 =	vperm.xlane v3, v2  }
0x3d: {  	[hbm4b:s3+s2] =	stream.indirect_vreg.scatter [tilespmem:s13], [sflag:$0x1], $0x80, v4, vm0, $0xb8;
	[tilespmem:$0xC100] =	vst v63  }
0x3e: {  	v3 =	vadd.s32 v1, v3  }
0x3f: {  	[hbm4b:s4+s2] =	stream.indirect_vreg.scatter [tilespmem:s14], [sflag:$0x1], $0x80, v4, vm0, $0xb8;
	[tilespmem:$0xC100] =	vst v63  }
0x40: {  	_ = 	snop  }
0x41: {  	[hbm4b:s5+s2] =	stream.indirect_vreg.scatter [tilespmem:s15], [sflag:$0x1], $0x80, v4, vm0, $0xb8;
	[tilespmem:$0xC100] =	vst v63  }
0x42: {  	_ = 	snop  }
0x43: {  	[hbm4b:s3+s2] =	stream.indirect_vreg.scatter [tilespmem:s16], [sflag:$0x1], $0x80, v3, vm0, $0xb8;
	[tilespmem:$0xC100] =	vst v63  }
0x44: {  	_ = 	snop  }
0x45: {  	[hbm4b:s4+s2] =	stream.indirect_vreg.scatter [tilespmem:s17], [sflag:$0x1], $0x80, v3, vm0, $0xb8;
	[tilespmem:$0xC100] =	vst v63  }
0x46: {  	_ = 	snop  }
0x47: {  	[hbm4b:s5+s2] =	stream.indirect_vreg.scatter [tilespmem:s18], [sflag:$0x1], $0x80, v3, vm0, $0xb8;
	[tilespmem:$0xC100] =	vst v63  }
0x48: {  	v3 =	vld [tilespmem:$0xC020];
	_ =	sdelay $0x4  }
0x49: {  	v58 =	vshrl.u32 v3, $0x3  }
0x4a: {  	v4 =	vmul.u32 $0x30, v58  }
0x4b: {  	v3 =	vand.u32 $0x7, v3  }
0x4c: {  	v3 =	vor.u32 v3, v4  }
0x4d: {  	v4 =	vperm.xlane v3, v0;
	_ =	sdelay $0x1  }
0x4e: {  	v4 =	vadd.s32 v1, v4;
	_ =	sdelay $0x3  }
0x4f: {  	v3 =	vperm.xlane v3, v2  }
0x50: {  	[hbm4b:s3+s2] =	stream.indirect_vreg.scatter [tilespmem:s19], [sflag:$0x1], $0x80, v4, vm0, $0xb8;
	[tilespmem:$0xC100] =	vst v63  }
0x51: {  	v3 =	vadd.s32 v1, v3  }
0x52: {  	[hbm4b:s4+s2] =	stream.indirect_vreg.scatter [tilespmem:s20], [sflag:$0x1], $0x80, v4, vm0, $0xb8;
	[tilespmem:$0xC100] =	vst v63  }
0x53: {  	_ = 	snop  }
0x54: {  	[hbm4b:s5+s2] =	stream.indirect_vreg.scatter [tilespmem:s21], [sflag:$0x1], $0x80, v4, vm0, $0xb8;
	[tilespmem:$0xC100] =	vst v63  }
0x55: {  	_ = 	snop  }
0x56: {  	[hbm4b:s3+s2] =	stream.indirect_vreg.scatter [tilespmem:s22], [sflag:$0x1], $0x80, v3, vm0, $0xb8;
	[tilespmem:$0xC100] =	vst v63  }
0x57: {  	_ = 	snop  }
0x58: {  	[hbm4b:s4+s2] =	stream.indirect_vreg.scatter [tilespmem:s23], [sflag:$0x1], $0x80, v3, vm0, $0xb8;
	[tilespmem:$0xC100] =	vst v63  }
0x59: {  	_ = 	snop  }
0x5a: {  	[hbm4b:s5+s2] =	stream.indirect_vreg.scatter [tilespmem:s24], [sflag:$0x1], $0x80, v3, vm0, $0xb8;
	[tilespmem:$0xC100] =	vst v63  }
0x5b: {  	v3 =	vld [tilespmem:$0xC030];
	_ =	sdelay $0x4  }
0x5c: {  	v59 =	vshrl.u32 v3, $0x3  }
0x5d: {  	v4 =	vmul.u32 $0x30, v59  }
0x5e: {  	v3 =	vand.u32 $0x7, v3  }
0x5f: {  	v3 =	vor.u32 v3, v4  }
0x60: {  	v4 =	vperm.xlane v3, v0;
	_ =	sdelay $0x1  }
0x61: {  	v4 =	vadd.s32 v1, v4;
	_ =	sdelay $0x3  }
0x62: {  	v3 =	vperm.xlane v3, v2  }
0x63: {  	[hbm4b:s3+s2] =	stream.indirect_vreg.scatter [tilespmem:s25], [sflag:$0x1], $0x80, v4, vm0, $0xb8;
	[tilespmem:$0xC100] =	vst v63  }
0x64: {  	v3 =	vadd.s32 v1, v3  }
0x65: {  	[hbm4b:s4+s2] =	stream.indirect_vreg.scatter [tilespmem:s26], [sflag:$0x1], $0x80, v4, vm0, $0xb8;
	[tilespmem:$0xC100] =	vst v63  }
0x66: {  	_ = 	snop  }
0x67: {  	[hbm4b:s5+s2] =	stream.indirect_vreg.scatter [tilespmem:s28], [sflag:$0x1], $0x80, v4, vm0, $0xb8;
	[tilespmem:$0xC100] =	vst v63  }
0x68: {  	_ = 	snop  }
0x69: {  	[hbm4b:s3+s2] =	stream.indirect_vreg.scatter [tilespmem:s29], [sflag:$0x1], $0x80, v3, vm0, $0xb8;
	[tilespmem:$0xC100] =	vst v63  }
0x6a: {  	_ = 	snop  }
0x6b: {  	[hbm4b:s4+s2] =	stream.indirect_vreg.scatter [tilespmem:s30], [sflag:$0x1], $0x80, v3, vm0, $0xb8;
	[tilespmem:$0xC100] =	vst v63  }
0x6c: {  	_ = 	snop  }
0x6d: {  	[hbm4b:s5+s2] =	stream.indirect_vreg.scatter [tilespmem:s31], [sflag:$0x1], $0x80, v3, vm0, $0xb8;
	[tilespmem:$0xC100] =	vst v63  }
0x6e: {  	v3 =	vld [tilespmem:$0xC080];
	_ =	sdelay $0x4  }
0x6f: {  	v60 =	vshrl.u32 v3, $0x3  }
0x70: {  	v4 =	vmul.u32 $0x30, v60  }
0x71: {  	v3 =	vand.u32 $0x7, v3  }
0x72: {  	v3 =	vor.u32 v3, v4  }
0x73: {  	v4 =	vperm.xlane v3, v0;
	_ =	sdelay $0x1  }
0x74: {  	v4 =	vadd.s32 v1, v4;
	_ =	sdelay $0x3  }
0x75: {  	v3 =	vperm.xlane v3, v2  }
0x76: {  	[hbm4b:s3+s2] =	stream.indirect_vreg.scatter [tilespmem:s2], [sflag:$0x2], $0x80, v4, vm0, $0xb8;
	[tilespmem:$0xC100] =	vst v63  }
0x77: {  	v3 =	vadd.s32 v1, v3  }
0x78: {  	[hbm4b:s4+s2] =	stream.indirect_vreg.scatter [tilespmem:s8], [sflag:$0x2], $0x80, v4, vm0, $0xb8;
	[tilespmem:$0xC100] =	vst v63  }
0x79: {  	_ = 	snop  }
0x7a: {  	[hbm4b:s5+s2] =	stream.indirect_vreg.scatter [tilespmem:s9], [sflag:$0x2], $0x80, v4, vm0, $0xb8;
	[tilespmem:$0xC100] =	vst v63  }
0x7b: {  	_ = 	snop  }
0x7c: {  	[hbm4b:s3+s2] =	stream.indirect_vreg.scatter [tilespmem:s10], [sflag:$0x2], $0x80, v3, vm0, $0xb8;
	[tilespmem:$0xC100] =	vst v63  }
0x7d: {  	_ = 	snop  }
0x7e: {  	[hbm4b:s4+s2] =	stream.indirect_vreg.scatter [tilespmem:s11], [sflag:$0x2], $0x80, v3, vm0, $0xb8;
	[tilespmem:$0xC100] =	vst v63  }
0x7f: {  	_ = 	snop  }
0x80: {  	[hbm4b:s5+s2] =	stream.indirect_vreg.scatter [tilespmem:s12], [sflag:$0x2], $0x80, v3, vm0, $0xb8;
	[tilespmem:$0xC100] =	vst v63  }
0x81: {  	v3 =	vld [tilespmem:$0xC090];
	_ =	sdelay $0x4  }
0x82: {  	v61 =	vshrl.u32 v3, $0x3  }
0x83: {  	v4 =	vmul.u32 $0x30, v61  }
0x84: {  	v3 =	vand.u32 $0x7, v3  }
0x85: {  	v3 =	vor.u32 v3, v4  }
0x86: {  	v4 =	vperm.xlane v3, v0;
	_ =	sdelay $0x1  }
0x87: {  	v4 =	vadd.s32 v1, v4;
	_ =	sdelay $0x3  }
0x88: {  	v3 =	vperm.xlane v3, v2  }
0x89: {  	[hbm4b:s3+s2] =	stream.indirect_vreg.scatter [tilespmem:s13], [sflag:$0x2], $0x80, v4, vm0, $0xb8;
	[tilespmem:$0xC100] =	vst v63  }
0x8a: {  	v3 =	vadd.s32 v1, v3  }
0x8b: {  	[hbm4b:s4+s2] =	stream.indirect_vreg.scatter [tilespmem:s14], [sflag:$0x2], $0x80, v4, vm0, $0xb8;
	[tilespmem:$0xC100] =	vst v63  }
0x8c: {  	_ = 	snop  }
0x8d: {  	[hbm4b:s5+s2] =	stream.indirect_vreg.scatter [tilespmem:s15], [sflag:$0x2], $0x80, v4, vm0, $0xb8;
	[tilespmem:$0xC100] =	vst v63  }
0x8e: {  	_ = 	snop  }
0x8f: {  	[hbm4b:s3+s2] =	stream.indirect_vreg.scatter [tilespmem:s16], [sflag:$0x2], $0x80, v3, vm0, $0xb8;
	[tilespmem:$0xC100] =	vst v63  }
0x90: {  	_ = 	snop  }
0x91: {  	[hbm4b:s4+s2] =	stream.indirect_vreg.scatter [tilespmem:s17], [sflag:$0x2], $0x80, v3, vm0, $0xb8;
	[tilespmem:$0xC100] =	vst v63  }
0x92: {  	_ = 	snop  }
0x93: {  	[hbm4b:s5+s2] =	stream.indirect_vreg.scatter [tilespmem:s18], [sflag:$0x2], $0x80, v3, vm0, $0xb8;
	[tilespmem:$0xC100] =	vst v63  }
0x94: {  	v3 =	vld [tilespmem:$0xC0A0];
	_ =	sdelay $0x4  }
0x95: {  	v62 =	vshrl.u32 v3, $0x3  }
0x96: {  	v4 =	vmul.u32 $0x30, v62  }
0x97: {  	v3 =	vand.u32 $0x7, v3  }
0x98: {  	v3 =	vor.u32 v3, v4  }
0x99: {  	v4 =	vperm.xlane v3, v0;
	_ =	sdelay $0x1  }
0x9a: {  	v4 =	vadd.s32 v1, v4;
	_ =	sdelay $0x3  }
0x9b: {  	v3 =	vperm.xlane v3, v2  }
0x9c: {  	[hbm4b:s3+s2] =	stream.indirect_vreg.scatter [tilespmem:s19], [sflag:$0x2], $0x80, v4, vm0, $0xb8;
	[tilespmem:$0xC100] =	vst v63  }
0x9d: {  	v3 =	vadd.s32 v1, v3  }
0x9e: {  	[hbm4b:s4+s2] =	stream.indirect_vreg.scatter [tilespmem:s20], [sflag:$0x2], $0x80, v4, vm0, $0xb8;
	[tilespmem:$0xC100] =	vst v63  }
0x9f: {  	_ = 	snop  }
0xa0: {  	[hbm4b:s5+s2] =	stream.indirect_vreg.scatter [tilespmem:s21], [sflag:$0x2], $0x80, v4, vm0, $0xb8;
	[tilespmem:$0xC100] =	vst v63  }
0xa1: {  	_ = 	snop  }
0xa2: {  	[hbm4b:s3+s2] =	stream.indirect_vreg.scatter [tilespmem:s22], [sflag:$0x2], $0x80, v3, vm0, $0xb8;
	[tilespmem:$0xC100] =	vst v63  }
0xa3: {  	_ = 	snop  }
0xa4: {  	[hbm4b:s4+s2] =	stream.indirect_vreg.scatter [tilespmem:s23], [sflag:$0x2], $0x80, v3, vm0, $0xb8;
	[tilespmem:$0xC100] =	vst v63  }
0xa5: {  	_ = 	snop  }
0xa6: {  	[hbm4b:s5+s2] =	stream.indirect_vreg.scatter [tilespmem:s24], [sflag:$0x2], $0x80, v3, vm0, $0xb8;
	[tilespmem:$0xC100] =	vst v63  }
0xa7: {  	v3 =	vld [tilespmem:$0xC0B0];
	_ =	sdelay $0x4  }
0xa8: {  	v63 =	vshrl.u32 v3, $0x3  }
0xa9: {  	v4 =	vmul.u32 $0x30, v63  }
0xaa: {  	v3 =	vand.u32 $0x7, v3  }
0xab: {  	v3 =	vor.u32 v3, v4  }
0xac: {  	v4 =	vperm.xlane v3, v0;
	_ =	sdelay $0x1  }
0xad: {  	v4 =	vadd.s32 v1, v4;
	_ =	sdelay $0x3  }
0xae: {  	v3 =	vperm.xlane v3, v2  }
0xaf: {  	[hbm4b:s3+s2] =	stream.indirect_vreg.scatter [tilespmem:s25], [sflag:$0x2], $0x80, v4, vm0, $0xb8;
	[tilespmem:$0xC100] =	vst v63  }
0xb0: {  	v3 =	vadd.s32 v1, v3  }
0xb1: {  	[hbm4b:s4+s2] =	stream.indirect_vreg.scatter [tilespmem:s26], [sflag:$0x2], $0x80, v4, vm0, $0xb8;
	[tilespmem:$0xC100] =	vst v63  }
0xb2: {  	_ = 	snop  }
0xb3: {  	[hbm4b:s5+s2] =	stream.indirect_vreg.scatter [tilespmem:s28], [sflag:$0x2], $0x80, v4, vm0, $0xb8;
	[tilespmem:$0xC100] =	vst v63  }
0xb4: {  	_ = 	snop  }
0xb5: {  	[hbm4b:s3+s2] =	stream.indirect_vreg.scatter [tilespmem:s29], [sflag:$0x2], $0x80, v3, vm0, $0xb8;
	[tilespmem:$0xC100] =	vst v63  }
0xb6: {  	_ = 	snop  }
0xb7: {  	[hbm4b:s4+s2] =	stream.indirect_vreg.scatter [tilespmem:s30], [sflag:$0x2], $0x80, v3, vm0, $0xb8;
	[tilespmem:$0xC100] =	vst v63  }
0xb8: {  	_ = 	snop  }
0xb9: {  	[hbm4b:s5+s2] =	stream.indirect_vreg.scatter [tilespmem:s31], [sflag:$0x2], $0x80, v3, vm0, $0xb8;
	[tilespmem:$0xC100] =	vst v63  }
0xba: {  	p0 =	sne.s32 s6, $0x1;
	_ =	swait.ge [sflag:s1], $0xC000  }
.Ltmp0:
0xbb: {  	[sflag:s1] =	ssyncset.done $0x0;
	(pc) =	sbr.rel @p0 .LBB2_1-.Ltmp0, $4  }
0xbc: {  	[sflag:s1] =	ssyncadd.s32 $0xFFFF4000  }
0xbd: {  	_ =	swait.ge [sflag:s0], $0xC000  }
0xbe: {  	[sflag:s0] =	ssyncset.done $0x0  }
0xbf: {  	s6 =	sadd.s32 $0xFFFFFFFF, s6;
	[sflag:s0] =	ssyncadd.s32 $0xFFFF4000  }
0xc0: {  	_ =	sfence.sel $0x180000  }
0xc1: {  	[bflag:$0x0] =	sbarrier.arrive $0xFFFF  }
0xc2: {  	_ =	strace $0x90000047  }
0xc3: {  	s0 =	stileid.u32;
	[bflag:$0x2] =	sbarrier.arrive $0xFFFF  }
0xc4: {  	p0 =	sne.s32 s0, $0x0;
	s0 =	rddreg [dreg:$0x2]  }
0xc5: {  	s0 =	sadd.s32 @!p0 $0x100000, s0  }
0xc6: {  	[sflag:s0] =	ssyncadd.tile.s32 @!p0 $0x1;
	_ =	shalt  }
.Lfunc_end2:
_tile_overlayer_lowered:
.L_overlay_start_2:
0xc7: {  	(tag) =	ssettag $0x2  }
0xc8: {  	s0 =	rddreg [dreg:$0x0];
	s2 =	stileid.u32  }
0xc9: {  	s1 =	rddreg [dreg:$0x1];
	p0 =	sne.s32 s2, $0x0  }
0xca: {  	s3 =	rddreg [dreg:$0x2];
	[bflag:$0x3] =	sbarrier.arrive $0xFFFF;
	s2 =	simm.s32 @!p0 $0x1C03  }
0xcb: {  	[timem:s3], [sflag:s2] =	dma.local @!p0 [hbm:s0], s1  }
0xcc: {  	s0 =	simm.s32 @!p0 $0x3  }
0xcd: {  	_ =	swait.ge @!p0 [sflag:s0], s1  }
0xce: {  	s1 =	ssub.s32 @!p0 $0x0, s1;
	[sflag:s0] =	ssyncset.done @!p0 $0x0  }
0xcf: {  	[sflag:s0] =	ssyncadd.s32 @!p0 s1  }
0xd0: {  	[bflag:$0x3] =	sbarrier.arrive $0xFFFF  }
0xd1: {  	_ =	shalt  }

// kernel: kernel.9.cloned.1.call-start
scs
__scs_entry_jumppad:
0x0: {  	(pc) =	sbr.rel $0x88, $3  }
0x1: {  	(tag) =	ssettag $0x0;
	lr =	simm.s32 $0x1  }
0x2: {  	[smem:$0x3F99] =	sst lr;
	_ =	strace $0xD0000000  }
0x3: {  	_ = 	snop  }
0x4: {  	_ = 	snop  }
0x5: {  	_ = 	snop  }
0x6: {  	_ = 	snop  }
0x7: {  	_ = 	snop  }
__scs_overlays_trampoline_lowered:
0x8: {  	[smem:$0x3FA8] =	sst s0  }
0x9: {  	[smem:$0x3FA9] =	sst s1  }
0xa: {  	[smem:$0x3FAA] =	sst s2  }
0xb: {  	[smem:$0x3FAB] =	sst s3  }
0xc: {  	[smem:$0x3FAC] =	sst s4  }
0xd: {  	[smem:$0x3FAD] =	sst s5  }
0xe: {  	[smem:$0x3FAE] =	sst s6  }
0xf: {  	[smem:$0x3FAF] =	sst s7  }
0x10: {  	[smem:$0x3FB0] =	sst s8  }
0x11: {  	[smem:$0x3FB1] =	sst s9;
	s0 =	simm.s32 @!p0 $0x0  }
0x12: {  	s1 =	sld [smem:$0x3F97];
	s0 =	simm.s32 @p0 $0x1  }
0x13: {  	[smem:$0x3FB2] =	sst s0;
	s0 =	simm.s32 @!p1 $0x0  }
0x14: {  	s2 =	sld [smem:$0x3F96];
	s0 =	simm.s32 @p1 $0x1  }
0x15: {  	[smem:$0x3FB3] =	sst s0;
	s0 =	simm.s32 @!p2 $0x0  }
0x16: {  	s3 =	sld [smem:$0x3FDB];
	s0 =	simm.s32 @p2 $0x1  }
0x17: {  	s4 =	simm.s32 $0x1BF5;
	[smem:$0x3FB5] =	sst s0  }
0x18: {  	s0 =	sld [smem:$0x3F98];
	_ =	swait.ge [sflag:s4], $0x0  }
0x19: {  	s7 =	sld [smem:$0x3F99]  }
0x1a: {  	s8 =	sadd.s32 $0xFFFFE003, lr  }
0x1b: {  	s9 =	sadd.s32 $0xFFFFFEF7, lr;
	s5 =	simm.s32 $0xFFFFFFFF;
	p2 =	slt.u32 s8, $0xFFFFF086  }
0x1c: {  	p1 =	slt.u32 s9, $0xF7A;
	s5 =	simm.s32 @!p2 $0x0  }
0x1d: {  	s5 =	simm.s32 @p1 $0x1;
	p0 =	seq.s32 s7, s2  }
0x1e: {  	s7 =	smul.u32 @!p0 $0xF7A, s2;
	p2 =	seq.s32 @!p0 s5, $0x0  }
0x1f: {  	s9 =	smul.u32 $0xF7A, s1;
	s8 =	simm.s32 @!p0 $0x1BF5;
	p2 =	por !p2, p0  }
0x20: {  	[sflag:s8] =	ssyncset.s32 @!p0 $0xFFFFF086;
	s6 =	sadd.s32 @!p0 s3, s7;
	s7 =	simm.s32 @!p0 $0x108  }
0x21: {  	s3 =	sadd.s32 s3, s9;
	s6 =	sadd.s32 @!p0 $0x88, s6;
	s7 =	simm.s32 @p2 $0x1082  }
0x22: {  	[simem:s7], [sflag:s8] =	dma.local @!p0 [hbm:s6], $0xF7A  }
0x23: {  	s9 =	sor.u32 $0xD0000000, s2;
	s6 =	simm.s32 $0x108;
	_ =	swait.ge @!p0 [sflag:s8], $0x0  }
0x24: {  	s3 =	sadd.s32 $0x88, s3;
	s6 =	simm.s32 @!p1 $0x1082;
	[sflag:s4] =	ssyncset.s32 $0xFFFFF086  }
0x25: {  	[simem:s6], [sflag:s4] =	dma.local [hbm:s3], $0xF7A  }
0x26: {  	[smem:$0x3F99] =	sst s1;
	(tag) =	ssettag s2;
	_ =	strace s9  }
0x27: {  	s1 =	sld [smem:$0x3FA9]  }
0x28: {  	s2 =	sld [smem:$0x3FAA]  }
0x29: {  	s4 =	sld [smem:$0x3FAC]  }
0x2a: {  	p0 =	seq.s32 s5, $0x0;
	s5 =	sld [smem:$0x3FAD]  }
0x2b: {  	s6 =	sld [smem:$0x3FAE]  }
0x2c: {  	s7 =	sld [smem:$0x3FAF]  }
0x2d: {  	s3 =	simm.s32 $0x108;
	s8 =	sld [smem:$0x3FB0]  }
0x2e: {  	s3 =	simm.s32 @!p0 $0x1082;
	s9 =	sld [smem:$0x3FB1]  }
0x2f: {  	lr =	sadd.s32 s0, s3;
	s0 =	sld [smem:$0x3FA8]  }
0x30: {  	s3 =	sld [smem:$0x3FAB]  }
0x31: {  	[smem:$0x3FB4] =	sst s10  }
0x32: {  	s10 =	sld [smem:$0x3FB2];
	_ =	sdelay $0x3  }
0x33: {  	p0 =	seq.s32 s10, $0x1;
	s10 =	sld [smem:$0x3FB4];
	_ =	sdelay $0x3  }
0x34: {  	[smem:$0x3FB4] =	sst s10  }
0x35: {  	s10 =	sld [smem:$0x3FB3];
	_ =	sdelay $0x3  }
0x36: {  	p1 =	seq.s32 s10, $0x1;
	s10 =	sld [smem:$0x3FB4];
	_ =	sdelay $0x3  }
0x37: {  	[smem:$0x3FB4] =	sst s10  }
0x38: {  	s10 =	sld [smem:$0x3FB5]  }
0x39: {  	_ = 	snop;
	(pc) =	sbr.ind lr, $3  }
0x3a: {  	_ = 	snop  }
0x3b: {  	_ = 	snop  }
0x3c: {  	p2 =	seq.s32 s10, $0x1;
	s10 =	sld [smem:$0x3FB4]  }
0x3d: {  	_ =	shalt  }
0x3e: {  	_ =	shalt  }
0x3f: {  	_ =	shalt  }
0x40: {  	_ =	shalt  }
0x41: {  	_ =	shalt  }
0x42: {  	_ =	shalt  }
0x43: {  	_ =	shalt  }
0x44: {  	_ =	shalt  }
0x45: {  	_ =	shalt  }
0x46: {  	_ =	shalt  }
0x47: {  	_ =	shalt  }
0x48: {  	_ =	shalt  }
0x49: {  	_ =	shalt  }
0x4a: {  	_ =	shalt  }
0x4b: {  	_ =	shalt  }
0x4c: {  	_ =	shalt  }
0x4d: {  	_ =	shalt  }
0x4e: {  	_ =	shalt  }
0x4f: {  	_ =	shalt  }
0x50: {  	_ =	shalt  }
0x51: {  	_ =	shalt  }
0x52: {  	_ =	shalt  }
0x53: {  	_ =	shalt  }
0x54: {  	_ =	shalt  }
0x55: {  	_ =	shalt  }
0x56: {  	_ =	shalt  }
0x57: {  	_ =	shalt  }
0x58: {  	_ =	shalt  }
0x59: {  	_ =	shalt  }
0x5a: {  	_ =	shalt  }
0x5b: {  	_ =	shalt  }
0x5c: {  	_ =	shalt  }
0x5d: {  	_ =	shalt  }
0x5e: {  	_ =	shalt  }
0x5f: {  	_ =	shalt  }
0x60: {  	_ =	shalt  }
0x61: {  	_ =	shalt  }
0x62: {  	_ =	shalt  }
0x63: {  	_ =	shalt  }
0x64: {  	_ =	shalt  }
0x65: {  	_ =	shalt  }
0x66: {  	_ =	shalt  }
0x67: {  	_ =	shalt  }
0x68: {  	_ =	shalt  }
0x69: {  	_ =	shalt  }
0x6a: {  	_ =	shalt  }
0x6b: {  	_ =	shalt  }
0x6c: {  	_ =	shalt  }
0x6d: {  	_ =	shalt  }
0x6e: {  	_ =	shalt  }
0x6f: {  	_ =	shalt  }
0x70: {  	_ =	shalt  }
0x71: {  	_ =	shalt  }
0x72: {  	_ =	shalt  }
0x73: {  	_ =	shalt  }
0x74: {  	_ =	shalt  }
0x75: {  	_ =	shalt  }
0x76: {  	_ =	shalt  }
0x77: {  	_ =	shalt  }
0x78: {  	_ =	shalt  }
0x79: {  	_ =	shalt  }
0x7a: {  	_ =	shalt  }
0x7b: {  	_ =	shalt  }
0x7c: {  	_ =	shalt  }
0x7d: {  	_ =	shalt  }
0x7e: {  	_ =	shalt  }
0x7f: {  	_ =	shalt  }
0x80: {  	_ =	shalt  }
0x81: {  	_ =	shalt  }
0x82: {  	_ =	shalt  }
0x83: {  	_ =	shalt  }
0x84: {  	_ =	shalt  }
0x85: {  	_ =	shalt  }
0x86: {  	_ =	shalt  }
0x87: {  	_ =	shalt  }
.Lfunc_end0:
.L_simem_size_0:
called_computation.1_lowered:
.L_overlay_start_0:
0x88: {  	s2 =	sld [smem:$0x3FD9]  }
0x89: {  	s3 =	sld [smem:$0x3FFE];
	_ =	sdelay $0x1  }
0x8a: {  	s1 =	srdreg.scid  }
0x8b: {  	s0 =	sand.u32 $0x1, s1  }
0x8c: {  	s14 =	sshll.u32 s0, $0xA;
	s2 =	sadd.s32 s3, s2  }
0x8d: {  	s2 =	sadd.s32 s2, s14  }
0x8e: {  	[smem:$0x3FC0] =	sst s2  }
0x8f: {  	_ = 	snop  }
0x90: {  	s2 =	sld [smem:$0x3FD0];
	_ =	sdelay $0x2  }
0x91: {  	s4 =	simm.s32 $0xA;
	s5 =	simm.s32 $0x10;
	s15 =	sld [smem:$0x3FC9]  }
0x92: {  	[smem:s5], [sflag:s4] =	dma.local [hbm:s2], $0x1  }
0x93: {  	_ =	swait.eq [sflag:s4], $0x1  }
0x94: {  	[sflag:s4] =	ssyncset.done $0x0  }
0x95: {  	[sflag:s4] =	ssyncadd.s32 $0xFFFFFFFF  }
0x96: {  	s16 =	sld [smem:$0x10];
	(tm) =	ssettm $0x1  }
0x97: {  	s17 =	sld [smem:$0x3FFB];
	_ =	sdelay $0x3  }
0x98: {  	_ =	strace s17  }
0x99: {  	s4 =	sld [smem:$0x3FFC];
	_ =	sdelay $0x3  }
0x9a: {  	_ =	strace s4  }
0x9b: {  	s4 =	sld [smem:$0x3FFD];
	_ =	sdelay $0x3  }
0x9c: {  	_ =	strace s4  }
0x9d: {  	_ =	strace $0x8FFFFFFF  }
0x9e: {  	s18 =	sld [smem:$0x3FDB];
	_ =	sdelay $0x1  }
0x9f: {  	s19 =	simm.s32 $_scs_section_size  }
0xa0: {  	s6 =	simm.s32 $_size__tile_overlayer_lowered;
	s7 =	simm.s32 $_tile_overlayer_lowered  }
0xa1: {  	s22 =	simm.s32 $0x1BFF;
	s21 =	sshll.u32 s7, $0x1;
	s4 =	sadd.s32 s19, s18  }
0xa2: {  	s8 =	simm.s32 $0x0;
	s20 =	sshll.u32 s6, $0x1;
	s6 =	sadd.s32 s21, s4  }
0xa3: {  	[timem:s8], [sflag:s22] =	dma.local [hbm:s6], s20  }
0xa4: {  	_ =	swait.ge [sflag:s22], s20  }
0xa5: {  	s5 =	ssub.s32 $0x0, s20;
	[sflag:s22] =	ssyncset.done $0x0  }
0xa6: {  	[sflag:s22] =	ssyncadd.s32 s5;
	_ =	sdelay $0x1  }
0xa7: {  	s23 =	simm.s32 $0x1B8B  }
0xa8: {  	_ =	swait.ge [sflag:s23], $0x1  }
0xa9: {  	[sflag:s23] =	ssyncset.done $0x0  }
0xaa: {  	s25 =	simm.s32 $0x1B8E;
	s24 =	sld [smem:$0x3FFE];
	[sflag:s23] =	ssyncadd.s32 $0xFFFFFFFF  }
0xab: {  	s26 =	simm.s32 $execute0_lowered;
	[smem:$0x3FD2] =	sst s25  }
0xac: {  	s6 =	sshll.u32 s26, $0x1;
	_ =	strace $0x80000049;
	[dreg:$0x1] =	wrdreg $0xFFFFFFFF  }
0xad: {  	s28 =	simm.s32 $_size_execute0_lowered;
	s4 =	sadd.s32 s4, s6;
	[dreg:$0x0] =	wrdreg $0x0  }
0xae: {  	s6 =	sshll.u32 s28, $0x1;
	[dreg:$0x2] =	wrdreg s4  }
0xaf: {  	[dreg:$0x3] =	wrdreg s6  }
0xb0: {  	[dreg:$0x4] =	wrdreg $0xC0  }
0xb1: {  	_ =	task [dreg:s8], $0x5FFFF  }
0xb2: {  	[dreg:$0x1] =	wrdreg $0xFFFFFFFF  }
0xb3: {  	[dreg:$0x0] =	wrdreg $0x60  }
0xb4: {  	[dreg:$0x2] =	wrdreg s15  }
0xb5: {  	[dreg:$0x3] =	wrdreg s24  }
0xb6: {  	[dreg:$0x4] =	wrdreg s16  }
0xb7: {  	[dreg:$0x5] =	wrdreg $0x9  }
0xb8: {  	_ =	task.clear_ibuf [dreg:s8], $0x6FFFF;
	_ =	strace $0x90000049  }
0xb9: {  	s29 =	simm.s32 $0x9;
	_ =	strace $0x8000004B  }
0xba: {  	_ =	swait.ge [sflag:s29], $0x1  }
0xbb: {  	[sflag:s29] =	ssyncadd.s32 $0xFFFFFFFF  }
0xbc: {  	_ =	strace $0x9000004B  }
0xbd: {  	_ =	sfence  }
0xbe: {  	s30 =	sld [smem:$0x0];
	_ =	sdelay $0x2  }
0xbf: {  	s31 =	sshll.u32 s1, $0xD;
	s1 =	sshrl.u32 s1, $0x2  }
0xc0: {  	s3 =	sand.u32 $0x4000, s31;
	s1 =	sadd.s32 s1, s30  }
0xc1: {  	s0 =	sor.u32 s3, s0;
	s1 =	sshll.u32 s1, $0x11  }
0xc2: {  	s0 =	sor.u32 s1, s0  }
0xc3: {  	s0 =	sadd.s32 $0x8F2B, s0  }
0xc4: {  	[sflag:s0] =	ssyncadd.remote.s32 $0x1  }
0xc5: {  	_ =	sfence.sel $0xFFFF  }
0xc6: {  	[dreg:$0x0] =	wrdreg $0xFFFFFFFF;
	(pc) =	sbr.abs _section_cstart, $3  }
0xc7: {  	[dreg:$0x1] =	wrdreg $0xFFFFFFFF  }
0xc8: {  	_ =	task.clear_ibuf [dreg:s8], $0x2FFFF;
	_ =	strace $0x9FFFFFFF  }
0xc9: {  	(tm) =	ssettm $0x7FFFFFFF  }
tec
execute0_lowered:
.L_overlay_start_1:
0x0: {  	(tag) =	ssettag $0x1  }
0x1: {  	s0 =	rddreg [dreg:$0x0]  }
0x2: {  	s1 =	rddreg [dreg:$0x1]  }
0x3: {  	s17 =	rddreg [dreg:$0x2];
	s2 =	simm.s32 $0x0  }
0x4: {  	s3 =	srdreg.scid;
	s5 =	stileid.u32;
	s31 =	simm.s32 $0x10800  }
0x5: {  	s21 =	simm.s32 $0x2;
	s22 =	simm.s32 $0x0;
	[smem:$0x7FF] =	sst s2  }
0x6: {  	s4 =	sand.u32 $0x1, s3;
	s3 =	sadd.s32 $0x1E00, s1;
	s5 =	sshll.u32 s5, $0x7  }
0x7: {  	s12 =	sadd.s32 $0x1C00, s1;
	s13 =	sadd.s32 $0x1A00, s1;
	s15 =	sadd.s32 $0x99E00, s1  }
0x8: {  	s16 =	sadd.s32 $0x91E00, s1;
	s9 =	sadd.s32 $0x1F00, s1;
	s10 =	sadd.s32 $0x2000, s1  }
0x9: {  	s1 =	simm.s32 $0x11800;
	s6 =	sshll.u32 s4, $0x6;
	s4 =	ssub.s32 $0x2, s4  }
0xa: {  	_ =	strace $0x8000004A;
	s7 =	sor.u32 s6, s5;
	s29 =	sshrl.u32 s4, $0x1  }
0xb: {  	s5 =	sshrl.u32 s7, $0x3;
	s18 =	ssub.s32 s4, s29;
	s8 =	sshll.u32 s7, $0x4  }
0xc: {  	s14 =	sor.u32 $0x20, s7;
	s11 =	smul.u32 $0x300, s5;
	s4 =	sadd.s32 s12, s5  }
0xd: {  	s5 =	sadd.s32 s13, s5;
	s7 =	sadd.s32 s15, s8;
	s8 =	sadd.s32 s16, s8  }
0xe: {  	v0 =	vlaneseq.u32;
	s19 =	sshrl.u32 s14, $0x3;
	s20 =	sshll.u32 s14, $0x4;
	s18 =	smax.u32 s18, $0x1  }
0xf: {  	v1 =	vand.u32 $0x7, v0;
	v63 =	vshrl.u32 v0, $0x3;
	s30 =	smul.u32 $0x300, s19;
	s12 =	sadd.s32 s12, s19;
	s13 =	sadd.s32 s13, s19  }
0x10: {  	v0 =	vor.u32 $0x8, v0;
	[tilespmem:$0x1FFD0] =	vst v1;
	v1 =	vmul.u32 $0x8, v63;
	s15 =	sadd.s32 s15, s20;
	s16 =	sadd.s32 s16, s20;
	s20 =	simm.s32 $0x3  }
0x11: {  	[tilespmem:$0x1FFF0] =	vst v0;
	s19 =	simm.s32 $0x1;
	s6 =	sadd.s32 s0, s11;
	s11 =	sadd.s32 s17, s11  }
0x12: {  	vm0 =	vmmov $0xffff;
	[tilespmem:$0x1FFE0] =	vst v1;
	s14 =	sadd.s32 s0, s30;
	s17 =	sadd.s32 s17, s30;
	s0 =	simm.s32 $0x11000  }
.LBB2_1:
0x13: {  	s23 =	simm.s32 $0x12000  }
0x14: {  	[tilespmem:s23], [sflag:$0x3] =	stream.linear.gather [hbm4b:s4+s2], $0x20, $0x38;
	[tilespmem:$0x14100] =	vst v63  }
0x15: {  	_ =	swait.ge [sflag:s20], $0x20  }
0x16: {  	[sflag:s20] =	ssyncset.done $0x0  }
0x17: {  	s29 =	simm.s32 $0x12080;
	[sflag:s20] =	ssyncadd.s32 $0xFFFFFFE0  }
0x18: {  	[tilespmem:s29], [sflag:$0x3] =	stream.linear.gather [hbm4b:s5+s2], $0x20, $0x38;
	[tilespmem:$0x14100] =	vst v63  }
0x19: {  	_ =	swait.ge [sflag:s20], $0x20  }
0x1a: {  	[sflag:s20] =	ssyncset.done $0x0  }
0x1b: {  	[sflag:s20] =	ssyncadd.s32 $0xFFFFFFE0  }
0x1c: {  	[tilespmem:s2], [sflag:$0x3] =	stream.linear.gather [hbm4b:s6+s2], $0x6000, $0x38;
	[tilespmem:$0x14100] =	vst v63  }
0x1d: {  	_ =	swait.ge [sflag:s20], $0x6000  }
0x1e: {  	[sflag:s20] =	ssyncset.done $0x0  }
0x1f: {  	s23 =	simm.s32 $0x12100;
	[sflag:s20] =	ssyncadd.s32 $0xFFFFA000  }
0x20: {  	[tilespmem:s23], [sflag:$0x3] =	stream.linear.gather [hbm4b:s7+s2], $0x1000, $0x38;
	[tilespmem:$0x14100] =	vst v63  }
0x21: {  	_ =	swait.ge [sflag:s20], $0x1000  }
0x22: {  	[sflag:s20] =	ssyncset.done $0x0  }
0x23: {  	s24 =	simm.s32 $0x13100;
	[sflag:s20] =	ssyncadd.s32 $0xFFFFF000  }
0x24: {  	[tilespmem:s24], [sflag:$0x3] =	stream.linear.gather [hbm4b:s8+s2], $0x1000, $0x38;
	[tilespmem:$0x14100] =	vst v63  }
0x25: {  	_ =	swait.ge [sflag:s20], $0x1000  }
0x26: {  	[sflag:s20] =	ssyncset.done $0x0  }
0x27: {  	[sflag:s20] =	ssyncadd.s32 $0xFFFFF000  }
0x28: {  	v0 =	vld [tilespmem:$0x12000];
	_ =	sdelay $0x3  }
0x29: {  	v2 =	vld [tilespmem:$0x1FFD0]  }
0x2a: {  	v1 =	vshrl.u32 v0, $0x3  }
0x2b: {  	v3 =	vld [tilespmem:$0x1FFE0];
	v1 =	vmul.u32 $0x30, v1  }
0x2c: {  	v0 =	vand.u32 $0x7, v0  }
0x2d: {  	v0 =	vor.u32 v0, v1  }
0x2e: {  	v1 =	vperm.xlane v0, v2  }
0x2f: {  	v4 =	vld [tilespmem:$0x1FFF0]  }
0x30: {  	v1 =	vadd.s32 v3, v1;
	_ =	sdelay $0x3  }
0x31: {  	s25 =	simm.s32 $0x6000;
	v0 =	vperm.xlane v0, v4  }
0x32: {  	[tilespmem:s25], [sflag:$0x1] =	stream.indirect_vreg.gather [hbm4b:s3+s2], $0x80, v1, vm0, $0xb8;
	[tilespmem:$0x14100] =	vst v63  }
0x33: {  	s30 =	simm.s32 $0x6800;
	v0 =	vadd.s32 v3, v0  }
0x34: {  	[tilespmem:s30], [sflag:$0x1] =	stream.indirect_vreg.gather [hbm4b:s9+s2], $0x80, v1, vm0, $0xb8;
	[tilespmem:$0x14100] =	vst v63  }
0x35: {  	s26 =	simm.s32 $0x7000  }
0x36: {  	[tilespmem:s26], [sflag:$0x1] =	stream.indirect_vreg.gather [hbm4b:s10+s2], $0x80, v1, vm0, $0xb8;
	[tilespmem:$0x14100] =	vst v63  }
0x37: {  	s29 =	simm.s32 $0x7800  }
0x38: {  	[tilespmem:s29], [sflag:$0x1] =	stream.indirect_vreg.gather [hbm4b:s3+s2], $0x80, v0, vm0, $0xb8;
	[tilespmem:$0x14100] =	vst v63  }
0x39: {  	s30 =	simm.s32 $0x8000  }
0x3a: {  	[tilespmem:s30], [sflag:$0x1] =	stream.indirect_vreg.gather [hbm4b:s9+s2], $0x80, v0, vm0, $0xb8;
	[tilespmem:$0x14100] =	vst v63  }
0x3b: {  	s26 =	simm.s32 $0x8800  }
0x3c: {  	[tilespmem:s26], [sflag:$0x1] =	stream.indirect_vreg.gather [hbm4b:s10+s2], $0x80, v0, vm0, $0xb8;
	[tilespmem:$0x14100] =	vst v63  }
0x3d: {  	v0 =	vld [tilespmem:$0x12010];
	_ =	sdelay $0x4  }
0x3e: {  	v1 =	vshrl.u32 v0, $0x3  }
0x3f: {  	v1 =	vmul.u32 $0x30, v1  }
0x40: {  	v0 =	vand.u32 $0x7, v0  }
0x41: {  	v0 =	vor.u32 v0, v1  }
0x42: {  	v1 =	vperm.xlane v0, v2;
	_ =	sdelay $0x1  }
0x43: {  	v1 =	vadd.s32 v3, v1;
	_ =	sdelay $0x3  }
0x44: {  	s29 =	simm.s32 $0x9000;
	v0 =	vperm.xlane v0, v4  }
0x45: {  	[tilespmem:s29], [sflag:$0x1] =	stream.indirect_vreg.gather [hbm4b:s3+s2], $0x80, v1, vm0, $0xb8;
	[tilespmem:$0x14100] =	vst v63  }
0x46: {  	s30 =	simm.s32 $0x9800;
	v0 =	vadd.s32 v3, v0  }
0x47: {  	[tilespmem:s30], [sflag:$0x1] =	stream.indirect_vreg.gather [hbm4b:s9+s2], $0x80, v1, vm0, $0xb8;
	[tilespmem:$0x14100] =	vst v63  }
0x48: {  	s26 =	simm.s32 $0xA000  }
0x49: {  	[tilespmem:s26], [sflag:$0x1] =	stream.indirect_vreg.gather [hbm4b:s10+s2], $0x80, v1, vm0, $0xb8;
	[tilespmem:$0x14100] =	vst v63  }
0x4a: {  	s29 =	simm.s32 $0xA800  }
0x4b: {  	[tilespmem:s29], [sflag:$0x1] =	stream.indirect_vreg.gather [hbm4b:s3+s2], $0x80, v0, vm0, $0xb8;
	[tilespmem:$0x14100] =	vst v63  }
0x4c: {  	s30 =	simm.s32 $0xB000  }
0x4d: {  	[tilespmem:s30], [sflag:$0x1] =	stream.indirect_vreg.gather [hbm4b:s9+s2], $0x80, v0, vm0, $0xb8;
	[tilespmem:$0x14100] =	vst v63  }
0x4e: {  	s26 =	simm.s32 $0xB800  }
0x4f: {  	[tilespmem:s26], [sflag:$0x1] =	stream.indirect_vreg.gather [hbm4b:s10+s2], $0x80, v0, vm0, $0xb8;
	[tilespmem:$0x14100] =	vst v63  }
0x50: {  	v0 =	vld [tilespmem:$0x12080];
	_ =	sdelay $0x4  }
0x51: {  	v1 =	vshrl.u32 v0, $0x3  }
0x52: {  	v1 =	vmul.u32 $0x30, v1  }
0x53: {  	v0 =	vand.u32 $0x7, v0  }
0x54: {  	v0 =	vor.u32 v0, v1  }
0x55: {  	v1 =	vperm.xlane v0, v2;
	_ =	sdelay $0x1  }
0x56: {  	v1 =	vadd.s32 v3, v1;
	_ =	sdelay $0x3  }
0x57: {  	s29 =	simm.s32 $0xC000;
	v0 =	vperm.xlane v0, v4  }
0x58: {  	[tilespmem:s29], [sflag:$0x2] =	stream.indirect_vreg.gather [hbm4b:s3+s2], $0x80, v1, vm0, $0xb8;
	[tilespmem:$0x14100] =	vst v63  }
0x59: {  	s30 =	simm.s32 $0xC800;
	v0 =	vadd.s32 v3, v0  }
0x5a: {  	[tilespmem:s30], [sflag:$0x2] =	stream.indirect_vreg.gather [hbm4b:s9+s2], $0x80, v1, vm0, $0xb8;
	[tilespmem:$0x14100] =	vst v63  }
0x5b: {  	s26 =	simm.s32 $0xD000  }
0x5c: {  	[tilespmem:s26], [sflag:$0x2] =	stream.indirect_vreg.gather [hbm4b:s10+s2], $0x80, v1, vm0, $0xb8;
	[tilespmem:$0x14100] =	vst v63  }
0x5d: {  	s29 =	simm.s32 $0xD800  }
0x5e: {  	[tilespmem:s29], [sflag:$0x2] =	stream.indirect_vreg.gather [hbm4b:s3+s2], $0x80, v0, vm0, $0xb8;
	[tilespmem:$0x14100] =	vst v63  }
0x5f: {  	s30 =	simm.s32 $0xE000  }
0x60: {  	[tilespmem:s30], [sflag:$0x2] =	stream.indirect_vreg.gather [hbm4b:s9+s2], $0x80, v0, vm0, $0xb8;
	[tilespmem:$0x14100] =	vst v63  }
0x61: {  	s26 =	simm.s32 $0xE800  }
0x62: {  	[tilespmem:s26], [sflag:$0x2] =	stream.indirect_vreg.gather [hbm4b:s10+s2], $0x80, v0, vm0, $0xb8;
	[tilespmem:$0x14100] =	vst v63  }
0x63: {  	v0 =	vld [tilespmem:$0x12090];
	_ =	sdelay $0x4  }
0x64: {  	v1 =	vshrl.u32 v0, $0x3  }
0x65: {  	v1 =	vmul.u32 $0x30, v1  }
0x66: {  	v0 =	vand.u32 $0x7, v0  }
0x67: {  	v0 =	vor.u32 v0, v1  }
0x68: {  	v1 =	vperm.xlane v0, v2;
	_ =	sdelay $0x1  }
0x69: {  	v1 =	vadd.s32 v3, v1;
	_ =	sdelay $0x3  }
0x6a: {  	s29 =	simm.s32 $0xF000;
	v0 =	vperm.xlane v0, v4  }
0x6b: {  	[tilespmem:s29], [sflag:$0x2] =	stream.indirect_vreg.gather [hbm4b:s3+s2], $0x80, v1, vm0, $0xb8;
	[tilespmem:$0x14100] =	vst v63  }
0x6c: {  	s30 =	simm.s32 $0xF800;
	v0 =	vadd.s32 v3, v0  }
0x6d: {  	[tilespmem:s30], [sflag:$0x2] =	stream.indirect_vreg.gather [hbm4b:s9+s2], $0x80, v1, vm0, $0xb8;
	[tilespmem:$0x14100] =	vst v63  }
0x6e: {  	s26 =	simm.s32 $0x10000  }
0x6f: {  	[tilespmem:s26], [sflag:$0x2] =	stream.indirect_vreg.gather [hbm4b:s10+s2], $0x80, v1, vm0, $0xb8;
	[tilespmem:$0x14100] =	vst v63  }
0x70: {  	_ = 	snop  }
0x71: {  	[tilespmem:s31], [sflag:$0x2] =	stream.indirect_vreg.gather [hbm4b:s3+s2], $0x80, v0, vm0, $0xb8;
	[tilespmem:$0x14100] =	vst v63  }
0x72: {  	_ = 	snop  }
0x73: {  	[tilespmem:s0], [sflag:$0x2] =	stream.indirect_vreg.gather [hbm4b:s9+s2], $0x80, v0, vm0, $0xb8;
	[tilespmem:$0x14100] =	vst v63  }
0x74: {  	_ = 	snop  }
0x75: {  	[tilespmem:s1], [sflag:$0x2] =	stream.indirect_vreg.gather [hbm4b:s10+s2], $0x80, v0, vm0, $0xb8;
	[tilespmem:$0x14100] =	vst v63  }
0x76: {  	_ =	swait.ge [sflag:s19], $0x6000  }
0x77: {  	[sflag:s19] =	ssyncset.done $0x0  }
0x78: {  	s29 =	simm.s32 $0x0;
	[sflag:s19] =	ssyncadd.s32 $0xFFFFA000  }
0x79: {  	s25 =	smul.u32 $0x1800, s29;
	_ =	swait.ge [sflag:s21], $0x6000  }
0x7a: {  	s26 =	sand.u32 $0x380, s2;
	[sflag:s21] =	ssyncset.done $0x0  }
0x7b: {  	s28 =	sor.u32 s26, s25;
	[sflag:s21] =	ssyncadd.s32 $0xFFFFA000  }
0x7c: {  	v0 =	vld [tilespmem:s28+$0xC000];
	_ =	sdelay $0x4  }
0x7d: {  	[tilespmem:$0x1FE70] =	vst v0;
	v0 =	vld [tilespmem:s28+$0x10];
	_ =	sdelay $0x4  }
0x7e: {  	[tilespmem:$0x1FE20] =	vst v0;
	v0 =	vld [tilespmem:s28+$0xC010];
	_ =	sdelay $0x4  }
0x7f: {  	[tilespmem:$0x1FE10] =	vst v0;
	v0 =	vld [tilespmem:s28+$0x20];
	_ =	sdelay $0x4  }
0x80: {  	[tilespmem:$0x1FE00] =	vst v0;
	v0 =	vld [tilespmem:s28+$0xC020];
	_ =	sdelay $0x4  }
0x81: {  	[tilespmem:$0x1FDE0] =	vst v0;
	v0 =	vld [tilespmem:s28+$0x30];
	_ =	sdelay $0x4  }
0x82: {  	[tilespmem:$0x1FDF0] =	vst v0;
	v0 =	vld [tilespmem:s28+$0xC030];
	_ =	sdelay $0x4  }
0x83: {  	[tilespmem:$0x1FDC0] =	vst v0;
	v0 =	vld [tilespmem:s28+$0x40];
	_ =	sdelay $0x4  }
0x84: {  	[tilespmem:$0x1FDD0] =	vst v0;
	v0 =	vld [tilespmem:s28+$0xC040]  }
0x85: {  	v27 =	vld [tilespmem:s28+$0xC430]  }
0x86: {  	v28 =	vld [tilespmem:s28+$0x440]  }
0x87: {  	v30 =	vld [tilespmem:s28+$0xC440]  }
0x88: {  	v29 =	vld [tilespmem:s28+$0x450]  }
0x89: {  	[tilespmem:$0x1FDA0] =	vst v0;
	v0 =	vld [tilespmem:s28+$0x50]  }
0x8a: {  	v26 =	vld [tilespmem:s28+$0xC450]  }
0x8b: {  	v31 =	vld [tilespmem:s28+$0xC460]  }
0x8c: {  	v25 =	vld [tilespmem:s28+$0x470]  }
0x8d: {  	v24 =	vld [tilespmem:s28+$0xC470]  }
0x8e: {  	[tilespmem:$0x1FDB0] =	vst v0;
	v0 =	vld [tilespmem:s28+$0xC050]  }
0x8f: {  	v32 =	vld [tilespmem:s28+$0x800]  }
0x90: {  	v34 =	vld [tilespmem:s28+$0xC800]  }
0x91: {  	v33 =	vld [tilespmem:s28+$0x810]  }
0x92: {  	v35 =	vld [tilespmem:s28+$0x820]  }
0x93: {  	[tilespmem:$0x1FD90] =	vst v0;
	v0 =	vld [tilespmem:s28+$0x60]  }
0x94: {  	v37 =	vld [tilespmem:s28+$0xC830]  }
0x95: {  	v38 =	vld [tilespmem:s28+$0x840]  }
0x96: {  	v40 =	vld [tilespmem:s28+$0xC840]  }
0x97: {  	v39 =	vld [tilespmem:s28+$0x850]  }
0x98: {  	[tilespmem:$0x1FD80] =	vst v0;
	v0 =	vld [tilespmem:s28+$0xC060]  }
0x99: {  	v41 =	vld [tilespmem:s28+$0xC850]  }
0x9a: {  	v42 =	vld [tilespmem:s28+$0x860]  }
0x9b: {  	v43 =	vld [tilespmem:s28+$0xC860]  }
0x9c: {  	v44 =	vld [tilespmem:s28+$0xC870]  }
0x9d: {  	[tilespmem:$0x1FD60] =	vst v0;
	v0 =	vld [tilespmem:s28+$0x70]  }
0x9e: {  	v46 =	vld [tilespmem:s28+$0xC00]  }
0x9f: {  	v45 =	vld [tilespmem:s28+$0xCC00]  }
0xa0: {  	v47 =	vld [tilespmem:s28+$0xCC10]  }
0xa1: {  	v49 =	vld [tilespmem:s28+$0xC20]  }
0xa2: {  	[tilespmem:$0x1FD70] =	vst v0;
	v0 =	vld [tilespmem:s28+$0xC070]  }
0xa3: {  	v48 =	vld [tilespmem:s28+$0xCC20]  }
0xa4: {  	v50 =	vld [tilespmem:s28+$0xC30]  }
0xa5: {  	v51 =	vld [tilespmem:s28+$0xCC30]  }
0xa6: {  	v52 =	vld [tilespmem:s28+$0xC40]  }
0xa7: {  	[tilespmem:$0x1FD40] =	vst v0;
	v0 =	vld [tilespmem:s28+$0x400]  }
0xa8: {  	v53 =	vld [tilespmem:s28+$0xCC40]  }
0xa9: {  	v54 =	vld [tilespmem:s28+$0xCC50]  }
0xaa: {  	v55 =	vld [tilespmem:s28+$0xC60]  }
0xab: {  	v56 =	vld [tilespmem:s28+$0xCC60]  }
0xac: {  	[tilespmem:$0x1FD50] =	vst v0;
	v0 =	vld [tilespmem:s28+$0xC400]  }
0xad: {  	v57 =	vld [tilespmem:s28+$0xCC70]  }
0xae: {  	v58 =	vld [tilespmem:s28+$0x1000]  }
0xaf: {  	v59 =	vld [tilespmem:s28+$0xD000]  }
0xb0: {  	v60 =	vld [tilespmem:s28+$0x1010]  }
0xb1: {  	[tilespmem:$0x1FD20] =	vst v0;
	v0 =	vld [tilespmem:s28+$0x410]  }
0xb2: {  	v61 =	vld [tilespmem:s28+$0xD010]  }
0xb3: {  	v62 =	vld [tilespmem:s28+$0x1020]  }
0xb4: {  	v63 =	vld [tilespmem:s28+$0xD020]  }
0xb5: {  	v23 =	vld [tilespmem:s28+$0xD030]  }
0xb6: {  	[tilespmem:$0x1FD30] =	vst v0;
	v0 =	vld [tilespmem:s28+$0xC410]  }
0xb7: {  	v21 =	vld [tilespmem:s28+$0x1040]  }
0xb8: {  	v20 =	vld [tilespmem:s28+$0xD050]  }
0xb9: {  	v18 =	vld [tilespmem:s28+$0x1060]  }
0xba: {  	v19 =	vld [tilespmem:s28+$0xD060]  }
0xbb: {  	[tilespmem:$0x1FD00] =	vst v0;
	v0 =	vld [tilespmem:s28+$0x420]  }
0xbc: {  	v14 =	vld [tilespmem:s28+$0x1070]  }
0xbd: {  	v17 =	vld [tilespmem:s28+$0xD070]  }
0xbe: {  	v13 =	vld [tilespmem:s28+$0x1400]  }
0xbf: {  	v10 =	vld [tilespmem:s28+$0x1410]  }
0xc0: {  	[tilespmem:$0x1FD10] =	vst v0;
	v0 =	vld [tilespmem:s28+$0xC420]  }
0xc1: {  	v11 =	vld [tilespmem:s28+$0xD410]  }
0xc2: {  	v9 =	vld [tilespmem:s28+$0xD430]  }
0xc3: {  	v4 =	vld [tilespmem:s28+$0x7400]  }
0xc4: {  	v2 =	vld [tilespmem:s28+$0x7410]  }
0xc5: {  	[tilespmem:$0x1FCE0] =	vst v0;
	v0 =	vld [tilespmem:s28+$0x430]  }
0xc6: {  	v3 =	vld [tilespmem:s28+$0x7420]  }
0xc7: {  	v1 =	vld [tilespmem:s28+$0x1430]  }
0xc8: {  	v16 =	vld [tilespmem:s23+$0x0]  }
0xc9: {  	v5 =	vld [tilespmem:s28+$0x1420]  }
0xca: {  	[tilespmem:$0x1FCF0] =	vst v0;
	v0 =	vld [tilespmem:s28+$0x7430]  }
0xcb: {  	v15 =	vld [tilespmem:s24+$0x0]  }
0xcc: {  	v6 =	vld [tilespmem:s28+$0xD420]  }
0xcd: {  	v7 =	vld [tilespmem:s28+$0x7070]  }
0xce: {  	v8 =	vld [tilespmem:s28+$0x7060];
	v2 =	vmul.f32 v2, v16  }
0xcf: {  	v12 =	vld [tilespmem:s28+$0xD400];
	v0 =	vmul.f32 v0, v16  }
0xd0: {  	v2 =	vadd.f32 v2, v10;
	v10 =	vmul.f32 v11, v15;
	v11 =	vld [tilespmem:s28+$0x7040]  }
0xd1: {  	v0 =	vadd.f32 v0, v1;
	v1 =	vmul.f32 v3, v16;
	v3 =	vmul.f32 v4, v16;
	v4 =	vld [tilespmem:s28+$0x7050]  }
0xd2: {  	v9 =	vmul.f32 v9, v15;
	v7 =	vmul.f32 v7, v16;
	v2 =	vadd.f32 v10, v2;
	v10 =	vld [tilespmem:s28+$0x7020]  }
0xd3: {  	v8 =	vmul.f32 v8, v16;
	v1 =	vadd.f32 v1, v5;
	v5 =	vmul.f32 v6, v15;
	v6 =	vld [tilespmem:s28+$0x1050]  }
0xd4: {  	v7 =	vadd.f32 v7, v14;
	v14 =	vmul.f32 v20, v15;
	v0 =	vadd.f32 v9, v0;
	v9 =	vld [tilespmem:s28+$0x7030]  }
0xd5: {  	v22 =	vld [tilespmem:s28+$0xD040];
	v3 =	vadd.f32 v3, v13;
	v1 =	vadd.f32 v5, v1;
	v5 =	vmul.f32 v12, v15  }
0xd6: {  	v13 =	vld [tilespmem:s28+$0x1030];
	v12 =	vmul.f32 v17, v15;
	v4 =	vmul.f32 v4, v16  }
0xd7: {  	v3 =	vadd.f32 v5, v3;
	v5 =	vadd.f32 v8, v18;
	v8 =	vmul.f32 v11, v16;
	v11 =	vld [tilespmem:s28+$0x7010]  }
0xd8: {  	v4 =	vadd.f32 v4, v6;
	v6 =	vadd.f32 v12, v7;
	v7 =	vmul.f32 v19, v15;
	v12 =	vld [tilespmem:s28+$0x7000]  }
0xd9: {  	v10 =	vmul.f32 v10, v16;
	v17 =	vld [tilespmem:s28+$0x6C70];
	v9 =	vmul.f32 v9, v16  }
0xda: {  	v18 =	vld [tilespmem:s28+$0x6C60];
	v8 =	vadd.f32 v8, v21;
	v5 =	vadd.f32 v7, v5;
	v7 =	vmul.f32 v22, v15  }
0xdb: {  	v4 =	vadd.f32 v14, v4;
	v9 =	vadd.f32 v9, v13;
	v13 =	vmul.f32 v23, v15;
	v14 =	vld [tilespmem:s28+$0xC70]  }
0xdc: {  	v7 =	vadd.f32 v7, v8;
	v8 =	vadd.f32 v10, v62;
	v10 =	vmul.f32 v11, v16;
	v11 =	vld [tilespmem:s28+$0x6C50]  }
0xdd: {  	v19 =	vld [tilespmem:s28+$0x6C40];
	v9 =	vadd.f32 v13, v9;
	v13 =	vmul.f32 v63, v15;
	v12 =	vmul.f32 v12, v16  }
0xde: {  	v20 =	vmul.f32 v61, v15;
	v17 =	vmul.f32 v17, v16;
	v63 =	vld [tilespmem:s28+$0xC50];
	v10 =	vadd.f32 v10, v60  }
0xdf: {  	v8 =	vadd.f32 v13, v8;
	v13 =	vmul.f32 v18, v16;
	v18 =	vld [tilespmem:s28+$0x6C30];
	v12 =	vadd.f32 v12, v58  }
0xe0: {  	v14 =	vadd.f32 v17, v14;
	v17 =	vmul.f32 v59, v15;
	v10 =	vadd.f32 v20, v10;
	v20 =	vld [tilespmem:s28+$0x6C20]  }
0xe1: {  	v57 =	vmul.f32 v57, v15;
	[tilespmem:s28+$0x1410] =	vst v2;
	v58 =	vld [tilespmem:s28+$0x6C10];
	v13 =	vadd.f32 v13, v55;
	v11 =	vmul.f32 v11, v16  }
0xe2: {  	[tilespmem:s28+$0x1430] =	vst v0;
	v0 =	vadd.f32 v17, v12;
	v12 =	vmul.f32 v56, v15;
	v17 =	vmul.f32 v19, v16;
	v19 =	vld [tilespmem:s28+$0x6C00]  }
0xe3: {  	[tilespmem:s28+$0x1420] =	vst v1;
	v60 =	vld [tilespmem:s28+$0x870];
	v1 =	vadd.f32 v57, v14;
	v14 =	vmul.f32 v54, v15;
	v11 =	vadd.f32 v11, v63  }
0xe4: {  	[tilespmem:s28+$0x1400] =	vst v3;
	v59 =	vld [tilespmem:s28+$0xC10];
	v2 =	vadd.f32 v12, v13;
	v12 =	vadd.f32 v17, v52;
	v13 =	vmul.f32 v18, v16  }
0xe5: {  	[tilespmem:s28+$0x1070] =	vst v6;
	v17 =	vld [tilespmem:s28+$0x6870];
	v3 =	vadd.f32 v14, v11;
	v11 =	vmul.f32 v53, v15;
	v14 =	vmul.f32 v20, v16  }
0xe6: {  	[tilespmem:s28+$0x1060] =	vst v5;
	v18 =	vld [tilespmem:s28+$0x6860];
	v6 =	vadd.f32 v13, v50;
	v13 =	vmul.f32 v51, v15;
	v20 =	vmul.f32 v58, v16  }
0xe7: {  	[tilespmem:s28+$0x1050] =	vst v4;
	v5 =	vadd.f32 v11, v12;
	v11 =	vadd.f32 v14, v49;
	v12 =	vmul.f32 v19, v16;
	v14 =	vld [tilespmem:s28+$0x6850]  }
0xe8: {  	[tilespmem:s28+$0x1040] =	vst v7;
	v6 =	vadd.f32 v13, v6;
	v13 =	vmul.f32 v48, v15;
	v19 =	vld [tilespmem:s28+$0x6840]  }
0xe9: {  	v61 =	vld [tilespmem:s28+$0x6830];
	[tilespmem:s28+$0x1030] =	vst v9;
	v4 =	vadd.f32 v20, v59;
	v7 =	vadd.f32 v12, v46;
	v12 =	vmul.f32 v47, v15  }
0xea: {  	[tilespmem:s28+$0x1020] =	vst v8;
	v8 =	vmul.f32 v44, v15;
	v9 =	vadd.f32 v13, v11;
	v11 =	vmul.f32 v17, v16;
	v17 =	vld [tilespmem:s28+$0x6820]  }
0xeb: {  	v20 =	vmul.f32 v45, v15;
	v13 =	vmul.f32 v18, v16;
	v4 =	vadd.f32 v12, v4;
	v12 =	vld [tilespmem:s28+$0x830]  }
0xec: {  	[tilespmem:s28+$0x1010] =	vst v10;
	v18 =	vmul.f32 v43, v15;
	v10 =	vadd.f32 v11, v60;
	v11 =	vld [tilespmem:s28+$0x6810];
	v14 =	vmul.f32 v14, v16  }
0xed: {  	v62 =	vld [tilespmem:s28+$0xC810];
	[tilespmem:s28+$0x1000] =	vst v0;
	v7 =	vadd.f32 v20, v7;
	v13 =	vadd.f32 v13, v42;
	v19 =	vmul.f32 v19, v16  }
0xee: {  	v0 =	vmul.f32 v41, v15;
	[tilespmem:s28+$0xC60] =	vst v2;
	v20 =	vld [tilespmem:s28+$0x6800];
	v8 =	vadd.f32 v8, v10;
	v2 =	vadd.f32 v14, v39  }
0xef: {  	[tilespmem:s28+$0xC70] =	vst v1;
	v10 =	vmul.f32 v61, v16;
	v13 =	vadd.f32 v18, v13;
	v18 =	vadd.f32 v19, v38;
	v19 =	vld [tilespmem:s28+$0x6460]  }
0xf0: {  	[tilespmem:s28+$0xC50] =	vst v3;
	v0 =	vadd.f32 v0, v2;
	v2 =	vld [tilespmem:s28+$0x6450]  }
0xf1: {  	[tilespmem:s28+$0xC40] =	vst v5;
	v17 =	vmul.f32 v17, v16;
	v5 =	vadd.f32 v10, v12;
	v10 =	vmul.f32 v11, v16;
	v11 =	vld [tilespmem:s28+$0x6440]  }
0xf2: {  	v36 =	vld [tilespmem:s28+$0xC820];
	v1 =	vmul.f32 v40, v15;
	v3 =	vmul.f32 v37, v15;
	[tilespmem:s28+$0xC30] =	vst v6  }
0xf3: {  	[tilespmem:s28+$0xC20] =	vst v9;
	v6 =	vadd.f32 v17, v35;
	v12 =	vmul.f32 v20, v16;
	v17 =	vld [tilespmem:s28+$0x460]  }
0xf4: {  	v9 =	vmul.f32 v62, v15;
	[tilespmem:s28+$0xC10] =	vst v4;
	v14 =	vld [tilespmem:s28+$0x6470];
	v1 =	vadd.f32 v1, v18;
	v3 =	vadd.f32 v3, v5  }
0xf5: {  	[tilespmem:s28+$0x860] =	vst v13;
	v18 =	vld [tilespmem:s28+$0x6420];
	v5 =	vmul.f32 v34, v15;
	v12 =	vadd.f32 v12, v32;
	v2 =	vmul.f32 v2, v16  }
0xf6: {  	v20 =	vld [tilespmem:s28+$0xD440];
	v4 =	vadd.f32 v10, v33;
	[tilespmem:s28+$0x850] =	vst v0;
	v19 =	vmul.f32 v19, v16;
	v11 =	vmul.f32 v11, v16  }
0xf7: {  	v10 =	vld [tilespmem:s28+$0x6430];
	v0 =	vmul.f32 v26, v15;
	[tilespmem:s28+$0x840] =	vst v1;
	v5 =	vadd.f32 v5, v12;
	v1 =	vadd.f32 v2, v29  }
0xf8: {  	v12 =	vld [tilespmem:s28+$0x6410];
	[tilespmem:s28+$0x830] =	vst v3;
	v13 =	vadd.f32 v19, v17;
	v17 =	vmul.f32 v30, v15;
	v3 =	vadd.f32 v11, v28  }
0xf9: {  	v4 =	vadd.f32 v9, v4;
	v0 =	vadd.f32 v0, v1;
	v1 =	vld [tilespmem:$0x1FCE0]  }
0xfa: {  	v14 =	vmul.f32 v14, v16;
	v3 =	vadd.f32 v17, v3;
	v17 =	vld [tilespmem:$0x1FD10]  }
0xfb: {  	[tilespmem:s28+$0x810] =	vst v4;
	v4 =	vld [tilespmem:$0x1FCF0]  }
0xfc: {  	v63 =	vmul.f32 v36, v15;
	[tilespmem:s28+$0xC00] =	vst v7;
	v7 =	vmul.f32 v24, v15;
	v9 =	vadd.f32 v14, v25;
	v14 =	vld [tilespmem:s28+$0x6400]  }
0xfd: {  	v19 =	vld [tilespmem:s28+$0xD470];
	v11 =	vmul.f32 v18, v16  }
0xfe: {  	v6 =	vadd.f32 v63, v6;
	[tilespmem:s28+$0x800] =	vst v5;
	v5 =	vld [tilespmem:$0x1FD00];
	v2 =	vadd.f32 v7, v9;
	v9 =	vmul.f32 v10, v16  }
0xff: {  	v7 =	vld [tilespmem:s28+$0x6070];
	v1 =	vmul.f32 v1, v15;
	v11 =	vadd.f32 v11, v17  }
0x100: {  	[tilespmem:s28+$0x820] =	vst v6;
	v6 =	vmul.f32 v27, v15;
	v10 =	vld [tilespmem:s28+$0x6060];
	v4 =	vadd.f32 v9, v4  }
0x101: {  	v1 =	vadd.f32 v1, v11;
	v11 =	vld [tilespmem:$0x1FD50]  }
0x102: {  	[tilespmem:s28+$0x470] =	vst v2;
	v2 =	vld [tilespmem:$0x1FD20];
	v4 =	vadd.f32 v6, v4  }
0x103: {  	[tilespmem:s28+$0x450] =	vst v0;
	v0 =	vld [tilespmem:$0x1FD40]  }
0x104: {  	v14 =	vmul.f32 v14, v16;
	[tilespmem:s28+$0x430] =	vst v4;
	v4 =	vld [tilespmem:$0x1FD80]  }
0x105: {  	[tilespmem:s28+$0x440] =	vst v3;
	v3 =	vld [tilespmem:$0x1FD70]  }
0x106: {  	v11 =	vadd.f32 v14, v11;
	v14 =	vld [tilespmem:$0x1FD60]  }
0x107: {  	v9 =	vld [tilespmem:s28+$0x6050];
	v10 =	vmul.f32 v10, v16  }
0x108: {  	v6 =	vmul.f32 v7, v16;
	v7 =	vld [tilespmem:$0x1FD30];
	v2 =	vmul.f32 v2, v15  }
0x109: {  	v4 =	vadd.f32 v10, v4;
	v10 =	vld [tilespmem:$0x1FD90]  }
0x10a: {  	v0 =	vmul.f32 v0, v15;
	v3 =	vadd.f32 v6, v3;
	v2 =	vadd.f32 v2, v11;
	v11 =	vld [tilespmem:$0x1FDB0]  }
0x10b: {  	[tilespmem:s28+$0x870] =	vst v8;
	v8 =	vmul.f32 v31, v15;
	v17 =	vld [tilespmem:s28+$0x6040];
	v14 =	vmul.f32 v14, v15  }
0x10c: {  	v0 =	vadd.f32 v0, v3;
	v3 =	vld [tilespmem:$0x1FDA0]  }
0x10d: {  	v8 =	vadd.f32 v8, v13;
	v6 =	vmul.f32 v9, v16;
	v4 =	vadd.f32 v14, v4;
	v14 =	vld [tilespmem:$0x1FDD0]  }
0x10e: {  	v13 =	vld [tilespmem:s28+$0xD450]  }
0x10f: {  	[tilespmem:s28+$0x460] =	vst v8;
	v8 =	vld [tilespmem:s28+$0x6030];
	v10 =	vmul.f32 v10, v15;
	v6 =	vadd.f32 v6, v11  }
0x110: {  	v12 =	vmul.f32 v12, v16;
	v9 =	vmul.f32 v17, v16;
	v11 =	vld [tilespmem:$0x1FDC0]  }
0x111: {  	v6 =	vadd.f32 v10, v6;
	v10 =	vld [tilespmem:$0x1FDF0]  }
0x112: {  	v7 =	vadd.f32 v12, v7;
	v12 =	vld [tilespmem:s28+$0x6020];
	v3 =	vmul.f32 v3, v15;
	v9 =	vadd.f32 v9, v14  }
0x113: {  	v5 =	vmul.f32 v5, v15;
	v14 =	vld [tilespmem:$0x1FDE0]  }
0x114: {  	v8 =	vmul.f32 v8, v16;
	v3 =	vadd.f32 v3, v9;
	v9 =	vld [tilespmem:$0x1FE00]  }
0x115: {  	[tilespmem:s28+$0x420] =	vst v1;
	v1 =	vld [tilespmem:s28+$0x7440];
	v5 =	vadd.f32 v5, v7  }
0x116: {  	v7 =	vld [tilespmem:s28+$0x6010];
	[tilespmem:s28+$0x70] =	vst v0;
	v11 =	vmul.f32 v11, v15;
	v8 =	vadd.f32 v8, v10  }
0x117: {  	[tilespmem:s28+$0x410] =	vst v5;
	v5 =	vld [tilespmem:s28+$0x7450];
	v12 =	vmul.f32 v12, v16  }
0x118: {  	[tilespmem:s28+$0x50] =	vst v6;
	v6 =	vadd.f32 v11, v8;
	v11 =	vld [tilespmem:$0x1FE20]  }
0x119: {  	[tilespmem:s28+$0x400] =	vst v2;
	v14 =	vmul.f32 v14, v15;
	v9 =	vadd.f32 v12, v9;
	v12 =	vld [tilespmem:$0x1FE10]  }
0x11a: {  	s30 =	simm.s32 $0x0;
	v18 =	vld [tilespmem:s28+$0xD460];
	[tilespmem:s28+$0x60] =	vst v4  }
0x11b: {  	s25 =	smul.u32 $0x1800, s30;
	s26 =	simm.s32 $0x80;
	v0 =	vld [tilespmem:s28+$0x1440];
	[tilespmem:s28+$0x40] =	vst v3;
	v3 =	vadd.f32 v14, v9  }
0x11c: {  	s29 =	sand.u32 $0x380, s26;
	v2 =	vld [tilespmem:s28+$0x7460];
	v7 =	vmul.f32 v7, v16;
	[tilespmem:s28+$0x30] =	vst v6  }
0x11d: {  	s25 =	sor.u32 s29, s25;
	v1 =	vmul.f32 v1, v16;
	v4 =	vld [tilespmem:s28+$0x7470];
	[tilespmem:s28+$0x20] =	vst v3  }
0x11e: {  	v7 =	vadd.f32 v7, v11;
	v3 =	vmul.f32 v5, v16;
	v12 =	vmul.f32 v12, v15;
	v5 =	vld [tilespmem:s25+$0xC000]  }
0x11f: {  	v10 =	vld [tilespmem:s28+$0x1450]  }
0x120: {  	v0 =	vadd.f32 v1, v0;
	v8 =	vld [tilespmem:s28+$0x1460];
	v6 =	vmul.f32 v20, v15;
	v7 =	vadd.f32 v12, v7  }
0x121: {  	v1 =	vld [tilespmem:s28+$0x1470]  }
0x122: {  	v0 =	vadd.f32 v6, v0;
	v9 =	vld [tilespmem:s28+$0x6000];
	[tilespmem:s28+$0x10] =	vst v7  }
0x123: {  	v2 =	vmul.f32 v2, v16;
	[tilespmem:$0x1FE30] =	vst v5;
	v5 =	vld [tilespmem:s28+$0x0]  }
0x124: {  	v6 =	vmul.f32 v13, v15;
	v3 =	vadd.f32 v3, v10;
	v7 =	vld [tilespmem:s25+$0x10];
	[tilespmem:s28+$0x1440] =	vst v0  }
0x125: {  	v0 =	vadd.f32 v2, v8;
	v2 =	vmul.f32 v4, v16;
	v4 =	vld [tilespmem:s25+$0xC010]  }
0x126: {  	v3 =	vadd.f32 v6, v3;
	v6 =	vld [tilespmem:s25+$0x20]  }
0x127: {  	v1 =	vadd.f32 v2, v1;
	v2 =	vld [tilespmem:$0x1FE70];
	_ =	sdelay $0x1  }
0x128: {  	[tilespmem:$0x1FE40] =	vst v7;
	v7 =	vmul.f32 v18, v15  }
0x129: {  	[tilespmem:$0x1FE50] =	vst v4;
	v4 =	vmul.f32 v9, v16  }
0x12a: {  	[tilespmem:$0x1FE60] =	vst v6;
	v6 =	vmul.f32 v19, v15;
	v0 =	vadd.f32 v7, v0  }
0x12b: {  	[tilespmem:s28+$0x1450] =	vst v3;
	v2 =	vmul.f32 v2, v15;
	v3 =	vadd.f32 v4, v5  }
0x12c: {  	v4 =	vld [tilespmem:s25+$0xC020];
	[tilespmem:s28+$0x1460] =	vst v0;
	v0 =	vadd.f32 v6, v1  }
0x12d: {  	v1 =	vadd.f32 v2, v3;
	v2 =	vld [tilespmem:s25+$0xC030]  }
0x12e: {  	[tilespmem:s28+$0x1470] =	vst v0  }
0x12f: {  	v0 =	vld [tilespmem:s25+$0x40];
	_ =	sdelay $0x2  }
0x130: {  	[tilespmem:$0x1FE90] =	vst v2  }
0x131: {  	v2 =	vld [tilespmem:s25+$0x30];
	[tilespmem:s28+$0x0] =	vst v1  }
0x132: {  	[tilespmem:$0x1FEB0] =	vst v0;
	v0 =	vld [tilespmem:s25+$0xC040];
	_ =	sdelay $0x4  }
0x133: {  	[tilespmem:$0x1FEC0] =	vst v0;
	v0 =	vld [tilespmem:s25+$0x50];
	_ =	sdelay $0x4  }
0x134: {  	[tilespmem:$0x1FED0] =	vst v0;
	v0 =	vld [tilespmem:s25+$0xC050];
	_ =	sdelay $0x4  }
0x135: {  	[tilespmem:$0x1FEE0] =	vst v0;
	v0 =	vld [tilespmem:s25+$0x60];
	_ =	sdelay $0x4  }
0x136: {  	[tilespmem:$0x1FEF0] =	vst v0;
	v0 =	vld [tilespmem:s25+$0xC060]  }
0x137: {  	v28 =	vld [tilespmem:s25+$0x450]  }
0x138: {  	v30 =	vld [tilespmem:s25+$0x460]  }
0x139: {  	v32 =	vld [tilespmem:s25+$0x470]  }
0x13a: {  	v41 =	vld [tilespmem:s25+$0x840]  }
0x13b: {  	[tilespmem:$0x1FF00] =	vst v0;
	v0 =	vld [tilespmem:s25+$0x70]  }
0x13c: {  	v57 =	vld [tilespmem:s25+$0xC40]  }
0x13d: {  	v6 =	vld [tilespmem:s25+$0x1040]  }
0x13e: {  	v29 =	vld [tilespmem:s25+$0xC450]  }
0x13f: {  	v31 =	vld [tilespmem:s25+$0xC460]  }
0x140: {  	[tilespmem:$0x1FF10] =	vst v0;
	v0 =	vld [tilespmem:s25+$0xC070]  }
0x141: {  	v33 =	vld [tilespmem:s25+$0xC470]  }
0x142: {  	v34 =	vld [tilespmem:s25+$0x800]  }
0x143: {  	v35 =	vld [tilespmem:s25+$0xC800]  }
0x144: {  	v36 =	vld [tilespmem:s25+$0x810]  }
0x145: {  	[tilespmem:$0x1FF20] =	vst v0;
	v0 =	vld [tilespmem:s25+$0x400]  }
0x146: {  	v37 =	vld [tilespmem:s25+$0xC810]  }
0x147: {  	v38 =	vld [tilespmem:s25+$0x820]  }
0x148: {  	v39 =	vld [tilespmem:s25+$0xC820]  }
0x149: {  	v40 =	vld [tilespmem:s25+$0xC830]  }
0x14a: {  	[tilespmem:$0x1FF30] =	vst v0;
	v0 =	vld [tilespmem:s25+$0xC400]  }
0x14b: {  	v42 =	vld [tilespmem:s25+$0xC840]  }
0x14c: {  	v43 =	vld [tilespmem:s25+$0x850]  }
0x14d: {  	v44 =	vld [tilespmem:s25+$0xC850]  }
0x14e: {  	v45 =	vld [tilespmem:s25+$0x860]  }
0x14f: {  	[tilespmem:$0x1FF40] =	vst v0;
	v0 =	vld [tilespmem:s25+$0x410]  }
0x150: {  	v46 =	vld [tilespmem:s25+$0xC860]  }
0x151: {  	v47 =	vld [tilespmem:s25+$0xC870]  }
0x152: {  	v48 =	vld [tilespmem:s25+$0xC00]  }
0x153: {  	v49 =	vld [tilespmem:s25+$0xCC00]  }
0x154: {  	[tilespmem:$0x1FF50] =	vst v0;
	v0 =	vld [tilespmem:s25+$0xC410]  }
0x155: {  	v50 =	vld [tilespmem:s25+$0xCC10]  }
0x156: {  	v51 =	vld [tilespmem:s25+$0xC20]  }
0x157: {  	v55 =	vld [tilespmem:s25+$0xCC20]  }
0x158: {  	v54 =	vld [tilespmem:s25+$0xC30]  }
0x159: {  	[tilespmem:$0x1FF60] =	vst v0;
	v0 =	vld [tilespmem:s25+$0x420]  }
0x15a: {  	v56 =	vld [tilespmem:s25+$0xCC30]  }
0x15b: {  	v58 =	vld [tilespmem:s25+$0xCC40]  }
0x15c: {  	v59 =	vld [tilespmem:s25+$0xCC50]  }
0x15d: {  	v60 =	vld [tilespmem:s25+$0xC60]  }
0x15e: {  	[tilespmem:$0x1FF70] =	vst v0;
	v0 =	vld [tilespmem:s25+$0xC420]  }
0x15f: {  	v61 =	vld [tilespmem:s25+$0xCC60]  }
0x160: {  	v62 =	vld [tilespmem:s25+$0xCC70]  }
0x161: {  	v63 =	vld [tilespmem:s25+$0x1000]  }
0x162: {  	v1 =	vld [tilespmem:s25+$0xD010]  }
0x163: {  	[tilespmem:$0x1FF80] =	vst v0;
	v0 =	vld [tilespmem:s25+$0x430]  }
0x164: {  	v3 =	vld [tilespmem:s25+$0x1020]  }
0x165: {  	[tilespmem:$0x1FE80] =	vst v4;
	v4 =	vld [tilespmem:s25+$0xD020]  }
0x166: {  	v5 =	vld [tilespmem:s25+$0xD030]  }
0x167: {  	v7 =	vld [tilespmem:s25+$0xD040]  }
0x168: {  	[tilespmem:$0x1FF90] =	vst v0;
	v0 =	vld [tilespmem:s25+$0xC430]  }
0x169: {  	v8 =	vld [tilespmem:s25+$0xD050]  }
0x16a: {  	v9 =	vld [tilespmem:s25+$0x1060]  }
0x16b: {  	v10 =	vld [tilespmem:s25+$0xD060]  }
0x16c: {  	v11 =	vld [tilespmem:s25+$0x1070]  }
0x16d: {  	[tilespmem:$0x1FFA0] =	vst v0;
	v0 =	vld [tilespmem:s25+$0x440]  }
0x16e: {  	v12 =	vld [tilespmem:s25+$0xD070]  }
0x16f: {  	v13 =	vld [tilespmem:s25+$0x1400]  }
0x170: {  	v15 =	vld [tilespmem:s25+$0x1410]  }
0x171: {  	v14 =	vld [tilespmem:s25+$0xD410]  }
0x172: {  	[tilespmem:$0x1FFB0] =	vst v0;
	v0 =	vld [tilespmem:s25+$0xC440]  }
0x173: {  	v17 =	vld [tilespmem:s25+$0xD430]  }
0x174: {  	v16 =	vld [tilespmem:s25+$0x7400]  }
0x175: {  	v18 =	vld [tilespmem:s25+$0x7410]  }
0x176: {  	[tilespmem:$0x1FEA0] =	vst v2;
	v2 =	vld [tilespmem:s25+$0x1010]  }
0x177: {  	s28 =	simm.s32 $0x2;
	[tilespmem:$0x1FFC0] =	vst v0;
	v0 =	vld [tilespmem:s25+$0xD000]  }
.LBB2_2:
0x178: {  	v19 =	vld [tilespmem:s25+$0x7420]  }
0x179: {  	v20 =	vld [tilespmem:s25+$0x7430]  }
0x17a: {  	v21 =	vld [tilespmem:s25+$0x1430];
	s23 =	sadd.s32 $0x80, s23  }
0x17b: {  	v52 =	vld [tilespmem:s23+$0x0]  }
0x17c: {  	v22 =	vld [tilespmem:s25+$0x1420];
	s24 =	sadd.s32 $0x80, s24  }
0x17d: {  	v53 =	vld [tilespmem:s24+$0x0]  }
0x17e: {  	v25 =	vld [tilespmem:s25+$0x7070]  }
0x17f: {  	v23 =	vld [tilespmem:s25+$0xD420]  }
0x180: {  	v24 =	vld [tilespmem:s25+$0xD400];
	v19 =	vmul.f32 v19, v52;
	v20 =	vmul.f32 v20, v52  }
0x181: {  	v26 =	vld [tilespmem:s25+$0x7060];
	v16 =	vmul.f32 v16, v52;
	v18 =	vmul.f32 v18, v52  }
0x182: {  	v27 =	vld [tilespmem:s25+$0x7050];
	v17 =	vmul.f32 v17, v53;
	v14 =	vmul.f32 v14, v53  }
0x183: {  	v25 =	vmul.f32 v25, v52;
	v19 =	vadd.f32 v19, v22;
	v20 =	vadd.f32 v20, v21;
	v21 =	vld [tilespmem:s25+$0x7040]  }
0x184: {  	v15 =	vadd.f32 v18, v15;
	v18 =	vmul.f32 v23, v53;
	v22 =	vld [tilespmem:s25+$0x1050];
	v13 =	vadd.f32 v16, v13  }
0x185: {  	v16 =	vmul.f32 v24, v53;
	v11 =	vadd.f32 v25, v11;
	v17 =	vadd.f32 v17, v20;
	v20 =	vld [tilespmem:s25+$0x7030]  }
0x186: {  	v12 =	vmul.f32 v12, v53;
	v14 =	vadd.f32 v14, v15;
	v15 =	vadd.f32 v18, v19;
	v18 =	vld [tilespmem:s25+$0x7020]  }
0x187: {  	v13 =	vadd.f32 v16, v13;
	v16 =	vld [tilespmem:s25+$0x1030]  }
0x188: {  	v11 =	vadd.f32 v12, v11;
	v12 =	vld [tilespmem:s25+$0x6C70];
	[tilespmem:s25+$0x1430] =	vst v17  }
0x189: {  	v19 =	vmul.f32 v26, v52;
	[tilespmem:s25+$0x1420] =	vst v15;
	v15 =	vld [tilespmem:s25+$0x7010]  }
0x18a: {  	v10 =	vmul.f32 v10, v53;
	v17 =	vmul.f32 v27, v52;
	[tilespmem:s25+$0x1410] =	vst v14;
	v14 =	vld [tilespmem:s25+$0x7000]  }
0x18b: {  	v8 =	vmul.f32 v8, v53;
	v9 =	vadd.f32 v19, v9;
	[tilespmem:s25+$0x1070] =	vst v11;
	v11 =	vld [tilespmem:s25+$0xC70];
	v21 =	vmul.f32 v21, v52  }
0x18c: {  	v7 =	vmul.f32 v7, v53;
	v5 =	vmul.f32 v5, v53;
	v19 =	vld [tilespmem:$0x1FE40];
	v17 =	vadd.f32 v17, v22  }
0x18d: {  	[tilespmem:s25+$0x1400] =	vst v13;
	v9 =	vadd.f32 v10, v9;
	v10 =	vld [tilespmem:s25+$0x6C60];
	v13 =	vmul.f32 v20, v52;
	v6 =	vadd.f32 v21, v6  }
0x18e: {  	v4 =	vmul.f32 v4, v53;
	v18 =	vmul.f32 v18, v52;
	v8 =	vadd.f32 v8, v17;
	v17 =	vld [tilespmem:$0x1FF30]  }
0x18f: {  	v12 =	vmul.f32 v12, v52;
	v13 =	vadd.f32 v13, v16;
	v6 =	vadd.f32 v7, v6;
	v7 =	vld [tilespmem:s25+$0x6C50]  }
0x190: {  	v1 =	vmul.f32 v1, v53;
	[tilespmem:s25+$0x1060] =	vst v9;
	v9 =	vmul.f32 v15, v52;
	v3 =	vadd.f32 v18, v3;
	v15 =	vld [tilespmem:$0x1FFC0]  }
0x191: {  	v14 =	vmul.f32 v14, v52;
	v11 =	vadd.f32 v12, v11;
	[tilespmem:s25+$0x1050] =	vst v8;
	v8 =	vld [tilespmem:s25+$0x6C40];
	v5 =	vadd.f32 v5, v13  }
0x192: {  	v0 =	vmul.f32 v0, v53;
	[tilespmem:s25+$0x1040] =	vst v6;
	v6 =	vld [tilespmem:s25+$0xC50];
	v2 =	vadd.f32 v9, v2;
	v3 =	vadd.f32 v4, v3  }
0x193: {  	v4 =	vld [tilespmem:s25+$0x6C30];
	v9 =	vmul.f32 v10, v52;
	v10 =	vmul.f32 v62, v53;
	v13 =	vadd.f32 v14, v63  }
0x194: {  	v12 =	vmul.f32 v59, v53;
	[tilespmem:s25+$0x1030] =	vst v5;
	v5 =	vld [tilespmem:s25+$0x6C20];
	v1 =	vadd.f32 v1, v2  }
0x195: {  	v14 =	vmul.f32 v61, v53;
	v2 =	vld [tilespmem:s25+$0x6C10];
	v0 =	vadd.f32 v0, v13;
	v10 =	vadd.f32 v10, v11  }
0x196: {  	[tilespmem:s25+$0x1020] =	vst v3;
	v11 =	vmul.f32 v58, v53;
	v3 =	vmul.f32 v7, v52;
	v7 =	vadd.f32 v9, v60;
	v9 =	vld [tilespmem:s25+$0x6C00]  }
0x197: {  	v13 =	vmul.f32 v55, v53;
	v8 =	vmul.f32 v8, v52;
	[tilespmem:s25+$0x1010] =	vst v1;
	v1 =	vld [tilespmem:s25+$0xC10]  }
0x198: {  	[tilespmem:s25+$0x1000] =	vst v0;
	v0 =	vld [tilespmem:s25+$0x6870];
	v3 =	vadd.f32 v3, v6;
	v6 =	vadd.f32 v14, v7;
	v4 =	vmul.f32 v4, v52  }
0x199: {  	[tilespmem:s25+$0xC70] =	vst v10;
	v10 =	vld [tilespmem:s25+$0x6860];
	v7 =	vmul.f32 v56, v53;
	v14 =	vmul.f32 v49, v53;
	v8 =	vadd.f32 v8, v57  }
0x19a: {  	v5 =	vmul.f32 v5, v52;
	v3 =	vadd.f32 v12, v3;
	[tilespmem:s25+$0xC60] =	vst v6;
	v6 =	vld [tilespmem:s25+$0x870];
	v2 =	vmul.f32 v2, v52  }
0x19b: {  	v4 =	vadd.f32 v4, v54;
	v8 =	vadd.f32 v11, v8;
	v11 =	vld [tilespmem:s25+$0x6850];
	v9 =	vmul.f32 v9, v52  }
0x19c: {  	v12 =	vmul.f32 v50, v53;
	v5 =	vadd.f32 v5, v51;
	[tilespmem:s25+$0xC50] =	vst v3;
	v3 =	vld [tilespmem:s25+$0x6840];
	v1 =	vadd.f32 v2, v1  }
0x19d: {  	v2 =	vadd.f32 v7, v4;
	v4 =	vld [tilespmem:s25+$0x6830];
	v0 =	vmul.f32 v0, v52;
	v7 =	vadd.f32 v9, v48  }
0x19e: {  	[tilespmem:s25+$0xC40] =	vst v8;
	v8 =	vld [tilespmem:s25+$0x6820];
	v9 =	vmul.f32 v10, v52;
	v10 =	vmul.f32 v47, v53;
	v5 =	vadd.f32 v13, v5  }
0x19f: {  	v1 =	vadd.f32 v12, v1;
	[tilespmem:s25+$0xC30] =	vst v2;
	v2 =	vld [tilespmem:s25+$0x830];
	v12 =	vmul.f32 v46, v53;
	v0 =	vadd.f32 v0, v6  }
0x1a0: {  	v6 =	vadd.f32 v14, v7;
	v9 =	vadd.f32 v9, v45;
	[tilespmem:s25+$0xC20] =	vst v5;
	v5 =	vld [tilespmem:s25+$0x6810];
	v7 =	vmul.f32 v11, v52  }
0x1a1: {  	v11 =	vmul.f32 v44, v53;
	[tilespmem:s25+$0xC10] =	vst v1;
	v1 =	vld [tilespmem:s25+$0x6800];
	v3 =	vmul.f32 v3, v52;
	v10 =	vadd.f32 v10, v0  }
0x1a2: {  	[tilespmem:s25+$0xC00] =	vst v6;
	v4 =	vmul.f32 v4, v52;
	v6 =	vadd.f32 v7, v43;
	v7 =	vadd.f32 v12, v9;
	v9 =	vld [tilespmem:s25+$0x6470]  }
0x1a3: {  	v8 =	vmul.f32 v8, v52;
	v3 =	vadd.f32 v3, v41;
	[tilespmem:s25+$0x870] =	vst v10;
	v10 =	vld [tilespmem:s25+$0x6460]  }
0x1a4: {  	v13 =	vmul.f32 v42, v53;
	v2 =	vadd.f32 v4, v2;
	v4 =	vadd.f32 v11, v6;
	v6 =	vld [tilespmem:s25+$0x6450]  }
0x1a5: {  	v16 =	vld [tilespmem:$0x1FF70];
	v14 =	vmul.f32 v39, v53;
	v12 =	vmul.f32 v40, v53;
	[tilespmem:s25+$0x860] =	vst v7;
	v7 =	vadd.f32 v8, v38  }
0x1a6: {  	v18 =	vld [tilespmem:$0x1FF10];
	v5 =	vmul.f32 v5, v52;
	v3 =	vadd.f32 v13, v3;
	v11 =	vmul.f32 v1, v52  }
0x1a7: {  	v0 =	vld [tilespmem:s25+$0xD440];
	v13 =	vmul.f32 v37, v53;
	v7 =	vadd.f32 v14, v7;
	v9 =	vmul.f32 v9, v52  }
0x1a8: {  	v8 =	vld [tilespmem:s25+$0x6440];
	v2 =	vadd.f32 v12, v2;
	v5 =	vadd.f32 v5, v36;
	[tilespmem:s25+$0x840] =	vst v3;
	v10 =	vmul.f32 v10, v52  }
0x1a9: {  	v12 =	vmul.f32 v33, v53;
	v3 =	vld [tilespmem:s25+$0x6430];
	[tilespmem:s25+$0x820] =	vst v7;
	v6 =	vmul.f32 v6, v52;
	v7 =	vadd.f32 v9, v32  }
0x1aa: {  	v14 =	vmul.f32 v31, v53;
	[tilespmem:s25+$0x830] =	vst v2;
	v2 =	vld [tilespmem:s25+$0x6420];
	v5 =	vadd.f32 v13, v5;
	v10 =	vadd.f32 v10, v30  }
0x1ab: {  	v13 =	vmul.f32 v29, v53;
	v6 =	vadd.f32 v6, v28;
	v7 =	vadd.f32 v12, v7;
	v12 =	vld [tilespmem:$0x1FFB0]  }
0x1ac: {  	[tilespmem:s25+$0x850] =	vst v4;
	v4 =	vmul.f32 v35, v53;
	v11 =	vadd.f32 v11, v34;
	v10 =	vadd.f32 v14, v10;
	v14 =	vld [tilespmem:$0x1FFA0]  }
0x1ad: {  	v6 =	vadd.f32 v13, v6;
	v13 =	vld [tilespmem:$0x1FF90]  }
0x1ae: {  	v4 =	vadd.f32 v4, v11;
	v11 =	vld [tilespmem:s25+$0x6410]  }
0x1af: {  	v8 =	vmul.f32 v8, v52;
	[tilespmem:s25+$0x810] =	vst v5;
	v5 =	vld [tilespmem:s25+$0x6400]  }
0x1b0: {  	[tilespmem:s25+$0x800] =	vst v4;
	v4 =	vld [tilespmem:s25+$0x6070];
	v3 =	vmul.f32 v3, v52;
	v2 =	vmul.f32 v2, v52  }
0x1b1: {  	v15 =	vmul.f32 v15, v53;
	[tilespmem:s25+$0x470] =	vst v7;
	v7 =	vld [tilespmem:$0x1FF80];
	v8 =	vadd.f32 v8, v12  }
0x1b2: {  	v2 =	vadd.f32 v2, v16;
	v16 =	vld [tilespmem:$0x1FF40];
	v14 =	vmul.f32 v14, v53;
	v3 =	vadd.f32 v3, v13  }
0x1b3: {  	v8 =	vadd.f32 v15, v8;
	v15 =	vld [tilespmem:$0x1FF60]  }
0x1b4: {  	v3 =	vadd.f32 v14, v3;
	v14 =	vld [tilespmem:$0x1FF50]  }
0x1b5: {  	v5 =	vmul.f32 v5, v52;
	v13 =	vld [tilespmem:s25+$0x6050]  }
0x1b6: {  	[tilespmem:s25+$0x450] =	vst v6;
	v6 =	vld [tilespmem:s25+$0x6040];
	v7 =	vmul.f32 v7, v53  }
0x1b7: {  	v11 =	vmul.f32 v11, v52;
	v12 =	vld [tilespmem:s25+$0x6060];
	v5 =	vadd.f32 v5, v17;
	v16 =	vmul.f32 v16, v53  }
0x1b8: {  	v17 =	vld [tilespmem:$0x1FF00];
	v2 =	vadd.f32 v7, v2  }
0x1b9: {  	v5 =	vadd.f32 v16, v5;
	v16 =	vld [tilespmem:$0x1FED0];
	v15 =	vmul.f32 v15, v53;
	v11 =	vadd.f32 v11, v14  }
0x1ba: {  	v4 =	vmul.f32 v4, v52;
	[tilespmem:s25+$0x420] =	vst v2;
	v2 =	vmul.f32 v13, v52;
	v13 =	vld [tilespmem:$0x1FEF0]  }
0x1bb: {  	v11 =	vadd.f32 v15, v11;
	v15 =	vld [tilespmem:$0x1FEE0]  }
0x1bc: {  	v4 =	vadd.f32 v4, v18;
	v18 =	vld [tilespmem:$0x1FE60]  }
0x1bd: {  	v12 =	vmul.f32 v12, v52;
	v14 =	vld [tilespmem:$0x1FF20]  }
0x1be: {  	[tilespmem:s25+$0x440] =	vst v8;
	v8 =	vld [tilespmem:s25+$0x6010]  }
0x1bf: {  	v7 =	vld [tilespmem:s25+$0x6030];
	v17 =	vmul.f32 v17, v53;
	v12 =	vadd.f32 v12, v13  }
0x1c0: {  	[tilespmem:s25+$0x430] =	vst v3;
	v3 =	vld [tilespmem:s25+$0x6020];
	v2 =	vadd.f32 v2, v16;
	v15 =	vmul.f32 v15, v53  }
0x1c1: {  	v12 =	vadd.f32 v17, v12;
	v17 =	vld [tilespmem:$0x1FEB0]  }
0x1c2: {  	v14 =	vmul.f32 v14, v53;
	v2 =	vadd.f32 v15, v2;
	v15 =	vld [tilespmem:$0x1FEA0]  }
0x1c3: {  	v16 =	vld [tilespmem:$0x1FE90]  }
0x1c4: {  	v6 =	vmul.f32 v6, v52;
	v4 =	vadd.f32 v14, v4;
	v14 =	vld [tilespmem:$0x1FEC0]  }
0x1c5: {  	v7 =	vmul.f32 v7, v52;
	v13 =	vld [tilespmem:s25+$0x7440]  }
0x1c6: {  	v6 =	vadd.f32 v6, v17;
	v17 =	vld [tilespmem:$0x1FE80]  }
0x1c7: {  	[tilespmem:s25+$0x460] =	vst v10;
	v7 =	vadd.f32 v7, v15;
	v15 =	vld [tilespmem:$0x1FE50]  }
0x1c8: {  	v3 =	vmul.f32 v3, v52;
	[tilespmem:s25+$0x70] =	vst v4;
	v4 =	vld [tilespmem:s25+$0x1440]  }
0x1c9: {  	[tilespmem:s25+$0x410] =	vst v11;
	v11 =	vld [tilespmem:s25+$0x7450];
	v14 =	vmul.f32 v14, v53  }
0x1ca: {  	v1 =	vld [tilespmem:s25+$0xD450];
	[tilespmem:s25+$0x400] =	vst v5;
	v8 =	vmul.f32 v8, v52;
	v3 =	vadd.f32 v3, v18;
	v16 =	vmul.f32 v16, v53  }
0x1cb: {  	[tilespmem:s25+$0x50] =	vst v2;
	v2 =	vmul.f32 v13, v52;
	v6 =	vadd.f32 v14, v6;
	v14 =	vld [tilespmem:s25+$0x1450];
	v17 =	vmul.f32 v17, v53  }
0x1cc: {  	s29 =	sshrl.u32 s28, $0x3;
	v9 =	vld [tilespmem:s25+$0xD460];
	v8 =	vadd.f32 v8, v19;
	[tilespmem:s25+$0x60] =	vst v12;
	v7 =	vadd.f32 v16, v7;
	v15 =	vmul.f32 v15, v53  }
0x1cd: {  	s26 =	sadd.s32 $0x80, s26;
	s29 =	smul.u32 $0x1800, s29;
	v0 =	vmul.f32 v0, v53;
	v2 =	vadd.f32 v2, v4;
	[tilespmem:s25+$0x40] =	vst v6;
	v3 =	vadd.f32 v17, v3  }
0x1ce: {  	s30 =	sand.u32 $0x380, s26;
	v5 =	vld [tilespmem:s25+$0x7460];
	v4 =	vmul.f32 v11, v52;
	[tilespmem:s25+$0x30] =	vst v7;
	v8 =	vadd.f32 v15, v8  }
0x1cf: {  	s29 =	sor.u32 s30, s29;
	v13 =	vld [tilespmem:s25+$0x1460];
	v0 =	vadd.f32 v0, v2;
	[tilespmem:s25+$0x20] =	vst v3  }
0x1d0: {  	v1 =	vmul.f32 v1, v53;
	v2 =	vadd.f32 v4, v14;
	v4 =	vld [tilespmem:s29+$0xC000];
	[tilespmem:s25+$0x10] =	vst v8  }
0x1d1: {  	v3 =	vmul.f32 v9, v53;
	v9 =	vld [tilespmem:s29+$0x10];
	[tilespmem:s25+$0x1440] =	vst v0  }
0x1d2: {  	v0 =	vadd.f32 v1, v2;
	v1 =	vld [tilespmem:s29+$0xC010];
	_ =	sdelay $0x1  }
0x1d3: {  	v5 =	vmul.f32 v5, v52  }
0x1d4: {  	v12 =	vld [tilespmem:s25+$0x7470]  }
0x1d5: {  	v10 =	vld [tilespmem:s25+$0xD470];
	v5 =	vadd.f32 v5, v13  }
0x1d6: {  	v6 =	vld [tilespmem:s25+$0x1470];
	[tilespmem:$0x1FE50] =	vst v1  }
0x1d7: {  	v1 =	vadd.f32 v3, v5;
	v3 =	vld [tilespmem:s29+$0x20];
	[tilespmem:s25+$0x1450] =	vst v0  }
0x1d8: {  	v0 =	vld [tilespmem:s29+$0xC020]  }
0x1d9: {  	v18 =	vld [tilespmem:s25+$0x6000];
	v7 =	vmul.f32 v12, v52  }
0x1da: {  	v11 =	vld [tilespmem:s25+$0x0];
	v2 =	vmov v4  }
0x1db: {  	v8 =	vmul.f32 v10, v53;
	v10 =	vld [tilespmem:$0x1FE30];
	[tilespmem:$0x1FE30] =	vst v2;
	v5 =	vadd.f32 v7, v6  }
0x1dc: {  	[tilespmem:s25+$0x1460] =	vst v1  }
0x1dd: {  	v1 =	vld [tilespmem:s29+$0x30];
	[tilespmem:$0x1FE80] =	vst v0;
	v0 =	vadd.f32 v8, v5  }
0x1de: {  	[tilespmem:$0x1FE40] =	vst v9;
	v9 =	vmul.f32 v18, v52  }
0x1df: {  	v2 =	vld [tilespmem:s29+$0xC030];
	[tilespmem:s25+$0x1470] =	vst v0  }
0x1e0: {  	v10 =	vmul.f32 v10, v53;
	[tilespmem:$0x1FE60] =	vst v3;
	v3 =	vadd.f32 v9, v11;
	v0 =	vld [tilespmem:s29+$0x40];
	_ =	sdelay $0x1  }
0x1e1: {  	[tilespmem:$0x1FEA0] =	vst v1;
	v1 =	vadd.f32 v10, v3;
	_ =	sdelay $0x1  }
0x1e2: {  	[tilespmem:s25+$0x0] =	vst v1;
	s25 =	smov.u32 s29  }
0x1e3: {  	[tilespmem:$0x1FEB0] =	vst v0;
	v0 =	vld [tilespmem:s25+$0xC040];
	_ =	sdelay $0x4  }
0x1e4: {  	[tilespmem:$0x1FEC0] =	vst v0;
	v0 =	vld [tilespmem:s25+$0x50];
	_ =	sdelay $0x4  }
0x1e5: {  	[tilespmem:$0x1FED0] =	vst v0;
	v0 =	vld [tilespmem:s25+$0xC050];
	_ =	sdelay $0x4  }
0x1e6: {  	[tilespmem:$0x1FEE0] =	vst v0;
	v0 =	vld [tilespmem:s25+$0x60];
	_ =	sdelay $0x4  }
0x1e7: {  	[tilespmem:$0x1FEF0] =	vst v0;
	v0 =	vld [tilespmem:s25+$0xC060]  }
0x1e8: {  	v28 =	vld [tilespmem:s25+$0x450]  }
0x1e9: {  	v29 =	vld [tilespmem:s25+$0xC450]  }
0x1ea: {  	v30 =	vld [tilespmem:s25+$0x460]  }
0x1eb: {  	v31 =	vld [tilespmem:s25+$0xC460]  }
0x1ec: {  	[tilespmem:$0x1FF00] =	vst v0;
	v0 =	vld [tilespmem:s25+$0x70]  }
0x1ed: {  	v32 =	vld [tilespmem:s25+$0x470]  }
0x1ee: {  	v33 =	vld [tilespmem:s25+$0xC470]  }
0x1ef: {  	v34 =	vld [tilespmem:s25+$0x800]  }
0x1f0: {  	v35 =	vld [tilespmem:s25+$0xC800]  }
0x1f1: {  	[tilespmem:$0x1FF10] =	vst v0;
	v0 =	vld [tilespmem:s25+$0xC070]  }
0x1f2: {  	v36 =	vld [tilespmem:s25+$0x810]  }
0x1f3: {  	v37 =	vld [tilespmem:s25+$0xC810]  }
0x1f4: {  	v38 =	vld [tilespmem:s25+$0x820]  }
0x1f5: {  	v39 =	vld [tilespmem:s25+$0xC820]  }
0x1f6: {  	[tilespmem:$0x1FF20] =	vst v0;
	v0 =	vld [tilespmem:s25+$0x400]  }
0x1f7: {  	v40 =	vld [tilespmem:s25+$0xC830]  }
0x1f8: {  	v41 =	vld [tilespmem:s25+$0x840]  }
0x1f9: {  	v42 =	vld [tilespmem:s25+$0xC840]  }
0x1fa: {  	v43 =	vld [tilespmem:s25+$0x850]  }
0x1fb: {  	[tilespmem:$0x1FF30] =	vst v0;
	v0 =	vld [tilespmem:s25+$0xC400]  }
0x1fc: {  	v44 =	vld [tilespmem:s25+$0xC850]  }
0x1fd: {  	v45 =	vld [tilespmem:s25+$0x860]  }
0x1fe: {  	v46 =	vld [tilespmem:s25+$0xC860]  }
0x1ff: {  	v47 =	vld [tilespmem:s25+$0xC870]  }
0x200: {  	[tilespmem:$0x1FF40] =	vst v0;
	v0 =	vld [tilespmem:s25+$0x410]  }
0x201: {  	v48 =	vld [tilespmem:s25+$0xC00]  }
0x202: {  	v49 =	vld [tilespmem:s25+$0xCC00]  }
0x203: {  	v50 =	vld [tilespmem:s25+$0xCC10]  }
0x204: {  	v51 =	vld [tilespmem:s25+$0xC20]  }
0x205: {  	[tilespmem:$0x1FF50] =	vst v0;
	v0 =	vld [tilespmem:s25+$0xC410]  }
0x206: {  	v55 =	vld [tilespmem:s25+$0xCC20]  }
0x207: {  	v54 =	vld [tilespmem:s25+$0xC30]  }
0x208: {  	v56 =	vld [tilespmem:s25+$0xCC30]  }
0x209: {  	v57 =	vld [tilespmem:s25+$0xC40]  }
0x20a: {  	[tilespmem:$0x1FF60] =	vst v0;
	v0 =	vld [tilespmem:s25+$0x420]  }
0x20b: {  	v58 =	vld [tilespmem:s25+$0xCC40]  }
0x20c: {  	v59 =	vld [tilespmem:s25+$0xCC50]  }
0x20d: {  	v60 =	vld [tilespmem:s25+$0xC60]  }
0x20e: {  	v61 =	vld [tilespmem:s25+$0xCC60]  }
0x20f: {  	[tilespmem:$0x1FF70] =	vst v0;
	v0 =	vld [tilespmem:s25+$0xC420]  }
0x210: {  	v62 =	vld [tilespmem:s25+$0xCC70]  }
0x211: {  	v63 =	vld [tilespmem:s25+$0x1000]  }
0x212: {  	[tilespmem:$0x1FE90] =	vst v2;
	v2 =	vld [tilespmem:s25+$0x1010]  }
0x213: {  	v1 =	vld [tilespmem:s25+$0xD010]  }
0x214: {  	[tilespmem:$0x1FF80] =	vst v0;
	v0 =	vld [tilespmem:s25+$0x430]  }
0x215: {  	v3 =	vld [tilespmem:s25+$0x1020]  }
0x216: {  	v4 =	vld [tilespmem:s25+$0xD020]  }
0x217: {  	v5 =	vld [tilespmem:s25+$0xD030]  }
0x218: {  	v6 =	vld [tilespmem:s25+$0x1040]  }
0x219: {  	[tilespmem:$0x1FF90] =	vst v0;
	v0 =	vld [tilespmem:s25+$0xC430]  }
0x21a: {  	v7 =	vld [tilespmem:s25+$0xD040]  }
0x21b: {  	v8 =	vld [tilespmem:s25+$0xD050]  }
0x21c: {  	v9 =	vld [tilespmem:s25+$0x1060]  }
0x21d: {  	v10 =	vld [tilespmem:s25+$0xD060]  }
0x21e: {  	[tilespmem:$0x1FFA0] =	vst v0;
	v0 =	vld [tilespmem:s25+$0x440]  }
0x21f: {  	v11 =	vld [tilespmem:s25+$0x1070]  }
0x220: {  	v12 =	vld [tilespmem:s25+$0xD070]  }
0x221: {  	v13 =	vld [tilespmem:s25+$0x1400]  }
0x222: {  	v15 =	vld [tilespmem:s25+$0x1410]  }
0x223: {  	p0 =	sne.s32 s28, $0x1F;
	[tilespmem:$0x1FFB0] =	vst v0;
	v0 =	vld [tilespmem:s25+$0xC440]  }
.Ltmp0:
0x224: {  	v14 =	vld [tilespmem:s25+$0xD410];
	(pc) =	sbr.rel @p0 .LBB2_2-.Ltmp0, $4  }
0x225: {  	v17 =	vld [tilespmem:s25+$0xD430]  }
0x226: {  	v16 =	vld [tilespmem:s25+$0x7400]  }
0x227: {  	v18 =	vld [tilespmem:s25+$0x7410]  }
0x228: {  	s28 =	sadd.s32 $0x1, s28;
	[tilespmem:$0x1FFC0] =	vst v0;
	v0 =	vld [tilespmem:s25+$0xD000]  }
0x229: {  	s23 =	sadd.s32 $0x80, s23  }
0x22a: {  	v53 =	vld [tilespmem:s23+$0x0]  }
0x22b: {  	v20 =	vld [tilespmem:s25+$0x7430];
	s30 =	sadd.s32 $0x80, s24  }
0x22c: {  	v52 =	vld [tilespmem:s30+$0x0];
	_ =	sdelay $0x1  }
0x22d: {  	v21 =	vld [tilespmem:s25+$0x1430]  }
0x22e: {  	v18 =	vmul.f32 v18, v53  }
0x22f: {  	v26 =	vld [tilespmem:s25+$0x7060]  }
0x230: {  	v19 =	vld [tilespmem:s25+$0x7420];
	v20 =	vmul.f32 v20, v53;
	v14 =	vmul.f32 v14, v52;
	v15 =	vadd.f32 v18, v15  }
0x231: {  	v24 =	vld [tilespmem:s25+$0xD400]  }
0x232: {  	v20 =	vadd.f32 v20, v21;
	v21 =	vld [tilespmem:s25+$0x7040];
	v14 =	vadd.f32 v14, v15  }
0x233: {  	v22 =	vld [tilespmem:s25+$0x1420]  }
0x234: {  	v23 =	vld [tilespmem:s25+$0xD420];
	v16 =	vmul.f32 v16, v53;
	[tilespmem:s25+$0x1410] =	vst v14;
	v14 =	vmul.f32 v26, v53  }
0x235: {  	v27 =	vld [tilespmem:s25+$0x7050];
	v10 =	vmul.f32 v10, v52  }
0x236: {  	v25 =	vld [tilespmem:s25+$0x7070];
	v13 =	vadd.f32 v16, v13;
	v15 =	vmul.f32 v24, v52;
	v9 =	vadd.f32 v14, v9  }
0x237: {  	v19 =	vmul.f32 v19, v53;
	[tilespmem:$0x1F9E0] =	vst v21;
	v21 =	vld [tilespmem:s25+$0x1050]  }
0x238: {  	v17 =	vmul.f32 v17, v52;
	v13 =	vadd.f32 v15, v13;
	v9 =	vadd.f32 v10, v9;
	v10 =	vld [tilespmem:$0x1F9E0]  }
0x239: {  	v19 =	vadd.f32 v19, v22  }
0x23a: {  	v22 =	vld [tilespmem:s25+$0x7030];
	v17 =	vadd.f32 v17, v20;
	v20 =	vmul.f32 v23, v52;
	[tilespmem:s25+$0x1400] =	vst v13;
	v13 =	vmul.f32 v27, v53  }
0x23b: {  	v8 =	vmul.f32 v8, v52;
	v18 =	vld [tilespmem:s25+$0x7020]  }
0x23c: {  	v16 =	vmul.f32 v25, v53;
	v19 =	vadd.f32 v20, v19;
	[tilespmem:s25+$0x1430] =	vst v17;
	v17 =	vld [tilespmem:s25+$0x1030];
	v13 =	vadd.f32 v13, v21  }
0x23d: {  	v10 =	vmul.f32 v10, v53  }
0x23e: {  	v12 =	vmul.f32 v12, v52;
	v11 =	vadd.f32 v16, v11;
	[tilespmem:s25+$0x1420] =	vst v19;
	v19 =	vld [tilespmem:s25+$0x7010];
	v8 =	vadd.f32 v8, v13  }
0x23f: {  	v7 =	vmul.f32 v7, v52;
	v15 =	vld [tilespmem:s25+$0x7000];
	[tilespmem:s25+$0x1060] =	vst v9;
	v9 =	vmul.f32 v22, v53;
	v6 =	vadd.f32 v10, v6  }
0x240: {  	v11 =	vadd.f32 v12, v11;
	v12 =	vld [tilespmem:s25+$0x6C70];
	[tilespmem:s25+$0x1050] =	vst v8;
	v8 =	vmul.f32 v18, v53  }
0x241: {  	v5 =	vmul.f32 v5, v52;
	v14 =	vld [tilespmem:s25+$0x6C60];
	v6 =	vadd.f32 v7, v6;
	v7 =	vadd.f32 v9, v17  }
0x242: {  	v4 =	vmul.f32 v4, v52;
	[tilespmem:s25+$0x1070] =	vst v11;
	v11 =	vld [tilespmem:s25+$0xC70];
	v3 =	vadd.f32 v8, v3  }
0x243: {  	v10 =	vld [tilespmem:s25+$0x6C50];
	v5 =	vadd.f32 v5, v7;
	v7 =	vmul.f32 v19, v53  }
0x244: {  	v8 =	vld [tilespmem:s25+$0x6C30];
	v3 =	vadd.f32 v4, v3;
	v4 =	vmul.f32 v15, v53  }
0x245: {  	v1 =	vmul.f32 v1, v52;
	v9 =	vld [tilespmem:s25+$0x6C40];
	[tilespmem:s25+$0x1040] =	vst v6;
	v2 =	vadd.f32 v7, v2  }
0x246: {  	v0 =	vmul.f32 v0, v52;
	v6 =	vld [tilespmem:s25+$0xC50];
	v4 =	vadd.f32 v4, v63;
	[tilespmem:s25+$0x1030] =	vst v5  }
0x247: {  	v5 =	vld [tilespmem:s25+$0x6C20];
	[tilespmem:s25+$0x1020] =	vst v3;
	v3 =	vmul.f32 v12, v53;
	v1 =	vadd.f32 v1, v2  }
0x248: {  	v0 =	vadd.f32 v0, v4  }
0x249: {  	v4 =	vmul.f32 v62, v52;
	v3 =	vadd.f32 v3, v11;
	[tilespmem:s25+$0x1010] =	vst v1;
	v1 =	vmul.f32 v14, v53;
	_ =	sdelay $0x1  }
0x24a: {  	[tilespmem:s25+$0x1000] =	vst v0;
	v0 =	vmul.f32 v61, v52;
	v3 =	vadd.f32 v4, v3;
	v1 =	vadd.f32 v1, v60;
	_ =	sdelay $0x1  }
0x24b: {  	[tilespmem:s25+$0xC70] =	vst v3;
	v3 =	vmul.f32 v9, v53;
	v0 =	vadd.f32 v0, v1  }
0x24c: {  	v2 =	vld [tilespmem:s25+$0x6C10]  }
0x24d: {  	[tilespmem:s25+$0xC60] =	vst v0;
	v0 =	vadd.f32 v3, v57;
	v3 =	vmul.f32 v58, v52  }
0x24e: {  	v11 =	vld [tilespmem:s25+$0xC10];
	v4 =	vmul.f32 v10, v53  }
0x24f: {  	v7 =	vld [tilespmem:s25+$0x6C00];
	v0 =	vadd.f32 v3, v0;
	v3 =	vmul.f32 v5, v53  }
0x250: {  	v10 =	vld [tilespmem:s25+$0x6870];
	v1 =	vadd.f32 v4, v6;
	v4 =	vmul.f32 v59, v52  }
0x251: {  	v12 =	vmul.f32 v55, v52;
	v6 =	vld [tilespmem:s25+$0x6860];
	[tilespmem:s25+$0xC40] =	vst v0;
	v0 =	vmul.f32 v2, v53;
	v2 =	vadd.f32 v3, v51  }
0x252: {  	v8 =	vmul.f32 v8, v53;
	v1 =	vadd.f32 v4, v1;
	v4 =	vld [tilespmem:s25+$0x870]  }
0x253: {  	v13 =	vmul.f32 v50, v52;
	v0 =	vadd.f32 v0, v11;
	v2 =	vadd.f32 v12, v2  }
0x254: {  	v9 =	vld [tilespmem:s25+$0x6850];
	[tilespmem:s25+$0xC50] =	vst v1;
	v1 =	vmul.f32 v56, v52;
	v5 =	vadd.f32 v8, v54  }
0x255: {  	v8 =	vld [tilespmem:s25+$0x6840];
	v0 =	vadd.f32 v13, v0;
	[tilespmem:s25+$0xC20] =	vst v2;
	v2 =	vmul.f32 v10, v53  }
0x256: {  	v1 =	vadd.f32 v1, v5;
	v3 =	vld [tilespmem:s25+$0x6830];
	v5 =	vmul.f32 v7, v53  }
0x257: {  	v7 =	vld [tilespmem:s25+$0x6820];
	[tilespmem:s25+$0xC10] =	vst v0;
	v0 =	vmul.f32 v6, v53;
	v6 =	vmul.f32 v47, v52;
	v2 =	vadd.f32 v2, v4  }
0x258: {  	[tilespmem:s25+$0xC30] =	vst v1;
	v1 =	vld [tilespmem:s25+$0x830];
	v11 =	vmul.f32 v49, v52;
	v5 =	vadd.f32 v5, v48  }
0x259: {  	v2 =	vadd.f32 v6, v2;
	v6 =	vmul.f32 v9, v53  }
0x25a: {  	v8 =	vmul.f32 v8, v53;
	v5 =	vadd.f32 v11, v5  }
0x25b: {  	v10 =	vld [tilespmem:s25+$0x6810];
	v3 =	vmul.f32 v3, v53;
	[tilespmem:s25+$0x870] =	vst v2;
	v2 =	vmul.f32 v44, v52;
	v6 =	vadd.f32 v6, v43  }
0x25c: {  	v12 =	vmul.f32 v42, v52;
	v8 =	vadd.f32 v8, v41;
	v7 =	vmul.f32 v7, v53  }
0x25d: {  	v4 =	vld [tilespmem:s25+$0x6800];
	[tilespmem:s25+$0xC00] =	vst v5;
	v5 =	vmul.f32 v46, v52;
	v1 =	vadd.f32 v3, v1;
	v2 =	vadd.f32 v2, v6  }
0x25e: {  	v11 =	vadd.f32 v0, v45;
	v9 =	vld [tilespmem:s25+$0x6470];
	v6 =	vadd.f32 v12, v8;
	v12 =	vmul.f32 v40, v52  }
0x25f: {  	v3 =	vadd.f32 v7, v38;
	[tilespmem:s25+$0x850] =	vst v2;
	v2 =	vmul.f32 v39, v52  }
0x260: {  	v7 =	vmul.f32 v10, v53;
	v5 =	vadd.f32 v5, v11;
	v11 =	vld [tilespmem:s25+$0x6460];
	v1 =	vadd.f32 v12, v1  }
0x261: {  	v2 =	vadd.f32 v2, v3  }
0x262: {  	[tilespmem:s25+$0x830] =	vst v1;
	v1 =	vmul.f32 v4, v53;
	v3 =	vmul.f32 v37, v52;
	v4 =	vadd.f32 v7, v36  }
0x263: {  	[tilespmem:s25+$0x860] =	vst v5;
	v9 =	vmul.f32 v9, v53  }
0x264: {  	v5 =	vld [tilespmem:s25+$0x6450];
	[tilespmem:s25+$0x820] =	vst v2;
	v2 =	vmul.f32 v35, v52;
	v1 =	vadd.f32 v1, v34;
	v3 =	vadd.f32 v3, v4  }
0x265: {  	v11 =	vmul.f32 v11, v53  }
0x266: {  	v1 =	vadd.f32 v2, v1;
	[tilespmem:s25+$0x810] =	vst v3;
	v2 =	vmul.f32 v33, v52;
	v3 =	vadd.f32 v9, v32  }
0x267: {  	v13 =	vmul.f32 v31, v52;
	v11 =	vadd.f32 v11, v30  }
0x268: {  	v2 =	vadd.f32 v2, v3  }
0x269: {  	v8 =	vld [tilespmem:s25+$0x6440];
	[tilespmem:s25+$0x800] =	vst v1;
	v1 =	vmul.f32 v5, v53;
	v5 =	vadd.f32 v13, v11  }
0x26a: {  	[tilespmem:s25+$0x470] =	vst v2;
	v2 =	vld [tilespmem:$0x1FFC0]  }
0x26b: {  	[tilespmem:s25+$0x460] =	vst v5;
	v5 =	vld [tilespmem:$0x1FFB0];
	_ =	sdelay $0x1  }
0x26c: {  	v7 =	vld [tilespmem:s25+$0x6420]  }
0x26d: {  	v8 =	vmul.f32 v8, v53;
	v13 =	vmul.f32 v29, v52;
	v1 =	vadd.f32 v1, v28  }
0x26e: {  	v12 =	vld [tilespmem:s25+$0x6410]  }
0x26f: {  	v16 =	vld [tilespmem:$0x1FF50];
	v1 =	vadd.f32 v13, v1;
	v2 =	vmul.f32 v2, v52;
	v5 =	vadd.f32 v8, v5  }
0x270: {  	v10 =	vld [tilespmem:s25+$0x6430]  }
0x271: {  	[tilespmem:s25+$0x450] =	vst v1;
	v1 =	vmul.f32 v7, v53;
	v7 =	vld [tilespmem:$0x1FF90];
	v2 =	vadd.f32 v2, v5  }
0x272: {  	v5 =	vld [tilespmem:$0x1FFA0]  }
0x273: {  	[tilespmem:s25+$0x440] =	vst v2;
	v2 =	vmul.f32 v12, v53;
	v12 =	vld [tilespmem:$0x1FF70];
	_ =	sdelay $0x1  }
0x274: {  	v10 =	vmul.f32 v10, v53;
	v9 =	vld [tilespmem:s25+$0x6400];
	_ =	sdelay $0x1  }
0x275: {  	v7 =	vadd.f32 v10, v7;
	v2 =	vadd.f32 v2, v16;
	v16 =	vld [tilespmem:$0x1FF30];
	v5 =	vmul.f32 v5, v52  }
0x276: {  	v1 =	vadd.f32 v1, v12;
	v12 =	vld [tilespmem:$0x1FF60]  }
0x277: {  	v14 =	vld [tilespmem:$0x1FF80];
	v5 =	vadd.f32 v5, v7  }
0x278: {  	v3 =	vld [tilespmem:s25+$0x6070];
	v9 =	vmul.f32 v9, v53  }
0x279: {  	[tilespmem:s25+$0x430] =	vst v5;
	v5 =	vld [tilespmem:$0x1FF40]  }
0x27a: {  	v9 =	vadd.f32 v9, v16;
	v16 =	vld [tilespmem:$0x1FF10]  }
0x27b: {  	v15 =	vld [tilespmem:s25+$0x6030];
	v12 =	vmul.f32 v12, v52  }
0x27c: {  	v17 =	vld [tilespmem:$0x1FEA0]  }
0x27d: {  	v3 =	vmul.f32 v3, v53;
	v2 =	vadd.f32 v12, v2;
	v12 =	vld [tilespmem:$0x1FF20]  }
0x27e: {  	v11 =	vld [tilespmem:s25+$0x6060];
	v5 =	vmul.f32 v5, v52  }
0x27f: {  	v14 =	vmul.f32 v14, v52;
	v3 =	vadd.f32 v3, v16;
	v16 =	vld [tilespmem:$0x1FEF0]  }
0x280: {  	v5 =	vadd.f32 v5, v9;
	v9 =	vld [tilespmem:$0x1FF00]  }
0x281: {  	v18 =	vld [tilespmem:$0x1FE50];
	v15 =	vmul.f32 v15, v53;
	v1 =	vadd.f32 v14, v1  }
0x282: {  	v19 =	vld [tilespmem:$0x1FE60];
	v12 =	vmul.f32 v12, v52  }
0x283: {  	v15 =	vadd.f32 v15, v17;
	v17 =	vld [tilespmem:s25+$0x6000];
	[tilespmem:s25+$0x420] =	vst v1;
	v1 =	vmul.f32 v11, v53  }
0x284: {  	v0 =	vld [tilespmem:s25+$0xD440];
	v3 =	vadd.f32 v12, v3  }
0x285: {  	v13 =	vld [tilespmem:s25+$0x6050];
	v1 =	vadd.f32 v1, v16;
	v9 =	vmul.f32 v9, v52  }
0x286: {  	[tilespmem:s25+$0x70] =	vst v3;
	v3 =	vld [tilespmem:$0x1FEE0]  }
0x287: {  	v1 =	vadd.f32 v9, v1;
	v9 =	vld [tilespmem:$0x1FED0]  }
0x288: {  	[tilespmem:s25+$0x840] =	vst v6;
	v6 =	vld [tilespmem:s25+$0xD450]  }
0x289: {  	v4 =	vld [tilespmem:s25+$0xD460]  }
0x28a: {  	v8 =	vld [tilespmem:s25+$0xD470];
	[tilespmem:s25+$0x400] =	vst v5;
	v5 =	vmul.f32 v13, v53  }
0x28b: {  	v10 =	vld [tilespmem:s25+$0x6040]  }
0x28c: {  	v7 =	vld [tilespmem:s25+$0x6010];
	v3 =	vmul.f32 v3, v52;
	v5 =	vadd.f32 v5, v9  }
0x28d: {  	v13 =	vld [tilespmem:$0x1FEB0]  }
0x28e: {  	[tilespmem:s25+$0x60] =	vst v1;
	v1 =	vadd.f32 v3, v5;
	v5 =	vld [tilespmem:$0x1FEC0]  }
0x28f: {  	v14 =	vld [tilespmem:s25+$0x6020]  }
0x290: {  	[tilespmem:s25+$0x50] =	vst v1;
	v1 =	vld [tilespmem:$0x1FE90]  }
0x291: {  	v10 =	vmul.f32 v10, v53;
	v11 =	vld [tilespmem:s25+$0x7440]  }
0x292: {  	[tilespmem:s25+$0x410] =	vst v2;
	v2 =	vld [tilespmem:s25+$0x7450]  }
0x293: {  	v16 =	vld [tilespmem:$0x1FE80];
	v10 =	vadd.f32 v10, v13;
	v5 =	vmul.f32 v5, v52  }
0x294: {  	v13 =	vld [tilespmem:s25+$0x1450]  }
0x295: {  	v9 =	vld [tilespmem:s25+$0x1440];
	v1 =	vmul.f32 v1, v52;
	v5 =	vadd.f32 v5, v10  }
0x296: {  	v12 =	vld [tilespmem:s25+$0x7460]  }
0x297: {  	v2 =	vmul.f32 v2, v53;
	[tilespmem:s25+$0x40] =	vst v5;
	v5 =	vld [tilespmem:$0x1FE40];
	v1 =	vadd.f32 v1, v15  }
0x298: {  	v11 =	vmul.f32 v11, v53;
	v3 =	vld [tilespmem:s25+$0x7470]  }
0x299: {  	v6 =	vmul.f32 v6, v52;
	v14 =	vmul.f32 v14, v53;
	v10 =	vld [tilespmem:s25+$0x1460];
	[tilespmem:s25+$0x30] =	vst v1;
	v1 =	vadd.f32 v2, v13  }
0x29a: {  	v0 =	vmul.f32 v0, v52;
	v7 =	vmul.f32 v7, v53;
	v9 =	vadd.f32 v11, v9;
	v11 =	vld [tilespmem:s25+$0x0]  }
0x29b: {  	v14 =	vadd.f32 v14, v19;
	v16 =	vmul.f32 v16, v52;
	v1 =	vadd.f32 v6, v1;
	v6 =	vld [tilespmem:$0x1FE30]  }
0x29c: {  	v18 =	vmul.f32 v18, v52;
	v12 =	vmul.f32 v12, v53;
	v5 =	vadd.f32 v7, v5;
	v7 =	vld [tilespmem:s25+$0x1470]  }
0x29d: {  	v14 =	vadd.f32 v16, v14;
	v0 =	vadd.f32 v0, v9;
	v9 =	vmul.f32 v17, v53  }
0x29e: {  	v2 =	vmul.f32 v3, v53;
	v3 =	vmul.f32 v4, v52;
	v4 =	vadd.f32 v12, v10  }
0x29f: {  	[tilespmem:s25+$0x20] =	vst v14;
	v5 =	vadd.f32 v18, v5  }
0x2a0: {  	[tilespmem:s25+$0x1440] =	vst v0;
	v0 =	vadd.f32 v3, v4;
	v3 =	vadd.f32 v9, v11;
	v6 =	vmul.f32 v6, v52  }
0x2a1: {  	[tilespmem:s25+$0x10] =	vst v5;
	v5 =	vmul.f32 v8, v52;
	v2 =	vadd.f32 v2, v7  }
0x2a2: {  	[tilespmem:s25+$0x1460] =	vst v0;
	v0 =	vadd.f32 v6, v3  }
0x2a3: {  	[tilespmem:s25+$0x1450] =	vst v1;
	v1 =	vadd.f32 v5, v2  }
0x2a4: {  	[tilespmem:s25+$0x0] =	vst v0  }
0x2a5: {  	[tilespmem:s25+$0x1470] =	vst v1;
	s25 =	simm.s32 $0x0  }
0x2a6: {  	[hbm4b:s11+s25] =	stream.linear.scatter [tilespmem:s25], [sflag:$0x3], $0x6000, $0x38;
	[tilespmem:$0x14100] =	vst v63  }
0x2a7: {  	_ =	swait.ge [sflag:s20], $0x6000  }
0x2a8: {  	[sflag:s20] =	ssyncset.done $0x0  }
0x2a9: {  	s24 =	simm.s32 $0x12000;
	[sflag:s20] =	ssyncadd.s32 $0xFFFFA000  }
0x2aa: {  	[tilespmem:s24], [sflag:$0x3] =	stream.linear.gather [hbm4b:s12+s25], $0x20, $0x38;
	[tilespmem:$0x14100] =	vst v63  }
0x2ab: {  	_ =	swait.ge [sflag:s20], $0x20  }
0x2ac: {  	[sflag:s20] =	ssyncset.done $0x0  }
0x2ad: {  	s26 =	simm.s32 $0x12080;
	[sflag:s20] =	ssyncadd.s32 $0xFFFFFFE0  }
0x2ae: {  	[tilespmem:s26], [sflag:$0x3] =	stream.linear.gather [hbm4b:s13+s25], $0x20, $0x38;
	[tilespmem:$0x14100] =	vst v63  }
0x2af: {  	_ =	swait.ge [sflag:s20], $0x20  }
0x2b0: {  	[sflag:s20] =	ssyncset.done $0x0  }
0x2b1: {  	[sflag:s20] =	ssyncadd.s32 $0xFFFFFFE0  }
0x2b2: {  	[tilespmem:s25], [sflag:$0x3] =	stream.linear.gather [hbm4b:s14+s25], $0x6000, $0x38;
	[tilespmem:$0x14100] =	vst v63  }
0x2b3: {  	_ =	swait.ge [sflag:s20], $0x6000  }
0x2b4: {  	[sflag:s20] =	ssyncset.done $0x0  }
0x2b5: {  	s23 =	simm.s32 $0x12100;
	[sflag:s20] =	ssyncadd.s32 $0xFFFFA000  }
0x2b6: {  	[tilespmem:s23], [sflag:$0x3] =	stream.linear.gather [hbm4b:s15+s25], $0x1000, $0x38;
	[tilespmem:$0x14100] =	vst v63  }
0x2b7: {  	_ =	swait.ge [sflag:s20], $0x1000  }
0x2b8: {  	[sflag:s20] =	ssyncset.done $0x0  }
0x2b9: {  	s24 =	simm.s32 $0x13100;
	[sflag:s20] =	ssyncadd.s32 $0xFFFFF000  }
0x2ba: {  	[tilespmem:s24], [sflag:$0x3] =	stream.linear.gather [hbm4b:s16+s25], $0x1000, $0x38;
	[tilespmem:$0x14100] =	vst v63  }
0x2bb: {  	_ =	swait.ge [sflag:s20], $0x1000  }
0x2bc: {  	[sflag:s20] =	ssyncset.done $0x0  }
0x2bd: {  	[sflag:s20] =	ssyncadd.s32 $0xFFFFF000  }
0x2be: {  	v0 =	vld [tilespmem:$0x12000];
	_ =	sdelay $0x3  }
0x2bf: {  	v2 =	vld [tilespmem:$0x1FFD0]  }
0x2c0: {  	v1 =	vshrl.u32 v0, $0x3  }
0x2c1: {  	v3 =	vld [tilespmem:$0x1FFE0];
	v1 =	vmul.u32 $0x30, v1  }
0x2c2: {  	v0 =	vand.u32 $0x7, v0  }
0x2c3: {  	v0 =	vor.u32 v0, v1  }
0x2c4: {  	v1 =	vperm.xlane v0, v2  }
0x2c5: {  	v4 =	vld [tilespmem:$0x1FFF0]  }
0x2c6: {  	v1 =	vadd.s32 v3, v1;
	_ =	sdelay $0x3  }
0x2c7: {  	s26 =	simm.s32 $0x6000;
	v0 =	vperm.xlane v0, v4  }
0x2c8: {  	[tilespmem:s26], [sflag:$0x1] =	stream.indirect_vreg.gather [hbm4b:s3+s25], $0x80, v1, vm0, $0xb8;
	[tilespmem:$0x14100] =	vst v63  }
0x2c9: {  	s29 =	simm.s32 $0x6800;
	v0 =	vadd.s32 v3, v0  }
0x2ca: {  	[tilespmem:s29], [sflag:$0x1] =	stream.indirect_vreg.gather [hbm4b:s9+s25], $0x80, v1, vm0, $0xb8;
	[tilespmem:$0x14100] =	vst v63  }
0x2cb: {  	s30 =	simm.s32 $0x7000  }
0x2cc: {  	[tilespmem:s30], [sflag:$0x1] =	stream.indirect_vreg.gather [hbm4b:s10+s25], $0x80, v1, vm0, $0xb8;
	[tilespmem:$0x14100] =	vst v63  }
0x2cd: {  	s29 =	simm.s32 $0x7800  }
0x2ce: {  	[tilespmem:s29], [sflag:$0x1] =	stream.indirect_vreg.gather [hbm4b:s3+s25], $0x80, v0, vm0, $0xb8;
	[tilespmem:$0x14100] =	vst v63  }
0x2cf: {  	s30 =	simm.s32 $0x8000  }
0x2d0: {  	[tilespmem:s30], [sflag:$0x1] =	stream.indirect_vreg.gather [hbm4b:s9+s25], $0x80, v0, vm0, $0xb8;
	[tilespmem:$0x14100] =	vst v63  }
0x2d1: {  	s29 =	simm.s32 $0x8800  }
0x2d2: {  	[tilespmem:s29], [sflag:$0x1] =	stream.indirect_vreg.gather [hbm4b:s10+s25], $0x80, v0, vm0, $0xb8;
	[tilespmem:$0x14100] =	vst v63  }
0x2d3: {  	v0 =	vld [tilespmem:$0x12010];
	_ =	sdelay $0x4  }
0x2d4: {  	v1 =	vshrl.u32 v0, $0x3  }
0x2d5: {  	v1 =	vmul.u32 $0x30, v1  }
0x2d6: {  	v0 =	vand.u32 $0x7, v0  }
0x2d7: {  	v0 =	vor.u32 v0, v1  }
0x2d8: {  	v1 =	vperm.xlane v0, v2;
	_ =	sdelay $0x1  }
0x2d9: {  	v1 =	vadd.s32 v3, v1;
	_ =	sdelay $0x3  }
0x2da: {  	s30 =	simm.s32 $0x9000;
	v0 =	vperm.xlane v0, v4  }
0x2db: {  	[tilespmem:s30], [sflag:$0x1] =	stream.indirect_vreg.gather [hbm4b:s3+s25], $0x80, v1, vm0, $0xb8;
	[tilespmem:$0x14100] =	vst v63  }
0x2dc: {  	s29 =	simm.s32 $0x9800;
	v0 =	vadd.s32 v3, v0  }
0x2dd: {  	[tilespmem:s29], [sflag:$0x1] =	stream.indirect_vreg.gather [hbm4b:s9+s25], $0x80, v1, vm0, $0xb8;
	[tilespmem:$0x14100] =	vst v63  }
0x2de: {  	s30 =	simm.s32 $0xA000  }
0x2df: {  	[tilespmem:s30], [sflag:$0x1] =	stream.indirect_vreg.gather [hbm4b:s10+s25], $0x80, v1, vm0, $0xb8;
	[tilespmem:$0x14100] =	vst v63  }
0x2e0: {  	s29 =	simm.s32 $0xA800  }
0x2e1: {  	[tilespmem:s29], [sflag:$0x1] =	stream.indirect_vreg.gather [hbm4b:s3+s25], $0x80, v0, vm0, $0xb8;
	[tilespmem:$0x14100] =	vst v63  }
0x2e2: {  	s30 =	simm.s32 $0xB000  }
0x2e3: {  	[tilespmem:s30], [sflag:$0x1] =	stream.indirect_vreg.gather [hbm4b:s9+s25], $0x80, v0, vm0, $0xb8;
	[tilespmem:$0x14100] =	vst v63  }
0x2e4: {  	s29 =	simm.s32 $0xB800  }
0x2e5: {  	[tilespmem:s29], [sflag:$0x1] =	stream.indirect_vreg.gather [hbm4b:s10+s25], $0x80, v0, vm0, $0xb8;
	[tilespmem:$0x14100] =	vst v63  }
0x2e6: {  	v0 =	vld [tilespmem:$0x12080];
	_ =	sdelay $0x4  }
0x2e7: {  	v1 =	vshrl.u32 v0, $0x3  }
0x2e8: {  	v1 =	vmul.u32 $0x30, v1  }
0x2e9: {  	v0 =	vand.u32 $0x7, v0  }
0x2ea: {  	v0 =	vor.u32 v0, v1  }
0x2eb: {  	v1 =	vperm.xlane v0, v2;
	_ =	sdelay $0x1  }
0x2ec: {  	v1 =	vadd.s32 v3, v1;
	_ =	sdelay $0x3  }
0x2ed: {  	s30 =	simm.s32 $0xC000;
	v0 =	vperm.xlane v0, v4  }
0x2ee: {  	[tilespmem:s30], [sflag:$0x2] =	stream.indirect_vreg.gather [hbm4b:s3+s25], $0x80, v1, vm0, $0xb8;
	[tilespmem:$0x14100] =	vst v63  }
0x2ef: {  	s29 =	simm.s32 $0xC800;
	v0 =	vadd.s32 v3, v0  }
0x2f0: {  	[tilespmem:s29], [sflag:$0x2] =	stream.indirect_vreg.gather [hbm4b:s9+s25], $0x80, v1, vm0, $0xb8;
	[tilespmem:$0x14100] =	vst v63  }
0x2f1: {  	s30 =	simm.s32 $0xD000  }
0x2f2: {  	[tilespmem:s30], [sflag:$0x2] =	stream.indirect_vreg.gather [hbm4b:s10+s25], $0x80, v1, vm0, $0xb8;
	[tilespmem:$0x14100] =	vst v63  }
0x2f3: {  	s29 =	simm.s32 $0xD800  }
0x2f4: {  	[tilespmem:s29], [sflag:$0x2] =	stream.indirect_vreg.gather [hbm4b:s3+s25], $0x80, v0, vm0, $0xb8;
	[tilespmem:$0x14100] =	vst v63  }
0x2f5: {  	s30 =	simm.s32 $0xE000  }
0x2f6: {  	[tilespmem:s30], [sflag:$0x2] =	stream.indirect_vreg.gather [hbm4b:s9+s25], $0x80, v0, vm0, $0xb8;
	[tilespmem:$0x14100] =	vst v63  }
0x2f7: {  	s29 =	simm.s32 $0xE800  }
0x2f8: {  	[tilespmem:s29], [sflag:$0x2] =	stream.indirect_vreg.gather [hbm4b:s10+s25], $0x80, v0, vm0, $0xb8;
	[tilespmem:$0x14100] =	vst v63  }
0x2f9: {  	v0 =	vld [tilespmem:$0x12090];
	_ =	sdelay $0x4  }
0x2fa: {  	v1 =	vshrl.u32 v0, $0x3  }
0x2fb: {  	v1 =	vmul.u32 $0x30, v1  }
0x2fc: {  	v0 =	vand.u32 $0x7, v0  }
0x2fd: {  	v0 =	vor.u32 v0, v1  }
0x2fe: {  	v1 =	vperm.xlane v0, v2;
	_ =	sdelay $0x1  }
0x2ff: {  	v1 =	vadd.s32 v3, v1;
	_ =	sdelay $0x3  }
0x300: {  	s30 =	simm.s32 $0xF000;
	v0 =	vperm.xlane v0, v4  }
0x301: {  	[tilespmem:s30], [sflag:$0x2] =	stream.indirect_vreg.gather [hbm4b:s3+s25], $0x80, v1, vm0, $0xb8;
	[tilespmem:$0x14100] =	vst v63  }
0x302: {  	s29 =	simm.s32 $0xF800;
	v0 =	vadd.s32 v3, v0  }
0x303: {  	[tilespmem:s29], [sflag:$0x2] =	stream.indirect_vreg.gather [hbm4b:s9+s25], $0x80, v1, vm0, $0xb8;
	[tilespmem:$0x14100] =	vst v63  }
0x304: {  	s30 =	simm.s32 $0x10000  }
0x305: {  	[tilespmem:s30], [sflag:$0x2] =	stream.indirect_vreg.gather [hbm4b:s10+s25], $0x80, v1, vm0, $0xb8;
	[tilespmem:$0x14100] =	vst v63  }
0x306: {  	_ = 	snop  }
0x307: {  	[tilespmem:s31], [sflag:$0x2] =	stream.indirect_vreg.gather [hbm4b:s3+s25], $0x80, v0, vm0, $0xb8;
	[tilespmem:$0x14100] =	vst v63  }
0x308: {  	_ = 	snop  }
0x309: {  	[tilespmem:s0], [sflag:$0x2] =	stream.indirect_vreg.gather [hbm4b:s9+s25], $0x80, v0, vm0, $0xb8;
	[tilespmem:$0x14100] =	vst v63  }
0x30a: {  	_ = 	snop  }
0x30b: {  	[tilespmem:s1], [sflag:$0x2] =	stream.indirect_vreg.gather [hbm4b:s10+s25], $0x80, v0, vm0, $0xb8;
	[tilespmem:$0x14100] =	vst v63  }
0x30c: {  	_ =	swait.ge [sflag:s19], $0x6000  }
0x30d: {  	[sflag:s19] =	ssyncset.done $0x0  }
0x30e: {  	s29 =	simm.s32 $0x0;
	[sflag:s19] =	ssyncadd.s32 $0xFFFFA000  }
0x30f: {  	s26 =	smul.u32 $0x1800, s29;
	_ =	swait.ge [sflag:s21], $0x6000  }
0x310: {  	s25 =	sand.u32 $0x380, s25;
	[sflag:s21] =	ssyncset.done $0x0  }
0x311: {  	s28 =	sor.u32 s25, s26;
	[sflag:s21] =	ssyncadd.s32 $0xFFFFA000  }
0x312: {  	v0 =	vld [tilespmem:s28+$0xC000];
	_ =	sdelay $0x4  }
0x313: {  	[tilespmem:$0x1FB80] =	vst v0;
	v0 =	vld [tilespmem:s28+$0x10];
	_ =	sdelay $0x4  }
0x314: {  	[tilespmem:$0x1FB30] =	vst v0;
	v0 =	vld [tilespmem:s28+$0xC010];
	_ =	sdelay $0x4  }
0x315: {  	[tilespmem:$0x1FB20] =	vst v0;
	v0 =	vld [tilespmem:s28+$0x20];
	_ =	sdelay $0x4  }
0x316: {  	[tilespmem:$0x1FB10] =	vst v0;
	v0 =	vld [tilespmem:s28+$0xC020];
	_ =	sdelay $0x4  }
0x317: {  	[tilespmem:$0x1FAF0] =	vst v0;
	v0 =	vld [tilespmem:s28+$0x30];
	_ =	sdelay $0x4  }
0x318: {  	[tilespmem:$0x1FB00] =	vst v0;
	v0 =	vld [tilespmem:s28+$0xC030];
	_ =	sdelay $0x4  }
0x319: {  	[tilespmem:$0x1FAD0] =	vst v0;
	v0 =	vld [tilespmem:s28+$0x40];
	_ =	sdelay $0x4  }
0x31a: {  	[tilespmem:$0x1FAE0] =	vst v0;
	v0 =	vld [tilespmem:s28+$0xC040]  }
0x31b: {  	v27 =	vld [tilespmem:s28+$0xC430]  }
0x31c: {  	v28 =	vld [tilespmem:s28+$0x440]  }
0x31d: {  	v30 =	vld [tilespmem:s28+$0xC440]  }
0x31e: {  	v29 =	vld [tilespmem:s28+$0x450]  }
0x31f: {  	[tilespmem:$0x1FAB0] =	vst v0;
	v0 =	vld [tilespmem:s28+$0x50]  }
0x320: {  	v26 =	vld [tilespmem:s28+$0xC450]  }
0x321: {  	v31 =	vld [tilespmem:s28+$0xC460]  }
0x322: {  	v25 =	vld [tilespmem:s28+$0x470]  }
0x323: {  	v24 =	vld [tilespmem:s28+$0xC470]  }
0x324: {  	[tilespmem:$0x1FAC0] =	vst v0;
	v0 =	vld [tilespmem:s28+$0xC050]  }
0x325: {  	v32 =	vld [tilespmem:s28+$0x800]  }
0x326: {  	v34 =	vld [tilespmem:s28+$0xC800]  }
0x327: {  	v33 =	vld [tilespmem:s28+$0x810]  }
0x328: {  	v35 =	vld [tilespmem:s28+$0x820]  }
0x329: {  	[tilespmem:$0x1FAA0] =	vst v0;
	v0 =	vld [tilespmem:s28+$0x60]  }
0x32a: {  	v37 =	vld [tilespmem:s28+$0xC830]  }
0x32b: {  	v38 =	vld [tilespmem:s28+$0x840]  }
0x32c: {  	v40 =	vld [tilespmem:s28+$0xC840]  }
0x32d: {  	v39 =	vld [tilespmem:s28+$0x850]  }
0x32e: {  	[tilespmem:$0x1FA90] =	vst v0;
	v0 =	vld [tilespmem:s28+$0xC060]  }
0x32f: {  	v41 =	vld [tilespmem:s28+$0xC850]  }
0x330: {  	v42 =	vld [tilespmem:s28+$0x860]  }
0x331: {  	v43 =	vld [tilespmem:s28+$0xC860]  }
0x332: {  	v44 =	vld [tilespmem:s28+$0xC870]  }
0x333: {  	[tilespmem:$0x1FA70] =	vst v0;
	v0 =	vld [tilespmem:s28+$0x70]  }
0x334: {  	v46 =	vld [tilespmem:s28+$0xC00]  }
0x335: {  	v45 =	vld [tilespmem:s28+$0xCC00]  }
0x336: {  	v47 =	vld [tilespmem:s28+$0xCC10]  }
0x337: {  	v49 =	vld [tilespmem:s28+$0xC20]  }
0x338: {  	[tilespmem:$0x1FA80] =	vst v0;
	v0 =	vld [tilespmem:s28+$0xC070]  }
0x339: {  	v48 =	vld [tilespmem:s28+$0xCC20]  }
0x33a: {  	v50 =	vld [tilespmem:s28+$0xC30]  }
0x33b: {  	v51 =	vld [tilespmem:s28+$0xCC30]  }
0x33c: {  	v52 =	vld [tilespmem:s28+$0xC40]  }
0x33d: {  	[tilespmem:$0x1FA50] =	vst v0;
	v0 =	vld [tilespmem:s28+$0x400]  }
0x33e: {  	v53 =	vld [tilespmem:s28+$0xCC40]  }
0x33f: {  	v54 =	vld [tilespmem:s28+$0xCC50]  }
0x340: {  	v55 =	vld [tilespmem:s28+$0xC60]  }
0x341: {  	v56 =	vld [tilespmem:s28+$0xCC60]  }
0x342: {  	[tilespmem:$0x1FA60] =	vst v0;
	v0 =	vld [tilespmem:s28+$0xC400]  }
0x343: {  	v57 =	vld [tilespmem:s28+$0xCC70]  }
0x344: {  	v58 =	vld [tilespmem:s28+$0x1000]  }
0x345: {  	v59 =	vld [tilespmem:s28+$0xD000]  }
0x346: {  	v60 =	vld [tilespmem:s28+$0x1010]  }
0x347: {  	[tilespmem:$0x1FA30] =	vst v0;
	v0 =	vld [tilespmem:s28+$0x410]  }
0x348: {  	v61 =	vld [tilespmem:s28+$0xD010]  }
0x349: {  	v62 =	vld [tilespmem:s28+$0x1020]  }
0x34a: {  	v63 =	vld [tilespmem:s28+$0xD020]  }
0x34b: {  	v23 =	vld [tilespmem:s28+$0xD030]  }
0x34c: {  	[tilespmem:$0x1FA40] =	vst v0;
	v0 =	vld [tilespmem:s28+$0xC410]  }
0x34d: {  	v21 =	vld [tilespmem:s28+$0x1040]  }
0x34e: {  	v20 =	vld [tilespmem:s28+$0xD050]  }
0x34f: {  	v18 =	vld [tilespmem:s28+$0x1060]  }
0x350: {  	v19 =	vld [tilespmem:s28+$0xD060]  }
0x351: {  	[tilespmem:$0x1FA10] =	vst v0;
	v0 =	vld [tilespmem:s28+$0x420]  }
0x352: {  	v14 =	vld [tilespmem:s28+$0x1070]  }
0x353: {  	v17 =	vld [tilespmem:s28+$0xD070]  }
0x354: {  	v13 =	vld [tilespmem:s28+$0x1400]  }
0x355: {  	v10 =	vld [tilespmem:s28+$0x1410]  }
0x356: {  	[tilespmem:$0x1FA20] =	vst v0;
	v0 =	vld [tilespmem:s28+$0xC420]  }
0x357: {  	v11 =	vld [tilespmem:s28+$0xD410]  }
0x358: {  	v9 =	vld [tilespmem:s28+$0xD430]  }
0x359: {  	v4 =	vld [tilespmem:s28+$0x7400]  }
0x35a: {  	v2 =	vld [tilespmem:s28+$0x7410]  }
0x35b: {  	[tilespmem:$0x1F9F0] =	vst v0;
	v0 =	vld [tilespmem:s28+$0x430]  }
0x35c: {  	v3 =	vld [tilespmem:s28+$0x7420]  }
0x35d: {  	v1 =	vld [tilespmem:s28+$0x1430]  }
0x35e: {  	v16 =	vld [tilespmem:s23+$0x0]  }
0x35f: {  	v5 =	vld [tilespmem:s28+$0x1420]  }
0x360: {  	[tilespmem:$0x1FA00] =	vst v0;
	v0 =	vld [tilespmem:s28+$0x7430]  }
0x361: {  	v15 =	vld [tilespmem:s24+$0x0]  }
0x362: {  	v6 =	vld [tilespmem:s28+$0xD420]  }
0x363: {  	v7 =	vld [tilespmem:s28+$0x7070]  }
0x364: {  	v8 =	vld [tilespmem:s28+$0x7060];
	v2 =	vmul.f32 v2, v16  }
0x365: {  	v12 =	vld [tilespmem:s28+$0xD400];
	v0 =	vmul.f32 v0, v16  }
0x366: {  	v2 =	vadd.f32 v2, v10;
	v10 =	vmul.f32 v11, v15;
	v11 =	vld [tilespmem:s28+$0x7040]  }
0x367: {  	v0 =	vadd.f32 v0, v1;
	v1 =	vmul.f32 v3, v16;
	v3 =	vmul.f32 v4, v16;
	v4 =	vld [tilespmem:s28+$0x7050]  }
0x368: {  	v9 =	vmul.f32 v9, v15;
	v7 =	vmul.f32 v7, v16;
	v2 =	vadd.f32 v10, v2;
	v10 =	vld [tilespmem:s28+$0x7020]  }
0x369: {  	v8 =	vmul.f32 v8, v16;
	v1 =	vadd.f32 v1, v5;
	v5 =	vmul.f32 v6, v15;
	v6 =	vld [tilespmem:s28+$0x1050]  }
0x36a: {  	v7 =	vadd.f32 v7, v14;
	v14 =	vmul.f32 v20, v15;
	v0 =	vadd.f32 v9, v0;
	v9 =	vld [tilespmem:s28+$0x7030]  }
0x36b: {  	v22 =	vld [tilespmem:s28+$0xD040];
	v3 =	vadd.f32 v3, v13;
	v1 =	vadd.f32 v5, v1;
	v5 =	vmul.f32 v12, v15  }
0x36c: {  	v13 =	vld [tilespmem:s28+$0x1030];
	v12 =	vmul.f32 v17, v15;
	v4 =	vmul.f32 v4, v16  }
0x36d: {  	v3 =	vadd.f32 v5, v3;
	v5 =	vadd.f32 v8, v18;
	v8 =	vmul.f32 v11, v16;
	v11 =	vld [tilespmem:s28+$0x7010]  }
0x36e: {  	v4 =	vadd.f32 v4, v6;
	v6 =	vadd.f32 v12, v7;
	v7 =	vmul.f32 v19, v15;
	v12 =	vld [tilespmem:s28+$0x7000]  }
0x36f: {  	v10 =	vmul.f32 v10, v16;
	v17 =	vld [tilespmem:s28+$0x6C70];
	v9 =	vmul.f32 v9, v16  }
0x370: {  	v18 =	vld [tilespmem:s28+$0x6C60];
	v8 =	vadd.f32 v8, v21;
	v5 =	vadd.f32 v7, v5;
	v7 =	vmul.f32 v22, v15  }
0x371: {  	v4 =	vadd.f32 v14, v4;
	v9 =	vadd.f32 v9, v13;
	v13 =	vmul.f32 v23, v15;
	v14 =	vld [tilespmem:s28+$0xC70]  }
0x372: {  	v7 =	vadd.f32 v7, v8;
	v8 =	vadd.f32 v10, v62;
	v10 =	vmul.f32 v11, v16;
	v11 =	vld [tilespmem:s28+$0x6C50]  }
0x373: {  	v19 =	vld [tilespmem:s28+$0x6C40];
	v9 =	vadd.f32 v13, v9;
	v13 =	vmul.f32 v63, v15;
	v12 =	vmul.f32 v12, v16  }
0x374: {  	v20 =	vmul.f32 v61, v15;
	v17 =	vmul.f32 v17, v16;
	v63 =	vld [tilespmem:s28+$0xC50];
	v10 =	vadd.f32 v10, v60  }
0x375: {  	v8 =	vadd.f32 v13, v8;
	v13 =	vmul.f32 v18, v16;
	v18 =	vld [tilespmem:s28+$0x6C30];
	v12 =	vadd.f32 v12, v58  }
0x376: {  	v14 =	vadd.f32 v17, v14;
	v17 =	vmul.f32 v59, v15;
	v10 =	vadd.f32 v20, v10;
	v20 =	vld [tilespmem:s28+$0x6C20]  }
0x377: {  	v57 =	vmul.f32 v57, v15;
	[tilespmem:s28+$0x1410] =	vst v2;
	v58 =	vld [tilespmem:s28+$0x6C10];
	v13 =	vadd.f32 v13, v55;
	v11 =	vmul.f32 v11, v16  }
0x378: {  	[tilespmem:s28+$0x1430] =	vst v0;
	v0 =	vadd.f32 v17, v12;
	v12 =	vmul.f32 v56, v15;
	v17 =	vmul.f32 v19, v16;
	v19 =	vld [tilespmem:s28+$0x6C00]  }
0x379: {  	[tilespmem:s28+$0x1420] =	vst v1;
	v60 =	vld [tilespmem:s28+$0x870];
	v1 =	vadd.f32 v57, v14;
	v14 =	vmul.f32 v54, v15;
	v11 =	vadd.f32 v11, v63  }
0x37a: {  	[tilespmem:s28+$0x1400] =	vst v3;
	v59 =	vld [tilespmem:s28+$0xC10];
	v2 =	vadd.f32 v12, v13;
	v12 =	vadd.f32 v17, v52;
	v13 =	vmul.f32 v18, v16  }
0x37b: {  	[tilespmem:s28+$0x1070] =	vst v6;
	v17 =	vld [tilespmem:s28+$0x6870];
	v3 =	vadd.f32 v14, v11;
	v11 =	vmul.f32 v53, v15;
	v14 =	vmul.f32 v20, v16  }
0x37c: {  	[tilespmem:s28+$0x1060] =	vst v5;
	v18 =	vld [tilespmem:s28+$0x6860];
	v6 =	vadd.f32 v13, v50;
	v13 =	vmul.f32 v51, v15;
	v20 =	vmul.f32 v58, v16  }
0x37d: {  	[tilespmem:s28+$0x1050] =	vst v4;
	v5 =	vadd.f32 v11, v12;
	v11 =	vadd.f32 v14, v49;
	v12 =	vmul.f32 v19, v16;
	v14 =	vld [tilespmem:s28+$0x6850]  }
0x37e: {  	[tilespmem:s28+$0x1040] =	vst v7;
	v6 =	vadd.f32 v13, v6;
	v13 =	vmul.f32 v48, v15;
	v19 =	vld [tilespmem:s28+$0x6840]  }
0x37f: {  	v61 =	vld [tilespmem:s28+$0x6830];
	[tilespmem:s28+$0x1030] =	vst v9;
	v4 =	vadd.f32 v20, v59;
	v7 =	vadd.f32 v12, v46;
	v12 =	vmul.f32 v47, v15  }
0x380: {  	[tilespmem:s28+$0x1020] =	vst v8;
	v8 =	vmul.f32 v44, v15;
	v9 =	vadd.f32 v13, v11;
	v11 =	vmul.f32 v17, v16;
	v17 =	vld [tilespmem:s28+$0x6820]  }
0x381: {  	v20 =	vmul.f32 v45, v15;
	v13 =	vmul.f32 v18, v16;
	v4 =	vadd.f32 v12, v4;
	v12 =	vld [tilespmem:s28+$0x830]  }
0x382: {  	[tilespmem:s28+$0x1010] =	vst v10;
	v18 =	vmul.f32 v43, v15;
	v10 =	vadd.f32 v11, v60;
	v11 =	vld [tilespmem:s28+$0x6810];
	v14 =	vmul.f32 v14, v16  }
0x383: {  	v62 =	vld [tilespmem:s28+$0xC810];
	[tilespmem:s28+$0x1000] =	vst v0;
	v7 =	vadd.f32 v20, v7;
	v13 =	vadd.f32 v13, v42;
	v19 =	vmul.f32 v19, v16  }
0x384: {  	v0 =	vmul.f32 v41, v15;
	[tilespmem:s28+$0xC60] =	vst v2;
	v20 =	vld [tilespmem:s28+$0x6800];
	v8 =	vadd.f32 v8, v10;
	v2 =	vadd.f32 v14, v39  }
0x385: {  	[tilespmem:s28+$0xC70] =	vst v1;
	v10 =	vmul.f32 v61, v16;
	v13 =	vadd.f32 v18, v13;
	v18 =	vadd.f32 v19, v38;
	v19 =	vld [tilespmem:s28+$0x6460]  }
0x386: {  	[tilespmem:s28+$0xC50] =	vst v3;
	v0 =	vadd.f32 v0, v2;
	v2 =	vld [tilespmem:s28+$0x6450]  }
0x387: {  	[tilespmem:s28+$0xC40] =	vst v5;
	v17 =	vmul.f32 v17, v16;
	v5 =	vadd.f32 v10, v12;
	v10 =	vmul.f32 v11, v16;
	v11 =	vld [tilespmem:s28+$0x6440]  }
0x388: {  	v36 =	vld [tilespmem:s28+$0xC820];
	v1 =	vmul.f32 v40, v15;
	v3 =	vmul.f32 v37, v15;
	[tilespmem:s28+$0xC30] =	vst v6  }
0x389: {  	[tilespmem:s28+$0xC20] =	vst v9;
	v6 =	vadd.f32 v17, v35;
	v12 =	vmul.f32 v20, v16;
	v17 =	vld [tilespmem:s28+$0x460]  }
0x38a: {  	v9 =	vmul.f32 v62, v15;
	[tilespmem:s28+$0xC10] =	vst v4;
	v14 =	vld [tilespmem:s28+$0x6470];
	v1 =	vadd.f32 v1, v18;
	v3 =	vadd.f32 v3, v5  }
0x38b: {  	[tilespmem:s28+$0x860] =	vst v13;
	v18 =	vld [tilespmem:s28+$0x6420];
	v5 =	vmul.f32 v34, v15;
	v12 =	vadd.f32 v12, v32;
	v2 =	vmul.f32 v2, v16  }
0x38c: {  	v20 =	vld [tilespmem:s28+$0xD440];
	v4 =	vadd.f32 v10, v33;
	[tilespmem:s28+$0x850] =	vst v0;
	v19 =	vmul.f32 v19, v16;
	v11 =	vmul.f32 v11, v16  }
0x38d: {  	v10 =	vld [tilespmem:s28+$0x6430];
	v0 =	vmul.f32 v26, v15;
	[tilespmem:s28+$0x840] =	vst v1;
	v5 =	vadd.f32 v5, v12;
	v1 =	vadd.f32 v2, v29  }
0x38e: {  	v12 =	vld [tilespmem:s28+$0x6410];
	[tilespmem:s28+$0x830] =	vst v3;
	v13 =	vadd.f32 v19, v17;
	v17 =	vmul.f32 v30, v15;
	v3 =	vadd.f32 v11, v28  }
0x38f: {  	v4 =	vadd.f32 v9, v4;
	v0 =	vadd.f32 v0, v1;
	v1 =	vld [tilespmem:$0x1F9F0]  }
0x390: {  	v14 =	vmul.f32 v14, v16;
	v3 =	vadd.f32 v17, v3;
	v17 =	vld [tilespmem:$0x1FA20]  }
0x391: {  	[tilespmem:s28+$0x810] =	vst v4;
	v4 =	vld [tilespmem:$0x1FA00]  }
0x392: {  	v63 =	vmul.f32 v36, v15;
	[tilespmem:s28+$0xC00] =	vst v7;
	v7 =	vmul.f32 v24, v15;
	v9 =	vadd.f32 v14, v25;
	v14 =	vld [tilespmem:s28+$0x6400]  }
0x393: {  	v19 =	vld [tilespmem:s28+$0xD470];
	v11 =	vmul.f32 v18, v16  }
0x394: {  	v6 =	vadd.f32 v63, v6;
	[tilespmem:s28+$0x800] =	vst v5;
	v5 =	vld [tilespmem:$0x1FA10];
	v2 =	vadd.f32 v7, v9;
	v9 =	vmul.f32 v10, v16  }
0x395: {  	v7 =	vld [tilespmem:s28+$0x6070];
	v1 =	vmul.f32 v1, v15;
	v11 =	vadd.f32 v11, v17  }
0x396: {  	[tilespmem:s28+$0x820] =	vst v6;
	v6 =	vmul.f32 v27, v15;
	v10 =	vld [tilespmem:s28+$0x6060];
	v4 =	vadd.f32 v9, v4  }
0x397: {  	v1 =	vadd.f32 v1, v11;
	v11 =	vld [tilespmem:$0x1FA60]  }
0x398: {  	[tilespmem:s28+$0x470] =	vst v2;
	v2 =	vld [tilespmem:$0x1FA30];
	v4 =	vadd.f32 v6, v4  }
0x399: {  	[tilespmem:s28+$0x450] =	vst v0;
	v0 =	vld [tilespmem:$0x1FA50]  }
0x39a: {  	v14 =	vmul.f32 v14, v16;
	[tilespmem:s28+$0x430] =	vst v4;
	v4 =	vld [tilespmem:$0x1FA90]  }
0x39b: {  	[tilespmem:s28+$0x440] =	vst v3;
	v3 =	vld [tilespmem:$0x1FA80]  }
0x39c: {  	v11 =	vadd.f32 v14, v11;
	v14 =	vld [tilespmem:$0x1FA70]  }
0x39d: {  	v9 =	vld [tilespmem:s28+$0x6050];
	v10 =	vmul.f32 v10, v16  }
0x39e: {  	v6 =	vmul.f32 v7, v16;
	v7 =	vld [tilespmem:$0x1FA40];
	v2 =	vmul.f32 v2, v15  }
0x39f: {  	v4 =	vadd.f32 v10, v4;
	v10 =	vld [tilespmem:$0x1FAA0]  }
0x3a0: {  	v0 =	vmul.f32 v0, v15;
	v3 =	vadd.f32 v6, v3;
	v2 =	vadd.f32 v2, v11;
	v11 =	vld [tilespmem:$0x1FAC0]  }
0x3a1: {  	[tilespmem:s28+$0x870] =	vst v8;
	v8 =	vmul.f32 v31, v15;
	v17 =	vld [tilespmem:s28+$0x6040];
	v14 =	vmul.f32 v14, v15  }
0x3a2: {  	v0 =	vadd.f32 v0, v3;
	v3 =	vld [tilespmem:$0x1FAB0]  }
0x3a3: {  	v8 =	vadd.f32 v8, v13;
	v6 =	vmul.f32 v9, v16;
	v4 =	vadd.f32 v14, v4;
	v14 =	vld [tilespmem:$0x1FAE0]  }
0x3a4: {  	v13 =	vld [tilespmem:s28+$0xD450]  }
0x3a5: {  	[tilespmem:s28+$0x460] =	vst v8;
	v8 =	vld [tilespmem:s28+$0x6030];
	v10 =	vmul.f32 v10, v15;
	v6 =	vadd.f32 v6, v11  }
0x3a6: {  	v12 =	vmul.f32 v12, v16;
	v9 =	vmul.f32 v17, v16;
	v11 =	vld [tilespmem:$0x1FAD0]  }
0x3a7: {  	v6 =	vadd.f32 v10, v6;
	v10 =	vld [tilespmem:$0x1FB00]  }
0x3a8: {  	v7 =	vadd.f32 v12, v7;
	v12 =	vld [tilespmem:s28+$0x6020];
	v3 =	vmul.f32 v3, v15;
	v9 =	vadd.f32 v9, v14  }
0x3a9: {  	v5 =	vmul.f32 v5, v15;
	v14 =	vld [tilespmem:$0x1FAF0]  }
0x3aa: {  	v8 =	vmul.f32 v8, v16;
	v3 =	vadd.f32 v3, v9;
	v9 =	vld [tilespmem:$0x1FB10]  }
0x3ab: {  	[tilespmem:s28+$0x420] =	vst v1;
	v1 =	vld [tilespmem:s28+$0x7440];
	v5 =	vadd.f32 v5, v7  }
0x3ac: {  	v7 =	vld [tilespmem:s28+$0x6010];
	[tilespmem:s28+$0x70] =	vst v0;
	v11 =	vmul.f32 v11, v15;
	v8 =	vadd.f32 v8, v10  }
0x3ad: {  	[tilespmem:s28+$0x410] =	vst v5;
	v5 =	vld [tilespmem:s28+$0x7450];
	v12 =	vmul.f32 v12, v16  }
0x3ae: {  	[tilespmem:s28+$0x50] =	vst v6;
	v6 =	vadd.f32 v11, v8;
	v11 =	vld [tilespmem:$0x1FB30]  }
0x3af: {  	[tilespmem:s28+$0x400] =	vst v2;
	v14 =	vmul.f32 v14, v15;
	v9 =	vadd.f32 v12, v9;
	v12 =	vld [tilespmem:$0x1FB20]  }
0x3b0: {  	s30 =	simm.s32 $0x0;
	v18 =	vld [tilespmem:s28+$0xD460];
	[tilespmem:s28+$0x60] =	vst v4  }
0x3b1: {  	s25 =	smul.u32 $0x1800, s30;
	s26 =	simm.s32 $0x80;
	v0 =	vld [tilespmem:s28+$0x1440];
	[tilespmem:s28+$0x40] =	vst v3;
	v3 =	vadd.f32 v14, v9  }
0x3b2: {  	s29 =	sand.u32 $0x380, s26;
	v2 =	vld [tilespmem:s28+$0x7460];
	v7 =	vmul.f32 v7, v16;
	[tilespmem:s28+$0x30] =	vst v6  }
0x3b3: {  	s25 =	sor.u32 s29, s25;
	v1 =	vmul.f32 v1, v16;
	v4 =	vld [tilespmem:s28+$0x7470];
	[tilespmem:s28+$0x20] =	vst v3  }
0x3b4: {  	v7 =	vadd.f32 v7, v11;
	v3 =	vmul.f32 v5, v16;
	v12 =	vmul.f32 v12, v15;
	v5 =	vld [tilespmem:s25+$0xC000]  }
0x3b5: {  	v10 =	vld [tilespmem:s28+$0x1450]  }
0x3b6: {  	v0 =	vadd.f32 v1, v0;
	v8 =	vld [tilespmem:s28+$0x1460];
	v6 =	vmul.f32 v20, v15;
	v7 =	vadd.f32 v12, v7  }
0x3b7: {  	v1 =	vld [tilespmem:s28+$0x1470]  }
0x3b8: {  	v0 =	vadd.f32 v6, v0;
	v9 =	vld [tilespmem:s28+$0x6000];
	[tilespmem:s28+$0x10] =	vst v7  }
0x3b9: {  	v2 =	vmul.f32 v2, v16;
	[tilespmem:$0x1FB40] =	vst v5;
	v5 =	vld [tilespmem:s28+$0x0]  }
0x3ba: {  	v6 =	vmul.f32 v13, v15;
	v3 =	vadd.f32 v3, v10;
	v7 =	vld [tilespmem:s25+$0x10];
	[tilespmem:s28+$0x1440] =	vst v0  }
0x3bb: {  	v0 =	vadd.f32 v2, v8;
	v2 =	vmul.f32 v4, v16;
	v4 =	vld [tilespmem:s25+$0xC010]  }
0x3bc: {  	v3 =	vadd.f32 v6, v3;
	v6 =	vld [tilespmem:s25+$0x20]  }
0x3bd: {  	v1 =	vadd.f32 v2, v1;
	v2 =	vld [tilespmem:$0x1FB80];
	_ =	sdelay $0x1  }
0x3be: {  	[tilespmem:$0x1FB50] =	vst v7;
	v7 =	vmul.f32 v18, v15  }
0x3bf: {  	[tilespmem:$0x1FB60] =	vst v4;
	v4 =	vmul.f32 v9, v16  }
0x3c0: {  	[tilespmem:$0x1FB70] =	vst v6;
	v6 =	vmul.f32 v19, v15;
	v0 =	vadd.f32 v7, v0  }
0x3c1: {  	[tilespmem:s28+$0x1450] =	vst v3;
	v2 =	vmul.f32 v2, v15;
	v3 =	vadd.f32 v4, v5  }
0x3c2: {  	v4 =	vld [tilespmem:s25+$0xC020];
	[tilespmem:s28+$0x1460] =	vst v0;
	v0 =	vadd.f32 v6, v1  }
0x3c3: {  	v1 =	vadd.f32 v2, v3;
	v2 =	vld [tilespmem:s25+$0xC030]  }
0x3c4: {  	[tilespmem:s28+$0x1470] =	vst v0  }
0x3c5: {  	v0 =	vld [tilespmem:s25+$0x40];
	_ =	sdelay $0x2  }
0x3c6: {  	[tilespmem:$0x1FBA0] =	vst v2  }
0x3c7: {  	v2 =	vld [tilespmem:s25+$0x30];
	[tilespmem:s28+$0x0] =	vst v1  }
0x3c8: {  	[tilespmem:$0x1FBC0] =	vst v0;
	v0 =	vld [tilespmem:s25+$0xC040];
	_ =	sdelay $0x4  }
0x3c9: {  	[tilespmem:$0x1FBD0] =	vst v0;
	v0 =	vld [tilespmem:s25+$0x50];
	_ =	sdelay $0x4  }
0x3ca: {  	[tilespmem:$0x1FBE0] =	vst v0;
	v0 =	vld [tilespmem:s25+$0xC050];
	_ =	sdelay $0x4  }
0x3cb: {  	[tilespmem:$0x1FBF0] =	vst v0;
	v0 =	vld [tilespmem:s25+$0x60];
	_ =	sdelay $0x4  }
0x3cc: {  	[tilespmem:$0x1FC00] =	vst v0;
	v0 =	vld [tilespmem:s25+$0xC060]  }
0x3cd: {  	v28 =	vld [tilespmem:s25+$0x450]  }
0x3ce: {  	v30 =	vld [tilespmem:s25+$0x460]  }
0x3cf: {  	v32 =	vld [tilespmem:s25+$0x470]  }
0x3d0: {  	v41 =	vld [tilespmem:s25+$0x840]  }
0x3d1: {  	[tilespmem:$0x1FC10] =	vst v0;
	v0 =	vld [tilespmem:s25+$0x70]  }
0x3d2: {  	v57 =	vld [tilespmem:s25+$0xC40]  }
0x3d3: {  	v6 =	vld [tilespmem:s25+$0x1040]  }
0x3d4: {  	v29 =	vld [tilespmem:s25+$0xC450]  }
0x3d5: {  	v31 =	vld [tilespmem:s25+$0xC460]  }
0x3d6: {  	[tilespmem:$0x1FC20] =	vst v0;
	v0 =	vld [tilespmem:s25+$0xC070]  }
0x3d7: {  	v33 =	vld [tilespmem:s25+$0xC470]  }
0x3d8: {  	v34 =	vld [tilespmem:s25+$0x800]  }
0x3d9: {  	v35 =	vld [tilespmem:s25+$0xC800]  }
0x3da: {  	v36 =	vld [tilespmem:s25+$0x810]  }
0x3db: {  	[tilespmem:$0x1FC30] =	vst v0;
	v0 =	vld [tilespmem:s25+$0x400]  }
0x3dc: {  	v37 =	vld [tilespmem:s25+$0xC810]  }
0x3dd: {  	v38 =	vld [tilespmem:s25+$0x820]  }
0x3de: {  	v39 =	vld [tilespmem:s25+$0xC820]  }
0x3df: {  	v40 =	vld [tilespmem:s25+$0xC830]  }
0x3e0: {  	[tilespmem:$0x1FC40] =	vst v0;
	v0 =	vld [tilespmem:s25+$0xC400]  }
0x3e1: {  	v42 =	vld [tilespmem:s25+$0xC840]  }
0x3e2: {  	v43 =	vld [tilespmem:s25+$0x850]  }
0x3e3: {  	v44 =	vld [tilespmem:s25+$0xC850]  }
0x3e4: {  	v45 =	vld [tilespmem:s25+$0x860]  }
0x3e5: {  	[tilespmem:$0x1FC50] =	vst v0;
	v0 =	vld [tilespmem:s25+$0x410]  }
0x3e6: {  	v46 =	vld [tilespmem:s25+$0xC860]  }
0x3e7: {  	v47 =	vld [tilespmem:s25+$0xC870]  }
0x3e8: {  	v48 =	vld [tilespmem:s25+$0xC00]  }
0x3e9: {  	v49 =	vld [tilespmem:s25+$0xCC00]  }
0x3ea: {  	[tilespmem:$0x1FC60] =	vst v0;
	v0 =	vld [tilespmem:s25+$0xC410]  }
0x3eb: {  	v50 =	vld [tilespmem:s25+$0xCC10]  }
0x3ec: {  	v51 =	vld [tilespmem:s25+$0xC20]  }
0x3ed: {  	v54 =	vld [tilespmem:s25+$0xCC20]  }
0x3ee: {  	v55 =	vld [tilespmem:s25+$0xC30]  }
0x3ef: {  	[tilespmem:$0x1FC70] =	vst v0;
	v0 =	vld [tilespmem:s25+$0x420]  }
0x3f0: {  	v56 =	vld [tilespmem:s25+$0xCC30]  }
0x3f1: {  	v58 =	vld [tilespmem:s25+$0xCC40]  }
0x3f2: {  	v59 =	vld [tilespmem:s25+$0xCC50]  }
0x3f3: {  	v60 =	vld [tilespmem:s25+$0xC60]  }
0x3f4: {  	[tilespmem:$0x1FC80] =	vst v0;
	v0 =	vld [tilespmem:s25+$0xC420]  }
0x3f5: {  	v61 =	vld [tilespmem:s25+$0xCC60]  }
0x3f6: {  	v62 =	vld [tilespmem:s25+$0xCC70]  }
0x3f7: {  	v63 =	vld [tilespmem:s25+$0x1000]  }
0x3f8: {  	v1 =	vld [tilespmem:s25+$0xD010]  }
0x3f9: {  	[tilespmem:$0x1FC90] =	vst v0;
	v0 =	vld [tilespmem:s25+$0x430]  }
0x3fa: {  	v3 =	vld [tilespmem:s25+$0x1020]  }
0x3fb: {  	[tilespmem:$0x1FB90] =	vst v4;
	v4 =	vld [tilespmem:s25+$0xD020]  }
0x3fc: {  	v5 =	vld [tilespmem:s25+$0xD030]  }
0x3fd: {  	v7 =	vld [tilespmem:s25+$0xD040]  }
0x3fe: {  	[tilespmem:$0x1FCA0] =	vst v0;
	v0 =	vld [tilespmem:s25+$0xC430]  }
0x3ff: {  	v8 =	vld [tilespmem:s25+$0xD050]  }
0x400: {  	v9 =	vld [tilespmem:s25+$0x1060]  }
0x401: {  	v10 =	vld [tilespmem:s25+$0xD060]  }
0x402: {  	v11 =	vld [tilespmem:s25+$0x1070]  }
0x403: {  	[tilespmem:$0x1FCB0] =	vst v0;
	v0 =	vld [tilespmem:s25+$0x440]  }
0x404: {  	v12 =	vld [tilespmem:s25+$0xD070]  }
0x405: {  	v13 =	vld [tilespmem:s25+$0x1400]  }
0x406: {  	v15 =	vld [tilespmem:s25+$0x1410]  }
0x407: {  	v14 =	vld [tilespmem:s25+$0xD410]  }
0x408: {  	[tilespmem:$0x1FCC0] =	vst v0;
	v0 =	vld [tilespmem:s25+$0xC440]  }
0x409: {  	v17 =	vld [tilespmem:s25+$0xD430]  }
0x40a: {  	v16 =	vld [tilespmem:s25+$0x7400]  }
0x40b: {  	v18 =	vld [tilespmem:s25+$0x7410]  }
0x40c: {  	[tilespmem:$0x1FBB0] =	vst v2;
	v2 =	vld [tilespmem:s25+$0x1010]  }
0x40d: {  	s28 =	simm.s32 $0x2;
	[tilespmem:$0x1FCD0] =	vst v0;
	v0 =	vld [tilespmem:s25+$0xD000]  }
.LBB2_4:
0x40e: {  	v19 =	vld [tilespmem:s25+$0x7420]  }
0x40f: {  	v20 =	vld [tilespmem:s25+$0x7430]  }
0x410: {  	v21 =	vld [tilespmem:s25+$0x1430];
	s23 =	sadd.s32 $0x80, s23  }
0x411: {  	v52 =	vld [tilespmem:s23+$0x0]  }
0x412: {  	v22 =	vld [tilespmem:s25+$0x1420];
	s24 =	sadd.s32 $0x80, s24  }
0x413: {  	v53 =	vld [tilespmem:s24+$0x0]  }
0x414: {  	v25 =	vld [tilespmem:s25+$0x7070]  }
0x415: {  	v23 =	vld [tilespmem:s25+$0xD420]  }
0x416: {  	v24 =	vld [tilespmem:s25+$0xD400];
	v19 =	vmul.f32 v19, v52;
	v20 =	vmul.f32 v20, v52  }
0x417: {  	v26 =	vld [tilespmem:s25+$0x7060];
	v16 =	vmul.f32 v16, v52;
	v18 =	vmul.f32 v18, v52  }
0x418: {  	v27 =	vld [tilespmem:s25+$0x7050];
	v17 =	vmul.f32 v17, v53;
	v14 =	vmul.f32 v14, v53  }
0x419: {  	v25 =	vmul.f32 v25, v52;
	v19 =	vadd.f32 v19, v22;
	v20 =	vadd.f32 v20, v21;
	v21 =	vld [tilespmem:s25+$0x7040]  }
0x41a: {  	v15 =	vadd.f32 v18, v15;
	v18 =	vmul.f32 v23, v53;
	v22 =	vld [tilespmem:s25+$0x1050];
	v13 =	vadd.f32 v16, v13  }
0x41b: {  	v16 =	vmul.f32 v24, v53;
	v11 =	vadd.f32 v25, v11;
	v17 =	vadd.f32 v17, v20;
	v20 =	vld [tilespmem:s25+$0x7030]  }
0x41c: {  	v12 =	vmul.f32 v12, v53;
	v14 =	vadd.f32 v14, v15;
	v15 =	vadd.f32 v18, v19;
	v18 =	vld [tilespmem:s25+$0x7020]  }
0x41d: {  	v13 =	vadd.f32 v16, v13;
	v16 =	vld [tilespmem:s25+$0x1030]  }
0x41e: {  	v11 =	vadd.f32 v12, v11;
	v12 =	vld [tilespmem:s25+$0x6C70];
	[tilespmem:s25+$0x1430] =	vst v17  }
0x41f: {  	v19 =	vmul.f32 v26, v52;
	[tilespmem:s25+$0x1420] =	vst v15;
	v15 =	vld [tilespmem:s25+$0x7010]  }
0x420: {  	v10 =	vmul.f32 v10, v53;
	v17 =	vmul.f32 v27, v52;
	[tilespmem:s25+$0x1410] =	vst v14;
	v14 =	vld [tilespmem:s25+$0x7000]  }
0x421: {  	v8 =	vmul.f32 v8, v53;
	v9 =	vadd.f32 v19, v9;
	[tilespmem:s25+$0x1070] =	vst v11;
	v11 =	vld [tilespmem:s25+$0xC70];
	v21 =	vmul.f32 v21, v52  }
0x422: {  	v7 =	vmul.f32 v7, v53;
	v5 =	vmul.f32 v5, v53;
	v19 =	vld [tilespmem:$0x1FB50];
	v17 =	vadd.f32 v17, v22  }
0x423: {  	[tilespmem:s25+$0x1400] =	vst v13;
	v9 =	vadd.f32 v10, v9;
	v10 =	vld [tilespmem:s25+$0x6C60];
	v13 =	vmul.f32 v20, v52;
	v6 =	vadd.f32 v21, v6  }
0x424: {  	v4 =	vmul.f32 v4, v53;
	v18 =	vmul.f32 v18, v52;
	v8 =	vadd.f32 v8, v17;
	v17 =	vld [tilespmem:$0x1FC40]  }
0x425: {  	v12 =	vmul.f32 v12, v52;
	v13 =	vadd.f32 v13, v16;
	v6 =	vadd.f32 v7, v6;
	v7 =	vld [tilespmem:s25+$0x6C50]  }
0x426: {  	v1 =	vmul.f32 v1, v53;
	[tilespmem:s25+$0x1060] =	vst v9;
	v9 =	vmul.f32 v15, v52;
	v3 =	vadd.f32 v18, v3;
	v15 =	vld [tilespmem:$0x1FCD0]  }
0x427: {  	v14 =	vmul.f32 v14, v52;
	v11 =	vadd.f32 v12, v11;
	[tilespmem:s25+$0x1050] =	vst v8;
	v8 =	vld [tilespmem:s25+$0x6C40];
	v5 =	vadd.f32 v5, v13  }
0x428: {  	v0 =	vmul.f32 v0, v53;
	[tilespmem:s25+$0x1040] =	vst v6;
	v6 =	vld [tilespmem:s25+$0xC50];
	v2 =	vadd.f32 v9, v2;
	v3 =	vadd.f32 v4, v3  }
0x429: {  	v4 =	vld [tilespmem:s25+$0x6C30];
	v9 =	vmul.f32 v10, v52;
	v10 =	vmul.f32 v62, v53;
	v13 =	vadd.f32 v14, v63  }
0x42a: {  	v12 =	vmul.f32 v59, v53;
	[tilespmem:s25+$0x1030] =	vst v5;
	v5 =	vld [tilespmem:s25+$0x6C20];
	v1 =	vadd.f32 v1, v2  }
0x42b: {  	v14 =	vmul.f32 v61, v53;
	v2 =	vld [tilespmem:s25+$0x6C10];
	v0 =	vadd.f32 v0, v13;
	v10 =	vadd.f32 v10, v11  }
0x42c: {  	[tilespmem:s25+$0x1020] =	vst v3;
	v11 =	vmul.f32 v58, v53;
	v3 =	vmul.f32 v7, v52;
	v7 =	vadd.f32 v9, v60;
	v9 =	vld [tilespmem:s25+$0x6C00]  }
0x42d: {  	v13 =	vmul.f32 v54, v53;
	v8 =	vmul.f32 v8, v52;
	[tilespmem:s25+$0x1010] =	vst v1;
	v1 =	vld [tilespmem:s25+$0xC10]  }
0x42e: {  	[tilespmem:s25+$0x1000] =	vst v0;
	v0 =	vld [tilespmem:s25+$0x6870];
	v3 =	vadd.f32 v3, v6;
	v6 =	vadd.f32 v14, v7;
	v4 =	vmul.f32 v4, v52  }
0x42f: {  	[tilespmem:s25+$0xC70] =	vst v10;
	v10 =	vld [tilespmem:s25+$0x6860];
	v7 =	vmul.f32 v56, v53;
	v14 =	vmul.f32 v49, v53;
	v8 =	vadd.f32 v8, v57  }
0x430: {  	v5 =	vmul.f32 v5, v52;
	v3 =	vadd.f32 v12, v3;
	[tilespmem:s25+$0xC60] =	vst v6;
	v6 =	vld [tilespmem:s25+$0x870];
	v2 =	vmul.f32 v2, v52  }
0x431: {  	v4 =	vadd.f32 v4, v55;
	v8 =	vadd.f32 v11, v8;
	v11 =	vld [tilespmem:s25+$0x6850];
	v9 =	vmul.f32 v9, v52  }
0x432: {  	v12 =	vmul.f32 v50, v53;
	v5 =	vadd.f32 v5, v51;
	[tilespmem:s25+$0xC50] =	vst v3;
	v3 =	vld [tilespmem:s25+$0x6840];
	v1 =	vadd.f32 v2, v1  }
0x433: {  	v2 =	vadd.f32 v7, v4;
	v4 =	vld [tilespmem:s25+$0x6830];
	v0 =	vmul.f32 v0, v52;
	v7 =	vadd.f32 v9, v48  }
0x434: {  	[tilespmem:s25+$0xC40] =	vst v8;
	v8 =	vld [tilespmem:s25+$0x6820];
	v9 =	vmul.f32 v10, v52;
	v10 =	vmul.f32 v47, v53;
	v5 =	vadd.f32 v13, v5  }
0x435: {  	v1 =	vadd.f32 v12, v1;
	[tilespmem:s25+$0xC30] =	vst v2;
	v2 =	vld [tilespmem:s25+$0x830];
	v12 =	vmul.f32 v46, v53;
	v0 =	vadd.f32 v0, v6  }
0x436: {  	v6 =	vadd.f32 v14, v7;
	v9 =	vadd.f32 v9, v45;
	[tilespmem:s25+$0xC20] =	vst v5;
	v5 =	vld [tilespmem:s25+$0x6810];
	v7 =	vmul.f32 v11, v52  }
0x437: {  	v11 =	vmul.f32 v44, v53;
	[tilespmem:s25+$0xC10] =	vst v1;
	v1 =	vld [tilespmem:s25+$0x6800];
	v3 =	vmul.f32 v3, v52;
	v10 =	vadd.f32 v10, v0  }
0x438: {  	[tilespmem:s25+$0xC00] =	vst v6;
	v4 =	vmul.f32 v4, v52;
	v6 =	vadd.f32 v7, v43;
	v7 =	vadd.f32 v12, v9;
	v9 =	vld [tilespmem:s25+$0x6470]  }
0x439: {  	v8 =	vmul.f32 v8, v52;
	v3 =	vadd.f32 v3, v41;
	[tilespmem:s25+$0x870] =	vst v10;
	v10 =	vld [tilespmem:s25+$0x6460]  }
0x43a: {  	v13 =	vmul.f32 v42, v53;
	v2 =	vadd.f32 v4, v2;
	v4 =	vadd.f32 v11, v6;
	v6 =	vld [tilespmem:s25+$0x6450]  }
0x43b: {  	v16 =	vld [tilespmem:$0x1FC80];
	v14 =	vmul.f32 v39, v53;
	v12 =	vmul.f32 v40, v53;
	[tilespmem:s25+$0x860] =	vst v7;
	v7 =	vadd.f32 v8, v38  }
0x43c: {  	v18 =	vld [tilespmem:$0x1FC20];
	v5 =	vmul.f32 v5, v52;
	v3 =	vadd.f32 v13, v3;
	v11 =	vmul.f32 v1, v52  }
0x43d: {  	v0 =	vld [tilespmem:s25+$0xD440];
	v13 =	vmul.f32 v37, v53;
	v7 =	vadd.f32 v14, v7;
	v9 =	vmul.f32 v9, v52  }
0x43e: {  	v8 =	vld [tilespmem:s25+$0x6440];
	v2 =	vadd.f32 v12, v2;
	v5 =	vadd.f32 v5, v36;
	[tilespmem:s25+$0x840] =	vst v3;
	v10 =	vmul.f32 v10, v52  }
0x43f: {  	v12 =	vmul.f32 v33, v53;
	v3 =	vld [tilespmem:s25+$0x6430];
	[tilespmem:s25+$0x820] =	vst v7;
	v6 =	vmul.f32 v6, v52;
	v7 =	vadd.f32 v9, v32  }
0x440: {  	v14 =	vmul.f32 v31, v53;
	[tilespmem:s25+$0x830] =	vst v2;
	v2 =	vld [tilespmem:s25+$0x6420];
	v5 =	vadd.f32 v13, v5;
	v10 =	vadd.f32 v10, v30  }
0x441: {  	v13 =	vmul.f32 v29, v53;
	v6 =	vadd.f32 v6, v28;
	v7 =	vadd.f32 v12, v7;
	v12 =	vld [tilespmem:$0x1FCC0]  }
0x442: {  	[tilespmem:s25+$0x850] =	vst v4;
	v4 =	vmul.f32 v35, v53;
	v11 =	vadd.f32 v11, v34;
	v10 =	vadd.f32 v14, v10;
	v14 =	vld [tilespmem:$0x1FCB0]  }
0x443: {  	v6 =	vadd.f32 v13, v6;
	v13 =	vld [tilespmem:$0x1FCA0]  }
0x444: {  	v4 =	vadd.f32 v4, v11;
	v11 =	vld [tilespmem:s25+$0x6410]  }
0x445: {  	v8 =	vmul.f32 v8, v52;
	[tilespmem:s25+$0x810] =	vst v5;
	v5 =	vld [tilespmem:s25+$0x6400]  }
0x446: {  	[tilespmem:s25+$0x800] =	vst v4;
	v4 =	vld [tilespmem:s25+$0x6070];
	v3 =	vmul.f32 v3, v52;
	v2 =	vmul.f32 v2, v52  }
0x447: {  	v15 =	vmul.f32 v15, v53;
	[tilespmem:s25+$0x470] =	vst v7;
	v7 =	vld [tilespmem:$0x1FC90];
	v8 =	vadd.f32 v8, v12  }
0x448: {  	v2 =	vadd.f32 v2, v16;
	v16 =	vld [tilespmem:$0x1FC50];
	v14 =	vmul.f32 v14, v53;
	v3 =	vadd.f32 v3, v13  }
0x449: {  	v8 =	vadd.f32 v15, v8;
	v15 =	vld [tilespmem:$0x1FC70]  }
0x44a: {  	v3 =	vadd.f32 v14, v3;
	v14 =	vld [tilespmem:$0x1FC60]  }
0x44b: {  	v5 =	vmul.f32 v5, v52;
	v13 =	vld [tilespmem:s25+$0x6050]  }
0x44c: {  	[tilespmem:s25+$0x450] =	vst v6;
	v6 =	vld [tilespmem:s25+$0x6040];
	v7 =	vmul.f32 v7, v53  }
0x44d: {  	v11 =	vmul.f32 v11, v52;
	v12 =	vld [tilespmem:s25+$0x6060];
	v5 =	vadd.f32 v5, v17;
	v16 =	vmul.f32 v16, v53  }
0x44e: {  	v17 =	vld [tilespmem:$0x1FC10];
	v2 =	vadd.f32 v7, v2  }
0x44f: {  	v5 =	vadd.f32 v16, v5;
	v16 =	vld [tilespmem:$0x1FBE0];
	v15 =	vmul.f32 v15, v53;
	v11 =	vadd.f32 v11, v14  }
0x450: {  	v4 =	vmul.f32 v4, v52;
	[tilespmem:s25+$0x420] =	vst v2;
	v2 =	vmul.f32 v13, v52;
	v13 =	vld [tilespmem:$0x1FC00]  }
0x451: {  	v11 =	vadd.f32 v15, v11;
	v15 =	vld [tilespmem:$0x1FBF0]  }
0x452: {  	v4 =	vadd.f32 v4, v18;
	v18 =	vld [tilespmem:$0x1FB70]  }
0x453: {  	v12 =	vmul.f32 v12, v52;
	v14 =	vld [tilespmem:$0x1FC30]  }
0x454: {  	[tilespmem:s25+$0x440] =	vst v8;
	v8 =	vld [tilespmem:s25+$0x6010]  }
0x455: {  	v7 =	vld [tilespmem:s25+$0x6030];
	v17 =	vmul.f32 v17, v53;
	v12 =	vadd.f32 v12, v13  }
0x456: {  	[tilespmem:s25+$0x430] =	vst v3;
	v3 =	vld [tilespmem:s25+$0x6020];
	v2 =	vadd.f32 v2, v16;
	v15 =	vmul.f32 v15, v53  }
0x457: {  	v12 =	vadd.f32 v17, v12;
	v17 =	vld [tilespmem:$0x1FBC0]  }
0x458: {  	v14 =	vmul.f32 v14, v53;
	v2 =	vadd.f32 v15, v2;
	v15 =	vld [tilespmem:$0x1FBB0]  }
0x459: {  	v16 =	vld [tilespmem:$0x1FBA0]  }
0x45a: {  	v6 =	vmul.f32 v6, v52;
	v4 =	vadd.f32 v14, v4;
	v14 =	vld [tilespmem:$0x1FBD0]  }
0x45b: {  	v7 =	vmul.f32 v7, v52;
	v13 =	vld [tilespmem:s25+$0x7440]  }
0x45c: {  	v6 =	vadd.f32 v6, v17;
	v17 =	vld [tilespmem:$0x1FB90]  }
0x45d: {  	[tilespmem:s25+$0x460] =	vst v10;
	v7 =	vadd.f32 v7, v15;
	v15 =	vld [tilespmem:$0x1FB60]  }
0x45e: {  	v3 =	vmul.f32 v3, v52;
	[tilespmem:s25+$0x70] =	vst v4;
	v4 =	vld [tilespmem:s25+$0x1440]  }
0x45f: {  	[tilespmem:s25+$0x410] =	vst v11;
	v11 =	vld [tilespmem:s25+$0x7450];
	v14 =	vmul.f32 v14, v53  }
0x460: {  	v1 =	vld [tilespmem:s25+$0xD450];
	[tilespmem:s25+$0x400] =	vst v5;
	v8 =	vmul.f32 v8, v52;
	v3 =	vadd.f32 v3, v18;
	v16 =	vmul.f32 v16, v53  }
0x461: {  	[tilespmem:s25+$0x50] =	vst v2;
	v2 =	vmul.f32 v13, v52;
	v6 =	vadd.f32 v14, v6;
	v14 =	vld [tilespmem:s25+$0x1450];
	v17 =	vmul.f32 v17, v53  }
0x462: {  	s29 =	sshrl.u32 s28, $0x3;
	v9 =	vld [tilespmem:s25+$0xD460];
	v8 =	vadd.f32 v8, v19;
	[tilespmem:s25+$0x60] =	vst v12;
	v7 =	vadd.f32 v16, v7;
	v15 =	vmul.f32 v15, v53  }
0x463: {  	s26 =	sadd.s32 $0x80, s26;
	s29 =	smul.u32 $0x1800, s29;
	v0 =	vmul.f32 v0, v53;
	v2 =	vadd.f32 v2, v4;
	[tilespmem:s25+$0x40] =	vst v6;
	v3 =	vadd.f32 v17, v3  }
0x464: {  	s30 =	sand.u32 $0x380, s26;
	v5 =	vld [tilespmem:s25+$0x7460];
	v4 =	vmul.f32 v11, v52;
	[tilespmem:s25+$0x30] =	vst v7;
	v8 =	vadd.f32 v15, v8  }
0x465: {  	s29 =	sor.u32 s30, s29;
	v13 =	vld [tilespmem:s25+$0x1460];
	v0 =	vadd.f32 v0, v2;
	[tilespmem:s25+$0x20] =	vst v3  }
0x466: {  	v1 =	vmul.f32 v1, v53;
	v2 =	vadd.f32 v4, v14;
	v4 =	vld [tilespmem:s29+$0xC000];
	[tilespmem:s25+$0x10] =	vst v8  }
0x467: {  	v3 =	vmul.f32 v9, v53;
	v9 =	vld [tilespmem:s29+$0x10];
	[tilespmem:s25+$0x1440] =	vst v0  }
0x468: {  	v0 =	vadd.f32 v1, v2;
	v1 =	vld [tilespmem:s29+$0xC010];
	_ =	sdelay $0x1  }
0x469: {  	v5 =	vmul.f32 v5, v52  }
0x46a: {  	v12 =	vld [tilespmem:s25+$0x7470]  }
0x46b: {  	v10 =	vld [tilespmem:s25+$0xD470];
	v5 =	vadd.f32 v5, v13  }
0x46c: {  	v6 =	vld [tilespmem:s25+$0x1470];
	[tilespmem:$0x1FB60] =	vst v1  }
0x46d: {  	v1 =	vadd.f32 v3, v5;
	v3 =	vld [tilespmem:s29+$0x20];
	[tilespmem:s25+$0x1450] =	vst v0  }
0x46e: {  	v0 =	vld [tilespmem:s29+$0xC020]  }
0x46f: {  	v18 =	vld [tilespmem:s25+$0x6000];
	v7 =	vmul.f32 v12, v52  }
0x470: {  	v11 =	vld [tilespmem:s25+$0x0];
	v2 =	vmov v4  }
0x471: {  	v8 =	vmul.f32 v10, v53;
	v10 =	vld [tilespmem:$0x1FB40];
	[tilespmem:$0x1FB40] =	vst v2;
	v5 =	vadd.f32 v7, v6  }
0x472: {  	[tilespmem:s25+$0x1460] =	vst v1  }
0x473: {  	v1 =	vld [tilespmem:s29+$0x30];
	[tilespmem:$0x1FB90] =	vst v0;
	v0 =	vadd.f32 v8, v5  }
0x474: {  	[tilespmem:$0x1FB50] =	vst v9;
	v9 =	vmul.f32 v18, v52  }
0x475: {  	v2 =	vld [tilespmem:s29+$0xC030];
	[tilespmem:s25+$0x1470] =	vst v0  }
0x476: {  	v10 =	vmul.f32 v10, v53;
	[tilespmem:$0x1FB70] =	vst v3;
	v3 =	vadd.f32 v9, v11;
	v0 =	vld [tilespmem:s29+$0x40];
	_ =	sdelay $0x1  }
0x477: {  	[tilespmem:$0x1FBB0] =	vst v1;
	v1 =	vadd.f32 v10, v3;
	_ =	sdelay $0x1  }
0x478: {  	[tilespmem:s25+$0x0] =	vst v1;
	s25 =	smov.u32 s29  }
0x479: {  	[tilespmem:$0x1FBC0] =	vst v0;
	v0 =	vld [tilespmem:s25+$0xC040];
	_ =	sdelay $0x4  }
0x47a: {  	[tilespmem:$0x1FBD0] =	vst v0;
	v0 =	vld [tilespmem:s25+$0x50];
	_ =	sdelay $0x4  }
0x47b: {  	[tilespmem:$0x1FBE0] =	vst v0;
	v0 =	vld [tilespmem:s25+$0xC050];
	_ =	sdelay $0x4  }
0x47c: {  	[tilespmem:$0x1FBF0] =	vst v0;
	v0 =	vld [tilespmem:s25+$0x60];
	_ =	sdelay $0x4  }
0x47d: {  	[tilespmem:$0x1FC00] =	vst v0;
	v0 =	vld [tilespmem:s25+$0xC060]  }
0x47e: {  	v28 =	vld [tilespmem:s25+$0x450]  }
0x47f: {  	v29 =	vld [tilespmem:s25+$0xC450]  }
0x480: {  	v30 =	vld [tilespmem:s25+$0x460]  }
0x481: {  	v31 =	vld [tilespmem:s25+$0xC460]  }
0x482: {  	[tilespmem:$0x1FC10] =	vst v0;
	v0 =	vld [tilespmem:s25+$0x70]  }
0x483: {  	v32 =	vld [tilespmem:s25+$0x470]  }
0x484: {  	v33 =	vld [tilespmem:s25+$0xC470]  }
0x485: {  	v34 =	vld [tilespmem:s25+$0x800]  }
0x486: {  	v35 =	vld [tilespmem:s25+$0xC800]  }
0x487: {  	[tilespmem:$0x1FC20] =	vst v0;
	v0 =	vld [tilespmem:s25+$0xC070]  }
0x488: {  	v36 =	vld [tilespmem:s25+$0x810]  }
0x489: {  	v37 =	vld [tilespmem:s25+$0xC810]  }
0x48a: {  	v38 =	vld [tilespmem:s25+$0x820]  }
0x48b: {  	v39 =	vld [tilespmem:s25+$0xC820]  }
0x48c: {  	[tilespmem:$0x1FC30] =	vst v0;
	v0 =	vld [tilespmem:s25+$0x400]  }
0x48d: {  	v40 =	vld [tilespmem:s25+$0xC830]  }
0x48e: {  	v41 =	vld [tilespmem:s25+$0x840]  }
0x48f: {  	v42 =	vld [tilespmem:s25+$0xC840]  }
0x490: {  	v43 =	vld [tilespmem:s25+$0x850]  }
0x491: {  	[tilespmem:$0x1FC40] =	vst v0;
	v0 =	vld [tilespmem:s25+$0xC400]  }
0x492: {  	v44 =	vld [tilespmem:s25+$0xC850]  }
0x493: {  	v45 =	vld [tilespmem:s25+$0x860]  }
0x494: {  	v46 =	vld [tilespmem:s25+$0xC860]  }
0x495: {  	v47 =	vld [tilespmem:s25+$0xC870]  }
0x496: {  	[tilespmem:$0x1FC50] =	vst v0;
	v0 =	vld [tilespmem:s25+$0x410]  }
0x497: {  	v48 =	vld [tilespmem:s25+$0xC00]  }
0x498: {  	v49 =	vld [tilespmem:s25+$0xCC00]  }
0x499: {  	v50 =	vld [tilespmem:s25+$0xCC10]  }
0x49a: {  	v51 =	vld [tilespmem:s25+$0xC20]  }
0x49b: {  	[tilespmem:$0x1FC60] =	vst v0;
	v0 =	vld [tilespmem:s25+$0xC410]  }
0x49c: {  	v54 =	vld [tilespmem:s25+$0xCC20]  }
0x49d: {  	v55 =	vld [tilespmem:s25+$0xC30]  }
0x49e: {  	v56 =	vld [tilespmem:s25+$0xCC30]  }
0x49f: {  	v57 =	vld [tilespmem:s25+$0xC40]  }
0x4a0: {  	[tilespmem:$0x1FC70] =	vst v0;
	v0 =	vld [tilespmem:s25+$0x420]  }
0x4a1: {  	v58 =	vld [tilespmem:s25+$0xCC40]  }
0x4a2: {  	v59 =	vld [tilespmem:s25+$0xCC50]  }
0x4a3: {  	v60 =	vld [tilespmem:s25+$0xC60]  }
0x4a4: {  	v61 =	vld [tilespmem:s25+$0xCC60]  }
0x4a5: {  	[tilespmem:$0x1FC80] =	vst v0;
	v0 =	vld [tilespmem:s25+$0xC420]  }
0x4a6: {  	v62 =	vld [tilespmem:s25+$0xCC70]  }
0x4a7: {  	v63 =	vld [tilespmem:s25+$0x1000]  }
0x4a8: {  	[tilespmem:$0x1FBA0] =	vst v2;
	v2 =	vld [tilespmem:s25+$0x1010]  }
0x4a9: {  	v1 =	vld [tilespmem:s25+$0xD010]  }
0x4aa: {  	[tilespmem:$0x1FC90] =	vst v0;
	v0 =	vld [tilespmem:s25+$0x430]  }
0x4ab: {  	v3 =	vld [tilespmem:s25+$0x1020]  }
0x4ac: {  	v4 =	vld [tilespmem:s25+$0xD020]  }
0x4ad: {  	v5 =	vld [tilespmem:s25+$0xD030]  }
0x4ae: {  	v6 =	vld [tilespmem:s25+$0x1040]  }
0x4af: {  	[tilespmem:$0x1FCA0] =	vst v0;
	v0 =	vld [tilespmem:s25+$0xC430]  }
0x4b0: {  	v7 =	vld [tilespmem:s25+$0xD040]  }
0x4b1: {  	v8 =	vld [tilespmem:s25+$0xD050]  }
0x4b2: {  	v9 =	vld [tilespmem:s25+$0x1060]  }
0x4b3: {  	v10 =	vld [tilespmem:s25+$0xD060]  }
0x4b4: {  	[tilespmem:$0x1FCB0] =	vst v0;
	v0 =	vld [tilespmem:s25+$0x440]  }
0x4b5: {  	v11 =	vld [tilespmem:s25+$0x1070]  }
0x4b6: {  	v12 =	vld [tilespmem:s25+$0xD070]  }
0x4b7: {  	v13 =	vld [tilespmem:s25+$0x1400]  }
0x4b8: {  	v15 =	vld [tilespmem:s25+$0x1410]  }
0x4b9: {  	p0 =	sne.s32 s28, $0x1F;
	[tilespmem:$0x1FCC0] =	vst v0;
	v0 =	vld [tilespmem:s25+$0xC440]  }
.Ltmp1:
0x4ba: {  	v14 =	vld [tilespmem:s25+$0xD410];
	(pc) =	sbr.rel @p0 .LBB2_4-.Ltmp1, $4  }
0x4bb: {  	v17 =	vld [tilespmem:s25+$0xD430]  }
0x4bc: {  	v16 =	vld [tilespmem:s25+$0x7400]  }
0x4bd: {  	v18 =	vld [tilespmem:s25+$0x7410]  }
0x4be: {  	s28 =	sadd.s32 $0x1, s28;
	[tilespmem:$0x1FCD0] =	vst v0;
	v0 =	vld [tilespmem:s25+$0xD000]  }
0x4bf: {  	v19 =	vld [tilespmem:s25+$0x7420]  }
0x4c0: {  	v20 =	vld [tilespmem:s25+$0x7430]  }
0x4c1: {  	v21 =	vld [tilespmem:s25+$0x1430]  }
0x4c2: {  	s23 =	sadd.s32 $0x80, s23;
	v22 =	vld [tilespmem:s25+$0x1420]  }
0x4c3: {  	v53 =	vld [tilespmem:s23+$0x0]  }
0x4c4: {  	s30 =	sadd.s32 $0x80, s24;
	v23 =	vld [tilespmem:s25+$0xD420]  }
0x4c5: {  	v52 =	vld [tilespmem:s30+$0x0]  }
0x4c6: {  	v25 =	vld [tilespmem:s25+$0x7070]  }
0x4c7: {  	v24 =	vld [tilespmem:s25+$0xD400]  }
0x4c8: {  	v26 =	vld [tilespmem:s25+$0x7060];
	v20 =	vmul.f32 v20, v53  }
0x4c9: {  	v27 =	vld [tilespmem:s25+$0x7050];
	v19 =	vmul.f32 v19, v53;
	v18 =	vmul.f32 v18, v53  }
0x4ca: {  	v16 =	vmul.f32 v16, v53;
	v14 =	vmul.f32 v14, v52;
	v20 =	vadd.f32 v20, v21;
	v21 =	vld [tilespmem:s25+$0x7040]  }
0x4cb: {  	v25 =	vmul.f32 v25, v53;
	v19 =	vadd.f32 v19, v22;
	v22 =	vld [tilespmem:s25+$0x7030];
	v15 =	vadd.f32 v18, v15  }
0x4cc: {  	v17 =	vmul.f32 v17, v52;
	v24 =	vmul.f32 v24, v52;
	v18 =	vld [tilespmem:s25+$0x7020];
	v13 =	vadd.f32 v16, v13  }
0x4cd: {  	v12 =	vmul.f32 v12, v52;
	v11 =	vadd.f32 v25, v11;
	v14 =	vadd.f32 v14, v15;
	v15 =	vld [tilespmem:s25+$0x7000]  }
0x4ce: {  	v17 =	vadd.f32 v17, v20;
	v13 =	vadd.f32 v24, v13;
	v24 =	vld [tilespmem:s25+$0x6C70]  }
0x4cf: {  	v11 =	vadd.f32 v12, v11;
	v12 =	vld [tilespmem:s25+$0x6870]  }
0x4d0: {  	v20 =	vmul.f32 v23, v52;
	[tilespmem:s25+$0x1430] =	vst v17;
	v17 =	vld [tilespmem:s25+$0x1030]  }
0x4d1: {  	[tilespmem:s25+$0x1410] =	vst v14;
	v14 =	vld [tilespmem:s25+$0x6C60]  }
0x4d2: {  	v19 =	vadd.f32 v20, v19;
	v20 =	vmul.f32 v26, v53;
	v26 =	vld [tilespmem:s25+$0xC70]  }
0x4d3: {  	[tilespmem:s25+$0x1070] =	vst v11;
	v11 =	vld [tilespmem:s25+$0xC10]  }
0x4d4: {  	[tilespmem:$0x1F9D0] =	vst v21;
	v21 =	vld [tilespmem:s25+$0x1050]  }
0x4d5: {  	v16 =	vmul.f32 v18, v53;
	v18 =	vld [tilespmem:s25+$0xC50]  }
0x4d6: {  	v10 =	vmul.f32 v10, v52;
	[tilespmem:s25+$0x1420] =	vst v19;
	v19 =	vld [tilespmem:s25+$0x7010]  }
0x4d7: {  	v23 =	vmul.f32 v27, v53;
	v27 =	vmul.f32 v22, v53;
	v25 =	vld [tilespmem:$0x1F9D0]  }
0x4d8: {  	v3 =	vadd.f32 v16, v3;
	v22 =	vmul.f32 v15, v53;
	v15 =	vmul.f32 v59, v52;
	v16 =	vld [tilespmem:s25+$0x6860]  }
0x4d9: {  	v59 =	vmul.f32 v12, v53;
	v12 =	vmul.f32 v46, v52;
	v46 =	vld [tilespmem:s25+$0x6070]  }
0x4da: {  	v4 =	vmul.f32 v4, v52;
	[tilespmem:s25+$0x1400] =	vst v13;
	v9 =	vadd.f32 v20, v9;
	v13 =	vadd.f32 v23, v21;
	v21 =	vld [tilespmem:s25+$0x6C30]  }
0x4db: {  	v8 =	vmul.f32 v8, v52;
	v24 =	vmul.f32 v24, v53;
	v23 =	vld [tilespmem:s25+$0x6C20]  }
0x4dc: {  	v9 =	vadd.f32 v10, v9;
	v3 =	vadd.f32 v4, v3;
	v10 =	vmul.f32 v25, v53;
	v25 =	vld [tilespmem:s25+$0x6C10]  }
0x4dd: {  	v7 =	vmul.f32 v7, v52;
	v20 =	vmul.f32 v19, v53;
	v19 =	vld [tilespmem:s25+$0x870]  }
0x4de: {  	v1 =	vmul.f32 v1, v52;
	v4 =	vadd.f32 v22, v63;
	[tilespmem:s25+$0x1020] =	vst v3;
	v3 =	vadd.f32 v24, v26;
	v24 =	vld [tilespmem:s25+$0x6840]  }
0x4df: {  	v0 =	vmul.f32 v0, v52;
	v8 =	vadd.f32 v8, v13;
	v13 =	vadd.f32 v27, v17;
	v17 =	vld [tilespmem:s25+$0x6C40]  }
0x4e0: {  	v26 =	vmul.f32 v14, v53;
	v27 =	vmul.f32 v62, v52;
	v6 =	vadd.f32 v10, v6;
	v10 =	vld [tilespmem:s25+$0x6C50]  }
0x4e1: {  	v62 =	vmul.f32 v61, v52;
	v61 =	vmul.f32 v16, v53;
	v2 =	vadd.f32 v20, v2;
	v20 =	vld [tilespmem:s25+$0x6850]  }
0x4e2: {  	[tilespmem:s25+$0x1050] =	vst v8;
	v3 =	vadd.f32 v27, v3;
	v27 =	vmul.f32 v54, v52;
	v54 =	vld [tilespmem:s25+$0x6820];
	v8 =	vmul.f32 v21, v53  }
0x4e3: {  	v6 =	vadd.f32 v7, v6;
	v7 =	vld [tilespmem:s25+$0x6C00];
	v21 =	vmul.f32 v56, v52;
	v22 =	vmul.f32 v23, v53  }
0x4e4: {  	v1 =	vadd.f32 v1, v2;
	v56 =	vmul.f32 v50, v52;
	v50 =	vld [tilespmem:$0x1FCC0];
	v16 =	vmul.f32 v24, v53  }
0x4e5: {  	v24 =	vmul.f32 v39, v52;
	v39 =	vmul.f32 v35, v52;
	v35 =	vld [tilespmem:s25+$0x7470]  }
0x4e6: {  	[tilespmem:s25+$0x1010] =	vst v1;
	v1 =	vadd.f32 v26, v60;
	v14 =	vmul.f32 v17, v53;
	v26 =	vadd.f32 v22, v51;
	v51 =	vld [tilespmem:s25+$0x6830]  }
0x4e7: {  	v60 =	vld [tilespmem:s25+$0x6810]  }
0x4e8: {  	v5 =	vmul.f32 v5, v52;
	v0 =	vadd.f32 v0, v4;
	v17 =	vadd.f32 v14, v57;
	v57 =	vld [tilespmem:s25+$0x830]  }
0x4e9: {  	v63 =	vmul.f32 v10, v53;
	v14 =	vmul.f32 v20, v53;
	v20 =	vld [tilespmem:s25+$0x6450]  }
0x4ea: {  	[tilespmem:s25+$0x1000] =	vst v0;
	v5 =	vadd.f32 v5, v13;
	v0 =	vadd.f32 v62, v1;
	v62 =	vmul.f32 v47, v52;
	v47 =	vld [tilespmem:s25+$0x6060]  }
0x4eb: {  	v2 =	vadd.f32 v27, v26;
	v13 =	vadd.f32 v63, v18;
	v63 =	vld [tilespmem:s25+$0x6800]  }
0x4ec: {  	v18 =	vmul.f32 v58, v52;
	v58 =	vmul.f32 v49, v52;
	v49 =	vld [tilespmem:$0x1FCD0]  }
0x4ed: {  	[tilespmem:s25+$0xC20] =	vst v2;
	v2 =	vadd.f32 v59, v19;
	v59 =	vld [tilespmem:$0x1FC80]  }
0x4ee: {  	v19 =	vmul.f32 v42, v52;
	v42 =	vmul.f32 v33, v52;
	v33 =	vld [tilespmem:s25+$0x1440]  }
0x4ef: {  	v1 =	vadd.f32 v15, v13;
	v15 =	vld [tilespmem:s25+$0x6470]  }
0x4f0: {  	[tilespmem:s25+$0xC60] =	vst v0;
	v0 =	vadd.f32 v18, v17;
	v18 =	vld [tilespmem:s25+$0x6460]  }
0x4f1: {  	v23 =	vadd.f32 v8, v55;
	v55 =	vmul.f32 v7, v53;
	v17 =	vmul.f32 v44, v52;
	v44 =	vld [tilespmem:s25+$0x6400]  }
0x4f2: {  	[tilespmem:s25+$0x1030] =	vst v5;
	v5 =	vmul.f32 v51, v53;
	v51 =	vld [tilespmem:s25+$0x6050]  }
0x4f3: {  	[tilespmem:s25+$0xC70] =	vst v3;
	v3 =	vadd.f32 v55, v48;
	v55 =	vld [tilespmem:$0x1FCB0]  }
0x4f4: {  	v10 =	vmul.f32 v60, v53;
	v60 =	vld [tilespmem:$0x1FC90]  }
0x4f5: {  	v13 =	vadd.f32 v61, v45;
	v61 =	vld [tilespmem:s25+$0x6010]  }
0x4f6: {  	v45 =	vmul.f32 v31, v52;
	v31 =	vld [tilespmem:$0x1FBF0]  }
0x4f7: {  	v25 =	vmul.f32 v25, v53;
	v2 =	vadd.f32 v62, v2;
	v62 =	vld [tilespmem:$0x1FC60]  }
0x4f8: {  	[tilespmem:s25+$0xC50] =	vst v1;
	v1 =	vadd.f32 v21, v23;
	v21 =	vld [tilespmem:s25+$0x6440]  }
0x4f9: {  	[tilespmem:s25+$0xC40] =	vst v0;
	v0 =	vadd.f32 v25, v11;
	v25 =	vld [tilespmem:s25+$0x6430]  }
0x4fa: {  	[tilespmem:s25+$0x1040] =	vst v6;
	v6 =	vadd.f32 v14, v43;
	v23 =	vmul.f32 v40, v52;
	v40 =	vld [tilespmem:s25+$0x6410]  }
0x4fb: {  	v7 =	vmul.f32 v20, v53;
	v20 =	vld [tilespmem:s25+$0x6020]  }
0x4fc: {  	v27 =	vmul.f32 v37, v52;
	v6 =	vadd.f32 v17, v6;
	v37 =	vadd.f32 v10, v36;
	v36 =	vld [tilespmem:$0x1FBD0]  }
0x4fd: {  	v22 =	vmul.f32 v54, v53;
	v26 =	vmul.f32 v63, v53;
	v63 =	vld [tilespmem:s25+$0x6030]  }
0x4fe: {  	[tilespmem:s25+$0x850] =	vst v6;
	v6 =	vld [tilespmem:s25+$0xD450]  }
0x4ff: {  	[tilespmem:s25+$0xC30] =	vst v1;
	v1 =	vadd.f32 v5, v57;
	v5 =	vadd.f32 v22, v38;
	v38 =	vld [tilespmem:s25+$0x6420]  }
0x500: {  	v0 =	vadd.f32 v56, v0;
	v56 =	vld [tilespmem:$0x1FCA0]  }
0x501: {  	v57 =	vld [tilespmem:s25+$0x6040]  }
0x502: {  	v22 =	vld [tilespmem:$0x1FC50]  }
0x503: {  	v3 =	vadd.f32 v58, v3;
	v4 =	vadd.f32 v27, v37;
	v27 =	vld [tilespmem:$0x1FC00]  }
0x504: {  	[tilespmem:s25+$0x870] =	vst v2;
	v2 =	vadd.f32 v16, v41;
	v7 =	vadd.f32 v7, v28;
	v28 =	vld [tilespmem:$0x1FC10]  }
0x505: {  	[tilespmem:s25+$0x1060] =	vst v9;
	v37 =	vld [tilespmem:$0x1FBC0]  }
0x506: {  	[tilespmem:s25+$0xC00] =	vst v3;
	v2 =	vadd.f32 v19, v2;
	v41 =	vmul.f32 v18, v53;
	v18 =	vld [tilespmem:$0x1FC70]  }
0x507: {  	v19 =	vmul.f32 v46, v53;
	v46 =	vld [tilespmem:$0x1FB90];
	[tilespmem:s25+$0xC10] =	vst v0;
	v1 =	vadd.f32 v23, v1  }
0x508: {  	v48 =	vmul.f32 v29, v52;
	v3 =	vadd.f32 v12, v13;
	v9 =	vmul.f32 v15, v53;
	v0 =	vld [tilespmem:s25+$0xD440];
	[tilespmem:s25+$0x840] =	vst v2  }
0x509: {  	v12 =	vmul.f32 v60, v52;
	v23 =	vld [tilespmem:$0x1FC20];
	v2 =	vadd.f32 v24, v5;
	[tilespmem:s25+$0x830] =	vst v1;
	v1 =	vadd.f32 v26, v34  }
0x50a: {  	v29 =	vmul.f32 v51, v53;
	[tilespmem:s25+$0x860] =	vst v3;
	v5 =	vld [tilespmem:s25+$0xD460];
	v43 =	vadd.f32 v9, v32;
	v3 =	vmul.f32 v21, v53  }
0x50b: {  	v11 =	vmul.f32 v25, v53;
	v21 =	vld [tilespmem:$0x1FC40];
	[tilespmem:s25+$0x820] =	vst v2;
	v2 =	vadd.f32 v41, v30;
	v1 =	vadd.f32 v39, v1  }
0x50c: {  	[tilespmem:s25+$0x810] =	vst v4;
	v58 =	vmul.f32 v40, v53;
	v9 =	vmul.f32 v44, v53;
	v25 =	vld [tilespmem:$0x1FC30];
	v4 =	vadd.f32 v42, v43  }
0x50d: {  	v8 =	vmul.f32 v20, v53;
	v3 =	vadd.f32 v3, v50;
	v30 =	vld [tilespmem:s25+$0x7460];
	[tilespmem:s25+$0x800] =	vst v1;
	v1 =	vadd.f32 v45, v2  }
0x50e: {  	v54 =	vmul.f32 v38, v53;
	v34 =	vmul.f32 v57, v53;
	v42 =	vld [tilespmem:$0x1FB70];
	[tilespmem:s25+$0x470] =	vst v4;
	v4 =	vadd.f32 v48, v7  }
0x50f: {  	v32 =	vld [tilespmem:$0x1FBE0];
	v10 =	vadd.f32 v11, v56;
	v11 =	vmul.f32 v36, v52;
	[tilespmem:s25+$0x460] =	vst v1;
	v1 =	vmul.f32 v49, v52  }
0x510: {  	v40 =	vld [tilespmem:s25+$0x1460];
	v39 =	vmul.f32 v63, v53;
	[tilespmem:s25+$0x450] =	vst v4;
	v4 =	vmul.f32 v55, v52  }
0x511: {  	v44 =	vld [tilespmem:$0x1FB50];
	v16 =	vmul.f32 v46, v52;
	v1 =	vadd.f32 v1, v3;
	v3 =	vadd.f32 v54, v59  }
0x512: {  	v43 =	vld [tilespmem:s25+$0x6000];
	v9 =	vadd.f32 v9, v21;
	v2 =	vmul.f32 v47, v53;
	v4 =	vadd.f32 v4, v10  }
0x513: {  	v50 =	vld [tilespmem:s25+$0x0];
	v8 =	vadd.f32 v8, v42;
	v51 =	vmul.f32 v30, v53;
	v3 =	vadd.f32 v12, v3  }
0x514: {  	v47 =	vld [tilespmem:$0x1FB60];
	v5 =	vmul.f32 v5, v52;
	v2 =	vadd.f32 v2, v27;
	v10 =	vmul.f32 v61, v53;
	[tilespmem:s25+$0x430] =	vst v4  }
0x515: {  	v7 =	vld [tilespmem:s25+$0xD470];
	v49 =	vadd.f32 v16, v8;
	v55 =	vadd.f32 v51, v40;
	[tilespmem:s25+$0x420] =	vst v3;
	v3 =	vmul.f32 v22, v52  }
0x516: {  	v59 =	vld [tilespmem:$0x1FB40];
	v4 =	vadd.f32 v19, v23;
	[tilespmem:s25+$0x440] =	vst v1;
	v1 =	vadd.f32 v58, v62;
	v12 =	vmul.f32 v18, v52  }
0x517: {  	v26 =	vld [tilespmem:s25+$0x7450];
	v60 =	vadd.f32 v5, v55;
	v3 =	vadd.f32 v3, v9;
	v9 =	vmul.f32 v25, v52  }
0x518: {  	v24 =	vld [tilespmem:s25+$0x7440];
	v56 =	vmul.f32 v43, v53;
	v10 =	vadd.f32 v10, v44;
	[tilespmem:s25+$0x20] =	vst v49;
	v1 =	vadd.f32 v12, v1  }
0x519: {  	v38 =	vld [tilespmem:s25+$0x1450];
	v17 =	vmul.f32 v47, v52;
	[tilespmem:s25+$0x1460] =	vst v60;
	v4 =	vadd.f32 v9, v4;
	v9 =	vmul.f32 v28, v52  }
0x51a: {  	v41 =	vld [tilespmem:$0x1FBB0];
	v54 =	vmul.f32 v6, v52;
	v61 =	vadd.f32 v56, v50;
	v58 =	vmul.f32 v7, v52;
	[tilespmem:s25+$0x410] =	vst v1  }
0x51b: {  	v48 =	vld [tilespmem:s25+$0x1470];
	v10 =	vadd.f32 v17, v10;
	v7 =	vmul.f32 v59, v52;
	[tilespmem:s25+$0x400] =	vst v3;
	v2 =	vadd.f32 v9, v2  }
0x51c: {  	v45 =	vld [tilespmem:$0x1FBA0];
	v1 =	vmul.f32 v26, v53;
	v3 =	vadd.f32 v29, v32;
	[tilespmem:s25+$0x70] =	vst v4;
	v4 =	vmul.f32 v31, v52  }
0x51d: {  	v12 =	vmul.f32 v24, v53;
	v63 =	vadd.f32 v7, v61;
	[tilespmem:s25+$0x60] =	vst v2;
	v2 =	vadd.f32 v34, v37  }
0x51e: {  	[tilespmem:s25+$0x10] =	vst v10;
	v1 =	vadd.f32 v1, v38;
	v3 =	vadd.f32 v4, v3;
	v4 =	vmul.f32 v35, v53  }
0x51f: {  	v0 =	vmul.f32 v0, v52;
	[tilespmem:s25+$0x0] =	vst v63;
	v9 =	vadd.f32 v12, v33;
	v2 =	vadd.f32 v11, v2  }
0x520: {  	v1 =	vadd.f32 v54, v1;
	[tilespmem:s25+$0x50] =	vst v3;
	v57 =	vadd.f32 v4, v48  }
0x521: {  	v0 =	vadd.f32 v0, v9;
	v3 =	vadd.f32 v39, v41;
	[tilespmem:s25+$0x40] =	vst v2;
	v2 =	vmul.f32 v45, v52  }
0x522: {  	[tilespmem:s25+$0x1450] =	vst v1;
	v62 =	vadd.f32 v58, v57  }
0x523: {  	s22 =	sadd.s32 $0x1, s22;
	[tilespmem:s25+$0x1440] =	vst v0;
	v2 =	vadd.f32 v2, v3  }
0x524: {  	p0 =	sne.s32 s22, s18;
	[tilespmem:s25+$0x1470] =	vst v62  }
.Ltmp2:
0x525: {  	[tilespmem:s25+$0x30] =	vst v2;
	(pc) =	sbr.rel @p0 .LBB2_1-.Ltmp2, $4  }
0x526: {  	[hbm4b:s17+s2] =	stream.linear.scatter [tilespmem:s2], [sflag:$0x3], $0x6000, $0x38;
	[tilespmem:$0x14100] =	vst v63  }
0x527: {  	_ =	swait.ge [sflag:s20], $0x6000  }
0x528: {  	[sflag:s20] =	ssyncset.done $0x0  }
0x529: {  	[sflag:s20] =	ssyncadd.s32 $0xFFFFA000  }
0x52a: {  	_ =	sfence.sel $0x180000  }
0x52b: {  	[bflag:$0x0] =	sbarrier.arrive $0xFFFF  }
0x52c: {  	_ =	strace $0x9000004A  }
0x52d: {  	s0 =	stileid.u32;
	[bflag:$0x2] =	sbarrier.arrive $0xFFFF  }
0x52e: {  	p0 =	sne.s32 s0, $0x0;
	s0 =	rddreg [dreg:$0x3]  }
0x52f: {  	s0 =	sadd.s32 @!p0 $0x100000, s0  }
0x530: {  	[sflag:s0] =	ssyncadd.tile.s32 @!p0 $0x1;
	_ =	shalt  }
.Lfunc_end2:
_tile_overlayer_lowered:
.L_overlay_start_2:
0x531: {  	(tag) =	ssettag $0x2  }
0x532: {  	s0 =	rddreg [dreg:$0x0];
	s2 =	stileid.u32  }
0x533: {  	s1 =	rddreg [dreg:$0x1];
	p0 =	sne.s32 s2, $0x0  }
0x534: {  	s3 =	rddreg [dreg:$0x2];
	[bflag:$0x3] =	sbarrier.arrive $0xFFFF;
	s2 =	simm.s32 @!p0 $0x1C03  }
0x535: {  	[timem:s3], [sflag:s2] =	dma.local @!p0 [hbm:s0], s1  }
0x536: {  	s0 =	simm.s32 @!p0 $0x3  }
0x537: {  	_ =	swait.ge @!p0 [sflag:s0], s1  }
0x538: {  	s1 =	ssub.s32 @!p0 $0x0, s1;
	[sflag:s0] =	ssyncset.done @!p0 $0x0  }
0x539: {  	[sflag:s0] =	ssyncadd.s32 @!p0 s1  }
0x53a: {  	[bflag:$0x3] =	sbarrier.arrive $0xFFFF  }
0x53b: {  	_ =	shalt  }

</sc_bundles>
